<compile_context>
chip_gen: v7x
topology: tpu7x:2x2x1
jax: 0.10.2.dev20260603
libtpu: 0.0.44.dev20260713+nightly
codegen_flags: <defaults>
</compile_context>

<pallas_src>
import functools

import jax
import jax.numpy as jnp
from jax import lax
from jax.experimental import pallas as pl
from jax.experimental.pallas import tpu as pltpu
from jax.experimental.pallas import tpu_sc as plsc

N = 10000
E = 320000
D = 128

NC = 2
NS = 16
NW = NC * NS
EPT = E // NW
CHUNK = 100
NCHUNK = EPT // CHUNK
NSLAB = 5
SROWS = NCHUNK // NSLAB
DEGW = 16
WB_SUBS = 10
WB_ROWS = N // WB_SUBS

_MESH = plsc.VectorSubcoreMesh(core_axis_name="c", subcore_axis_name="s")


@functools.partial(
    pl.kernel,
    out_type=jax.ShapeDtypeStruct((NC, N, D), jnp.float32),
    mesh=_MESH,
    scratch_types=[
        pltpu.VMEM((SROWS, CHUNK), jnp.int32),
        pltpu.VMEM((SROWS, CHUNK), jnp.int32),
        pltpu.VMEM((CHUNK, D), jnp.float32),
        pltpu.VMEM((CHUNK, D), jnp.float32),
        pltpu.VMEM((CHUNK, D), jnp.float32),
        pltpu.VMEM_SHARED((N, D), jnp.float32),
        pltpu.SemaphoreType.DMA,
        pltpu.SemaphoreType.DMA,
        pltpu.SemaphoreType.DMA,
    ],
)
def _sc_aggregate(g_hbm, src_hbm, dst_hbm, out_hbm,
                  sidx_v, didx_v, rows0, rows1, rows2, acc, sem0, sem1, sem2):
    c = lax.axis_index("c")
    s = lax.axis_index("s")
    wid = c * NS + s

    def zfill(i, _):
        for k in range(D // 16):
            rows0[i, pl.ds(k * 16, 16)] = jnp.zeros((16,), jnp.float32)
        return 0

    lax.fori_loop(0, CHUNK, zfill, 0)

    @pl.when(s < WB_SUBS)
    def _():
        for t in range(WB_ROWS // CHUNK):
            pltpu.sync_copy(rows0, acc.at[pl.ds(s * WB_ROWS + t * CHUNK, CHUNK)])

    plsc.subcore_barrier()

    bufs = ((rows0, sem0), (rows1, sem1), (rows2, sem2))

    def body(i, _):
        t = 3 * i
        for b, (rb, sb) in enumerate(bufs):
            j = t + b
            pltpu.make_async_copy(g_hbm.at[sidx_v.at[j]], rb, sb).wait()
            pltpu.sync_copy(rb, acc.at[didx_v.at[j]], add=True)
            pltpu.async_copy(g_hbm.at[sidx_v.at[j + 3]], rb, sb)
        return 0

    for half in range(NSLAB):
        slab = wid * NSLAB + half
        pltpu.sync_copy(src_hbm.at[slab], sidx_v)
        pltpu.sync_copy(dst_hbm.at[slab], didx_v)
        pltpu.async_copy(g_hbm.at[sidx_v.at[0]], rows0, sem0)
        pltpu.async_copy(g_hbm.at[sidx_v.at[1]], rows1, sem1)
        pltpu.async_copy(g_hbm.at[sidx_v.at[2]], rows2, sem2)
        lax.fori_loop(0, (SROWS - 5) // 3, body, 0)
        for b, (rb, sb) in enumerate(bufs):
            j = SROWS - 5 + b
            pltpu.make_async_copy(g_hbm.at[sidx_v.at[j]], rb, sb).wait()
            pltpu.sync_copy(rb, acc.at[didx_v.at[j]], add=True)
            if j + 3 < SROWS:
                pltpu.async_copy(g_hbm.at[sidx_v.at[j + 3]], rb, sb)
        for b, (rb, sb) in enumerate(bufs):
            j = SROWS - 2 + b
            if j < SROWS:
                pltpu.make_async_copy(g_hbm.at[sidx_v.at[j]], rb, sb).wait()
                pltpu.sync_copy(rb, acc.at[didx_v.at[j]], add=True)

    plsc.subcore_barrier()

    @pl.when(s < WB_SUBS)
    def _():
        pltpu.sync_copy(acc.at[pl.ds(s * WB_ROWS, WB_ROWS)],
                        out_hbm.at[c, pl.ds(s * WB_ROWS, WB_ROWS)])


_BLK = 1000


def _tc_scale_matmul(x, W, degp):
    def body(x_ref, w_ref, d_ref, g_ref):
        deg = d_ref[0, :, 0:1] + d_ref[1, :, 0:1] + 1.0
        dinv = lax.rsqrt(deg)
        h = jnp.dot(x_ref[...], w_ref[...], preferred_element_type=jnp.float32)
        g_ref[...] = h * dinv

    return pl.pallas_call(
        body,
        grid=(N // _BLK,),
        in_specs=[
            pl.BlockSpec((_BLK, D), lambda i: (i, 0)),
            pl.BlockSpec((D, D), lambda i: (0, 0)),
            pl.BlockSpec((NC, _BLK, DEGW), lambda i: (0, i, 0)),
        ],
        out_specs=pl.BlockSpec((_BLK, D), lambda i: (i, 0)),
        out_shape=jax.ShapeDtypeStruct((N, D), jnp.float32),
    )(x, W, degp)


def _tc_finish(aggp, g, degp, b2):
    def body(a_ref, g_ref, d_ref, b_ref, o_ref):
        deg = d_ref[0, :, 0:1] + d_ref[1, :, 0:1] + 1.0
        dinv = lax.rsqrt(deg)
        logits = (a_ref[0] + a_ref[1] + g_ref[...]) * dinv + b_ref[...]
        o_ref[...] = 1.0 / (1.0 + jnp.exp(-logits))

    return pl.pallas_call(
        body,
        grid=(N // _BLK,),
        in_specs=[
            pl.BlockSpec((NC, _BLK, D), lambda i: (0, i, 0)),
            pl.BlockSpec((_BLK, D), lambda i: (i, 0)),
            pl.BlockSpec((NC, _BLK, DEGW), lambda i: (0, i, 0)),
            pl.BlockSpec((1, D), lambda i: (0, 0)),
        ],
        out_specs=pl.BlockSpec((_BLK, D), lambda i: (i, 0)),
        out_shape=jax.ShapeDtypeStruct((N, D), jnp.float32),
    )(aggp, g, degp, b2)


def kernel(x, edge_index, W, b):
    src_r = edge_index[0].reshape(NW * NSLAB, SROWS, CHUNK)
    dst_r = edge_index[1].reshape(NW * NSLAB, SROWS, CHUNK)
    deg0 = jnp.zeros((N,), jnp.float32).at[edge_index[1]].add(1.0)
    degp = jnp.zeros((NC, N, DEGW), jnp.float32).at[0, :, 0].set(deg0)
    g = _tc_scale_matmul(x, W, degp)
    aggp = _sc_aggregate(g, src_r, dst_r)
    return _tc_finish(aggp, g, degp, b.reshape(1, D))

# --- scband reference (transcript-rebuilt; emitter-appended) ---
"""Pipeline reference for scband-bernoulli-density-59442347377115 (READ-ONLY COPY).

The authoritative reference and input builder live on the scoring server;
editing this copy changes nothing except your own understanding.
"""

import jax, jax.numpy as jnp
import numpy as np

N = 10000
E = 320000
D_IN = 128
D_OUT = 128


def setup_inputs(seed: int = 0) -> dict:
    key = jax.random.key(seed)
    k1, k2, k3 = jax.random.split(key, 3)
    x = jax.random.normal(k1, (N, D_IN), dtype=jnp.float32)
    edge_index = jax.random.randint(k2, (2, E), 0, N, dtype=jnp.int32)
    # GCNConv learned params: linear weight (no bias in lin) + additive bias
    W = jax.random.normal(k3, (D_IN, D_OUT), dtype=jnp.float32) * (1.0 / np.sqrt(D_IN))
    b = jnp.zeros((D_OUT,), dtype=jnp.float32)
    return {"x": x, "edge_index": edge_index, "W": W, "b": b}


def reference(x, edge_index, W, b):
    # Faithful PyG GCNConv: add self-loops, symmetric degree norm, linear, sum-aggregate, bias.
    n = x.shape[0]
    loop = jnp.arange(n, dtype=edge_index.dtype)
    src = jnp.concatenate([edge_index[0], loop])
    dst = jnp.concatenate([edge_index[1], loop])
    h = x @ W
    deg = jnp.zeros((n,), dtype=x.dtype).at[dst].add(1.0)
    dinv = jnp.where(deg > 0, jax.lax.rsqrt(deg), 0.0)
    norm = dinv[src] * dinv[dst]
    msgs = jnp.take(h, src, axis=0) * norm[:, None]
    agg = jax.ops.segment_sum(msgs, dst, num_segments=n)
    logits = agg + b
    # BernoulliDensity head: sigmoid over GCN logits
    return jax.nn.sigmoid(logits)

if __name__ == "__main__":
    import jax
    _d = setup_inputs()
    print(jax.jit(kernel)(*tuple(_d.values())))

</pallas_src>

<mosaic_0001>
#map = affine_map<(d0, d1) -> (0, 0)>
#map1 = affine_map<(d0, d1) -> (0, 0, 0)>
module attributes {stable_mosaic.version = 14 : i64} {
  func.func @_sc_aggregate(%arg0: i32, %arg1: i32, %arg2: memref<10000x128xf32, #tpu.memory_space<hbm>>, %arg3: memref<160x20x100xi32, #tpu.memory_space<hbm>>, %arg4: memref<160x20x100xi32, #tpu.memory_space<hbm>>, %arg5: memref<2x10000x128xf32, #tpu.memory_space<hbm>>, %arg6: memref<20x100xi32, #tpu.memory_space<vmem>>, %arg7: memref<20x100xi32, #tpu.memory_space<vmem>>, %arg8: memref<100x128xf32, #tpu.memory_space<vmem>>, %arg9: memref<100x128xf32, #tpu.memory_space<vmem>>, %arg10: memref<100x128xf32, #tpu.memory_space<vmem>>, %arg11: memref<10000x128xf32, #tpu.memory_space<vmem_shared>>, %arg12: memref<!tpu.dma_semaphore, #tpu.memory_space<semaphore_mem>>, %arg13: memref<!tpu.dma_semaphore, #tpu.memory_space<semaphore_mem>>, %arg14: memref<!tpu.dma_semaphore, #tpu.memory_space<semaphore_mem>>) attributes {dimension_semantics = [#tpu.dimension_semantics<core_parallel>, #tpu.dimension_semantics<subcore_parallel>], iteration_bounds = array<i64: 2, 16>, scalar_prefetch = 0 : i64, scratch_operands = 9 : i64, tpu.core_type = #tpu.core_type<sc_vector_subcore>, window_params = [{transform_indices = #map}, {transform_indices = #map1}, {transform_indices = #map1}, {transform_indices = #map1}]} {
    %mul3A = arith.constant 16 : i32
    %mul3A_0 = arith.muli %arg0, %mul3A : i32
    %add3A = arith.addi %mul3A_0, %arg1 : i32
    %scan3A = arith.constant 0 : i32
    %scan3A_1 = arith.constant 0 : i32
    %scan3A_2 = arith.constant 100 : i32
    %scan3A_3 = arith.addi %scan3A_1, %scan3A_2 : i32
    %scan3A_4 = arith.constant 1 : i32
    %scan3A_5 = scf.for %scan3A_442 = %scan3A_1 to %scan3A_3 step %scan3A_4 iter_args(%scan3A_443 = %scan3A) -> (i32)  : i32 {
      %broadcast_in_dim3A = arith.constant 0.000000e+00 : f32
      %broadcast_in_dim3A_444 = vector.broadcast %broadcast_in_dim3A : f32 to vector<16xf32>
      %swap3A = arith.index_cast %scan3A_442 : i32 to index
      %swap3A_445 = arith.constant 0 : index
      %swap3A_446 = tpu.vector_load %arg8[%swap3A, %swap3A_445] {strides = array<i32>} : memref<100x128xf32, #tpu.memory_space<vmem>>, vector<1x16xf32>,
      %swap3A_447 = vector.shape_cast %swap3A_446 : vector<1x16xf32> to vector<16xf32>
      %swap3A_448 = vector.shape_cast %broadcast_in_dim3A_444 : vector<16xf32> to vector<1x16xf32>
      tpu.vector_store %arg8[%swap3A, %swap3A_445], %swap3A_448 {strides = array<i32>} : memref<100x128xf32, #tpu.memory_space<vmem>>, vector<1x16xf32>,
      %broadcast_in_dim3A_449 = arith.constant 0.000000e+00 : f32
      %broadcast_in_dim3A_450 = vector.broadcast %broadcast_in_dim3A_449 : f32 to vector<16xf32>
      %swap3A_451 = arith.index_cast %scan3A_442 : i32 to index
      %swap3A_452 = arith.constant 16 : index
      %swap3A_453 = tpu.vector_load %arg8[%swap3A_451, %swap3A_452] {strides = array<i32>} : memref<100x128xf32, #tpu.memory_space<vmem>>, vector<1x16xf32>,
      %swap3A_454 = vector.shape_cast %swap3A_453 : vector<1x16xf32> to vector<16xf32>
      %swap3A_455 = vector.shape_cast %broadcast_in_dim3A_450 : vector<16xf32> to vector<1x16xf32>
      tpu.vector_store %arg8[%swap3A_451, %swap3A_452], %swap3A_455 {strides = array<i32>} : memref<100x128xf32, #tpu.memory_space<vmem>>, vector<1x16xf32>,
      %broadcast_in_dim3A_456 = arith.constant 0.000000e+00 : f32
      %broadcast_in_dim3A_457 = vector.broadcast %broadcast_in_dim3A_456 : f32 to vector<16xf32>
      %swap3A_458 = arith.index_cast %scan3A_442 : i32 to index
      %swap3A_459 = arith.constant 32 : index
      %swap3A_460 = tpu.vector_load %arg8[%swap3A_458, %swap3A_459] {strides = array<i32>} : memref<100x128xf32, #tpu.memory_space<vmem>>, vector<1x16xf32>,
      %swap3A_461 = vector.shape_cast %swap3A_460 : vector<1x16xf32> to vector<16xf32>
      %swap3A_462 = vector.shape_cast %broadcast_in_dim3A_457 : vector<16xf32> to vector<1x16xf32>
      tpu.vector_store %arg8[%swap3A_458, %swap3A_459], %swap3A_462 {strides = array<i32>} : memref<100x128xf32, #tpu.memory_space<vmem>>, vector<1x16xf32>,
      %broadcast_in_dim3A_463 = arith.constant 0.000000e+00 : f32
      %broadcast_in_dim3A_464 = vector.broadcast %broadcast_in_dim3A_463 : f32 to vector<16xf32>
      %swap3A_465 = arith.index_cast %scan3A_442 : i32 to index
      %swap3A_466 = arith.constant 48 : index
      %swap3A_467 = tpu.vector_load %arg8[%swap3A_465, %swap3A_466] {strides = array<i32>} : memref<100x128xf32, #tpu.memory_space<vmem>>, vector<1x16xf32>,
      %swap3A_468 = vector.shape_cast %swap3A_467 : vector<1x16xf32> to vector<16xf32>
      %swap3A_469 = vector.shape_cast %broadcast_in_dim3A_464 : vector<16xf32> to vector<1x16xf32>
      tpu.vector_store %arg8[%swap3A_465, %swap3A_466], %swap3A_469 {strides = array<i32>} : memref<100x128xf32, #tpu.memory_space<vmem>>, vector<1x16xf32>,
      %broadcast_in_dim3A_470 = arith.constant 0.000000e+00 : f32
      %broadcast_in_dim3A_471 = vector.broadcast %broadcast_in_dim3A_470 : f32 to vector<16xf32>
      %swap3A_472 = arith.index_cast %scan3A_442 : i32 to index
      %swap3A_473 = arith.constant 64 : index
      %swap3A_474 = tpu.vector_load %arg8[%swap3A_472, %swap3A_473] {strides = array<i32>} : memref<100x128xf32, #tpu.memory_space<vmem>>, vector<1x16xf32>,
      %swap3A_475 = vector.shape_cast %swap3A_474 : vector<1x16xf32> to vector<16xf32>
      %swap3A_476 = vector.shape_cast %broadcast_in_dim3A_471 : vector<16xf32> to vector<1x16xf32>
      tpu.vector_store %arg8[%swap3A_472, %swap3A_473], %swap3A_476 {strides = array<i32>} : memref<100x128xf32, #tpu.memory_space<vmem>>, vector<1x16xf32>,
      %broadcast_in_dim3A_477 = arith.constant 0.000000e+00 : f32
      %broadcast_in_dim3A_478 = vector.broadcast %broadcast_in_dim3A_477 : f32 to vector<16xf32>
      %swap3A_479 = arith.index_cast %scan3A_442 : i32 to index
      %swap3A_480 = arith.constant 80 : index
      %swap3A_481 = tpu.vector_load %arg8[%swap3A_479, %swap3A_480] {strides = array<i32>} : memref<100x128xf32, #tpu.memory_space<vmem>>, vector<1x16xf32>,
      %swap3A_482 = vector.shape_cast %swap3A_481 : vector<1x16xf32> to vector<16xf32>
      %swap3A_483 = vector.shape_cast %broadcast_in_dim3A_478 : vector<16xf32> to vector<1x16xf32>
      tpu.vector_store %arg8[%swap3A_479, %swap3A_480], %swap3A_483 {strides = array<i32>} : memref<100x128xf32, #tpu.memory_space<vmem>>, vector<1x16xf32>,
      %broadcast_in_dim3A_484 = arith.constant 0.000000e+00 : f32
      %broadcast_in_dim3A_485 = vector.broadcast %broadcast_in_dim3A_484 : f32 to vector<16xf32>
      %swap3A_486 = arith.index_cast %scan3A_442 : i32 to index
      %swap3A_487 = arith.constant 96 : index
      %swap3A_488 = tpu.vector_load %arg8[%swap3A_486, %swap3A_487] {strides = array<i32>} : memref<100x128xf32, #tpu.memory_space<vmem>>, vector<1x16xf32>,
      %swap3A_489 = vector.shape_cast %swap3A_488 : vector<1x16xf32> to vector<16xf32>
      %swap3A_490 = vector.shape_cast %broadcast_in_dim3A_485 : vector<16xf32> to vector<1x16xf32>
      tpu.vector_store %arg8[%swap3A_486, %swap3A_487], %swap3A_490 {strides = array<i32>} : memref<100x128xf32, #tpu.memory_space<vmem>>, vector<1x16xf32>,
      %broadcast_in_dim3A_491 = arith.constant 0.000000e+00 : f32
      %broadcast_in_dim3A_492 = vector.broadcast %broadcast_in_dim3A_491 : f32 to vector<16xf32>
      %swap3A_493 = arith.index_cast %scan3A_442 : i32 to index
      %swap3A_494 = arith.constant 112 : index
      %swap3A_495 = tpu.vector_load %arg8[%swap3A_493, %swap3A_494] {strides = array<i32>} : memref<100x128xf32, #tpu.memory_space<vmem>>, vector<1x16xf32>,
      %swap3A_496 = vector.shape_cast %swap3A_495 : vector<1x16xf32> to vector<16xf32>
      %swap3A_497 = vector.shape_cast %broadcast_in_dim3A_492 : vector<16xf32> to vector<1x16xf32>
      tpu.vector_store %arg8[%swap3A_493, %swap3A_494], %swap3A_497 {strides = array<i32>} : memref<100x128xf32, #tpu.memory_space<vmem>>, vector<1x16xf32>,
      %scan3A_498 = arith.constant 0 : i32
      scf.yield %scan3A_498 : i32
    }
    %scan3A_6 = arith.constant 100 : i32
    %lt3A = arith.constant 10 : i32
    %lt3A_7 = arith.cmpi slt, %arg1, %lt3A : i32
    %convert_element_type3A = arith.extui %lt3A_7 : i1 to i32
    %cond3A = arith.constant 0 : i32
    %cond3A_8 = arith.cmpi ne, %convert_element_type3A, %cond3A : i32
    scf.if %cond3A_8 {
      %mul3A_442 = arith.constant 1000 : i32
      %mul3A_443 = arith.muli %arg1, %mul3A_442 : i32
      %add3A_444 = arith.constant 0 : i32
      %add3A_445 = arith.addi %mul3A_443, %add3A_444 : i32
      "tpu.region"() ({
        %run_scoped3A_482 = tpu.sem_alloc : memref<!tpu.dma_semaphore, #tpu.memory_space<semaphore_mem>>
        %dma_start3A_483 = arith.constant 0 : i32
        %dma_start3A_484 = tpu.memref_slice %arg11[%add3A_445, %dma_start3A_483] : memref<10000x128xf32, #tpu.memory_space<vmem_shared>> -> memref<100x128xf32, #tpu.memory_space<vmem_shared>>
        %dma_start3A_485 = arith.constant 0 : i32
        %dma_start3A_486 = tpu.memref_slice %arg11[%add3A_445, %dma_start3A_485] : memref<10000x128xf32, #tpu.memory_space<vmem_shared>> -> memref<100x128xf32, #tpu.memory_space<vmem_shared>>
        tpu.enqueue_dma source(%arg8 : memref<100x128xf32, #tpu.memory_space<vmem>>) target(%dma_start3A_486 : memref<100x128xf32, #tpu.memory_space<vmem_shared>>) target_semaphore(%run_scoped3A_482 : memref<!tpu.dma_semaphore, #tpu.memory_space<semaphore_mem>>)
        %dma_wait3A_487 = arith.constant 0 : i32
        %dma_wait3A_488 = tpu.memref_slice %arg11[%add3A_445, %dma_wait3A_487] : memref<10000x128xf32, #tpu.memory_space<vmem_shared>> -> memref<100x128xf32, #tpu.memory_space<vmem_shared>>
        %dma_wait3A_489 = arith.constant 0 : i32
        %dma_wait3A_490 = tpu.memref_slice %arg11[%add3A_445, %dma_wait3A_489] : memref<10000x128xf32, #tpu.memory_space<vmem_shared>> -> memref<100x128xf32, #tpu.memory_space<vmem_shared>>
        tpu.wait_dma2 semaphore(%run_scoped3A_482 : memref<!tpu.dma_semaphore, #tpu.memory_space<semaphore_mem>>) src(%arg8 : memref<100x128xf32, #tpu.memory_space<vmem>>) dst(%dma_wait3A_490 : memref<100x128xf32, #tpu.memory_space<vmem_shared>>)
        tpu.yield
      }) : () -> ()
      %mul3A_446 = arith.constant 1000 : i32
      %mul3A_447 = arith.muli %arg1, %mul3A_446 : i32
      %add3A_448 = arith.constant 100 : i32
      %add3A_449 = arith.addi %mul3A_447, %add3A_448 : i32
      "tpu.region"() ({
        %run_scoped3A_482 = tpu.sem_alloc : memref<!tpu.dma_semaphore, #tpu.memory_space<semaphore_mem>>
        %dma_start3A_483 = arith.constant 0 : i32
        %dma_start3A_484 = tpu.memref_slice %arg11[%add3A_449, %dma_start3A_483] : memref<10000x128xf32, #tpu.memory_space<vmem_shared>> -> memref<100x128xf32, #tpu.memory_space<vmem_shared>>
        %dma_start3A_485 = arith.constant 0 : i32
        %dma_start3A_486 = tpu.memref_slice %arg11[%add3A_449, %dma_start3A_485] : memref<10000x128xf32, #tpu.memory_space<vmem_shared>> -> memref<100x128xf32, #tpu.memory_space<vmem_shared>>
        tpu.enqueue_dma source(%arg8 : memref<100x128xf32, #tpu.memory_space<vmem>>) target(%dma_start3A_486 : memref<100x128xf32, #tpu.memory_space<vmem_shared>>) target_semaphore(%run_scoped3A_482 : memref<!tpu.dma_semaphore, #tpu.memory_space<semaphore_mem>>)
        %dma_wait3A_487 = arith.constant 0 : i32
        %dma_wait3A_488 = tpu.memref_slice %arg11[%add3A_449, %dma_wait3A_487] : memref<10000x128xf32, #tpu.memory_space<vmem_shared>> -> memref<100x128xf32, #tpu.memory_space<vmem_shared>>
        %dma_wait3A_489 = arith.constant 0 : i32
        %dma_wait3A_490 = tpu.memref_slice %arg11[%add3A_449, %dma_wait3A_489] : memref<10000x128xf32, #tpu.memory_space<vmem_shared>> -> memref<100x128xf32, #tpu.memory_space<vmem_shared>>
        tpu.wait_dma2 semaphore(%run_scoped3A_482 : memref<!tpu.dma_semaphore, #tpu.memory_space<semaphore_mem>>) src(%arg8 : memref<100x128xf32, #tpu.memory_space<vmem>>) dst(%dma_wait3A_490 : memref<100x128xf32, #tpu.memory_space<vmem_shared>>)
        tpu.yield
      }) : () -> ()
      %mul3A_450 = arith.constant 1000 : i32
      %mul3A_451 = arith.muli %arg1, %mul3A_450 : i32
      %add3A_452 = arith.constant 200 : i32
      %add3A_453 = arith.addi %mul3A_451, %add3A_452 : i32
      "tpu.region"() ({
        %run_scoped3A_482 = tpu.sem_alloc : memref<!tpu.dma_semaphore, #tpu.memory_space<semaphore_mem>>
        %dma_start3A_483 = arith.constant 0 : i32
        %dma_start3A_484 = tpu.memref_slice %arg11[%add3A_453, %dma_start3A_483] : memref<10000x128xf32, #tpu.memory_space<vmem_shared>> -> memref<100x128xf32, #tpu.memory_space<vmem_shared>>
        %dma_start3A_485 = arith.constant 0 : i32
        %dma_start3A_486 = tpu.memref_slice %arg11[%add3A_453, %dma_start3A_485] : memref<10000x128xf32, #tpu.memory_space<vmem_shared>> -> memref<100x128xf32, #tpu.memory_space<vmem_shared>>
        tpu.enqueue_dma source(%arg8 : memref<100x128xf32, #tpu.memory_space<vmem>>) target(%dma_start3A_486 : memref<100x128xf32, #tpu.memory_space<vmem_shared>>) target_semaphore(%run_scoped3A_482 : memref<!tpu.dma_semaphore, #tpu.memory_space<semaphore_mem>>)
        %dma_wait3A_487 = arith.constant 0 : i32
        %dma_wait3A_488 = tpu.memref_slice %arg11[%add3A_453, %dma_wait3A_487] : memref<10000x128xf32, #tpu.memory_space<vmem_shared>> -> memref<100x128xf32, #tpu.memory_space<vmem_shared>>
        %dma_wait3A_489 = arith.constant 0 : i32
        %dma_wait3A_490 = tpu.memref_slice %arg11[%add3A_453, %dma_wait3A_489] : memref<10000x128xf32, #tpu.memory_space<vmem_shared>> -> memref<100x128xf32, #tpu.memory_space<vmem_shared>>
        tpu.wait_dma2 semaphore(%run_scoped3A_482 : memref<!tpu.dma_semaphore, #tpu.memory_space<semaphore_mem>>) src(%arg8 : memref<100x128xf32, #tpu.memory_space<vmem>>) dst(%dma_wait3A_490 : memref<100x128xf32, #tpu.memory_space<vmem_shared>>)
        tpu.yield
      }) : () -> ()
      %mul3A_454 = arith.constant 1000 : i32
      %mul3A_455 = arith.muli %arg1, %mul3A_454 : i32
      %add3A_456 = arith.constant 300 : i32
      %add3A_457 = arith.addi %mul3A_455, %add3A_456 : i32
      "tpu.region"() ({
        %run_scoped3A_482 = tpu.sem_alloc : memref<!tpu.dma_semaphore, #tpu.memory_space<semaphore_mem>>
        %dma_start3A_483 = arith.constant 0 : i32
        %dma_start3A_484 = tpu.memref_slice %arg11[%add3A_457, %dma_start3A_483] : memref<10000x128xf32, #tpu.memory_space<vmem_shared>> -> memref<100x128xf32, #tpu.memory_space<vmem_shared>>
        %dma_start3A_485 = arith.constant 0 : i32
        %dma_start3A_486 = tpu.memref_slice %arg11[%add3A_457, %dma_start3A_485] : memref<10000x128xf32, #tpu.memory_space<vmem_shared>> -> memref<100x128xf32, #tpu.memory_space<vmem_shared>>
        tpu.enqueue_dma source(%arg8 : memref<100x128xf32, #tpu.memory_space<vmem>>) target(%dma_start3A_486 : memref<100x128xf32, #tpu.memory_space<vmem_shared>>) target_semaphore(%run_scoped3A_482 : memref<!tpu.dma_semaphore, #tpu.memory_space<semaphore_mem>>)
        %dma_wait3A_487 = arith.constant 0 : i32
        %dma_wait3A_488 = tpu.memref_slice %arg11[%add3A_457, %dma_wait3A_487] : memref<10000x128xf32, #tpu.memory_space<vmem_shared>> -> memref<100x128xf32, #tpu.memory_space<vmem_shared>>
        %dma_wait3A_489 = arith.constant 0 : i32
        %dma_wait3A_490 = tpu.memref_slice %arg11[%add3A_457, %dma_wait3A_489] : memref<10000x128xf32, #tpu.memory_space<vmem_shared>> -> memref<100x128xf32, #tpu.memory_space<vmem_shared>>
        tpu.wait_dma2 semaphore(%run_scoped3A_482 : memref<!tpu.dma_semaphore, #tpu.memory_space<semaphore_mem>>) src(%arg8 : memref<100x128xf32, #tpu.memory_space<vmem>>) dst(%dma_wait3A_490 : memref<100x128xf32, #tpu.memory_space<vmem_shared>>)
        tpu.yield
      }) : () -> ()
      %mul3A_458 = arith.constant 1000 : i32
      %mul3A_459 = arith.muli %arg1, %mul3A_458 : i32
      %add3A_460 = arith.constant 400 : i32
      %add3A_461 = arith.addi %mul3A_459, %add3A_460 : i32
      "tpu.region"() ({
        %run_scoped3A_482 = tpu.sem_alloc : memref<!tpu.dma_semaphore, #tpu.memory_space<semaphore_mem>>
        %dma_start3A_483 = arith.constant 0 : i32
        %dma_start3A_484 = tpu.memref_slice %arg11[%add3A_461, %dma_start3A_483] : memref<10000x128xf32, #tpu.memory_space<vmem_shared>> -> memref<100x128xf32, #tpu.memory_space<vmem_shared>>
        %dma_start3A_485 = arith.constant 0 : i32
        %dma_start3A_486 = tpu.memref_slice %arg11[%add3A_461, %dma_start3A_485] : memref<10000x128xf32, #tpu.memory_space<vmem_shared>> -> memref<100x128xf32, #tpu.memory_space<vmem_shared>>
        tpu.enqueue_dma source(%arg8 : memref<100x128xf32, #tpu.memory_space<vmem>>) target(%dma_start3A_486 : memref<100x128xf32, #tpu.memory_space<vmem_shared>>) target_semaphore(%run_scoped3A_482 : memref<!tpu.dma_semaphore, #tpu.memory_space<semaphore_mem>>)
        %dma_wait3A_487 = arith.constant 0 : i32
        %dma_wait3A_488 = tpu.memref_slice %arg11[%add3A_461, %dma_wait3A_487] : memref<10000x128xf32, #tpu.memory_space<vmem_shared>> -> memref<100x128xf32, #tpu.memory_space<vmem_shared>>
        %dma_wait3A_489 = arith.constant 0 : i32
        %dma_wait3A_490 = tpu.memref_slice %arg11[%add3A_461, %dma_wait3A_489] : memref<10000x128xf32, #tpu.memory_space<vmem_shared>> -> memref<100x128xf32, #tpu.memory_space<vmem_shared>>
        tpu.wait_dma2 semaphore(%run_scoped3A_482 : memref<!tpu.dma_semaphore, #tpu.memory_space<semaphore_mem>>) src(%arg8 : memref<100x128xf32, #tpu.memory_space<vmem>>) dst(%dma_wait3A_490 : memref<100x128xf32, #tpu.memory_space<vmem_shared>>)
        tpu.yield
      }) : () -> ()
      %mul3A_462 = arith.constant 1000 : i32
      %mul3A_463 = arith.muli %arg1, %mul3A_462 : i32
      %add3A_464 = arith.constant 500 : i32
      %add3A_465 = arith.addi %mul3A_463, %add3A_464 : i32
      "tpu.region"() ({
        %run_scoped3A_482 = tpu.sem_alloc : memref<!tpu.dma_semaphore, #tpu.memory_space<semaphore_mem>>
        %dma_start3A_483 = arith.constant 0 : i32
        %dma_start3A_484 = tpu.memref_slice %arg11[%add3A_465, %dma_start3A_483] : memref<10000x128xf32, #tpu.memory_space<vmem_shared>> -> memref<100x128xf32, #tpu.memory_space<vmem_shared>>
        %dma_start3A_485 = arith.constant 0 : i32
        %dma_start3A_486 = tpu.memref_slice %arg11[%add3A_465, %dma_start3A_485] : memref<10000x128xf32, #tpu.memory_space<vmem_shared>> -> memref<100x128xf32, #tpu.memory_space<vmem_shared>>
        tpu.enqueue_dma source(%arg8 : memref<100x128xf32, #tpu.memory_space<vmem>>) target(%dma_start3A_486 : memref<100x128xf32, #tpu.memory_space<vmem_shared>>) target_semaphore(%run_scoped3A_482 : memref<!tpu.dma_semaphore, #tpu.memory_space<semaphore_mem>>)
        %dma_wait3A_487 = arith.constant 0 : i32
        %dma_wait3A_488 = tpu.memref_slice %arg11[%add3A_465, %dma_wait3A_487] : memref<10000x128xf32, #tpu.memory_space<vmem_shared>> -> memref<100x128xf32, #tpu.memory_space<vmem_shared>>
        %dma_wait3A_489 = arith.constant 0 : i32
        %dma_wait3A_490 = tpu.memref_slice %arg11[%add3A_465, %dma_wait3A_489] : memref<10000x128xf32, #tpu.memory_space<vmem_shared>> -> memref<100x128xf32, #tpu.memory_space<vmem_shared>>
        tpu.wait_dma2 semaphore(%run_scoped3A_482 : memref<!tpu.dma_semaphore, #tpu.memory_space<semaphore_mem>>) src(%arg8 : memref<100x128xf32, #tpu.memory_space<vmem>>) dst(%dma_wait3A_490 : memref<100x128xf32, #tpu.memory_space<vmem_shared>>)
        tpu.yield
      }) : () -> ()
      %mul3A_466 = arith.constant 1000 : i32
      %mul3A_467 = arith.muli %arg1, %mul3A_466 : i32
      %add3A_468 = arith.constant 600 : i32
      %add3A_469 = arith.addi %mul3A_467, %add3A_468 : i32
      "tpu.region"() ({
        %run_scoped3A_482 = tpu.sem_alloc : memref<!tpu.dma_semaphore, #tpu.memory_space<semaphore_mem>>
        %dma_start3A_483 = arith.constant 0 : i32
        %dma_start3A_484 = tpu.memref_slice %arg11[%add3A_469, %dma_start3A_483] : memref<10000x128xf32, #tpu.memory_space<vmem_shared>> -> memref<100x128xf32, #tpu.memory_space<vmem_shared>>
        %dma_start3A_485 = arith.constant 0 : i32
        %dma_start3A_486 = tpu.memref_slice %arg11[%add3A_469, %dma_start3A_485] : memref<10000x128xf32, #tpu.memory_space<vmem_shared>> -> memref<100x128xf32, #tpu.memory_space<vmem_shared>>
        tpu.enqueue_dma source(%arg8 : memref<100x128xf32, #tpu.memory_space<vmem>>) target(%dma_start3A_486 : memref<100x128xf32, #tpu.memory_space<vmem_shared>>) target_semaphore(%run_scoped3A_482 : memref<!tpu.dma_semaphore, #tpu.memory_space<semaphore_mem>>)
        %dma_wait3A_487 = arith.constant 0 : i32
        %dma_wait3A_488 = tpu.memref_slice %arg11[%add3A_469, %dma_wait3A_487] : memref<10000x128xf32, #tpu.memory_space<vmem_shared>> -> memref<100x128xf32, #tpu.memory_space<vmem_shared>>
        %dma_wait3A_489 = arith.constant 0 : i32
        %dma_wait3A_490 = tpu.memref_slice %arg11[%add3A_469, %dma_wait3A_489] : memref<10000x128xf32, #tpu.memory_space<vmem_shared>> -> memref<100x128xf32, #tpu.memory_space<vmem_shared>>
        tpu.wait_dma2 semaphore(%run_scoped3A_482 : memref<!tpu.dma_semaphore, #tpu.memory_space<semaphore_mem>>) src(%arg8 : memref<100x128xf32, #tpu.memory_space<vmem>>) dst(%dma_wait3A_490 : memref<100x128xf32, #tpu.memory_space<vmem_shared>>)
        tpu.yield
      }) : () -> ()
      %mul3A_470 = arith.constant 1000 : i32
      %mul3A_471 = arith.muli %arg1, %mul3A_470 : i32
      %add3A_472 = arith.constant 700 : i32
      %add3A_473 = arith.addi %mul3A_471, %add3A_472 : i32
      "tpu.region"() ({
        %run_scoped3A_482 = tpu.sem_alloc : memref<!tpu.dma_semaphore, #tpu.memory_space<semaphore_mem>>
        %dma_start3A_483 = arith.constant 0 : i32
        %dma_start3A_484 = tpu.memref_slice %arg11[%add3A_473, %dma_start3A_483] : memref<10000x128xf32, #tpu.memory_space<vmem_shared>> -> memref<100x128xf32, #tpu.memory_space<vmem_shared>>
        %dma_start3A_485 = arith.constant 0 : i32
        %dma_start3A_486 = tpu.memref_slice %arg11[%add3A_473, %dma_start3A_485] : memref<10000x128xf32, #tpu.memory_space<vmem_shared>> -> memref<100x128xf32, #tpu.memory_space<vmem_shared>>
        tpu.enqueue_dma source(%arg8 : memref<100x128xf32, #tpu.memory_space<vmem>>) target(%dma_start3A_486 : memref<100x128xf32, #tpu.memory_space<vmem_shared>>) target_semaphore(%run_scoped3A_482 : memref<!tpu.dma_semaphore, #tpu.memory_space<semaphore_mem>>)
        %dma_wait3A_487 = arith.constant 0 : i32
        %dma_wait3A_488 = tpu.memref_slice %arg11[%add3A_473, %dma_wait3A_487] : memref<10000x128xf32, #tpu.memory_space<vmem_shared>> -> memref<100x128xf32, #tpu.memory_space<vmem_shared>>
        %dma_wait3A_489 = arith.constant 0 : i32
        %dma_wait3A_490 = tpu.memref_slice %arg11[%add3A_473, %dma_wait3A_489] : memref<10000x128xf32, #tpu.memory_space<vmem_shared>> -> memref<100x128xf32, #tpu.memory_space<vmem_shared>>
        tpu.wait_dma2 semaphore(%run_scoped3A_482 : memref<!tpu.dma_semaphore, #tpu.memory_space<semaphore_mem>>) src(%arg8 : memref<100x128xf32, #tpu.memory_space<vmem>>) dst(%dma_wait3A_490 : memref<100x128xf32, #tpu.memory_space<vmem_shared>>)
        tpu.yield
      }) : () -> ()
      %mul3A_474 = arith.constant 1000 : i32
      %mul3A_475 = arith.muli %arg1, %mul3A_474 : i32
      %add3A_476 = arith.constant 800 : i32
      %add3A_477 = arith.addi %mul3A_475, %add3A_476 : i32
      "tpu.region"() ({
        %run_scoped3A_482 = tpu.sem_alloc : memref<!tpu.dma_semaphore, #tpu.memory_space<semaphore_mem>>
        %dma_start3A_483 = arith.constant 0 : i32
        %dma_start3A_484 = tpu.memref_slice %arg11[%add3A_477, %dma_start3A_483] : memref<10000x128xf32, #tpu.memory_space<vmem_shared>> -> memref<100x128xf32, #tpu.memory_space<vmem_shared>>
        %dma_start3A_485 = arith.constant 0 : i32
        %dma_start3A_486 = tpu.memref_slice %arg11[%add3A_477, %dma_start3A_485] : memref<10000x128xf32, #tpu.memory_space<vmem_shared>> -> memref<100x128xf32, #tpu.memory_space<vmem_shared>>
        tpu.enqueue_dma source(%arg8 : memref<100x128xf32, #tpu.memory_space<vmem>>) target(%dma_start3A_486 : memref<100x128xf32, #tpu.memory_space<vmem_shared>>) target_semaphore(%run_scoped3A_482 : memref<!tpu.dma_semaphore, #tpu.memory_space<semaphore_mem>>)
        %dma_wait3A_487 = arith.constant 0 : i32
        %dma_wait3A_488 = tpu.memref_slice %arg11[%add3A_477, %dma_wait3A_487] : memref<10000x128xf32, #tpu.memory_space<vmem_shared>> -> memref<100x128xf32, #tpu.memory_space<vmem_shared>>
        %dma_wait3A_489 = arith.constant 0 : i32
        %dma_wait3A_490 = tpu.memref_slice %arg11[%add3A_477, %dma_wait3A_489] : memref<10000x128xf32, #tpu.memory_space<vmem_shared>> -> memref<100x128xf32, #tpu.memory_space<vmem_shared>>
        tpu.wait_dma2 semaphore(%run_scoped3A_482 : memref<!tpu.dma_semaphore, #tpu.memory_space<semaphore_mem>>) src(%arg8 : memref<100x128xf32, #tpu.memory_space<vmem>>) dst(%dma_wait3A_490 : memref<100x128xf32, #tpu.memory_space<vmem_shared>>)
        tpu.yield
      }) : () -> ()
      %mul3A_478 = arith.constant 1000 : i32
      %mul3A_479 = arith.muli %arg1, %mul3A_478 : i32
      %add3A_480 = arith.constant 900 : i32
      %add3A_481 = arith.addi %mul3A_479, %add3A_480 : i32
      "tpu.region"() ({
        %run_scoped3A_482 = tpu.sem_alloc : memref<!tpu.dma_semaphore, #tpu.memory_space<semaphore_mem>>
        %dma_start3A_483 = arith.constant 0 : i32
        %dma_start3A_484 = tpu.memref_slice %arg11[%add3A_481, %dma_start3A_483] : memref<10000x128xf32, #tpu.memory_space<vmem_shared>> -> memref<100x128xf32, #tpu.memory_space<vmem_shared>>
        %dma_start3A_485 = arith.constant 0 : i32
        %dma_start3A_486 = tpu.memref_slice %arg11[%add3A_481, %dma_start3A_485] : memref<10000x128xf32, #tpu.memory_space<vmem_shared>> -> memref<100x128xf32, #tpu.memory_space<vmem_shared>>
        tpu.enqueue_dma source(%arg8 : memref<100x128xf32, #tpu.memory_space<vmem>>) target(%dma_start3A_486 : memref<100x128xf32, #tpu.memory_space<vmem_shared>>) target_semaphore(%run_scoped3A_482 : memref<!tpu.dma_semaphore, #tpu.memory_space<semaphore_mem>>)
        %dma_wait3A_487 = arith.constant 0 : i32
        %dma_wait3A_488 = tpu.memref_slice %arg11[%add3A_481, %dma_wait3A_487] : memref<10000x128xf32, #tpu.memory_space<vmem_shared>> -> memref<100x128xf32, #tpu.memory_space<vmem_shared>>
        %dma_wait3A_489 = arith.constant 0 : i32
        %dma_wait3A_490 = tpu.memref_slice %arg11[%add3A_481, %dma_wait3A_489] : memref<10000x128xf32, #tpu.memory_space<vmem_shared>> -> memref<100x128xf32, #tpu.memory_space<vmem_shared>>
        tpu.wait_dma2 semaphore(%run_scoped3A_482 : memref<!tpu.dma_semaphore, #tpu.memory_space<semaphore_mem>>) src(%arg8 : memref<100x128xf32, #tpu.memory_space<vmem>>) dst(%dma_wait3A_490 : memref<100x128xf32, #tpu.memory_space<vmem_shared>>)
        tpu.yield
      }) : () -> ()
    } else {
    }
    %barrier3A = arith.constant 0 : index
    tpu.barrier barrier_id(%barrier3A)
    %mul3A_9 = arith.constant 5 : i32
    %mul3A_10 = arith.muli %add3A, %mul3A_9 : i32
    %add3A_11 = arith.constant 0 : i32
    %add3A_12 = arith.addi %mul3A_10, %add3A_11 : i32
    "tpu.region"() ({
      %run_scoped3A_442 = tpu.sem_alloc : memref<!tpu.dma_semaphore, #tpu.memory_space<semaphore_mem>>
      %dma_start3A_443 = arith.constant 0 : i32
      %dma_start3A_444 = arith.constant 0 : i32
      %dma_start3A_445 = tpu.memref_slice %arg3[%add3A_12, %dma_start3A_443, %dma_start3A_444] : memref<160x20x100xi32, #tpu.memory_space<hbm>> -> memref<1x20x100xi32, #tpu.memory_space<hbm>>
      %dma_start3A_446 = tpu.memref_squeeze %dma_start3A_445 : memref<1x20x100xi32, #tpu.memory_space<hbm>> -> memref<20x100xi32, #tpu.memory_space<hbm>>
      %dma_start3A_447 = arith.constant 0 : i32
      %dma_start3A_448 = arith.constant 0 : i32
      %dma_start3A_449 = tpu.memref_slice %arg3[%add3A_12, %dma_start3A_447, %dma_start3A_448] : memref<160x20x100xi32, #tpu.memory_space<hbm>> -> memref<1x20x100xi32, #tpu.memory_space<hbm>>
      %dma_start3A_450 = tpu.memref_squeeze %dma_start3A_449 : memref<1x20x100xi32, #tpu.memory_space<hbm>> -> memref<20x100xi32, #tpu.memory_space<hbm>>
      tpu.enqueue_dma source(%dma_start3A_450 : memref<20x100xi32, #tpu.memory_space<hbm>>) target(%arg6 : memref<20x100xi32, #tpu.memory_space<vmem>>) target_semaphore(%run_scoped3A_442 : memref<!tpu.dma_semaphore, #tpu.memory_space<semaphore_mem>>)
      %dma_wait3A_451 = arith.constant 0 : i32
      %dma_wait3A_452 = arith.constant 0 : i32
      %dma_wait3A_453 = tpu.memref_slice %arg3[%add3A_12, %dma_wait3A_451, %dma_wait3A_452] : memref<160x20x100xi32, #tpu.memory_space<hbm>> -> memref<1x20x100xi32, #tpu.memory_space<hbm>>
      %dma_wait3A_454 = tpu.memref_squeeze %dma_wait3A_453 : memref<1x20x100xi32, #tpu.memory_space<hbm>> -> memref<20x100xi32, #tpu.memory_space<hbm>>
      %dma_wait3A_455 = arith.constant 0 : i32
      %dma_wait3A_456 = arith.constant 0 : i32
      %dma_wait3A_457 = tpu.memref_slice %arg3[%add3A_12, %dma_wait3A_455, %dma_wait3A_456] : memref<160x20x100xi32, #tpu.memory_space<hbm>> -> memref<1x20x100xi32, #tpu.memory_space<hbm>>
      %dma_wait3A_458 = tpu.memref_squeeze %dma_wait3A_457 : memref<1x20x100xi32, #tpu.memory_space<hbm>> -> memref<20x100xi32, #tpu.memory_space<hbm>>
      tpu.wait_dma2 semaphore(%run_scoped3A_442 : memref<!tpu.dma_semaphore, #tpu.memory_space<semaphore_mem>>) src(%dma_wait3A_458 : memref<20x100xi32, #tpu.memory_space<hbm>>) dst(%arg6 : memref<20x100xi32, #tpu.memory_space<vmem>>)
      tpu.yield
    }) : () -> ()
    "tpu.region"() ({
      %run_scoped3A_442 = tpu.sem_alloc : memref<!tpu.dma_semaphore, #tpu.memory_space<semaphore_mem>>
      %dma_start3A_443 = arith.constant 0 : i32
      %dma_start3A_444 = arith.constant 0 : i32
      %dma_start3A_445 = tpu.memref_slice %arg4[%add3A_12, %dma_start3A_443, %dma_start3A_444] : memref<160x20x100xi32, #tpu.memory_space<hbm>> -> memref<1x20x100xi32, #tpu.memory_space<hbm>>
      %dma_start3A_446 = tpu.memref_squeeze %dma_start3A_445 : memref<1x20x100xi32, #tpu.memory_space<hbm>> -> memref<20x100xi32, #tpu.memory_space<hbm>>
      %dma_start3A_447 = arith.constant 0 : i32
      %dma_start3A_448 = arith.constant 0 : i32
      %dma_start3A_449 = tpu.memref_slice %arg4[%add3A_12, %dma_start3A_447, %dma_start3A_448] : memref<160x20x100xi32, #tpu.memory_space<hbm>> -> memref<1x20x100xi32, #tpu.memory_space<hbm>>
      %dma_start3A_450 = tpu.memref_squeeze %dma_start3A_449 : memref<1x20x100xi32, #tpu.memory_space<hbm>> -> memref<20x100xi32, #tpu.memory_space<hbm>>
      tpu.enqueue_dma source(%dma_start3A_450 : memref<20x100xi32, #tpu.memory_space<hbm>>) target(%arg7 : memref<20x100xi32, #tpu.memory_space<vmem>>) target_semaphore(%run_scoped3A_442 : memref<!tpu.dma_semaphore, #tpu.memory_space<semaphore_mem>>)
      %dma_wait3A_451 = arith.constant 0 : i32
      %dma_wait3A_452 = arith.constant 0 : i32
      %dma_wait3A_453 = tpu.memref_slice %arg4[%add3A_12, %dma_wait3A_451, %dma_wait3A_452] : memref<160x20x100xi32, #tpu.memory_space<hbm>> -> memref<1x20x100xi32, #tpu.memory_space<hbm>>
      %dma_wait3A_454 = tpu.memref_squeeze %dma_wait3A_453 : memref<1x20x100xi32, #tpu.memory_space<hbm>> -> memref<20x100xi32, #tpu.memory_space<hbm>>
      %dma_wait3A_455 = arith.constant 0 : i32
      %dma_wait3A_456 = arith.constant 0 : i32
      %dma_wait3A_457 = tpu.memref_slice %arg4[%add3A_12, %dma_wait3A_455, %dma_wait3A_456] : memref<160x20x100xi32, #tpu.memory_space<hbm>> -> memref<1x20x100xi32, #tpu.memory_space<hbm>>
      %dma_wait3A_458 = tpu.memref_squeeze %dma_wait3A_457 : memref<1x20x100xi32, #tpu.memory_space<hbm>> -> memref<20x100xi32, #tpu.memory_space<hbm>>
      tpu.wait_dma2 semaphore(%run_scoped3A_442 : memref<!tpu.dma_semaphore, #tpu.memory_space<semaphore_mem>>) src(%dma_wait3A_458 : memref<20x100xi32, #tpu.memory_space<hbm>>) dst(%arg7 : memref<20x100xi32, #tpu.memory_space<vmem>>)
      tpu.yield
    }) : () -> ()
    %dma_start3A = arith.constant 0 : i32
    %dma_start3A_13 = arith.constant 0 : i32
    %dma_start3A_14 = tpu.memref_slice %arg6[%dma_start3A, %dma_start3A_13] : memref<20x100xi32, #tpu.memory_space<vmem>> -> memref<1x100xi32, #tpu.memory_space<vmem>>
    %dma_start3A_15 = tpu.memref_squeeze %dma_start3A_14 : memref<1x100xi32, #tpu.memory_space<vmem>> -> memref<100xi32, #tpu.memory_space<vmem>>
    %dma_start3A_16 = arith.constant 0 : i32
    %dma_start3A_17 = arith.constant 0 : i32
    %dma_start3A_18 = tpu.memref_slice %arg2[%dma_start3A_16, %dma_start3A_17] : memref<10000x128xf32, #tpu.memory_space<hbm>> -> memref<10000x128xf32, #tpu.memory_space<hbm>>
    tpu.enqueue_indirect_dma source(%dma_start3A_18 : memref<10000x128xf32, #tpu.memory_space<hbm>>) target(%arg8 : memref<100x128xf32, #tpu.memory_space<vmem>>) offsets(%dma_start3A_15 : memref<100xi32, #tpu.memory_space<vmem>>) semaphore(%arg12 : memref<!tpu.dma_semaphore, #tpu.memory_space<semaphore_mem>>)
    %dma_start3A_19 = arith.constant 1 : i32
    %dma_start3A_20 = arith.constant 0 : i32
    %dma_start3A_21 = tpu.memref_slice %arg6[%dma_start3A_19, %dma_start3A_20] : memref<20x100xi32, #tpu.memory_space<vmem>> -> memref<1x100xi32, #tpu.memory_space<vmem>>
    %dma_start3A_22 = tpu.memref_squeeze %dma_start3A_21 : memref<1x100xi32, #tpu.memory_space<vmem>> -> memref<100xi32, #tpu.memory_space<vmem>>
    %dma_start3A_23 = arith.constant 0 : i32
    %dma_start3A_24 = arith.constant 0 : i32
    %dma_start3A_25 = tpu.memref_slice %arg2[%dma_start3A_23, %dma_start3A_24] : memref<10000x128xf32, #tpu.memory_space<hbm>> -> memref<10000x128xf32, #tpu.memory_space<hbm>>
    tpu.enqueue_indirect_dma source(%dma_start3A_25 : memref<10000x128xf32, #tpu.memory_space<hbm>>) target(%arg9 : memref<100x128xf32, #tpu.memory_space<vmem>>) offsets(%dma_start3A_22 : memref<100xi32, #tpu.memory_space<vmem>>) semaphore(%arg13 : memref<!tpu.dma_semaphore, #tpu.memory_space<semaphore_mem>>)
    %dma_start3A_26 = arith.constant 2 : i32
    %dma_start3A_27 = arith.constant 0 : i32
    %dma_start3A_28 = tpu.memref_slice %arg6[%dma_start3A_26, %dma_start3A_27] : memref<20x100xi32, #tpu.memory_space<vmem>> -> memref<1x100xi32, #tpu.memory_space<vmem>>
    %dma_start3A_29 = tpu.memref_squeeze %dma_start3A_28 : memref<1x100xi32, #tpu.memory_space<vmem>> -> memref<100xi32, #tpu.memory_space<vmem>>
    %dma_start3A_30 = arith.constant 0 : i32
    %dma_start3A_31 = arith.constant 0 : i32
    %dma_start3A_32 = tpu.memref_slice %arg2[%dma_start3A_30, %dma_start3A_31] : memref<10000x128xf32, #tpu.memory_space<hbm>> -> memref<10000x128xf32, #tpu.memory_space<hbm>>
    tpu.enqueue_indirect_dma source(%dma_start3A_32 : memref<10000x128xf32, #tpu.memory_space<hbm>>) target(%arg10 : memref<100x128xf32, #tpu.memory_space<vmem>>) offsets(%dma_start3A_29 : memref<100xi32, #tpu.memory_space<vmem>>) semaphore(%arg14 : memref<!tpu.dma_semaphore, #tpu.memory_space<semaphore_mem>>)
    %scan3A_33 = arith.constant 0 : i32
    %scan3A_34 = arith.constant 0 : i32
    %scan3A_35 = arith.constant 5 : i32
    %scan3A_36 = arith.addi %scan3A_34, %scan3A_35 : i32
    %scan3A_37 = arith.constant 1 : i32
    %scan3A_38 = scf.for %scan3A_442 = %scan3A_34 to %scan3A_36 step %scan3A_37 iter_args(%scan3A_443 = %scan3A_33) -> (i32)  : i32 {
      %mul3A_444 = arith.constant 3 : i32
      %mul3A_445 = arith.muli %mul3A_444, %scan3A_442 : i32
      %add3A_446 = arith.constant 0 : i32
      %add3A_447 = arith.addi %mul3A_445, %add3A_446 : i32
      %dma_wait3A_448 = arith.constant 0 : i32
      %dma_wait3A_449 = tpu.memref_slice %arg6[%add3A_447, %dma_wait3A_448] : memref<20x100xi32, #tpu.memory_space<vmem>> -> memref<1x100xi32, #tpu.memory_space<vmem>>
      %dma_wait3A_450 = tpu.memref_squeeze %dma_wait3A_449 : memref<1x100xi32, #tpu.memory_space<vmem>> -> memref<100xi32, #tpu.memory_space<vmem>>
      %dma_wait3A_451 = arith.constant 0 : i32
      %dma_wait3A_452 = arith.constant 0 : i32
      %dma_wait3A_453 = tpu.memref_slice %arg2[%dma_wait3A_451, %dma_wait3A_452] : memref<10000x128xf32, #tpu.memory_space<hbm>> -> memref<10000x128xf32, #tpu.memory_space<hbm>>
      tpu.wait_indirect_dma semaphore(%arg12 : memref<!tpu.dma_semaphore, #tpu.memory_space<semaphore_mem>>) src(%dma_wait3A_453 : memref<10000x128xf32, #tpu.memory_space<hbm>>) dst(%arg8 : memref<100x128xf32, #tpu.memory_space<vmem>>)
      "tpu.region"() ({
        %run_scoped3A_495 = tpu.sem_alloc : memref<!tpu.dma_semaphore, #tpu.memory_space<semaphore_mem>>
        %dma_start3A_496 = arith.constant 0 : i32
        %dma_start3A_497 = tpu.memref_slice %arg7[%add3A_447, %dma_start3A_496] : memref<20x100xi32, #tpu.memory_space<vmem>> -> memref<1x100xi32, #tpu.memory_space<vmem>>
        %dma_start3A_498 = tpu.memref_squeeze %dma_start3A_497 : memref<1x100xi32, #tpu.memory_space<vmem>> -> memref<100xi32, #tpu.memory_space<vmem>>
        %dma_start3A_499 = arith.constant 0 : i32
        %dma_start3A_500 = arith.constant 0 : i32
        %dma_start3A_501 = tpu.memref_slice %arg11[%dma_start3A_499, %dma_start3A_500] : memref<10000x128xf32, #tpu.memory_space<vmem_shared>> -> memref<10000x128xf32, #tpu.memory_space<vmem_shared>>
        tpu.enqueue_indirect_dma source(%arg8 : memref<100x128xf32, #tpu.memory_space<vmem>>) target(%dma_start3A_501 : memref<10000x128xf32, #tpu.memory_space<vmem_shared>>) offsets(%dma_start3A_498 : memref<100xi32, #tpu.memory_space<vmem>>) semaphore(%run_scoped3A_495 : memref<!tpu.dma_semaphore, #tpu.memory_space<semaphore_mem>>) {add = true}
        %dma_wait3A_502 = arith.constant 0 : i32
        %dma_wait3A_503 = tpu.memref_slice %arg7[%add3A_447, %dma_wait3A_502] : memref<20x100xi32, #tpu.memory_space<vmem>> -> memref<1x100xi32, #tpu.memory_space<vmem>>
        %dma_wait3A_504 = tpu.memref_squeeze %dma_wait3A_503 : memref<1x100xi32, #tpu.memory_space<vmem>> -> memref<100xi32, #tpu.memory_space<vmem>>
        %dma_wait3A_505 = arith.constant 0 : i32
        %dma_wait3A_506 = arith.constant 0 : i32
        %dma_wait3A_507 = tpu.memref_slice %arg11[%dma_wait3A_505, %dma_wait3A_506] : memref<10000x128xf32, #tpu.memory_space<vmem_shared>> -> memref<10000x128xf32, #tpu.memory_space<vmem_shared>>
        tpu.wait_indirect_dma semaphore(%run_scoped3A_495 : memref<!tpu.dma_semaphore, #tpu.memory_space<semaphore_mem>>) src(%arg8 : memref<100x128xf32, #tpu.memory_space<vmem>>) dst(%dma_wait3A_507 : memref<10000x128xf32, #tpu.memory_space<vmem_shared>>)
        tpu.yield
      }) : () -> ()
      %add3A_454 = arith.constant 3 : i32
      %add3A_455 = arith.addi %add3A_447, %add3A_454 : i32
      %dma_start3A_456 = arith.constant 0 : i32
      %dma_start3A_457 = tpu.memref_slice %arg6[%add3A_455, %dma_start3A_456] : memref<20x100xi32, #tpu.memory_space<vmem>> -> memref<1x100xi32, #tpu.memory_space<vmem>>
      %dma_start3A_458 = tpu.memref_squeeze %dma_start3A_457 : memref<1x100xi32, #tpu.memory_space<vmem>> -> memref<100xi32, #tpu.memory_space<vmem>>
      %dma_start3A_459 = arith.constant 0 : i32
      %dma_start3A_460 = arith.constant 0 : i32
      %dma_start3A_461 = tpu.memref_slice %arg2[%dma_start3A_459, %dma_start3A_460] : memref<10000x128xf32, #tpu.memory_space<hbm>> -> memref<10000x128xf32, #tpu.memory_space<hbm>>
      tpu.enqueue_indirect_dma source(%dma_start3A_461 : memref<10000x128xf32, #tpu.memory_space<hbm>>) target(%arg8 : memref<100x128xf32, #tpu.memory_space<vmem>>) offsets(%dma_start3A_458 : memref<100xi32, #tpu.memory_space<vmem>>) semaphore(%arg12 : memref<!tpu.dma_semaphore, #tpu.memory_space<semaphore_mem>>)
      %add3A_462 = arith.constant 1 : i32
      %add3A_463 = arith.addi %mul3A_445, %add3A_462 : i32
      %dma_wait3A_464 = arith.constant 0 : i32
      %dma_wait3A_465 = tpu.memref_slice %arg6[%add3A_463, %dma_wait3A_464] : memref<20x100xi32, #tpu.memory_space<vmem>> -> memref<1x100xi32, #tpu.memory_space<vmem>>
      %dma_wait3A_466 = tpu.memref_squeeze %dma_wait3A_465 : memref<1x100xi32, #tpu.memory_space<vmem>> -> memref<100xi32, #tpu.memory_space<vmem>>
      %dma_wait3A_467 = arith.constant 0 : i32
      %dma_wait3A_468 = arith.constant 0 : i32
      %dma_wait3A_469 = tpu.memref_slice %arg2[%dma_wait3A_467, %dma_wait3A_468] : memref<10000x128xf32, #tpu.memory_space<hbm>> -> memref<10000x128xf32, #tpu.memory_space<hbm>>
      tpu.wait_indirect_dma semaphore(%arg13 : memref<!tpu.dma_semaphore, #tpu.memory_space<semaphore_mem>>) src(%dma_wait3A_469 : memref<10000x128xf32, #tpu.memory_space<hbm>>) dst(%arg9 : memref<100x128xf32, #tpu.memory_space<vmem>>)
      "tpu.region"() ({
        %run_scoped3A_495 = tpu.sem_alloc : memref<!tpu.dma_semaphore, #tpu.memory_space<semaphore_mem>>
        %dma_start3A_496 = arith.constant 0 : i32
        %dma_start3A_497 = tpu.memref_slice %arg7[%add3A_463, %dma_start3A_496] : memref<20x100xi32, #tpu.memory_space<vmem>> -> memref<1x100xi32, #tpu.memory_space<vmem>>
        %dma_start3A_498 = tpu.memref_squeeze %dma_start3A_497 : memref<1x100xi32, #tpu.memory_space<vmem>> -> memref<100xi32, #tpu.memory_space<vmem>>
        %dma_start3A_499 = arith.constant 0 : i32
        %dma_start3A_500 = arith.constant 0 : i32
        %dma_start3A_501 = tpu.memref_slice %arg11[%dma_start3A_499, %dma_start3A_500] : memref<10000x128xf32, #tpu.memory_space<vmem_shared>> -> memref<10000x128xf32, #tpu.memory_space<vmem_shared>>
        tpu.enqueue_indirect_dma source(%arg9 : memref<100x128xf32, #tpu.memory_space<vmem>>) target(%dma_start3A_501 : memref<10000x128xf32, #tpu.memory_space<vmem_shared>>) offsets(%dma_start3A_498 : memref<100xi32, #tpu.memory_space<vmem>>) semaphore(%run_scoped3A_495 : memref<!tpu.dma_semaphore, #tpu.memory_space<semaphore_mem>>) {add = true}
        %dma_wait3A_502 = arith.constant 0 : i32
        %dma_wait3A_503 = tpu.memref_slice %arg7[%add3A_463, %dma_wait3A_502] : memref<20x100xi32, #tpu.memory_space<vmem>> -> memref<1x100xi32, #tpu.memory_space<vmem>>
        %dma_wait3A_504 = tpu.memref_squeeze %dma_wait3A_503 : memref<1x100xi32, #tpu.memory_space<vmem>> -> memref<100xi32, #tpu.memory_space<vmem>>
        %dma_wait3A_505 = arith.constant 0 : i32
        %dma_wait3A_506 = arith.constant 0 : i32
        %dma_wait3A_507 = tpu.memref_slice %arg11[%dma_wait3A_505, %dma_wait3A_506] : memref<10000x128xf32, #tpu.memory_space<vmem_shared>> -> memref<10000x128xf32, #tpu.memory_space<vmem_shared>>
        tpu.wait_indirect_dma semaphore(%run_scoped3A_495 : memref<!tpu.dma_semaphore, #tpu.memory_space<semaphore_mem>>) src(%arg9 : memref<100x128xf32, #tpu.memory_space<vmem>>) dst(%dma_wait3A_507 : memref<10000x128xf32, #tpu.memory_space<vmem_shared>>)
        tpu.yield
      }) : () -> ()
      %add3A_470 = arith.constant 3 : i32
      %add3A_471 = arith.addi %add3A_463, %add3A_470 : i32
      %dma_start3A_472 = arith.constant 0 : i32
      %dma_start3A_473 = tpu.memref_slice %arg6[%add3A_471, %dma_start3A_472] : memref<20x100xi32, #tpu.memory_space<vmem>> -> memref<1x100xi32, #tpu.memory_space<vmem>>
      %dma_start3A_474 = tpu.memref_squeeze %dma_start3A_473 : memref<1x100xi32, #tpu.memory_space<vmem>> -> memref<100xi32, #tpu.memory_space<vmem>>
      %dma_start3A_475 = arith.constant 0 : i32
      %dma_start3A_476 = arith.constant 0 : i32
      %dma_start3A_477 = tpu.memref_slice %arg2[%dma_start3A_475, %dma_start3A_476] : memref<10000x128xf32, #tpu.memory_space<hbm>> -> memref<10000x128xf32, #tpu.memory_space<hbm>>
      tpu.enqueue_indirect_dma source(%dma_start3A_477 : memref<10000x128xf32, #tpu.memory_space<hbm>>) target(%arg9 : memref<100x128xf32, #tpu.memory_space<vmem>>) offsets(%dma_start3A_474 : memref<100xi32, #tpu.memory_space<vmem>>) semaphore(%arg13 : memref<!tpu.dma_semaphore, #tpu.memory_space<semaphore_mem>>)
      %add3A_478 = arith.constant 2 : i32
      %add3A_479 = arith.addi %mul3A_445, %add3A_478 : i32
      %dma_wait3A_480 = arith.constant 0 : i32
      %dma_wait3A_481 = tpu.memref_slice %arg6[%add3A_479, %dma_wait3A_480] : memref<20x100xi32, #tpu.memory_space<vmem>> -> memref<1x100xi32, #tpu.memory_space<vmem>>
      %dma_wait3A_482 = tpu.memref_squeeze %dma_wait3A_481 : memref<1x100xi32, #tpu.memory_space<vmem>> -> memref<100xi32, #tpu.memory_space<vmem>>
      %dma_wait3A_483 = arith.constant 0 : i32
      %dma_wait3A_484 = arith.constant 0 : i32
      %dma_wait3A_485 = tpu.memref_slice %arg2[%dma_wait3A_483, %dma_wait3A_484] : memref<10000x128xf32, #tpu.memory_space<hbm>> -> memref<10000x128xf32, #tpu.memory_space<hbm>>
      tpu.wait_indirect_dma semaphore(%arg14 : memref<!tpu.dma_semaphore, #tpu.memory_space<semaphore_mem>>) src(%dma_wait3A_485 : memref<10000x128xf32, #tpu.memory_space<hbm>>) dst(%arg10 : memref<100x128xf32, #tpu.memory_space<vmem>>)
      "tpu.region"() ({
        %run_scoped3A_495 = tpu.sem_alloc : memref<!tpu.dma_semaphore, #tpu.memory_space<semaphore_mem>>
        %dma_start3A_496 = arith.constant 0 : i32
        %dma_start3A_497 = tpu.memref_slice %arg7[%add3A_479, %dma_start3A_496] : memref<20x100xi32, #tpu.memory_space<vmem>> -> memref<1x100xi32, #tpu.memory_space<vmem>>
        %dma_start3A_498 = tpu.memref_squeeze %dma_start3A_497 : memref<1x100xi32, #tpu.memory_space<vmem>> -> memref<100xi32, #tpu.memory_space<vmem>>
        %dma_start3A_499 = arith.constant 0 : i32
        %dma_start3A_500 = arith.constant 0 : i32
        %dma_start3A_501 = tpu.memref_slice %arg11[%dma_start3A_499, %dma_start3A_500] : memref<10000x128xf32, #tpu.memory_space<vmem_shared>> -> memref<10000x128xf32, #tpu.memory_space<vmem_shared>>
        tpu.enqueue_indirect_dma source(%arg10 : memref<100x128xf32, #tpu.memory_space<vmem>>) target(%dma_start3A_501 : memref<10000x128xf32, #tpu.memory_space<vmem_shared>>) offsets(%dma_start3A_498 : memref<100xi32, #tpu.memory_space<vmem>>) semaphore(%run_scoped3A_495 : memref<!tpu.dma_semaphore, #tpu.memory_space<semaphore_mem>>) {add = true}
        %dma_wait3A_502 = arith.constant 0 : i32
        %dma_wait3A_503 = tpu.memref_slice %arg7[%add3A_479, %dma_wait3A_502] : memref<20x100xi32, #tpu.memory_space<vmem>> -> memref<1x100xi32, #tpu.memory_space<vmem>>
        %dma_wait3A_504 = tpu.memref_squeeze %dma_wait3A_503 : memref<1x100xi32, #tpu.memory_space<vmem>> -> memref<100xi32, #tpu.memory_space<vmem>>
        %dma_wait3A_505 = arith.constant 0 : i32
        %dma_wait3A_506 = arith.constant 0 : i32
        %dma_wait3A_507 = tpu.memref_slice %arg11[%dma_wait3A_505, %dma_wait3A_506] : memref<10000x128xf32, #tpu.memory_space<vmem_shared>> -> memref<10000x128xf32, #tpu.memory_space<vmem_shared>>
        tpu.wait_indirect_dma semaphore(%run_scoped3A_495 : memref<!tpu.dma_semaphore, #tpu.memory_space<semaphore_mem>>) src(%arg10 : memref<100x128xf32, #tpu.memory_space<vmem>>) dst(%dma_wait3A_507 : memref<10000x128xf32, #tpu.memory_space<vmem_shared>>)
        tpu.yield
      }) : () -> ()
      %add3A_486 = arith.constant 3 : i32
      %add3A_487 = arith.addi %add3A_479, %add3A_486 : i32
      %dma_start3A_488 = arith.constant 0 : i32
      %dma_start3A_489 = tpu.memref_slice %arg6[%add3A_487, %dma_start3A_488] : memref<20x100xi32, #tpu.memory_space<vmem>> -> memref<1x100xi32, #tpu.memory_space<vmem>>
      %dma_start3A_490 = tpu.memref_squeeze %dma_start3A_489 : memref<1x100xi32, #tpu.memory_space<vmem>> -> memref<100xi32, #tpu.memory_space<vmem>>
      %dma_start3A_491 = arith.constant 0 : i32
      %dma_start3A_492 = arith.constant 0 : i32
      %dma_start3A_493 = tpu.memref_slice %arg2[%dma_start3A_491, %dma_start3A_492] : memref<10000x128xf32, #tpu.memory_space<hbm>> -> memref<10000x128xf32, #tpu.memory_space<hbm>>
      tpu.enqueue_indirect_dma source(%dma_start3A_493 : memref<10000x128xf32, #tpu.memory_space<hbm>>) target(%arg10 : memref<100x128xf32, #tpu.memory_space<vmem>>) offsets(%dma_start3A_490 : memref<100xi32, #tpu.memory_space<vmem>>) semaphore(%arg14 : memref<!tpu.dma_semaphore, #tpu.memory_space<semaphore_mem>>)
      %scan3A_494 = arith.constant 0 : i32
      scf.yield %scan3A_494 : i32
    }
    %scan3A_39 = arith.constant 5 : i32
    %dma_wait3A = arith.constant 15 : i32
    %dma_wait3A_40 = arith.constant 0 : i32
    %dma_wait3A_41 = tpu.memref_slice %arg6[%dma_wait3A, %dma_wait3A_40] : memref<20x100xi32, #tpu.memory_space<vmem>> -> memref<1x100xi32, #tpu.memory_space<vmem>>
    %dma_wait3A_42 = tpu.memref_squeeze %dma_wait3A_41 : memref<1x100xi32, #tpu.memory_space<vmem>> -> memref<100xi32, #tpu.memory_space<vmem>>
    %dma_wait3A_43 = arith.constant 0 : i32
    %dma_wait3A_44 = arith.constant 0 : i32
    %dma_wait3A_45 = tpu.memref_slice %arg2[%dma_wait3A_43, %dma_wait3A_44] : memref<10000x128xf32, #tpu.memory_space<hbm>> -> memref<10000x128xf32, #tpu.memory_space<hbm>>
    tpu.wait_indirect_dma semaphore(%arg12 : memref<!tpu.dma_semaphore, #tpu.memory_space<semaphore_mem>>) src(%dma_wait3A_45 : memref<10000x128xf32, #tpu.memory_space<hbm>>) dst(%arg8 : memref<100x128xf32, #tpu.memory_space<vmem>>)
    %run_scoped3A = arith.constant 15 : i32
    "tpu.region"() ({
      %run_scoped3A_442 = tpu.sem_alloc : memref<!tpu.dma_semaphore, #tpu.memory_space<semaphore_mem>>
      %dma_start3A_443 = arith.constant 0 : i32
      %dma_start3A_444 = tpu.memref_slice %arg7[%run_scoped3A, %dma_start3A_443] : memref<20x100xi32, #tpu.memory_space<vmem>> -> memref<1x100xi32, #tpu.memory_space<vmem>>
      %dma_start3A_445 = tpu.memref_squeeze %dma_start3A_444 : memref<1x100xi32, #tpu.memory_space<vmem>> -> memref<100xi32, #tpu.memory_space<vmem>>
      %dma_start3A_446 = arith.constant 0 : i32
      %dma_start3A_447 = arith.constant 0 : i32
      %dma_start3A_448 = tpu.memref_slice %arg11[%dma_start3A_446, %dma_start3A_447] : memref<10000x128xf32, #tpu.memory_space<vmem_shared>> -> memref<10000x128xf32, #tpu.memory_space<vmem_shared>>
      tpu.enqueue_indirect_dma source(%arg8 : memref<100x128xf32, #tpu.memory_space<vmem>>) target(%dma_start3A_448 : memref<10000x128xf32, #tpu.memory_space<vmem_shared>>) offsets(%dma_start3A_445 : memref<100xi32, #tpu.memory_space<vmem>>) semaphore(%run_scoped3A_442 : memref<!tpu.dma_semaphore, #tpu.memory_space<semaphore_mem>>) {add = true}
      %dma_wait3A_449 = arith.constant 0 : i32
      %dma_wait3A_450 = tpu.memref_slice %arg7[%run_scoped3A, %dma_wait3A_449] : memref<20x100xi32, #tpu.memory_space<vmem>> -> memref<1x100xi32, #tpu.memory_space<vmem>>
      %dma_wait3A_451 = tpu.memref_squeeze %dma_wait3A_450 : memref<1x100xi32, #tpu.memory_space<vmem>> -> memref<100xi32, #tpu.memory_space<vmem>>
      %dma_wait3A_452 = arith.constant 0 : i32
      %dma_wait3A_453 = arith.constant 0 : i32
      %dma_wait3A_454 = tpu.memref_slice %arg11[%dma_wait3A_452, %dma_wait3A_453] : memref<10000x128xf32, #tpu.memory_space<vmem_shared>> -> memref<10000x128xf32, #tpu.memory_space<vmem_shared>>
      tpu.wait_indirect_dma semaphore(%run_scoped3A_442 : memref<!tpu.dma_semaphore, #tpu.memory_space<semaphore_mem>>) src(%arg8 : memref<100x128xf32, #tpu.memory_space<vmem>>) dst(%dma_wait3A_454 : memref<10000x128xf32, #tpu.memory_space<vmem_shared>>)
      tpu.yield
    }) : () -> ()
    %dma_start3A_46 = arith.constant 18 : i32
    %dma_start3A_47 = arith.constant 0 : i32
    %dma_start3A_48 = tpu.memref_slice %arg6[%dma_start3A_46, %dma_start3A_47] : memref<20x100xi32, #tpu.memory_space<vmem>> -> memref<1x100xi32, #tpu.memory_space<vmem>>
    %dma_start3A_49 = tpu.memref_squeeze %dma_start3A_48 : memref<1x100xi32, #tpu.memory_space<vmem>> -> memref<100xi32, #tpu.memory_space<vmem>>
    %dma_start3A_50 = arith.constant 0 : i32
    %dma_start3A_51 = arith.constant 0 : i32
    %dma_start3A_52 = tpu.memref_slice %arg2[%dma_start3A_50, %dma_start3A_51] : memref<10000x128xf32, #tpu.memory_space<hbm>> -> memref<10000x128xf32, #tpu.memory_space<hbm>>
    tpu.enqueue_indirect_dma source(%dma_start3A_52 : memref<10000x128xf32, #tpu.memory_space<hbm>>) target(%arg8 : memref<100x128xf32, #tpu.memory_space<vmem>>) offsets(%dma_start3A_49 : memref<100xi32, #tpu.memory_space<vmem>>) semaphore(%arg12 : memref<!tpu.dma_semaphore, #tpu.memory_space<semaphore_mem>>)
    %dma_wait3A_53 = arith.constant 16 : i32
    %dma_wait3A_54 = arith.constant 0 : i32
    %dma_wait3A_55 = tpu.memref_slice %arg6[%dma_wait3A_53, %dma_wait3A_54] : memref<20x100xi32, #tpu.memory_space<vmem>> -> memref<1x100xi32, #tpu.memory_space<vmem>>
    %dma_wait3A_56 = tpu.memref_squeeze %dma_wait3A_55 : memref<1x100xi32, #tpu.memory_space<vmem>> -> memref<100xi32, #tpu.memory_space<vmem>>
    %dma_wait3A_57 = arith.constant 0 : i32
    %dma_wait3A_58 = arith.constant 0 : i32
    %dma_wait3A_59 = tpu.memref_slice %arg2[%dma_wait3A_57, %dma_wait3A_58] : memref<10000x128xf32, #tpu.memory_space<hbm>> -> memref<10000x128xf32, #tpu.memory_space<hbm>>
    tpu.wait_indirect_dma semaphore(%arg13 : memref<!tpu.dma_semaphore, #tpu.memory_space<semaphore_mem>>) src(%dma_wait3A_59 : memref<10000x128xf32, #tpu.memory_space<hbm>>) dst(%arg9 : memref<100x128xf32, #tpu.memory_space<vmem>>)
    %run_scoped3A_60 = arith.constant 16 : i32
    "tpu.region"() ({
      %run_scoped3A_442 = tpu.sem_alloc : memref<!tpu.dma_semaphore, #tpu.memory_space<semaphore_mem>>
      %dma_start3A_443 = arith.constant 0 : i32
      %dma_start3A_444 = tpu.memref_slice %arg7[%run_scoped3A_60, %dma_start3A_443] : memref<20x100xi32, #tpu.memory_space<vmem>> -> memref<1x100xi32, #tpu.memory_space<vmem>>
      %dma_start3A_445 = tpu.memref_squeeze %dma_start3A_444 : memref<1x100xi32, #tpu.memory_space<vmem>> -> memref<100xi32, #tpu.memory_space<vmem>>
      %dma_start3A_446 = arith.constant 0 : i32
      %dma_start3A_447 = arith.constant 0 : i32
      %dma_start3A_448 = tpu.memref_slice %arg11[%dma_start3A_446, %dma_start3A_447] : memref<10000x128xf32, #tpu.memory_space<vmem_shared>> -> memref<10000x128xf32, #tpu.memory_space<vmem_shared>>
      tpu.enqueue_indirect_dma source(%arg9 : memref<100x128xf32, #tpu.memory_space<vmem>>) target(%dma_start3A_448 : memref<10000x128xf32, #tpu.memory_space<vmem_shared>>) offsets(%dma_start3A_445 : memref<100xi32, #tpu.memory_space<vmem>>) semaphore(%run_scoped3A_442 : memref<!tpu.dma_semaphore, #tpu.memory_space<semaphore_mem>>) {add = true}
      %dma_wait3A_449 = arith.constant 0 : i32
      %dma_wait3A_450 = tpu.memref_slice %arg7[%run_scoped3A_60, %dma_wait3A_449] : memref<20x100xi32, #tpu.memory_space<vmem>> -> memref<1x100xi32, #tpu.memory_space<vmem>>
      %dma_wait3A_451 = tpu.memref_squeeze %dma_wait3A_450 : memref<1x100xi32, #tpu.memory_space<vmem>> -> memref<100xi32, #tpu.memory_space<vmem>>
      %dma_wait3A_452 = arith.constant 0 : i32
      %dma_wait3A_453 = arith.constant 0 : i32
      %dma_wait3A_454 = tpu.memref_slice %arg11[%dma_wait3A_452, %dma_wait3A_453] : memref<10000x128xf32, #tpu.memory_space<vmem_shared>> -> memref<10000x128xf32, #tpu.memory_space<vmem_shared>>
      tpu.wait_indirect_dma semaphore(%run_scoped3A_442 : memref<!tpu.dma_semaphore, #tpu.memory_space<semaphore_mem>>) src(%arg9 : memref<100x128xf32, #tpu.memory_space<vmem>>) dst(%dma_wait3A_454 : memref<10000x128xf32, #tpu.memory_space<vmem_shared>>)
      tpu.yield
    }) : () -> ()
    %dma_start3A_61 = arith.constant 19 : i32
    %dma_start3A_62 = arith.constant 0 : i32
    %dma_start3A_63 = tpu.memref_slice %arg6[%dma_start3A_61, %dma_start3A_62] : memref<20x100xi32, #tpu.memory_space<vmem>> -> memref<1x100xi32, #tpu.memory_space<vmem>>
    %dma_start3A_64 = tpu.memref_squeeze %dma_start3A_63 : memref<1x100xi32, #tpu.memory_space<vmem>> -> memref<100xi32, #tpu.memory_space<vmem>>
    %dma_start3A_65 = arith.constant 0 : i32
    %dma_start3A_66 = arith.constant 0 : i32
    %dma_start3A_67 = tpu.memref_slice %arg2[%dma_start3A_65, %dma_start3A_66] : memref<10000x128xf32, #tpu.memory_space<hbm>> -> memref<10000x128xf32, #tpu.memory_space<hbm>>
    tpu.enqueue_indirect_dma source(%dma_start3A_67 : memref<10000x128xf32, #tpu.memory_space<hbm>>) target(%arg9 : memref<100x128xf32, #tpu.memory_space<vmem>>) offsets(%dma_start3A_64 : memref<100xi32, #tpu.memory_space<vmem>>) semaphore(%arg13 : memref<!tpu.dma_semaphore, #tpu.memory_space<semaphore_mem>>)
    %dma_wait3A_68 = arith.constant 17 : i32
    %dma_wait3A_69 = arith.constant 0 : i32
    %dma_wait3A_70 = tpu.memref_slice %arg6[%dma_wait3A_68, %dma_wait3A_69] : memref<20x100xi32, #tpu.memory_space<vmem>> -> memref<1x100xi32, #tpu.memory_space<vmem>>
    %dma_wait3A_71 = tpu.memref_squeeze %dma_wait3A_70 : memref<1x100xi32, #tpu.memory_space<vmem>> -> memref<100xi32, #tpu.memory_space<vmem>>
    %dma_wait3A_72 = arith.constant 0 : i32
    %dma_wait3A_73 = arith.constant 0 : i32
    %dma_wait3A_74 = tpu.memref_slice %arg2[%dma_wait3A_72, %dma_wait3A_73] : memref<10000x128xf32, #tpu.memory_space<hbm>> -> memref<10000x128xf32, #tpu.memory_space<hbm>>
    tpu.wait_indirect_dma semaphore(%arg14 : memref<!tpu.dma_semaphore, #tpu.memory_space<semaphore_mem>>) src(%dma_wait3A_74 : memref<10000x128xf32, #tpu.memory_space<hbm>>) dst(%arg10 : memref<100x128xf32, #tpu.memory_space<vmem>>)
    %run_scoped3A_75 = arith.constant 17 : i32
    "tpu.region"() ({
      %run_scoped3A_442 = tpu.sem_alloc : memref<!tpu.dma_semaphore, #tpu.memory_space<semaphore_mem>>
      %dma_start3A_443 = arith.constant 0 : i32
      %dma_start3A_444 = tpu.memref_slice %arg7[%run_scoped3A_75, %dma_start3A_443] : memref<20x100xi32, #tpu.memory_space<vmem>> -> memref<1x100xi32, #tpu.memory_space<vmem>>
      %dma_start3A_445 = tpu.memref_squeeze %dma_start3A_444 : memref<1x100xi32, #tpu.memory_space<vmem>> -> memref<100xi32, #tpu.memory_space<vmem>>
      %dma_start3A_446 = arith.constant 0 : i32
      %dma_start3A_447 = arith.constant 0 : i32
      %dma_start3A_448 = tpu.memref_slice %arg11[%dma_start3A_446, %dma_start3A_447] : memref<10000x128xf32, #tpu.memory_space<vmem_shared>> -> memref<10000x128xf32, #tpu.memory_space<vmem_shared>>
      tpu.enqueue_indirect_dma source(%arg10 : memref<100x128xf32, #tpu.memory_space<vmem>>) target(%dma_start3A_448 : memref<10000x128xf32, #tpu.memory_space<vmem_shared>>) offsets(%dma_start3A_445 : memref<100xi32, #tpu.memory_space<vmem>>) semaphore(%run_scoped3A_442 : memref<!tpu.dma_semaphore, #tpu.memory_space<semaphore_mem>>) {add = true}
      %dma_wait3A_449 = arith.constant 0 : i32
      %dma_wait3A_450 = tpu.memref_slice %arg7[%run_scoped3A_75, %dma_wait3A_449] : memref<20x100xi32, #tpu.memory_space<vmem>> -> memref<1x100xi32, #tpu.memory_space<vmem>>
      %dma_wait3A_451 = tpu.memref_squeeze %dma_wait3A_450 : memref<1x100xi32, #tpu.memory_space<vmem>> -> memref<100xi32, #tpu.memory_space<vmem>>
      %dma_wait3A_452 = arith.constant 0 : i32
      %dma_wait3A_453 = arith.constant 0 : i32
      %dma_wait3A_454 = tpu.memref_slice %arg11[%dma_wait3A_452, %dma_wait3A_453] : memref<10000x128xf32, #tpu.memory_space<vmem_shared>> -> memref<10000x128xf32, #tpu.memory_space<vmem_shared>>
      tpu.wait_indirect_dma semaphore(%run_scoped3A_442 : memref<!tpu.dma_semaphore, #tpu.memory_space<semaphore_mem>>) src(%arg10 : memref<100x128xf32, #tpu.memory_space<vmem>>) dst(%dma_wait3A_454 : memref<10000x128xf32, #tpu.memory_space<vmem_shared>>)
      tpu.yield
    }) : () -> ()
    %dma_wait3A_76 = arith.constant 18 : i32
    %dma_wait3A_77 = arith.constant 0 : i32
    %dma_wait3A_78 = tpu.memref_slice %arg6[%dma_wait3A_76, %dma_wait3A_77] : memref<20x100xi32, #tpu.memory_space<vmem>> -> memref<1x100xi32, #tpu.memory_space<vmem>>
    %dma_wait3A_79 = tpu.memref_squeeze %dma_wait3A_78 : memref<1x100xi32, #tpu.memory_space<vmem>> -> memref<100xi32, #tpu.memory_space<vmem>>
    %dma_wait3A_80 = arith.constant 0 : i32
    %dma_wait3A_81 = arith.constant 0 : i32
    %dma_wait3A_82 = tpu.memref_slice %arg2[%dma_wait3A_80, %dma_wait3A_81] : memref<10000x128xf32, #tpu.memory_space<hbm>> -> memref<10000x128xf32, #tpu.memory_space<hbm>>
    tpu.wait_indirect_dma semaphore(%arg12 : memref<!tpu.dma_semaphore, #tpu.memory_space<semaphore_mem>>) src(%dma_wait3A_82 : memref<10000x128xf32, #tpu.memory_space<hbm>>) dst(%arg8 : memref<100x128xf32, #tpu.memory_space<vmem>>)
    %run_scoped3A_83 = arith.constant 18 : i32
    "tpu.region"() ({
      %run_scoped3A_442 = tpu.sem_alloc : memref<!tpu.dma_semaphore, #tpu.memory_space<semaphore_mem>>
      %dma_start3A_443 = arith.constant 0 : i32
      %dma_start3A_444 = tpu.memref_slice %arg7[%run_scoped3A_83, %dma_start3A_443] : memref<20x100xi32, #tpu.memory_space<vmem>> -> memref<1x100xi32, #tpu.memory_space<vmem>>
      %dma_start3A_445 = tpu.memref_squeeze %dma_start3A_444 : memref<1x100xi32, #tpu.memory_space<vmem>> -> memref<100xi32, #tpu.memory_space<vmem>>
      %dma_start3A_446 = arith.constant 0 : i32
      %dma_start3A_447 = arith.constant 0 : i32
      %dma_start3A_448 = tpu.memref_slice %arg11[%dma_start3A_446, %dma_start3A_447] : memref<10000x128xf32, #tpu.memory_space<vmem_shared>> -> memref<10000x128xf32, #tpu.memory_space<vmem_shared>>
      tpu.enqueue_indirect_dma source(%arg8 : memref<100x128xf32, #tpu.memory_space<vmem>>) target(%dma_start3A_448 : memref<10000x128xf32, #tpu.memory_space<vmem_shared>>) offsets(%dma_start3A_445 : memref<100xi32, #tpu.memory_space<vmem>>) semaphore(%run_scoped3A_442 : memref<!tpu.dma_semaphore, #tpu.memory_space<semaphore_mem>>) {add = true}
      %dma_wait3A_449 = arith.constant 0 : i32
      %dma_wait3A_450 = tpu.memref_slice %arg7[%run_scoped3A_83, %dma_wait3A_449] : memref<20x100xi32, #tpu.memory_space<vmem>> -> memref<1x100xi32, #tpu.memory_space<vmem>>
      %dma_wait3A_451 = tpu.memref_squeeze %dma_wait3A_450 : memref<1x100xi32, #tpu.memory_space<vmem>> -> memref<100xi32, #tpu.memory_space<vmem>>
      %dma_wait3A_452 = arith.constant 0 : i32
      %dma_wait3A_453 = arith.constant 0 : i32
      %dma_wait3A_454 = tpu.memref_slice %arg11[%dma_wait3A_452, %dma_wait3A_453] : memref<10000x128xf32, #tpu.memory_space<vmem_shared>> -> memref<10000x128xf32, #tpu.memory_space<vmem_shared>>
      tpu.wait_indirect_dma semaphore(%run_scoped3A_442 : memref<!tpu.dma_semaphore, #tpu.memory_space<semaphore_mem>>) src(%arg8 : memref<100x128xf32, #tpu.memory_space<vmem>>) dst(%dma_wait3A_454 : memref<10000x128xf32, #tpu.memory_space<vmem_shared>>)
      tpu.yield
    }) : () -> ()
    %dma_wait3A_84 = arith.constant 19 : i32
    %dma_wait3A_85 = arith.constant 0 : i32
    %dma_wait3A_86 = tpu.memref_slice %arg6[%dma_wait3A_84, %dma_wait3A_85] : memref<20x100xi32, #tpu.memory_space<vmem>> -> memref<1x100xi32, #tpu.memory_space<vmem>>
    %dma_wait3A_87 = tpu.memref_squeeze %dma_wait3A_86 : memref<1x100xi32, #tpu.memory_space<vmem>> -> memref<100xi32, #tpu.memory_space<vmem>>
    %dma_wait3A_88 = arith.constant 0 : i32
    %dma_wait3A_89 = arith.constant 0 : i32
    %dma_wait3A_90 = tpu.memref_slice %arg2[%dma_wait3A_88, %dma_wait3A_89] : memref<10000x128xf32, #tpu.memory_space<hbm>> -> memref<10000x128xf32, #tpu.memory_space<hbm>>
    tpu.wait_indirect_dma semaphore(%arg13 : memref<!tpu.dma_semaphore, #tpu.memory_space<semaphore_mem>>) src(%dma_wait3A_90 : memref<10000x128xf32, #tpu.memory_space<hbm>>) dst(%arg9 : memref<100x128xf32, #tpu.memory_space<vmem>>)
    %run_scoped3A_91 = arith.constant 19 : i32
    "tpu.region"() ({
      %run_scoped3A_442 = tpu.sem_alloc : memref<!tpu.dma_semaphore, #tpu.memory_space<semaphore_mem>>
      %dma_start3A_443 = arith.constant 0 : i32
      %dma_start3A_444 = tpu.memref_slice %arg7[%run_scoped3A_91, %dma_start3A_443] : memref<20x100xi32, #tpu.memory_space<vmem>> -> memref<1x100xi32, #tpu.memory_space<vmem>>
      %dma_start3A_445 = tpu.memref_squeeze %dma_start3A_444 : memref<1x100xi32, #tpu.memory_space<vmem>> -> memref<100xi32, #tpu.memory_space<vmem>>
      %dma_start3A_446 = arith.constant 0 : i32
      %dma_start3A_447 = arith.constant 0 : i32
      %dma_start3A_448 = tpu.memref_slice %arg11[%dma_start3A_446, %dma_start3A_447] : memref<10000x128xf32, #tpu.memory_space<vmem_shared>> -> memref<10000x128xf32, #tpu.memory_space<vmem_shared>>
      tpu.enqueue_indirect_dma source(%arg9 : memref<100x128xf32, #tpu.memory_space<vmem>>) target(%dma_start3A_448 : memref<10000x128xf32, #tpu.memory_space<vmem_shared>>) offsets(%dma_start3A_445 : memref<100xi32, #tpu.memory_space<vmem>>) semaphore(%run_scoped3A_442 : memref<!tpu.dma_semaphore, #tpu.memory_space<semaphore_mem>>) {add = true}
      %dma_wait3A_449 = arith.constant 0 : i32
      %dma_wait3A_450 = tpu.memref_slice %arg7[%run_scoped3A_91, %dma_wait3A_449] : memref<20x100xi32, #tpu.memory_space<vmem>> -> memref<1x100xi32, #tpu.memory_space<vmem>>
      %dma_wait3A_451 = tpu.memref_squeeze %dma_wait3A_450 : memref<1x100xi32, #tpu.memory_space<vmem>> -> memref<100xi32, #tpu.memory_space<vmem>>
      %dma_wait3A_452 = arith.constant 0 : i32
      %dma_wait3A_453 = arith.constant 0 : i32
      %dma_wait3A_454 = tpu.memref_slice %arg11[%dma_wait3A_452, %dma_wait3A_453] : memref<10000x128xf32, #tpu.memory_space<vmem_shared>> -> memref<10000x128xf32, #tpu.memory_space<vmem_shared>>
      tpu.wait_indirect_dma semaphore(%run_scoped3A_442 : memref<!tpu.dma_semaphore, #tpu.memory_space<semaphore_mem>>) src(%arg9 : memref<100x128xf32, #tpu.memory_space<vmem>>) dst(%dma_wait3A_454 : memref<10000x128xf32, #tpu.memory_space<vmem_shared>>)
      tpu.yield
    }) : () -> ()
    %mul3A_92 = arith.constant 5 : i32
    %mul3A_93 = arith.muli %add3A, %mul3A_92 : i32
    %add3A_94 = arith.constant 1 : i32
    %add3A_95 = arith.addi %mul3A_93, %add3A_94 : i32
    "tpu.region"() ({
      %run_scoped3A_442 = tpu.sem_alloc : memref<!tpu.dma_semaphore, #tpu.memory_space<semaphore_mem>>
      %dma_start3A_443 = arith.constant 0 : i32
      %dma_start3A_444 = arith.constant 0 : i32
      %dma_start3A_445 = tpu.memref_slice %arg3[%add3A_95, %dma_start3A_443, %dma_start3A_444] : memref<160x20x100xi32, #tpu.memory_space<hbm>> -> memref<1x20x100xi32, #tpu.memory_space<hbm>>
      %dma_start3A_446 = tpu.memref_squeeze %dma_start3A_445 : memref<1x20x100xi32, #tpu.memory_space<hbm>> -> memref<20x100xi32, #tpu.memory_space<hbm>>
      %dma_start3A_447 = arith.constant 0 : i32
      %dma_start3A_448 = arith.constant 0 : i32
      %dma_start3A_449 = tpu.memref_slice %arg3[%add3A_95, %dma_start3A_447, %dma_start3A_448] : memref<160x20x100xi32, #tpu.memory_space<hbm>> -> memref<1x20x100xi32, #tpu.memory_space<hbm>>
      %dma_start3A_450 = tpu.memref_squeeze %dma_start3A_449 : memref<1x20x100xi32, #tpu.memory_space<hbm>> -> memref<20x100xi32, #tpu.memory_space<hbm>>
      tpu.enqueue_dma source(%dma_start3A_450 : memref<20x100xi32, #tpu.memory_space<hbm>>) target(%arg6 : memref<20x100xi32, #tpu.memory_space<vmem>>) target_semaphore(%run_scoped3A_442 : memref<!tpu.dma_semaphore, #tpu.memory_space<semaphore_mem>>)
      %dma_wait3A_451 = arith.constant 0 : i32
      %dma_wait3A_452 = arith.constant 0 : i32
      %dma_wait3A_453 = tpu.memref_slice %arg3[%add3A_95, %dma_wait3A_451, %dma_wait3A_452] : memref<160x20x100xi32, #tpu.memory_space<hbm>> -> memref<1x20x100xi32, #tpu.memory_space<hbm>>
      %dma_wait3A_454 = tpu.memref_squeeze %dma_wait3A_453 : memref<1x20x100xi32, #tpu.memory_space<hbm>> -> memref<20x100xi32, #tpu.memory_space<hbm>>
      %dma_wait3A_455 = arith.constant 0 : i32
      %dma_wait3A_456 = arith.constant 0 : i32
      %dma_wait3A_457 = tpu.memref_slice %arg3[%add3A_95, %dma_wait3A_455, %dma_wait3A_456] : memref<160x20x100xi32, #tpu.memory_space<hbm>> -> memref<1x20x100xi32, #tpu.memory_space<hbm>>
      %dma_wait3A_458 = tpu.memref_squeeze %dma_wait3A_457 : memref<1x20x100xi32, #tpu.memory_space<hbm>> -> memref<20x100xi32, #tpu.memory_space<hbm>>
      tpu.wait_dma2 semaphore(%run_scoped3A_442 : memref<!tpu.dma_semaphore, #tpu.memory_space<semaphore_mem>>) src(%dma_wait3A_458 : memref<20x100xi32, #tpu.memory_space<hbm>>) dst(%arg6 : memref<20x100xi32, #tpu.memory_space<vmem>>)
      tpu.yield
    }) : () -> ()
    "tpu.region"() ({
      %run_scoped3A_442 = tpu.sem_alloc : memref<!tpu.dma_semaphore, #tpu.memory_space<semaphore_mem>>
      %dma_start3A_443 = arith.constant 0 : i32
      %dma_start3A_444 = arith.constant 0 : i32
      %dma_start3A_445 = tpu.memref_slice %arg4[%add3A_95, %dma_start3A_443, %dma_start3A_444] : memref<160x20x100xi32, #tpu.memory_space<hbm>> -> memref<1x20x100xi32, #tpu.memory_space<hbm>>
      %dma_start3A_446 = tpu.memref_squeeze %dma_start3A_445 : memref<1x20x100xi32, #tpu.memory_space<hbm>> -> memref<20x100xi32, #tpu.memory_space<hbm>>
      %dma_start3A_447 = arith.constant 0 : i32
      %dma_start3A_448 = arith.constant 0 : i32
      %dma_start3A_449 = tpu.memref_slice %arg4[%add3A_95, %dma_start3A_447, %dma_start3A_448] : memref<160x20x100xi32, #tpu.memory_space<hbm>> -> memref<1x20x100xi32, #tpu.memory_space<hbm>>
      %dma_start3A_450 = tpu.memref_squeeze %dma_start3A_449 : memref<1x20x100xi32, #tpu.memory_space<hbm>> -> memref<20x100xi32, #tpu.memory_space<hbm>>
      tpu.enqueue_dma source(%dma_start3A_450 : memref<20x100xi32, #tpu.memory_space<hbm>>) target(%arg7 : memref<20x100xi32, #tpu.memory_space<vmem>>) target_semaphore(%run_scoped3A_442 : memref<!tpu.dma_semaphore, #tpu.memory_space<semaphore_mem>>)
      %dma_wait3A_451 = arith.constant 0 : i32
      %dma_wait3A_452 = arith.constant 0 : i32
      %dma_wait3A_453 = tpu.memref_slice %arg4[%add3A_95, %dma_wait3A_451, %dma_wait3A_452] : memref<160x20x100xi32, #tpu.memory_space<hbm>> -> memref<1x20x100xi32, #tpu.memory_space<hbm>>
      %dma_wait3A_454 = tpu.memref_squeeze %dma_wait3A_453 : memref<1x20x100xi32, #tpu.memory_space<hbm>> -> memref<20x100xi32, #tpu.memory_space<hbm>>
      %dma_wait3A_455 = arith.constant 0 : i32
      %dma_wait3A_456 = arith.constant 0 : i32
      %dma_wait3A_457 = tpu.memref_slice %arg4[%add3A_95, %dma_wait3A_455, %dma_wait3A_456] : memref<160x20x100xi32, #tpu.memory_space<hbm>> -> memref<1x20x100xi32, #tpu.memory_space<hbm>>
      %dma_wait3A_458 = tpu.memref_squeeze %dma_wait3A_457 : memref<1x20x100xi32, #tpu.memory_space<hbm>> -> memref<20x100xi32, #tpu.memory_space<hbm>>
      tpu.wait_dma2 semaphore(%run_scoped3A_442 : memref<!tpu.dma_semaphore, #tpu.memory_space<semaphore_mem>>) src(%dma_wait3A_458 : memref<20x100xi32, #tpu.memory_space<hbm>>) dst(%arg7 : memref<20x100xi32, #tpu.memory_space<vmem>>)
      tpu.yield
    }) : () -> ()
    %dma_start3A_96 = arith.constant 0 : i32
    %dma_start3A_97 = arith.constant 0 : i32
    %dma_start3A_98 = tpu.memref_slice %arg6[%dma_start3A_96, %dma_start3A_97] : memref<20x100xi32, #tpu.memory_space<vmem>> -> memref<1x100xi32, #tpu.memory_space<vmem>>
    %dma_start3A_99 = tpu.memref_squeeze %dma_start3A_98 : memref<1x100xi32, #tpu.memory_space<vmem>> -> memref<100xi32, #tpu.memory_space<vmem>>
    %dma_start3A_100 = arith.constant 0 : i32
    %dma_start3A_101 = arith.constant 0 : i32
    %dma_start3A_102 = tpu.memref_slice %arg2[%dma_start3A_100, %dma_start3A_101] : memref<10000x128xf32, #tpu.memory_space<hbm>> -> memref<10000x128xf32, #tpu.memory_space<hbm>>
    tpu.enqueue_indirect_dma source(%dma_start3A_102 : memref<10000x128xf32, #tpu.memory_space<hbm>>) target(%arg8 : memref<100x128xf32, #tpu.memory_space<vmem>>) offsets(%dma_start3A_99 : memref<100xi32, #tpu.memory_space<vmem>>) semaphore(%arg12 : memref<!tpu.dma_semaphore, #tpu.memory_space<semaphore_mem>>)
    %dma_start3A_103 = arith.constant 1 : i32
    %dma_start3A_104 = arith.constant 0 : i32
    %dma_start3A_105 = tpu.memref_slice %arg6[%dma_start3A_103, %dma_start3A_104] : memref<20x100xi32, #tpu.memory_space<vmem>> -> memref<1x100xi32, #tpu.memory_space<vmem>>
    %dma_start3A_106 = tpu.memref_squeeze %dma_start3A_105 : memref<1x100xi32, #tpu.memory_space<vmem>> -> memref<100xi32, #tpu.memory_space<vmem>>
    %dma_start3A_107 = arith.constant 0 : i32
    %dma_start3A_108 = arith.constant 0 : i32
    %dma_start3A_109 = tpu.memref_slice %arg2[%dma_start3A_107, %dma_start3A_108] : memref<10000x128xf32, #tpu.memory_space<hbm>> -> memref<10000x128xf32, #tpu.memory_space<hbm>>
    tpu.enqueue_indirect_dma source(%dma_start3A_109 : memref<10000x128xf32, #tpu.memory_space<hbm>>) target(%arg9 : memref<100x128xf32, #tpu.memory_space<vmem>>) offsets(%dma_start3A_106 : memref<100xi32, #tpu.memory_space<vmem>>) semaphore(%arg13 : memref<!tpu.dma_semaphore, #tpu.memory_space<semaphore_mem>>)
    %dma_start3A_110 = arith.constant 2 : i32
    %dma_start3A_111 = arith.constant 0 : i32
    %dma_start3A_112 = tpu.memref_slice %arg6[%dma_start3A_110, %dma_start3A_111] : memref<20x100xi32, #tpu.memory_space<vmem>> -> memref<1x100xi32, #tpu.memory_space<vmem>>
    %dma_start3A_113 = tpu.memref_squeeze %dma_start3A_112 : memref<1x100xi32, #tpu.memory_space<vmem>> -> memref<100xi32, #tpu.memory_space<vmem>>
    %dma_start3A_114 = arith.constant 0 : i32
    %dma_start3A_115 = arith.constant 0 : i32
    %dma_start3A_116 = tpu.memref_slice %arg2[%dma_start3A_114, %dma_start3A_115] : memref<10000x128xf32, #tpu.memory_space<hbm>> -> memref<10000x128xf32, #tpu.memory_space<hbm>>
    tpu.enqueue_indirect_dma source(%dma_start3A_116 : memref<10000x128xf32, #tpu.memory_space<hbm>>) target(%arg10 : memref<100x128xf32, #tpu.memory_space<vmem>>) offsets(%dma_start3A_113 : memref<100xi32, #tpu.memory_space<vmem>>) semaphore(%arg14 : memref<!tpu.dma_semaphore, #tpu.memory_space<semaphore_mem>>)
    %scan3A_117 = arith.constant 0 : i32
    %scan3A_118 = arith.constant 0 : i32
    %scan3A_119 = arith.constant 5 : i32
    %scan3A_120 = arith.addi %scan3A_118, %scan3A_119 : i32
    %scan3A_121 = arith.constant 1 : i32
    %scan3A_122 = scf.for %scan3A_442 = %scan3A_118 to %scan3A_120 step %scan3A_121 iter_args(%scan3A_443 = %scan3A_117) -> (i32)  : i32 {
      %mul3A_444 = arith.constant 3 : i32
      %mul3A_445 = arith.muli %mul3A_444, %scan3A_442 : i32
      %add3A_446 = arith.constant 0 : i32
      %add3A_447 = arith.addi %mul3A_445, %add3A_446 : i32
      %dma_wait3A_448 = arith.constant 0 : i32
      %dma_wait3A_449 = tpu.memref_slice %arg6[%add3A_447, %dma_wait3A_448] : memref<20x100xi32, #tpu.memory_space<vmem>> -> memref<1x100xi32, #tpu.memory_space<vmem>>
      %dma_wait3A_450 = tpu.memref_squeeze %dma_wait3A_449 : memref<1x100xi32, #tpu.memory_space<vmem>> -> memref<100xi32, #tpu.memory_space<vmem>>
      %dma_wait3A_451 = arith.constant 0 : i32
      %dma_wait3A_452 = arith.constant 0 : i32
      %dma_wait3A_453 = tpu.memref_slice %arg2[%dma_wait3A_451, %dma_wait3A_452] : memref<10000x128xf32, #tpu.memory_space<hbm>> -> memref<10000x128xf32, #tpu.memory_space<hbm>>
      tpu.wait_indirect_dma semaphore(%arg12 : memref<!tpu.dma_semaphore, #tpu.memory_space<semaphore_mem>>) src(%dma_wait3A_453 : memref<10000x128xf32, #tpu.memory_space<hbm>>) dst(%arg8 : memref<100x128xf32, #tpu.memory_space<vmem>>)
      "tpu.region"() ({
        %run_scoped3A_495 = tpu.sem_alloc : memref<!tpu.dma_semaphore, #tpu.memory_space<semaphore_mem>>
        %dma_start3A_496 = arith.constant 0 : i32
        %dma_start3A_497 = tpu.memref_slice %arg7[%add3A_447, %dma_start3A_496] : memref<20x100xi32, #tpu.memory_space<vmem>> -> memref<1x100xi32, #tpu.memory_space<vmem>>
        %dma_start3A_498 = tpu.memref_squeeze %dma_start3A_497 : memref<1x100xi32, #tpu.memory_space<vmem>> -> memref<100xi32, #tpu.memory_space<vmem>>
        %dma_start3A_499 = arith.constant 0 : i32
        %dma_start3A_500 = arith.constant 0 : i32
        %dma_start3A_501 = tpu.memref_slice %arg11[%dma_start3A_499, %dma_start3A_500] : memref<10000x128xf32, #tpu.memory_space<vmem_shared>> -> memref<10000x128xf32, #tpu.memory_space<vmem_shared>>
        tpu.enqueue_indirect_dma source(%arg8 : memref<100x128xf32, #tpu.memory_space<vmem>>) target(%dma_start3A_501 : memref<10000x128xf32, #tpu.memory_space<vmem_shared>>) offsets(%dma_start3A_498 : memref<100xi32, #tpu.memory_space<vmem>>) semaphore(%run_scoped3A_495 : memref<!tpu.dma_semaphore, #tpu.memory_space<semaphore_mem>>) {add = true}
        %dma_wait3A_502 = arith.constant 0 : i32
        %dma_wait3A_503 = tpu.memref_slice %arg7[%add3A_447, %dma_wait3A_502] : memref<20x100xi32, #tpu.memory_space<vmem>> -> memref<1x100xi32, #tpu.memory_space<vmem>>
        %dma_wait3A_504 = tpu.memref_squeeze %dma_wait3A_503 : memref<1x100xi32, #tpu.memory_space<vmem>> -> memref<100xi32, #tpu.memory_space<vmem>>
        %dma_wait3A_505 = arith.constant 0 : i32
        %dma_wait3A_506 = arith.constant 0 : i32
        %dma_wait3A_507 = tpu.memref_slice %arg11[%dma_wait3A_505, %dma_wait3A_506] : memref<10000x128xf32, #tpu.memory_space<vmem_shared>> -> memref<10000x128xf32, #tpu.memory_space<vmem_shared>>
        tpu.wait_indirect_dma semaphore(%run_scoped3A_495 : memref<!tpu.dma_semaphore, #tpu.memory_space<semaphore_mem>>) src(%arg8 : memref<100x128xf32, #tpu.memory_space<vmem>>) dst(%dma_wait3A_507 : memref<10000x128xf32, #tpu.memory_space<vmem_shared>>)
        tpu.yield
      }) : () -> ()
      %add3A_454 = arith.constant 3 : i32
      %add3A_455 = arith.addi %add3A_447, %add3A_454 : i32
      %dma_start3A_456 = arith.constant 0 : i32
      %dma_start3A_457 = tpu.memref_slice %arg6[%add3A_455, %dma_start3A_456] : memref<20x100xi32, #tpu.memory_space<vmem>> -> memref<1x100xi32, #tpu.memory_space<vmem>>
      %dma_start3A_458 = tpu.memref_squeeze %dma_start3A_457 : memref<1x100xi32, #tpu.memory_space<vmem>> -> memref<100xi32, #tpu.memory_space<vmem>>
      %dma_start3A_459 = arith.constant 0 : i32
      %dma_start3A_460 = arith.constant 0 : i32
      %dma_start3A_461 = tpu.memref_slice %arg2[%dma_start3A_459, %dma_start3A_460] : memref<10000x128xf32, #tpu.memory_space<hbm>> -> memref<10000x128xf32, #tpu.memory_space<hbm>>
      tpu.enqueue_indirect_dma source(%dma_start3A_461 : memref<10000x128xf32, #tpu.memory_space<hbm>>) target(%arg8 : memref<100x128xf32, #tpu.memory_space<vmem>>) offsets(%dma_start3A_458 : memref<100xi32, #tpu.memory_space<vmem>>) semaphore(%arg12 : memref<!tpu.dma_semaphore, #tpu.memory_space<semaphore_mem>>)
      %add3A_462 = arith.constant 1 : i32
      %add3A_463 = arith.addi %mul3A_445, %add3A_462 : i32
      %dma_wait3A_464 = arith.constant 0 : i32
      %dma_wait3A_465 = tpu.memref_slice %arg6[%add3A_463, %dma_wait3A_464] : memref<20x100xi32, #tpu.memory_space<vmem>> -> memref<1x100xi32, #tpu.memory_space<vmem>>
      %dma_wait3A_466 = tpu.memref_squeeze %dma_wait3A_465 : memref<1x100xi32, #tpu.memory_space<vmem>> -> memref<100xi32, #tpu.memory_space<vmem>>
      %dma_wait3A_467 = arith.constant 0 : i32
      %dma_wait3A_468 = arith.constant 0 : i32
      %dma_wait3A_469 = tpu.memref_slice %arg2[%dma_wait3A_467, %dma_wait3A_468] : memref<10000x128xf32, #tpu.memory_space<hbm>> -> memref<10000x128xf32, #tpu.memory_space<hbm>>
      tpu.wait_indirect_dma semaphore(%arg13 : memref<!tpu.dma_semaphore, #tpu.memory_space<semaphore_mem>>) src(%dma_wait3A_469 : memref<10000x128xf32, #tpu.memory_space<hbm>>) dst(%arg9 : memref<100x128xf32, #tpu.memory_space<vmem>>)
      "tpu.region"() ({
        %run_scoped3A_495 = tpu.sem_alloc : memref<!tpu.dma_semaphore, #tpu.memory_space<semaphore_mem>>
        %dma_start3A_496 = arith.constant 0 : i32
        %dma_start3A_497 = tpu.memref_slice %arg7[%add3A_463, %dma_start3A_496] : memref<20x100xi32, #tpu.memory_space<vmem>> -> memref<1x100xi32, #tpu.memory_space<vmem>>
        %dma_start3A_498 = tpu.memref_squeeze %dma_start3A_497 : memref<1x100xi32, #tpu.memory_space<vmem>> -> memref<100xi32, #tpu.memory_space<vmem>>
        %dma_start3A_499 = arith.constant 0 : i32
        %dma_start3A_500 = arith.constant 0 : i32
        %dma_start3A_501 = tpu.memref_slice %arg11[%dma_start3A_499, %dma_start3A_500] : memref<10000x128xf32, #tpu.memory_space<vmem_shared>> -> memref<10000x128xf32, #tpu.memory_space<vmem_shared>>
        tpu.enqueue_indirect_dma source(%arg9 : memref<100x128xf32, #tpu.memory_space<vmem>>) target(%dma_start3A_501 : memref<10000x128xf32, #tpu.memory_space<vmem_shared>>) offsets(%dma_start3A_498 : memref<100xi32, #tpu.memory_space<vmem>>) semaphore(%run_scoped3A_495 : memref<!tpu.dma_semaphore, #tpu.memory_space<semaphore_mem>>) {add = true}
        %dma_wait3A_502 = arith.constant 0 : i32
        %dma_wait3A_503 = tpu.memref_slice %arg7[%add3A_463, %dma_wait3A_502] : memref<20x100xi32, #tpu.memory_space<vmem>> -> memref<1x100xi32, #tpu.memory_space<vmem>>
        %dma_wait3A_504 = tpu.memref_squeeze %dma_wait3A_503 : memref<1x100xi32, #tpu.memory_space<vmem>> -> memref<100xi32, #tpu.memory_space<vmem>>
        %dma_wait3A_505 = arith.constant 0 : i32
        %dma_wait3A_506 = arith.constant 0 : i32
        %dma_wait3A_507 = tpu.memref_slice %arg11[%dma_wait3A_505, %dma_wait3A_506] : memref<10000x128xf32, #tpu.memory_space<vmem_shared>> -> memref<10000x128xf32, #tpu.memory_space<vmem_shared>>
        tpu.wait_indirect_dma semaphore(%run_scoped3A_495 : memref<!tpu.dma_semaphore, #tpu.memory_space<semaphore_mem>>) src(%arg9 : memref<100x128xf32, #tpu.memory_space<vmem>>) dst(%dma_wait3A_507 : memref<10000x128xf32, #tpu.memory_space<vmem_shared>>)
        tpu.yield
      }) : () -> ()
      %add3A_470 = arith.constant 3 : i32
      %add3A_471 = arith.addi %add3A_463, %add3A_470 : i32
      %dma_start3A_472 = arith.constant 0 : i32
      %dma_start3A_473 = tpu.memref_slice %arg6[%add3A_471, %dma_start3A_472] : memref<20x100xi32, #tpu.memory_space<vmem>> -> memref<1x100xi32, #tpu.memory_space<vmem>>
      %dma_start3A_474 = tpu.memref_squeeze %dma_start3A_473 : memref<1x100xi32, #tpu.memory_space<vmem>> -> memref<100xi32, #tpu.memory_space<vmem>>
      %dma_start3A_475 = arith.constant 0 : i32
      %dma_start3A_476 = arith.constant 0 : i32
      %dma_start3A_477 = tpu.memref_slice %arg2[%dma_start3A_475, %dma_start3A_476] : memref<10000x128xf32, #tpu.memory_space<hbm>> -> memref<10000x128xf32, #tpu.memory_space<hbm>>
      tpu.enqueue_indirect_dma source(%dma_start3A_477 : memref<10000x128xf32, #tpu.memory_space<hbm>>) target(%arg9 : memref<100x128xf32, #tpu.memory_space<vmem>>) offsets(%dma_start3A_474 : memref<100xi32, #tpu.memory_space<vmem>>) semaphore(%arg13 : memref<!tpu.dma_semaphore, #tpu.memory_space<semaphore_mem>>)
      %add3A_478 = arith.constant 2 : i32
      %add3A_479 = arith.addi %mul3A_445, %add3A_478 : i32
      %dma_wait3A_480 = arith.constant 0 : i32
      %dma_wait3A_481 = tpu.memref_slice %arg6[%add3A_479, %dma_wait3A_480] : memref<20x100xi32, #tpu.memory_space<vmem>> -> memref<1x100xi32, #tpu.memory_space<vmem>>
      %dma_wait3A_482 = tpu.memref_squeeze %dma_wait3A_481 : memref<1x100xi32, #tpu.memory_space<vmem>> -> memref<100xi32, #tpu.memory_space<vmem>>
      %dma_wait3A_483 = arith.constant 0 : i32
      %dma_wait3A_484 = arith.constant 0 : i32
      %dma_wait3A_485 = tpu.memref_slice %arg2[%dma_wait3A_483, %dma_wait3A_484] : memref<10000x128xf32, #tpu.memory_space<hbm>> -> memref<10000x128xf32, #tpu.memory_space<hbm>>
      tpu.wait_indirect_dma semaphore(%arg14 : memref<!tpu.dma_semaphore, #tpu.memory_space<semaphore_mem>>) src(%dma_wait3A_485 : memref<10000x128xf32, #tpu.memory_space<hbm>>) dst(%arg10 : memref<100x128xf32, #tpu.memory_space<vmem>>)
      "tpu.region"() ({
        %run_scoped3A_495 = tpu.sem_alloc : memref<!tpu.dma_semaphore, #tpu.memory_space<semaphore_mem>>
        %dma_start3A_496 = arith.constant 0 : i32
        %dma_start3A_497 = tpu.memref_slice %arg7[%add3A_479, %dma_start3A_496] : memref<20x100xi32, #tpu.memory_space<vmem>> -> memref<1x100xi32, #tpu.memory_space<vmem>>
        %dma_start3A_498 = tpu.memref_squeeze %dma_start3A_497 : memref<1x100xi32, #tpu.memory_space<vmem>> -> memref<100xi32, #tpu.memory_space<vmem>>
        %dma_start3A_499 = arith.constant 0 : i32
        %dma_start3A_500 = arith.constant 0 : i32
        %dma_start3A_501 = tpu.memref_slice %arg11[%dma_start3A_499, %dma_start3A_500] : memref<10000x128xf32, #tpu.memory_space<vmem_shared>> -> memref<10000x128xf32, #tpu.memory_space<vmem_shared>>
        tpu.enqueue_indirect_dma source(%arg10 : memref<100x128xf32, #tpu.memory_space<vmem>>) target(%dma_start3A_501 : memref<10000x128xf32, #tpu.memory_space<vmem_shared>>) offsets(%dma_start3A_498 : memref<100xi32, #tpu.memory_space<vmem>>) semaphore(%run_scoped3A_495 : memref<!tpu.dma_semaphore, #tpu.memory_space<semaphore_mem>>) {add = true}
        %dma_wait3A_502 = arith.constant 0 : i32
        %dma_wait3A_503 = tpu.memref_slice %arg7[%add3A_479, %dma_wait3A_502] : memref<20x100xi32, #tpu.memory_space<vmem>> -> memref<1x100xi32, #tpu.memory_space<vmem>>
        %dma_wait3A_504 = tpu.memref_squeeze %dma_wait3A_503 : memref<1x100xi32, #tpu.memory_space<vmem>> -> memref<100xi32, #tpu.memory_space<vmem>>
        %dma_wait3A_505 = arith.constant 0 : i32
        %dma_wait3A_506 = arith.constant 0 : i32
        %dma_wait3A_507 = tpu.memref_slice %arg11[%dma_wait3A_505, %dma_wait3A_506] : memref<10000x128xf32, #tpu.memory_space<vmem_shared>> -> memref<10000x128xf32, #tpu.memory_space<vmem_shared>>
        tpu.wait_indirect_dma semaphore(%run_scoped3A_495 : memref<!tpu.dma_semaphore, #tpu.memory_space<semaphore_mem>>) src(%arg10 : memref<100x128xf32, #tpu.memory_space<vmem>>) dst(%dma_wait3A_507 : memref<10000x128xf32, #tpu.memory_space<vmem_shared>>)
        tpu.yield
      }) : () -> ()
      %add3A_486 = arith.constant 3 : i32
      %add3A_487 = arith.addi %add3A_479, %add3A_486 : i32
      %dma_start3A_488 = arith.constant 0 : i32
      %dma_start3A_489 = tpu.memref_slice %arg6[%add3A_487, %dma_start3A_488] : memref<20x100xi32, #tpu.memory_space<vmem>> -> memref<1x100xi32, #tpu.memory_space<vmem>>
      %dma_start3A_490 = tpu.memref_squeeze %dma_start3A_489 : memref<1x100xi32, #tpu.memory_space<vmem>> -> memref<100xi32, #tpu.memory_space<vmem>>
      %dma_start3A_491 = arith.constant 0 : i32
      %dma_start3A_492 = arith.constant 0 : i32
      %dma_start3A_493 = tpu.memref_slice %arg2[%dma_start3A_491, %dma_start3A_492] : memref<10000x128xf32, #tpu.memory_space<hbm>> -> memref<10000x128xf32, #tpu.memory_space<hbm>>
      tpu.enqueue_indirect_dma source(%dma_start3A_493 : memref<10000x128xf32, #tpu.memory_space<hbm>>) target(%arg10 : memref<100x128xf32, #tpu.memory_space<vmem>>) offsets(%dma_start3A_490 : memref<100xi32, #tpu.memory_space<vmem>>) semaphore(%arg14 : memref<!tpu.dma_semaphore, #tpu.memory_space<semaphore_mem>>)
      %scan3A_494 = arith.constant 0 : i32
      scf.yield %scan3A_494 : i32
    }
    %scan3A_123 = arith.constant 5 : i32
    %dma_wait3A_124 = arith.constant 15 : i32
    %dma_wait3A_125 = arith.constant 0 : i32
    %dma_wait3A_126 = tpu.memref_slice %arg6[%dma_wait3A_124, %dma_wait3A_125] : memref<20x100xi32, #tpu.memory_space<vmem>> -> memref<1x100xi32, #tpu.memory_space<vmem>>
    %dma_wait3A_127 = tpu.memref_squeeze %dma_wait3A_126 : memref<1x100xi32, #tpu.memory_space<vmem>> -> memref<100xi32, #tpu.memory_space<vmem>>
    %dma_wait3A_128 = arith.constant 0 : i32
    %dma_wait3A_129 = arith.constant 0 : i32
    %dma_wait3A_130 = tpu.memref_slice %arg2[%dma_wait3A_128, %dma_wait3A_129] : memref<10000x128xf32, #tpu.memory_space<hbm>> -> memref<10000x128xf32, #tpu.memory_space<hbm>>
    tpu.wait_indirect_dma semaphore(%arg12 : memref<!tpu.dma_semaphore, #tpu.memory_space<semaphore_mem>>) src(%dma_wait3A_130 : memref<10000x128xf32, #tpu.memory_space<hbm>>) dst(%arg8 : memref<100x128xf32, #tpu.memory_space<vmem>>)
    %run_scoped3A_131 = arith.constant 15 : i32
    "tpu.region"() ({
      %run_scoped3A_442 = tpu.sem_alloc : memref<!tpu.dma_semaphore, #tpu.memory_space<semaphore_mem>>
      %dma_start3A_443 = arith.constant 0 : i32
      %dma_start3A_444 = tpu.memref_slice %arg7[%run_scoped3A_131, %dma_start3A_443] : memref<20x100xi32, #tpu.memory_space<vmem>> -> memref<1x100xi32, #tpu.memory_space<vmem>>
      %dma_start3A_445 = tpu.memref_squeeze %dma_start3A_444 : memref<1x100xi32, #tpu.memory_space<vmem>> -> memref<100xi32, #tpu.memory_space<vmem>>
      %dma_start3A_446 = arith.constant 0 : i32
      %dma_start3A_447 = arith.constant 0 : i32
      %dma_start3A_448 = tpu.memref_slice %arg11[%dma_start3A_446, %dma_start3A_447] : memref<10000x128xf32, #tpu.memory_space<vmem_shared>> -> memref<10000x128xf32, #tpu.memory_space<vmem_shared>>
      tpu.enqueue_indirect_dma source(%arg8 : memref<100x128xf32, #tpu.memory_space<vmem>>) target(%dma_start3A_448 : memref<10000x128xf32, #tpu.memory_space<vmem_shared>>) offsets(%dma_start3A_445 : memref<100xi32, #tpu.memory_space<vmem>>) semaphore(%run_scoped3A_442 : memref<!tpu.dma_semaphore, #tpu.memory_space<semaphore_mem>>) {add = true}
      %dma_wait3A_449 = arith.constant 0 : i32
      %dma_wait3A_450 = tpu.memref_slice %arg7[%run_scoped3A_131, %dma_wait3A_449] : memref<20x100xi32, #tpu.memory_space<vmem>> -> memref<1x100xi32, #tpu.memory_space<vmem>>
      %dma_wait3A_451 = tpu.memref_squeeze %dma_wait3A_450 : memref<1x100xi32, #tpu.memory_space<vmem>> -> memref<100xi32, #tpu.memory_space<vmem>>
      %dma_wait3A_452 = arith.constant 0 : i32
      %dma_wait3A_453 = arith.constant 0 : i32
      %dma_wait3A_454 = tpu.memref_slice %arg11[%dma_wait3A_452, %dma_wait3A_453] : memref<10000x128xf32, #tpu.memory_space<vmem_shared>> -> memref<10000x128xf32, #tpu.memory_space<vmem_shared>>
      tpu.wait_indirect_dma semaphore(%run_scoped3A_442 : memref<!tpu.dma_semaphore, #tpu.memory_space<semaphore_mem>>) src(%arg8 : memref<100x128xf32, #tpu.memory_space<vmem>>) dst(%dma_wait3A_454 : memref<10000x128xf32, #tpu.memory_space<vmem_shared>>)
      tpu.yield
    }) : () -> ()
    %dma_start3A_132 = arith.constant 18 : i32
    %dma_start3A_133 = arith.constant 0 : i32
    %dma_start3A_134 = tpu.memref_slice %arg6[%dma_start3A_132, %dma_start3A_133] : memref<20x100xi32, #tpu.memory_space<vmem>> -> memref<1x100xi32, #tpu.memory_space<vmem>>
    %dma_start3A_135 = tpu.memref_squeeze %dma_start3A_134 : memref<1x100xi32, #tpu.memory_space<vmem>> -> memref<100xi32, #tpu.memory_space<vmem>>
    %dma_start3A_136 = arith.constant 0 : i32
    %dma_start3A_137 = arith.constant 0 : i32
    %dma_start3A_138 = tpu.memref_slice %arg2[%dma_start3A_136, %dma_start3A_137] : memref<10000x128xf32, #tpu.memory_space<hbm>> -> memref<10000x128xf32, #tpu.memory_space<hbm>>
    tpu.enqueue_indirect_dma source(%dma_start3A_138 : memref<10000x128xf32, #tpu.memory_space<hbm>>) target(%arg8 : memref<100x128xf32, #tpu.memory_space<vmem>>) offsets(%dma_start3A_135 : memref<100xi32, #tpu.memory_space<vmem>>) semaphore(%arg12 : memref<!tpu.dma_semaphore, #tpu.memory_space<semaphore_mem>>)
    %dma_wait3A_139 = arith.constant 16 : i32
    %dma_wait3A_140 = arith.constant 0 : i32
    %dma_wait3A_141 = tpu.memref_slice %arg6[%dma_wait3A_139, %dma_wait3A_140] : memref<20x100xi32, #tpu.memory_space<vmem>> -> memref<1x100xi32, #tpu.memory_space<vmem>>
    %dma_wait3A_142 = tpu.memref_squeeze %dma_wait3A_141 : memref<1x100xi32, #tpu.memory_space<vmem>> -> memref<100xi32, #tpu.memory_space<vmem>>
    %dma_wait3A_143 = arith.constant 0 : i32
    %dma_wait3A_144 = arith.constant 0 : i32
    %dma_wait3A_145 = tpu.memref_slice %arg2[%dma_wait3A_143, %dma_wait3A_144] : memref<10000x128xf32, #tpu.memory_space<hbm>> -> memref<10000x128xf32, #tpu.memory_space<hbm>>
    tpu.wait_indirect_dma semaphore(%arg13 : memref<!tpu.dma_semaphore, #tpu.memory_space<semaphore_mem>>) src(%dma_wait3A_145 : memref<10000x128xf32, #tpu.memory_space<hbm>>) dst(%arg9 : memref<100x128xf32, #tpu.memory_space<vmem>>)
    %run_scoped3A_146 = arith.constant 16 : i32
    "tpu.region"() ({
      %run_scoped3A_442 = tpu.sem_alloc : memref<!tpu.dma_semaphore, #tpu.memory_space<semaphore_mem>>
      %dma_start3A_443 = arith.constant 0 : i32
      %dma_start3A_444 = tpu.memref_slice %arg7[%run_scoped3A_146, %dma_start3A_443] : memref<20x100xi32, #tpu.memory_space<vmem>> -> memref<1x100xi32, #tpu.memory_space<vmem>>
      %dma_start3A_445 = tpu.memref_squeeze %dma_start3A_444 : memref<1x100xi32, #tpu.memory_space<vmem>> -> memref<100xi32, #tpu.memory_space<vmem>>
      %dma_start3A_446 = arith.constant 0 : i32
      %dma_start3A_447 = arith.constant 0 : i32
      %dma_start3A_448 = tpu.memref_slice %arg11[%dma_start3A_446, %dma_start3A_447] : memref<10000x128xf32, #tpu.memory_space<vmem_shared>> -> memref<10000x128xf32, #tpu.memory_space<vmem_shared>>
      tpu.enqueue_indirect_dma source(%arg9 : memref<100x128xf32, #tpu.memory_space<vmem>>) target(%dma_start3A_448 : memref<10000x128xf32, #tpu.memory_space<vmem_shared>>) offsets(%dma_start3A_445 : memref<100xi32, #tpu.memory_space<vmem>>) semaphore(%run_scoped3A_442 : memref<!tpu.dma_semaphore, #tpu.memory_space<semaphore_mem>>) {add = true}
      %dma_wait3A_449 = arith.constant 0 : i32
      %dma_wait3A_450 = tpu.memref_slice %arg7[%run_scoped3A_146, %dma_wait3A_449] : memref<20x100xi32, #tpu.memory_space<vmem>> -> memref<1x100xi32, #tpu.memory_space<vmem>>
      %dma_wait3A_451 = tpu.memref_squeeze %dma_wait3A_450 : memref<1x100xi32, #tpu.memory_space<vmem>> -> memref<100xi32, #tpu.memory_space<vmem>>
      %dma_wait3A_452 = arith.constant 0 : i32
      %dma_wait3A_453 = arith.constant 0 : i32
      %dma_wait3A_454 = tpu.memref_slice %arg11[%dma_wait3A_452, %dma_wait3A_453] : memref<10000x128xf32, #tpu.memory_space<vmem_shared>> -> memref<10000x128xf32, #tpu.memory_space<vmem_shared>>
      tpu.wait_indirect_dma semaphore(%run_scoped3A_442 : memref<!tpu.dma_semaphore, #tpu.memory_space<semaphore_mem>>) src(%arg9 : memref<100x128xf32, #tpu.memory_space<vmem>>) dst(%dma_wait3A_454 : memref<10000x128xf32, #tpu.memory_space<vmem_shared>>)
      tpu.yield
    }) : () -> ()
    %dma_start3A_147 = arith.constant 19 : i32
    %dma_start3A_148 = arith.constant 0 : i32
    %dma_start3A_149 = tpu.memref_slice %arg6[%dma_start3A_147, %dma_start3A_148] : memref<20x100xi32, #tpu.memory_space<vmem>> -> memref<1x100xi32, #tpu.memory_space<vmem>>
    %dma_start3A_150 = tpu.memref_squeeze %dma_start3A_149 : memref<1x100xi32, #tpu.memory_space<vmem>> -> memref<100xi32, #tpu.memory_space<vmem>>
    %dma_start3A_151 = arith.constant 0 : i32
    %dma_start3A_152 = arith.constant 0 : i32
    %dma_start3A_153 = tpu.memref_slice %arg2[%dma_start3A_151, %dma_start3A_152] : memref<10000x128xf32, #tpu.memory_space<hbm>> -> memref<10000x128xf32, #tpu.memory_space<hbm>>
    tpu.enqueue_indirect_dma source(%dma_start3A_153 : memref<10000x128xf32, #tpu.memory_space<hbm>>) target(%arg9 : memref<100x128xf32, #tpu.memory_space<vmem>>) offsets(%dma_start3A_150 : memref<100xi32, #tpu.memory_space<vmem>>) semaphore(%arg13 : memref<!tpu.dma_semaphore, #tpu.memory_space<semaphore_mem>>)
    %dma_wait3A_154 = arith.constant 17 : i32
    %dma_wait3A_155 = arith.constant 0 : i32
    %dma_wait3A_156 = tpu.memref_slice %arg6[%dma_wait3A_154, %dma_wait3A_155] : memref<20x100xi32, #tpu.memory_space<vmem>> -> memref<1x100xi32, #tpu.memory_space<vmem>>
    %dma_wait3A_157 = tpu.memref_squeeze %dma_wait3A_156 : memref<1x100xi32, #tpu.memory_space<vmem>> -> memref<100xi32, #tpu.memory_space<vmem>>
    %dma_wait3A_158 = arith.constant 0 : i32
    %dma_wait3A_159 = arith.constant 0 : i32
    %dma_wait3A_160 = tpu.memref_slice %arg2[%dma_wait3A_158, %dma_wait3A_159] : memref<10000x128xf32, #tpu.memory_space<hbm>> -> memref<10000x128xf32, #tpu.memory_space<hbm>>
    tpu.wait_indirect_dma semaphore(%arg14 : memref<!tpu.dma_semaphore, #tpu.memory_space<semaphore_mem>>) src(%dma_wait3A_160 : memref<10000x128xf32, #tpu.memory_space<hbm>>) dst(%arg10 : memref<100x128xf32, #tpu.memory_space<vmem>>)
    %run_scoped3A_161 = arith.constant 17 : i32
    "tpu.region"() ({
      %run_scoped3A_442 = tpu.sem_alloc : memref<!tpu.dma_semaphore, #tpu.memory_space<semaphore_mem>>
      %dma_start3A_443 = arith.constant 0 : i32
      %dma_start3A_444 = tpu.memref_slice %arg7[%run_scoped3A_161, %dma_start3A_443] : memref<20x100xi32, #tpu.memory_space<vmem>> -> memref<1x100xi32, #tpu.memory_space<vmem>>
      %dma_start3A_445 = tpu.memref_squeeze %dma_start3A_444 : memref<1x100xi32, #tpu.memory_space<vmem>> -> memref<100xi32, #tpu.memory_space<vmem>>
      %dma_start3A_446 = arith.constant 0 : i32
      %dma_start3A_447 = arith.constant 0 : i32
      %dma_start3A_448 = tpu.memref_slice %arg11[%dma_start3A_446, %dma_start3A_447] : memref<10000x128xf32, #tpu.memory_space<vmem_shared>> -> memref<10000x128xf32, #tpu.memory_space<vmem_shared>>
      tpu.enqueue_indirect_dma source(%arg10 : memref<100x128xf32, #tpu.memory_space<vmem>>) target(%dma_start3A_448 : memref<10000x128xf32, #tpu.memory_space<vmem_shared>>) offsets(%dma_start3A_445 : memref<100xi32, #tpu.memory_space<vmem>>) semaphore(%run_scoped3A_442 : memref<!tpu.dma_semaphore, #tpu.memory_space<semaphore_mem>>) {add = true}
      %dma_wait3A_449 = arith.constant 0 : i32
      %dma_wait3A_450 = tpu.memref_slice %arg7[%run_scoped3A_161, %dma_wait3A_449] : memref<20x100xi32, #tpu.memory_space<vmem>> -> memref<1x100xi32, #tpu.memory_space<vmem>>
      %dma_wait3A_451 = tpu.memref_squeeze %dma_wait3A_450 : memref<1x100xi32, #tpu.memory_space<vmem>> -> memref<100xi32, #tpu.memory_space<vmem>>
      %dma_wait3A_452 = arith.constant 0 : i32
      %dma_wait3A_453 = arith.constant 0 : i32
      %dma_wait3A_454 = tpu.memref_slice %arg11[%dma_wait3A_452, %dma_wait3A_453] : memref<10000x128xf32, #tpu.memory_space<vmem_shared>> -> memref<10000x128xf32, #tpu.memory_space<vmem_shared>>
      tpu.wait_indirect_dma semaphore(%run_scoped3A_442 : memref<!tpu.dma_semaphore, #tpu.memory_space<semaphore_mem>>) src(%arg10 : memref<100x128xf32, #tpu.memory_space<vmem>>) dst(%dma_wait3A_454 : memref<10000x128xf32, #tpu.memory_space<vmem_shared>>)
      tpu.yield
    }) : () -> ()
    %dma_wait3A_162 = arith.constant 18 : i32
    %dma_wait3A_163 = arith.constant 0 : i32
    %dma_wait3A_164 = tpu.memref_slice %arg6[%dma_wait3A_162, %dma_wait3A_163] : memref<20x100xi32, #tpu.memory_space<vmem>> -> memref<1x100xi32, #tpu.memory_space<vmem>>
    %dma_wait3A_165 = tpu.memref_squeeze %dma_wait3A_164 : memref<1x100xi32, #tpu.memory_space<vmem>> -> memref<100xi32, #tpu.memory_space<vmem>>
    %dma_wait3A_166 = arith.constant 0 : i32
    %dma_wait3A_167 = arith.constant 0 : i32
    %dma_wait3A_168 = tpu.memref_slice %arg2[%dma_wait3A_166, %dma_wait3A_167] : memref<10000x128xf32, #tpu.memory_space<hbm>> -> memref<10000x128xf32, #tpu.memory_space<hbm>>
    tpu.wait_indirect_dma semaphore(%arg12 : memref<!tpu.dma_semaphore, #tpu.memory_space<semaphore_mem>>) src(%dma_wait3A_168 : memref<10000x128xf32, #tpu.memory_space<hbm>>) dst(%arg8 : memref<100x128xf32, #tpu.memory_space<vmem>>)
    %run_scoped3A_169 = arith.constant 18 : i32
    "tpu.region"() ({
      %run_scoped3A_442 = tpu.sem_alloc : memref<!tpu.dma_semaphore, #tpu.memory_space<semaphore_mem>>
      %dma_start3A_443 = arith.constant 0 : i32
      %dma_start3A_444 = tpu.memref_slice %arg7[%run_scoped3A_169, %dma_start3A_443] : memref<20x100xi32, #tpu.memory_space<vmem>> -> memref<1x100xi32, #tpu.memory_space<vmem>>
      %dma_start3A_445 = tpu.memref_squeeze %dma_start3A_444 : memref<1x100xi32, #tpu.memory_space<vmem>> -> memref<100xi32, #tpu.memory_space<vmem>>
      %dma_start3A_446 = arith.constant 0 : i32
      %dma_start3A_447 = arith.constant 0 : i32
      %dma_start3A_448 = tpu.memref_slice %arg11[%dma_start3A_446, %dma_start3A_447] : memref<10000x128xf32, #tpu.memory_space<vmem_shared>> -> memref<10000x128xf32, #tpu.memory_space<vmem_shared>>
      tpu.enqueue_indirect_dma source(%arg8 : memref<100x128xf32, #tpu.memory_space<vmem>>) target(%dma_start3A_448 : memref<10000x128xf32, #tpu.memory_space<vmem_shared>>) offsets(%dma_start3A_445 : memref<100xi32, #tpu.memory_space<vmem>>) semaphore(%run_scoped3A_442 : memref<!tpu.dma_semaphore, #tpu.memory_space<semaphore_mem>>) {add = true}
      %dma_wait3A_449 = arith.constant 0 : i32
      %dma_wait3A_450 = tpu.memref_slice %arg7[%run_scoped3A_169, %dma_wait3A_449] : memref<20x100xi32, #tpu.memory_space<vmem>> -> memref<1x100xi32, #tpu.memory_space<vmem>>
      %dma_wait3A_451 = tpu.memref_squeeze %dma_wait3A_450 : memref<1x100xi32, #tpu.memory_space<vmem>> -> memref<100xi32, #tpu.memory_space<vmem>>
      %dma_wait3A_452 = arith.constant 0 : i32
      %dma_wait3A_453 = arith.constant 0 : i32
      %dma_wait3A_454 = tpu.memref_slice %arg11[%dma_wait3A_452, %dma_wait3A_453] : memref<10000x128xf32, #tpu.memory_space<vmem_shared>> -> memref<10000x128xf32, #tpu.memory_space<vmem_shared>>
      tpu.wait_indirect_dma semaphore(%run_scoped3A_442 : memref<!tpu.dma_semaphore, #tpu.memory_space<semaphore_mem>>) src(%arg8 : memref<100x128xf32, #tpu.memory_space<vmem>>) dst(%dma_wait3A_454 : memref<10000x128xf32, #tpu.memory_space<vmem_shared>>)
      tpu.yield
    }) : () -> ()
    %dma_wait3A_170 = arith.constant 19 : i32
    %dma_wait3A_171 = arith.constant 0 : i32
    %dma_wait3A_172 = tpu.memref_slice %arg6[%dma_wait3A_170, %dma_wait3A_171] : memref<20x100xi32, #tpu.memory_space<vmem>> -> memref<1x100xi32, #tpu.memory_space<vmem>>
    %dma_wait3A_173 = tpu.memref_squeeze %dma_wait3A_172 : memref<1x100xi32, #tpu.memory_space<vmem>> -> memref<100xi32, #tpu.memory_space<vmem>>
    %dma_wait3A_174 = arith.constant 0 : i32
    %dma_wait3A_175 = arith.constant 0 : i32
    %dma_wait3A_176 = tpu.memref_slice %arg2[%dma_wait3A_174, %dma_wait3A_175] : memref<10000x128xf32, #tpu.memory_space<hbm>> -> memref<10000x128xf32, #tpu.memory_space<hbm>>
    tpu.wait_indirect_dma semaphore(%arg13 : memref<!tpu.dma_semaphore, #tpu.memory_space<semaphore_mem>>) src(%dma_wait3A_176 : memref<10000x128xf32, #tpu.memory_space<hbm>>) dst(%arg9 : memref<100x128xf32, #tpu.memory_space<vmem>>)
    %run_scoped3A_177 = arith.constant 19 : i32
    "tpu.region"() ({
      %run_scoped3A_442 = tpu.sem_alloc : memref<!tpu.dma_semaphore, #tpu.memory_space<semaphore_mem>>
      %dma_start3A_443 = arith.constant 0 : i32
      %dma_start3A_444 = tpu.memref_slice %arg7[%run_scoped3A_177, %dma_start3A_443] : memref<20x100xi32, #tpu.memory_space<vmem>> -> memref<1x100xi32, #tpu.memory_space<vmem>>
      %dma_start3A_445 = tpu.memref_squeeze %dma_start3A_444 : memref<1x100xi32, #tpu.memory_space<vmem>> -> memref<100xi32, #tpu.memory_space<vmem>>
      %dma_start3A_446 = arith.constant 0 : i32
      %dma_start3A_447 = arith.constant 0 : i32
      %dma_start3A_448 = tpu.memref_slice %arg11[%dma_start3A_446, %dma_start3A_447] : memref<10000x128xf32, #tpu.memory_space<vmem_shared>> -> memref<10000x128xf32, #tpu.memory_space<vmem_shared>>
      tpu.enqueue_indirect_dma source(%arg9 : memref<100x128xf32, #tpu.memory_space<vmem>>) target(%dma_start3A_448 : memref<10000x128xf32, #tpu.memory_space<vmem_shared>>) offsets(%dma_start3A_445 : memref<100xi32, #tpu.memory_space<vmem>>) semaphore(%run_scoped3A_442 : memref<!tpu.dma_semaphore, #tpu.memory_space<semaphore_mem>>) {add = true}
      %dma_wait3A_449 = arith.constant 0 : i32
      %dma_wait3A_450 = tpu.memref_slice %arg7[%run_scoped3A_177, %dma_wait3A_449] : memref<20x100xi32, #tpu.memory_space<vmem>> -> memref<1x100xi32, #tpu.memory_space<vmem>>
      %dma_wait3A_451 = tpu.memref_squeeze %dma_wait3A_450 : memref<1x100xi32, #tpu.memory_space<vmem>> -> memref<100xi32, #tpu.memory_space<vmem>>
      %dma_wait3A_452 = arith.constant 0 : i32
      %dma_wait3A_453 = arith.constant 0 : i32
      %dma_wait3A_454 = tpu.memref_slice %arg11[%dma_wait3A_452, %dma_wait3A_453] : memref<10000x128xf32, #tpu.memory_space<vmem_shared>> -> memref<10000x128xf32, #tpu.memory_space<vmem_shared>>
      tpu.wait_indirect_dma semaphore(%run_scoped3A_442 : memref<!tpu.dma_semaphore, #tpu.memory_space<semaphore_mem>>) src(%arg9 : memref<100x128xf32, #tpu.memory_space<vmem>>) dst(%dma_wait3A_454 : memref<10000x128xf32, #tpu.memory_space<vmem_shared>>)
      tpu.yield
    }) : () -> ()
    %mul3A_178 = arith.constant 5 : i32
    %mul3A_179 = arith.muli %add3A, %mul3A_178 : i32
    %add3A_180 = arith.constant 2 : i32
    %add3A_181 = arith.addi %mul3A_179, %add3A_180 : i32
    "tpu.region"() ({
      %run_scoped3A_442 = tpu.sem_alloc : memref<!tpu.dma_semaphore, #tpu.memory_space<semaphore_mem>>
      %dma_start3A_443 = arith.constant 0 : i32
      %dma_start3A_444 = arith.constant 0 : i32
      %dma_start3A_445 = tpu.memref_slice %arg3[%add3A_181, %dma_start3A_443, %dma_start3A_444] : memref<160x20x100xi32, #tpu.memory_space<hbm>> -> memref<1x20x100xi32, #tpu.memory_space<hbm>>
      %dma_start3A_446 = tpu.memref_squeeze %dma_start3A_445 : memref<1x20x100xi32, #tpu.memory_space<hbm>> -> memref<20x100xi32, #tpu.memory_space<hbm>>
      %dma_start3A_447 = arith.constant 0 : i32
      %dma_start3A_448 = arith.constant 0 : i32
      %dma_start3A_449 = tpu.memref_slice %arg3[%add3A_181, %dma_start3A_447, %dma_start3A_448] : memref<160x20x100xi32, #tpu.memory_space<hbm>> -> memref<1x20x100xi32, #tpu.memory_space<hbm>>
      %dma_start3A_450 = tpu.memref_squeeze %dma_start3A_449 : memref<1x20x100xi32, #tpu.memory_space<hbm>> -> memref<20x100xi32, #tpu.memory_space<hbm>>
      tpu.enqueue_dma source(%dma_start3A_450 : memref<20x100xi32, #tpu.memory_space<hbm>>) target(%arg6 : memref<20x100xi32, #tpu.memory_space<vmem>>) target_semaphore(%run_scoped3A_442 : memref<!tpu.dma_semaphore, #tpu.memory_space<semaphore_mem>>)
      %dma_wait3A_451 = arith.constant 0 : i32
      %dma_wait3A_452 = arith.constant 0 : i32
      %dma_wait3A_453 = tpu.memref_slice %arg3[%add3A_181, %dma_wait3A_451, %dma_wait3A_452] : memref<160x20x100xi32, #tpu.memory_space<hbm>> -> memref<1x20x100xi32, #tpu.memory_space<hbm>>
      %dma_wait3A_454 = tpu.memref_squeeze %dma_wait3A_453 : memref<1x20x100xi32, #tpu.memory_space<hbm>> -> memref<20x100xi32, #tpu.memory_space<hbm>>
      %dma_wait3A_455 = arith.constant 0 : i32
      %dma_wait3A_456 = arith.constant 0 : i32
      %dma_wait3A_457 = tpu.memref_slice %arg3[%add3A_181, %dma_wait3A_455, %dma_wait3A_456] : memref<160x20x100xi32, #tpu.memory_space<hbm>> -> memref<1x20x100xi32, #tpu.memory_space<hbm>>
      %dma_wait3A_458 = tpu.memref_squeeze %dma_wait3A_457 : memref<1x20x100xi32, #tpu.memory_space<hbm>> -> memref<20x100xi32, #tpu.memory_space<hbm>>
      tpu.wait_dma2 semaphore(%run_scoped3A_442 : memref<!tpu.dma_semaphore, #tpu.memory_space<semaphore_mem>>) src(%dma_wait3A_458 : memref<20x100xi32, #tpu.memory_space<hbm>>) dst(%arg6 : memref<20x100xi32, #tpu.memory_space<vmem>>)
      tpu.yield
    }) : () -> ()
    "tpu.region"() ({
      %run_scoped3A_442 = tpu.sem_alloc : memref<!tpu.dma_semaphore, #tpu.memory_space<semaphore_mem>>
      %dma_start3A_443 = arith.constant 0 : i32
      %dma_start3A_444 = arith.constant 0 : i32
      %dma_start3A_445 = tpu.memref_slice %arg4[%add3A_181, %dma_start3A_443, %dma_start3A_444] : memref<160x20x100xi32, #tpu.memory_space<hbm>> -> memref<1x20x100xi32, #tpu.memory_space<hbm>>
      %dma_start3A_446 = tpu.memref_squeeze %dma_start3A_445 : memref<1x20x100xi32, #tpu.memory_space<hbm>> -> memref<20x100xi32, #tpu.memory_space<hbm>>
      %dma_start3A_447 = arith.constant 0 : i32
      %dma_start3A_448 = arith.constant 0 : i32
      %dma_start3A_449 = tpu.memref_slice %arg4[%add3A_181, %dma_start3A_447, %dma_start3A_448] : memref<160x20x100xi32, #tpu.memory_space<hbm>> -> memref<1x20x100xi32, #tpu.memory_space<hbm>>
      %dma_start3A_450 = tpu.memref_squeeze %dma_start3A_449 : memref<1x20x100xi32, #tpu.memory_space<hbm>> -> memref<20x100xi32, #tpu.memory_space<hbm>>
      tpu.enqueue_dma source(%dma_start3A_450 : memref<20x100xi32, #tpu.memory_space<hbm>>) target(%arg7 : memref<20x100xi32, #tpu.memory_space<vmem>>) target_semaphore(%run_scoped3A_442 : memref<!tpu.dma_semaphore, #tpu.memory_space<semaphore_mem>>)
      %dma_wait3A_451 = arith.constant 0 : i32
      %dma_wait3A_452 = arith.constant 0 : i32
      %dma_wait3A_453 = tpu.memref_slice %arg4[%add3A_181, %dma_wait3A_451, %dma_wait3A_452] : memref<160x20x100xi32, #tpu.memory_space<hbm>> -> memref<1x20x100xi32, #tpu.memory_space<hbm>>
      %dma_wait3A_454 = tpu.memref_squeeze %dma_wait3A_453 : memref<1x20x100xi32, #tpu.memory_space<hbm>> -> memref<20x100xi32, #tpu.memory_space<hbm>>
      %dma_wait3A_455 = arith.constant 0 : i32
      %dma_wait3A_456 = arith.constant 0 : i32
      %dma_wait3A_457 = tpu.memref_slice %arg4[%add3A_181, %dma_wait3A_455, %dma_wait3A_456] : memref<160x20x100xi32, #tpu.memory_space<hbm>> -> memref<1x20x100xi32, #tpu.memory_space<hbm>>
      %dma_wait3A_458 = tpu.memref_squeeze %dma_wait3A_457 : memref<1x20x100xi32, #tpu.memory_space<hbm>> -> memref<20x100xi32, #tpu.memory_space<hbm>>
      tpu.wait_dma2 semaphore(%run_scoped3A_442 : memref<!tpu.dma_semaphore, #tpu.memory_space<semaphore_mem>>) src(%dma_wait3A_458 : memref<20x100xi32, #tpu.memory_space<hbm>>) dst(%arg7 : memref<20x100xi32, #tpu.memory_space<vmem>>)
      tpu.yield
    }) : () -> ()
    %dma_start3A_182 = arith.constant 0 : i32
    %dma_start3A_183 = arith.constant 0 : i32
    %dma_start3A_184 = tpu.memref_slice %arg6[%dma_start3A_182, %dma_start3A_183] : memref<20x100xi32, #tpu.memory_space<vmem>> -> memref<1x100xi32, #tpu.memory_space<vmem>>
    %dma_start3A_185 = tpu.memref_squeeze %dma_start3A_184 : memref<1x100xi32, #tpu.memory_space<vmem>> -> memref<100xi32, #tpu.memory_space<vmem>>
    %dma_start3A_186 = arith.constant 0 : i32
    %dma_start3A_187 = arith.constant 0 : i32
    %dma_start3A_188 = tpu.memref_slice %arg2[%dma_start3A_186, %dma_start3A_187] : memref<10000x128xf32, #tpu.memory_space<hbm>> -> memref<10000x128xf32, #tpu.memory_space<hbm>>
    tpu.enqueue_indirect_dma source(%dma_start3A_188 : memref<10000x128xf32, #tpu.memory_space<hbm>>) target(%arg8 : memref<100x128xf32, #tpu.memory_space<vmem>>) offsets(%dma_start3A_185 : memref<100xi32, #tpu.memory_space<vmem>>) semaphore(%arg12 : memref<!tpu.dma_semaphore, #tpu.memory_space<semaphore_mem>>)
    %dma_start3A_189 = arith.constant 1 : i32
    %dma_start3A_190 = arith.constant 0 : i32
    %dma_start3A_191 = tpu.memref_slice %arg6[%dma_start3A_189, %dma_start3A_190] : memref<20x100xi32, #tpu.memory_space<vmem>> -> memref<1x100xi32, #tpu.memory_space<vmem>>
    %dma_start3A_192 = tpu.memref_squeeze %dma_start3A_191 : memref<1x100xi32, #tpu.memory_space<vmem>> -> memref<100xi32, #tpu.memory_space<vmem>>
    %dma_start3A_193 = arith.constant 0 : i32
    %dma_start3A_194 = arith.constant 0 : i32
    %dma_start3A_195 = tpu.memref_slice %arg2[%dma_start3A_193, %dma_start3A_194] : memref<10000x128xf32, #tpu.memory_space<hbm>> -> memref<10000x128xf32, #tpu.memory_space<hbm>>
    tpu.enqueue_indirect_dma source(%dma_start3A_195 : memref<10000x128xf32, #tpu.memory_space<hbm>>) target(%arg9 : memref<100x128xf32, #tpu.memory_space<vmem>>) offsets(%dma_start3A_192 : memref<100xi32, #tpu.memory_space<vmem>>) semaphore(%arg13 : memref<!tpu.dma_semaphore, #tpu.memory_space<semaphore_mem>>)
    %dma_start3A_196 = arith.constant 2 : i32
    %dma_start3A_197 = arith.constant 0 : i32
    %dma_start3A_198 = tpu.memref_slice %arg6[%dma_start3A_196, %dma_start3A_197] : memref<20x100xi32, #tpu.memory_space<vmem>> -> memref<1x100xi32, #tpu.memory_space<vmem>>
    %dma_start3A_199 = tpu.memref_squeeze %dma_start3A_198 : memref<1x100xi32, #tpu.memory_space<vmem>> -> memref<100xi32, #tpu.memory_space<vmem>>
    %dma_start3A_200 = arith.constant 0 : i32
    %dma_start3A_201 = arith.constant 0 : i32
    %dma_start3A_202 = tpu.memref_slice %arg2[%dma_start3A_200, %dma_start3A_201] : memref<10000x128xf32, #tpu.memory_space<hbm>> -> memref<10000x128xf32, #tpu.memory_space<hbm>>
    tpu.enqueue_indirect_dma source(%dma_start3A_202 : memref<10000x128xf32, #tpu.memory_space<hbm>>) target(%arg10 : memref<100x128xf32, #tpu.memory_space<vmem>>) offsets(%dma_start3A_199 : memref<100xi32, #tpu.memory_space<vmem>>) semaphore(%arg14 : memref<!tpu.dma_semaphore, #tpu.memory_space<semaphore_mem>>)
    %scan3A_203 = arith.constant 0 : i32
    %scan3A_204 = arith.constant 0 : i32
    %scan3A_205 = arith.constant 5 : i32
    %scan3A_206 = arith.addi %scan3A_204, %scan3A_205 : i32
    %scan3A_207 = arith.constant 1 : i32
    %scan3A_208 = scf.for %scan3A_442 = %scan3A_204 to %scan3A_206 step %scan3A_207 iter_args(%scan3A_443 = %scan3A_203) -> (i32)  : i32 {
      %mul3A_444 = arith.constant 3 : i32
      %mul3A_445 = arith.muli %mul3A_444, %scan3A_442 : i32
      %add3A_446 = arith.constant 0 : i32
      %add3A_447 = arith.addi %mul3A_445, %add3A_446 : i32
      %dma_wait3A_448 = arith.constant 0 : i32
      %dma_wait3A_449 = tpu.memref_slice %arg6[%add3A_447, %dma_wait3A_448] : memref<20x100xi32, #tpu.memory_space<vmem>> -> memref<1x100xi32, #tpu.memory_space<vmem>>
      %dma_wait3A_450 = tpu.memref_squeeze %dma_wait3A_449 : memref<1x100xi32, #tpu.memory_space<vmem>> -> memref<100xi32, #tpu.memory_space<vmem>>
      %dma_wait3A_451 = arith.constant 0 : i32
      %dma_wait3A_452 = arith.constant 0 : i32
      %dma_wait3A_453 = tpu.memref_slice %arg2[%dma_wait3A_451, %dma_wait3A_452] : memref<10000x128xf32, #tpu.memory_space<hbm>> -> memref<10000x128xf32, #tpu.memory_space<hbm>>
      tpu.wait_indirect_dma semaphore(%arg12 : memref<!tpu.dma_semaphore, #tpu.memory_space<semaphore_mem>>) src(%dma_wait3A_453 : memref<10000x128xf32, #tpu.memory_space<hbm>>) dst(%arg8 : memref<100x128xf32, #tpu.memory_space<vmem>>)
      "tpu.region"() ({
        %run_scoped3A_495 = tpu.sem_alloc : memref<!tpu.dma_semaphore, #tpu.memory_space<semaphore_mem>>
        %dma_start3A_496 = arith.constant 0 : i32
        %dma_start3A_497 = tpu.memref_slice %arg7[%add3A_447, %dma_start3A_496] : memref<20x100xi32, #tpu.memory_space<vmem>> -> memref<1x100xi32, #tpu.memory_space<vmem>>
        %dma_start3A_498 = tpu.memref_squeeze %dma_start3A_497 : memref<1x100xi32, #tpu.memory_space<vmem>> -> memref<100xi32, #tpu.memory_space<vmem>>
        %dma_start3A_499 = arith.constant 0 : i32
        %dma_start3A_500 = arith.constant 0 : i32
        %dma_start3A_501 = tpu.memref_slice %arg11[%dma_start3A_499, %dma_start3A_500] : memref<10000x128xf32, #tpu.memory_space<vmem_shared>> -> memref<10000x128xf32, #tpu.memory_space<vmem_shared>>
        tpu.enqueue_indirect_dma source(%arg8 : memref<100x128xf32, #tpu.memory_space<vmem>>) target(%dma_start3A_501 : memref<10000x128xf32, #tpu.memory_space<vmem_shared>>) offsets(%dma_start3A_498 : memref<100xi32, #tpu.memory_space<vmem>>) semaphore(%run_scoped3A_495 : memref<!tpu.dma_semaphore, #tpu.memory_space<semaphore_mem>>) {add = true}
        %dma_wait3A_502 = arith.constant 0 : i32
        %dma_wait3A_503 = tpu.memref_slice %arg7[%add3A_447, %dma_wait3A_502] : memref<20x100xi32, #tpu.memory_space<vmem>> -> memref<1x100xi32, #tpu.memory_space<vmem>>
        %dma_wait3A_504 = tpu.memref_squeeze %dma_wait3A_503 : memref<1x100xi32, #tpu.memory_space<vmem>> -> memref<100xi32, #tpu.memory_space<vmem>>
        %dma_wait3A_505 = arith.constant 0 : i32
        %dma_wait3A_506 = arith.constant 0 : i32
        %dma_wait3A_507 = tpu.memref_slice %arg11[%dma_wait3A_505, %dma_wait3A_506] : memref<10000x128xf32, #tpu.memory_space<vmem_shared>> -> memref<10000x128xf32, #tpu.memory_space<vmem_shared>>
        tpu.wait_indirect_dma semaphore(%run_scoped3A_495 : memref<!tpu.dma_semaphore, #tpu.memory_space<semaphore_mem>>) src(%arg8 : memref<100x128xf32, #tpu.memory_space<vmem>>) dst(%dma_wait3A_507 : memref<10000x128xf32, #tpu.memory_space<vmem_shared>>)
        tpu.yield
      }) : () -> ()
      %add3A_454 = arith.constant 3 : i32
      %add3A_455 = arith.addi %add3A_447, %add3A_454 : i32
      %dma_start3A_456 = arith.constant 0 : i32
      %dma_start3A_457 = tpu.memref_slice %arg6[%add3A_455, %dma_start3A_456] : memref<20x100xi32, #tpu.memory_space<vmem>> -> memref<1x100xi32, #tpu.memory_space<vmem>>
      %dma_start3A_458 = tpu.memref_squeeze %dma_start3A_457 : memref<1x100xi32, #tpu.memory_space<vmem>> -> memref<100xi32, #tpu.memory_space<vmem>>
      %dma_start3A_459 = arith.constant 0 : i32
      %dma_start3A_460 = arith.constant 0 : i32
      %dma_start3A_461 = tpu.memref_slice %arg2[%dma_start3A_459, %dma_start3A_460] : memref<10000x128xf32, #tpu.memory_space<hbm>> -> memref<10000x128xf32, #tpu.memory_space<hbm>>
      tpu.enqueue_indirect_dma source(%dma_start3A_461 : memref<10000x128xf32, #tpu.memory_space<hbm>>) target(%arg8 : memref<100x128xf32, #tpu.memory_space<vmem>>) offsets(%dma_start3A_458 : memref<100xi32, #tpu.memory_space<vmem>>) semaphore(%arg12 : memref<!tpu.dma_semaphore, #tpu.memory_space<semaphore_mem>>)
      %add3A_462 = arith.constant 1 : i32
      %add3A_463 = arith.addi %mul3A_445, %add3A_462 : i32
      %dma_wait3A_464 = arith.constant 0 : i32
      %dma_wait3A_465 = tpu.memref_slice %arg6[%add3A_463, %dma_wait3A_464] : memref<20x100xi32, #tpu.memory_space<vmem>> -> memref<1x100xi32, #tpu.memory_space<vmem>>
      %dma_wait3A_466 = tpu.memref_squeeze %dma_wait3A_465 : memref<1x100xi32, #tpu.memory_space<vmem>> -> memref<100xi32, #tpu.memory_space<vmem>>
      %dma_wait3A_467 = arith.constant 0 : i32
      %dma_wait3A_468 = arith.constant 0 : i32
      %dma_wait3A_469 = tpu.memref_slice %arg2[%dma_wait3A_467, %dma_wait3A_468] : memref<10000x128xf32, #tpu.memory_space<hbm>> -> memref<10000x128xf32, #tpu.memory_space<hbm>>
      tpu.wait_indirect_dma semaphore(%arg13 : memref<!tpu.dma_semaphore, #tpu.memory_space<semaphore_mem>>) src(%dma_wait3A_469 : memref<10000x128xf32, #tpu.memory_space<hbm>>) dst(%arg9 : memref<100x128xf32, #tpu.memory_space<vmem>>)
      "tpu.region"() ({
        %run_scoped3A_495 = tpu.sem_alloc : memref<!tpu.dma_semaphore, #tpu.memory_space<semaphore_mem>>
        %dma_start3A_496 = arith.constant 0 : i32
        %dma_start3A_497 = tpu.memref_slice %arg7[%add3A_463, %dma_start3A_496] : memref<20x100xi32, #tpu.memory_space<vmem>> -> memref<1x100xi32, #tpu.memory_space<vmem>>
        %dma_start3A_498 = tpu.memref_squeeze %dma_start3A_497 : memref<1x100xi32, #tpu.memory_space<vmem>> -> memref<100xi32, #tpu.memory_space<vmem>>
        %dma_start3A_499 = arith.constant 0 : i32
        %dma_start3A_500 = arith.constant 0 : i32
        %dma_start3A_501 = tpu.memref_slice %arg11[%dma_start3A_499, %dma_start3A_500] : memref<10000x128xf32, #tpu.memory_space<vmem_shared>> -> memref<10000x128xf32, #tpu.memory_space<vmem_shared>>
        tpu.enqueue_indirect_dma source(%arg9 : memref<100x128xf32, #tpu.memory_space<vmem>>) target(%dma_start3A_501 : memref<10000x128xf32, #tpu.memory_space<vmem_shared>>) offsets(%dma_start3A_498 : memref<100xi32, #tpu.memory_space<vmem>>) semaphore(%run_scoped3A_495 : memref<!tpu.dma_semaphore, #tpu.memory_space<semaphore_mem>>) {add = true}
        %dma_wait3A_502 = arith.constant 0 : i32
        %dma_wait3A_503 = tpu.memref_slice %arg7[%add3A_463, %dma_wait3A_502] : memref<20x100xi32, #tpu.memory_space<vmem>> -> memref<1x100xi32, #tpu.memory_space<vmem>>
        %dma_wait3A_504 = tpu.memref_squeeze %dma_wait3A_503 : memref<1x100xi32, #tpu.memory_space<vmem>> -> memref<100xi32, #tpu.memory_space<vmem>>
        %dma_wait3A_505 = arith.constant 0 : i32
        %dma_wait3A_506 = arith.constant 0 : i32
        %dma_wait3A_507 = tpu.memref_slice %arg11[%dma_wait3A_505, %dma_wait3A_506] : memref<10000x128xf32, #tpu.memory_space<vmem_shared>> -> memref<10000x128xf32, #tpu.memory_space<vmem_shared>>
        tpu.wait_indirect_dma semaphore(%run_scoped3A_495 : memref<!tpu.dma_semaphore, #tpu.memory_space<semaphore_mem>>) src(%arg9 : memref<100x128xf32, #tpu.memory_space<vmem>>) dst(%dma_wait3A_507 : memref<10000x128xf32, #tpu.memory_space<vmem_shared>>)
        tpu.yield
      }) : () -> ()
      %add3A_470 = arith.constant 3 : i32
      %add3A_471 = arith.addi %add3A_463, %add3A_470 : i32
      %dma_start3A_472 = arith.constant 0 : i32
      %dma_start3A_473 = tpu.memref_slice %arg6[%add3A_471, %dma_start3A_472] : memref<20x100xi32, #tpu.memory_space<vmem>> -> memref<1x100xi32, #tpu.memory_space<vmem>>
      %dma_start3A_474 = tpu.memref_squeeze %dma_start3A_473 : memref<1x100xi32, #tpu.memory_space<vmem>> -> memref<100xi32, #tpu.memory_space<vmem>>
      %dma_start3A_475 = arith.constant 0 : i32
      %dma_start3A_476 = arith.constant 0 : i32
      %dma_start3A_477 = tpu.memref_slice %arg2[%dma_start3A_475, %dma_start3A_476] : memref<10000x128xf32, #tpu.memory_space<hbm>> -> memref<10000x128xf32, #tpu.memory_space<hbm>>
      tpu.enqueue_indirect_dma source(%dma_start3A_477 : memref<10000x128xf32, #tpu.memory_space<hbm>>) target(%arg9 : memref<100x128xf32, #tpu.memory_space<vmem>>) offsets(%dma_start3A_474 : memref<100xi32, #tpu.memory_space<vmem>>) semaphore(%arg13 : memref<!tpu.dma_semaphore, #tpu.memory_space<semaphore_mem>>)
      %add3A_478 = arith.constant 2 : i32
      %add3A_479 = arith.addi %mul3A_445, %add3A_478 : i32
      %dma_wait3A_480 = arith.constant 0 : i32
      %dma_wait3A_481 = tpu.memref_slice %arg6[%add3A_479, %dma_wait3A_480] : memref<20x100xi32, #tpu.memory_space<vmem>> -> memref<1x100xi32, #tpu.memory_space<vmem>>
      %dma_wait3A_482 = tpu.memref_squeeze %dma_wait3A_481 : memref<1x100xi32, #tpu.memory_space<vmem>> -> memref<100xi32, #tpu.memory_space<vmem>>
      %dma_wait3A_483 = arith.constant 0 : i32
      %dma_wait3A_484 = arith.constant 0 : i32
      %dma_wait3A_485 = tpu.memref_slice %arg2[%dma_wait3A_483, %dma_wait3A_484] : memref<10000x128xf32, #tpu.memory_space<hbm>> -> memref<10000x128xf32, #tpu.memory_space<hbm>>
      tpu.wait_indirect_dma semaphore(%arg14 : memref<!tpu.dma_semaphore, #tpu.memory_space<semaphore_mem>>) src(%dma_wait3A_485 : memref<10000x128xf32, #tpu.memory_space<hbm>>) dst(%arg10 : memref<100x128xf32, #tpu.memory_space<vmem>>)
      "tpu.region"() ({
        %run_scoped3A_495 = tpu.sem_alloc : memref<!tpu.dma_semaphore, #tpu.memory_space<semaphore_mem>>
        %dma_start3A_496 = arith.constant 0 : i32
        %dma_start3A_497 = tpu.memref_slice %arg7[%add3A_479, %dma_start3A_496] : memref<20x100xi32, #tpu.memory_space<vmem>> -> memref<1x100xi32, #tpu.memory_space<vmem>>
        %dma_start3A_498 = tpu.memref_squeeze %dma_start3A_497 : memref<1x100xi32, #tpu.memory_space<vmem>> -> memref<100xi32, #tpu.memory_space<vmem>>
        %dma_start3A_499 = arith.constant 0 : i32
        %dma_start3A_500 = arith.constant 0 : i32
        %dma_start3A_501 = tpu.memref_slice %arg11[%dma_start3A_499, %dma_start3A_500] : memref<10000x128xf32, #tpu.memory_space<vmem_shared>> -> memref<10000x128xf32, #tpu.memory_space<vmem_shared>>
        tpu.enqueue_indirect_dma source(%arg10 : memref<100x128xf32, #tpu.memory_space<vmem>>) target(%dma_start3A_501 : memref<10000x128xf32, #tpu.memory_space<vmem_shared>>) offsets(%dma_start3A_498 : memref<100xi32, #tpu.memory_space<vmem>>) semaphore(%run_scoped3A_495 : memref<!tpu.dma_semaphore, #tpu.memory_space<semaphore_mem>>) {add = true}
        %dma_wait3A_502 = arith.constant 0 : i32
        %dma_wait3A_503 = tpu.memref_slice %arg7[%add3A_479, %dma_wait3A_502] : memref<20x100xi32, #tpu.memory_space<vmem>> -> memref<1x100xi32, #tpu.memory_space<vmem>>
        %dma_wait3A_504 = tpu.memref_squeeze %dma_wait3A_503 : memref<1x100xi32, #tpu.memory_space<vmem>> -> memref<100xi32, #tpu.memory_space<vmem>>
        %dma_wait3A_505 = arith.constant 0 : i32
        %dma_wait3A_506 = arith.constant 0 : i32
        %dma_wait3A_507 = tpu.memref_slice %arg11[%dma_wait3A_505, %dma_wait3A_506] : memref<10000x128xf32, #tpu.memory_space<vmem_shared>> -> memref<10000x128xf32, #tpu.memory_space<vmem_shared>>
        tpu.wait_indirect_dma semaphore(%run_scoped3A_495 : memref<!tpu.dma_semaphore, #tpu.memory_space<semaphore_mem>>) src(%arg10 : memref<100x128xf32, #tpu.memory_space<vmem>>) dst(%dma_wait3A_507 : memref<10000x128xf32, #tpu.memory_space<vmem_shared>>)
        tpu.yield
      }) : () -> ()
      %add3A_486 = arith.constant 3 : i32
      %add3A_487 = arith.addi %add3A_479, %add3A_486 : i32
      %dma_start3A_488 = arith.constant 0 : i32
      %dma_start3A_489 = tpu.memref_slice %arg6[%add3A_487, %dma_start3A_488] : memref<20x100xi32, #tpu.memory_space<vmem>> -> memref<1x100xi32, #tpu.memory_space<vmem>>
      %dma_start3A_490 = tpu.memref_squeeze %dma_start3A_489 : memref<1x100xi32, #tpu.memory_space<vmem>> -> memref<100xi32, #tpu.memory_space<vmem>>
      %dma_start3A_491 = arith.constant 0 : i32
      %dma_start3A_492 = arith.constant 0 : i32
      %dma_start3A_493 = tpu.memref_slice %arg2[%dma_start3A_491, %dma_start3A_492] : memref<10000x128xf32, #tpu.memory_space<hbm>> -> memref<10000x128xf32, #tpu.memory_space<hbm>>
      tpu.enqueue_indirect_dma source(%dma_start3A_493 : memref<10000x128xf32, #tpu.memory_space<hbm>>) target(%arg10 : memref<100x128xf32, #tpu.memory_space<vmem>>) offsets(%dma_start3A_490 : memref<100xi32, #tpu.memory_space<vmem>>) semaphore(%arg14 : memref<!tpu.dma_semaphore, #tpu.memory_space<semaphore_mem>>)
      %scan3A_494 = arith.constant 0 : i32
      scf.yield %scan3A_494 : i32
    }
    %scan3A_209 = arith.constant 5 : i32
    %dma_wait3A_210 = arith.constant 15 : i32
    %dma_wait3A_211 = arith.constant 0 : i32
    %dma_wait3A_212 = tpu.memref_slice %arg6[%dma_wait3A_210, %dma_wait3A_211] : memref<20x100xi32, #tpu.memory_space<vmem>> -> memref<1x100xi32, #tpu.memory_space<vmem>>
    %dma_wait3A_213 = tpu.memref_squeeze %dma_wait3A_212 : memref<1x100xi32, #tpu.memory_space<vmem>> -> memref<100xi32, #tpu.memory_space<vmem>>
    %dma_wait3A_214 = arith.constant 0 : i32
    %dma_wait3A_215 = arith.constant 0 : i32
    %dma_wait3A_216 = tpu.memref_slice %arg2[%dma_wait3A_214, %dma_wait3A_215] : memref<10000x128xf32, #tpu.memory_space<hbm>> -> memref<10000x128xf32, #tpu.memory_space<hbm>>
    tpu.wait_indirect_dma semaphore(%arg12 : memref<!tpu.dma_semaphore, #tpu.memory_space<semaphore_mem>>) src(%dma_wait3A_216 : memref<10000x128xf32, #tpu.memory_space<hbm>>) dst(%arg8 : memref<100x128xf32, #tpu.memory_space<vmem>>)
    %run_scoped3A_217 = arith.constant 15 : i32
    "tpu.region"() ({
      %run_scoped3A_442 = tpu.sem_alloc : memref<!tpu.dma_semaphore, #tpu.memory_space<semaphore_mem>>
      %dma_start3A_443 = arith.constant 0 : i32
      %dma_start3A_444 = tpu.memref_slice %arg7[%run_scoped3A_217, %dma_start3A_443] : memref<20x100xi32, #tpu.memory_space<vmem>> -> memref<1x100xi32, #tpu.memory_space<vmem>>
      %dma_start3A_445 = tpu.memref_squeeze %dma_start3A_444 : memref<1x100xi32, #tpu.memory_space<vmem>> -> memref<100xi32, #tpu.memory_space<vmem>>
      %dma_start3A_446 = arith.constant 0 : i32
      %dma_start3A_447 = arith.constant 0 : i32
      %dma_start3A_448 = tpu.memref_slice %arg11[%dma_start3A_446, %dma_start3A_447] : memref<10000x128xf32, #tpu.memory_space<vmem_shared>> -> memref<10000x128xf32, #tpu.memory_space<vmem_shared>>
      tpu.enqueue_indirect_dma source(%arg8 : memref<100x128xf32, #tpu.memory_space<vmem>>) target(%dma_start3A_448 : memref<10000x128xf32, #tpu.memory_space<vmem_shared>>) offsets(%dma_start3A_445 : memref<100xi32, #tpu.memory_space<vmem>>) semaphore(%run_scoped3A_442 : memref<!tpu.dma_semaphore, #tpu.memory_space<semaphore_mem>>) {add = true}
      %dma_wait3A_449 = arith.constant 0 : i32
      %dma_wait3A_450 = tpu.memref_slice %arg7[%run_scoped3A_217, %dma_wait3A_449] : memref<20x100xi32, #tpu.memory_space<vmem>> -> memref<1x100xi32, #tpu.memory_space<vmem>>
      %dma_wait3A_451 = tpu.memref_squeeze %dma_wait3A_450 : memref<1x100xi32, #tpu.memory_space<vmem>> -> memref<100xi32, #tpu.memory_space<vmem>>
      %dma_wait3A_452 = arith.constant 0 : i32
      %dma_wait3A_453 = arith.constant 0 : i32
      %dma_wait3A_454 = tpu.memref_slice %arg11[%dma_wait3A_452, %dma_wait3A_453] : memref<10000x128xf32, #tpu.memory_space<vmem_shared>> -> memref<10000x128xf32, #tpu.memory_space<vmem_shared>>
      tpu.wait_indirect_dma semaphore(%run_scoped3A_442 : memref<!tpu.dma_semaphore, #tpu.memory_space<semaphore_mem>>) src(%arg8 : memref<100x128xf32, #tpu.memory_space<vmem>>) dst(%dma_wait3A_454 : memref<10000x128xf32, #tpu.memory_space<vmem_shared>>)
      tpu.yield
    }) : () -> ()
    %dma_start3A_218 = arith.constant 18 : i32
    %dma_start3A_219 = arith.constant 0 : i32
    %dma_start3A_220 = tpu.memref_slice %arg6[%dma_start3A_218, %dma_start3A_219] : memref<20x100xi32, #tpu.memory_space<vmem>> -> memref<1x100xi32, #tpu.memory_space<vmem>>
    %dma_start3A_221 = tpu.memref_squeeze %dma_start3A_220 : memref<1x100xi32, #tpu.memory_space<vmem>> -> memref<100xi32, #tpu.memory_space<vmem>>
    %dma_start3A_222 = arith.constant 0 : i32
    %dma_start3A_223 = arith.constant 0 : i32
    %dma_start3A_224 = tpu.memref_slice %arg2[%dma_start3A_222, %dma_start3A_223] : memref<10000x128xf32, #tpu.memory_space<hbm>> -> memref<10000x128xf32, #tpu.memory_space<hbm>>
    tpu.enqueue_indirect_dma source(%dma_start3A_224 : memref<10000x128xf32, #tpu.memory_space<hbm>>) target(%arg8 : memref<100x128xf32, #tpu.memory_space<vmem>>) offsets(%dma_start3A_221 : memref<100xi32, #tpu.memory_space<vmem>>) semaphore(%arg12 : memref<!tpu.dma_semaphore, #tpu.memory_space<semaphore_mem>>)
    %dma_wait3A_225 = arith.constant 16 : i32
    %dma_wait3A_226 = arith.constant 0 : i32
    %dma_wait3A_227 = tpu.memref_slice %arg6[%dma_wait3A_225, %dma_wait3A_226] : memref<20x100xi32, #tpu.memory_space<vmem>> -> memref<1x100xi32, #tpu.memory_space<vmem>>
    %dma_wait3A_228 = tpu.memref_squeeze %dma_wait3A_227 : memref<1x100xi32, #tpu.memory_space<vmem>> -> memref<100xi32, #tpu.memory_space<vmem>>
    %dma_wait3A_229 = arith.constant 0 : i32
    %dma_wait3A_230 = arith.constant 0 : i32
    %dma_wait3A_231 = tpu.memref_slice %arg2[%dma_wait3A_229, %dma_wait3A_230] : memref<10000x128xf32, #tpu.memory_space<hbm>> -> memref<10000x128xf32, #tpu.memory_space<hbm>>
    tpu.wait_indirect_dma semaphore(%arg13 : memref<!tpu.dma_semaphore, #tpu.memory_space<semaphore_mem>>) src(%dma_wait3A_231 : memref<10000x128xf32, #tpu.memory_space<hbm>>) dst(%arg9 : memref<100x128xf32, #tpu.memory_space<vmem>>)
    %run_scoped3A_232 = arith.constant 16 : i32
    "tpu.region"() ({
      %run_scoped3A_442 = tpu.sem_alloc : memref<!tpu.dma_semaphore, #tpu.memory_space<semaphore_mem>>
      %dma_start3A_443 = arith.constant 0 : i32
      %dma_start3A_444 = tpu.memref_slice %arg7[%run_scoped3A_232, %dma_start3A_443] : memref<20x100xi32, #tpu.memory_space<vmem>> -> memref<1x100xi32, #tpu.memory_space<vmem>>
      %dma_start3A_445 = tpu.memref_squeeze %dma_start3A_444 : memref<1x100xi32, #tpu.memory_space<vmem>> -> memref<100xi32, #tpu.memory_space<vmem>>
      %dma_start3A_446 = arith.constant 0 : i32
      %dma_start3A_447 = arith.constant 0 : i32
      %dma_start3A_448 = tpu.memref_slice %arg11[%dma_start3A_446, %dma_start3A_447] : memref<10000x128xf32, #tpu.memory_space<vmem_shared>> -> memref<10000x128xf32, #tpu.memory_space<vmem_shared>>
      tpu.enqueue_indirect_dma source(%arg9 : memref<100x128xf32, #tpu.memory_space<vmem>>) target(%dma_start3A_448 : memref<10000x128xf32, #tpu.memory_space<vmem_shared>>) offsets(%dma_start3A_445 : memref<100xi32, #tpu.memory_space<vmem>>) semaphore(%run_scoped3A_442 : memref<!tpu.dma_semaphore, #tpu.memory_space<semaphore_mem>>) {add = true}
      %dma_wait3A_449 = arith.constant 0 : i32
      %dma_wait3A_450 = tpu.memref_slice %arg7[%run_scoped3A_232, %dma_wait3A_449] : memref<20x100xi32, #tpu.memory_space<vmem>> -> memref<1x100xi32, #tpu.memory_space<vmem>>
      %dma_wait3A_451 = tpu.memref_squeeze %dma_wait3A_450 : memref<1x100xi32, #tpu.memory_space<vmem>> -> memref<100xi32, #tpu.memory_space<vmem>>
      %dma_wait3A_452 = arith.constant 0 : i32
      %dma_wait3A_453 = arith.constant 0 : i32
      %dma_wait3A_454 = tpu.memref_slice %arg11[%dma_wait3A_452, %dma_wait3A_453] : memref<10000x128xf32, #tpu.memory_space<vmem_shared>> -> memref<10000x128xf32, #tpu.memory_space<vmem_shared>>
      tpu.wait_indirect_dma semaphore(%run_scoped3A_442 : memref<!tpu.dma_semaphore, #tpu.memory_space<semaphore_mem>>) src(%arg9 : memref<100x128xf32, #tpu.memory_space<vmem>>) dst(%dma_wait3A_454 : memref<10000x128xf32, #tpu.memory_space<vmem_shared>>)
      tpu.yield
    }) : () -> ()
    %dma_start3A_233 = arith.constant 19 : i32
    %dma_start3A_234 = arith.constant 0 : i32
    %dma_start3A_235 = tpu.memref_slice %arg6[%dma_start3A_233, %dma_start3A_234] : memref<20x100xi32, #tpu.memory_space<vmem>> -> memref<1x100xi32, #tpu.memory_space<vmem>>
    %dma_start3A_236 = tpu.memref_squeeze %dma_start3A_235 : memref<1x100xi32, #tpu.memory_space<vmem>> -> memref<100xi32, #tpu.memory_space<vmem>>
    %dma_start3A_237 = arith.constant 0 : i32
    %dma_start3A_238 = arith.constant 0 : i32
    %dma_start3A_239 = tpu.memref_slice %arg2[%dma_start3A_237, %dma_start3A_238] : memref<10000x128xf32, #tpu.memory_space<hbm>> -> memref<10000x128xf32, #tpu.memory_space<hbm>>
    tpu.enqueue_indirect_dma source(%dma_start3A_239 : memref<10000x128xf32, #tpu.memory_space<hbm>>) target(%arg9 : memref<100x128xf32, #tpu.memory_space<vmem>>) offsets(%dma_start3A_236 : memref<100xi32, #tpu.memory_space<vmem>>) semaphore(%arg13 : memref<!tpu.dma_semaphore, #tpu.memory_space<semaphore_mem>>)
    %dma_wait3A_240 = arith.constant 17 : i32
    %dma_wait3A_241 = arith.constant 0 : i32
    %dma_wait3A_242 = tpu.memref_slice %arg6[%dma_wait3A_240, %dma_wait3A_241] : memref<20x100xi32, #tpu.memory_space<vmem>> -> memref<1x100xi32, #tpu.memory_space<vmem>>
    %dma_wait3A_243 = tpu.memref_squeeze %dma_wait3A_242 : memref<1x100xi32, #tpu.memory_space<vmem>> -> memref<100xi32, #tpu.memory_space<vmem>>
    %dma_wait3A_244 = arith.constant 0 : i32
    %dma_wait3A_245 = arith.constant 0 : i32
    %dma_wait3A_246 = tpu.memref_slice %arg2[%dma_wait3A_244, %dma_wait3A_245] : memref<10000x128xf32, #tpu.memory_space<hbm>> -> memref<10000x128xf32, #tpu.memory_space<hbm>>
    tpu.wait_indirect_dma semaphore(%arg14 : memref<!tpu.dma_semaphore, #tpu.memory_space<semaphore_mem>>) src(%dma_wait3A_246 : memref<10000x128xf32, #tpu.memory_space<hbm>>) dst(%arg10 : memref<100x128xf32, #tpu.memory_space<vmem>>)
    %run_scoped3A_247 = arith.constant 17 : i32
    "tpu.region"() ({
      %run_scoped3A_442 = tpu.sem_alloc : memref<!tpu.dma_semaphore, #tpu.memory_space<semaphore_mem>>
      %dma_start3A_443 = arith.constant 0 : i32
      %dma_start3A_444 = tpu.memref_slice %arg7[%run_scoped3A_247, %dma_start3A_443] : memref<20x100xi32, #tpu.memory_space<vmem>> -> memref<1x100xi32, #tpu.memory_space<vmem>>
      %dma_start3A_445 = tpu.memref_squeeze %dma_start3A_444 : memref<1x100xi32, #tpu.memory_space<vmem>> -> memref<100xi32, #tpu.memory_space<vmem>>
      %dma_start3A_446 = arith.constant 0 : i32
      %dma_start3A_447 = arith.constant 0 : i32
      %dma_start3A_448 = tpu.memref_slice %arg11[%dma_start3A_446, %dma_start3A_447] : memref<10000x128xf32, #tpu.memory_space<vmem_shared>> -> memref<10000x128xf32, #tpu.memory_space<vmem_shared>>
      tpu.enqueue_indirect_dma source(%arg10 : memref<100x128xf32, #tpu.memory_space<vmem>>) target(%dma_start3A_448 : memref<10000x128xf32, #tpu.memory_space<vmem_shared>>) offsets(%dma_start3A_445 : memref<100xi32, #tpu.memory_space<vmem>>) semaphore(%run_scoped3A_442 : memref<!tpu.dma_semaphore, #tpu.memory_space<semaphore_mem>>) {add = true}
      %dma_wait3A_449 = arith.constant 0 : i32
      %dma_wait3A_450 = tpu.memref_slice %arg7[%run_scoped3A_247, %dma_wait3A_449] : memref<20x100xi32, #tpu.memory_space<vmem>> -> memref<1x100xi32, #tpu.memory_space<vmem>>
      %dma_wait3A_451 = tpu.memref_squeeze %dma_wait3A_450 : memref<1x100xi32, #tpu.memory_space<vmem>> -> memref<100xi32, #tpu.memory_space<vmem>>
      %dma_wait3A_452 = arith.constant 0 : i32
      %dma_wait3A_453 = arith.constant 0 : i32
      %dma_wait3A_454 = tpu.memref_slice %arg11[%dma_wait3A_452, %dma_wait3A_453] : memref<10000x128xf32, #tpu.memory_space<vmem_shared>> -> memref<10000x128xf32, #tpu.memory_space<vmem_shared>>
      tpu.wait_indirect_dma semaphore(%run_scoped3A_442 : memref<!tpu.dma_semaphore, #tpu.memory_space<semaphore_mem>>) src(%arg10 : memref<100x128xf32, #tpu.memory_space<vmem>>) dst(%dma_wait3A_454 : memref<10000x128xf32, #tpu.memory_space<vmem_shared>>)
      tpu.yield
    }) : () -> ()
    %dma_wait3A_248 = arith.constant 18 : i32
    %dma_wait3A_249 = arith.constant 0 : i32
    %dma_wait3A_250 = tpu.memref_slice %arg6[%dma_wait3A_248, %dma_wait3A_249] : memref<20x100xi32, #tpu.memory_space<vmem>> -> memref<1x100xi32, #tpu.memory_space<vmem>>
    %dma_wait3A_251 = tpu.memref_squeeze %dma_wait3A_250 : memref<1x100xi32, #tpu.memory_space<vmem>> -> memref<100xi32, #tpu.memory_space<vmem>>
    %dma_wait3A_252 = arith.constant 0 : i32
    %dma_wait3A_253 = arith.constant 0 : i32
    %dma_wait3A_254 = tpu.memref_slice %arg2[%dma_wait3A_252, %dma_wait3A_253] : memref<10000x128xf32, #tpu.memory_space<hbm>> -> memref<10000x128xf32, #tpu.memory_space<hbm>>
    tpu.wait_indirect_dma semaphore(%arg12 : memref<!tpu.dma_semaphore, #tpu.memory_space<semaphore_mem>>) src(%dma_wait3A_254 : memref<10000x128xf32, #tpu.memory_space<hbm>>) dst(%arg8 : memref<100x128xf32, #tpu.memory_space<vmem>>)
    %run_scoped3A_255 = arith.constant 18 : i32
    "tpu.region"() ({
      %run_scoped3A_442 = tpu.sem_alloc : memref<!tpu.dma_semaphore, #tpu.memory_space<semaphore_mem>>
      %dma_start3A_443 = arith.constant 0 : i32
      %dma_start3A_444 = tpu.memref_slice %arg7[%run_scoped3A_255, %dma_start3A_443] : memref<20x100xi32, #tpu.memory_space<vmem>> -> memref<1x100xi32, #tpu.memory_space<vmem>>
      %dma_start3A_445 = tpu.memref_squeeze %dma_start3A_444 : memref<1x100xi32, #tpu.memory_space<vmem>> -> memref<100xi32, #tpu.memory_space<vmem>>
      %dma_start3A_446 = arith.constant 0 : i32
      %dma_start3A_447 = arith.constant 0 : i32
      %dma_start3A_448 = tpu.memref_slice %arg11[%dma_start3A_446, %dma_start3A_447] : memref<10000x128xf32, #tpu.memory_space<vmem_shared>> -> memref<10000x128xf32, #tpu.memory_space<vmem_shared>>
      tpu.enqueue_indirect_dma source(%arg8 : memref<100x128xf32, #tpu.memory_space<vmem>>) target(%dma_start3A_448 : memref<10000x128xf32, #tpu.memory_space<vmem_shared>>) offsets(%dma_start3A_445 : memref<100xi32, #tpu.memory_space<vmem>>) semaphore(%run_scoped3A_442 : memref<!tpu.dma_semaphore, #tpu.memory_space<semaphore_mem>>) {add = true}
      %dma_wait3A_449 = arith.constant 0 : i32
      %dma_wait3A_450 = tpu.memref_slice %arg7[%run_scoped3A_255, %dma_wait3A_449] : memref<20x100xi32, #tpu.memory_space<vmem>> -> memref<1x100xi32, #tpu.memory_space<vmem>>
      %dma_wait3A_451 = tpu.memref_squeeze %dma_wait3A_450 : memref<1x100xi32, #tpu.memory_space<vmem>> -> memref<100xi32, #tpu.memory_space<vmem>>
      %dma_wait3A_452 = arith.constant 0 : i32
      %dma_wait3A_453 = arith.constant 0 : i32
      %dma_wait3A_454 = tpu.memref_slice %arg11[%dma_wait3A_452, %dma_wait3A_453] : memref<10000x128xf32, #tpu.memory_space<vmem_shared>> -> memref<10000x128xf32, #tpu.memory_space<vmem_shared>>
      tpu.wait_indirect_dma semaphore(%run_scoped3A_442 : memref<!tpu.dma_semaphore, #tpu.memory_space<semaphore_mem>>) src(%arg8 : memref<100x128xf32, #tpu.memory_space<vmem>>) dst(%dma_wait3A_454 : memref<10000x128xf32, #tpu.memory_space<vmem_shared>>)
      tpu.yield
    }) : () -> ()
    %dma_wait3A_256 = arith.constant 19 : i32
    %dma_wait3A_257 = arith.constant 0 : i32
    %dma_wait3A_258 = tpu.memref_slice %arg6[%dma_wait3A_256, %dma_wait3A_257] : memref<20x100xi32, #tpu.memory_space<vmem>> -> memref<1x100xi32, #tpu.memory_space<vmem>>
    %dma_wait3A_259 = tpu.memref_squeeze %dma_wait3A_258 : memref<1x100xi32, #tpu.memory_space<vmem>> -> memref<100xi32, #tpu.memory_space<vmem>>
    %dma_wait3A_260 = arith.constant 0 : i32
    %dma_wait3A_261 = arith.constant 0 : i32
    %dma_wait3A_262 = tpu.memref_slice %arg2[%dma_wait3A_260, %dma_wait3A_261] : memref<10000x128xf32, #tpu.memory_space<hbm>> -> memref<10000x128xf32, #tpu.memory_space<hbm>>
    tpu.wait_indirect_dma semaphore(%arg13 : memref<!tpu.dma_semaphore, #tpu.memory_space<semaphore_mem>>) src(%dma_wait3A_262 : memref<10000x128xf32, #tpu.memory_space<hbm>>) dst(%arg9 : memref<100x128xf32, #tpu.memory_space<vmem>>)
    %run_scoped3A_263 = arith.constant 19 : i32
    "tpu.region"() ({
      %run_scoped3A_442 = tpu.sem_alloc : memref<!tpu.dma_semaphore, #tpu.memory_space<semaphore_mem>>
      %dma_start3A_443 = arith.constant 0 : i32
      %dma_start3A_444 = tpu.memref_slice %arg7[%run_scoped3A_263, %dma_start3A_443] : memref<20x100xi32, #tpu.memory_space<vmem>> -> memref<1x100xi32, #tpu.memory_space<vmem>>
      %dma_start3A_445 = tpu.memref_squeeze %dma_start3A_444 : memref<1x100xi32, #tpu.memory_space<vmem>> -> memref<100xi32, #tpu.memory_space<vmem>>
      %dma_start3A_446 = arith.constant 0 : i32
      %dma_start3A_447 = arith.constant 0 : i32
      %dma_start3A_448 = tpu.memref_slice %arg11[%dma_start3A_446, %dma_start3A_447] : memref<10000x128xf32, #tpu.memory_space<vmem_shared>> -> memref<10000x128xf32, #tpu.memory_space<vmem_shared>>
      tpu.enqueue_indirect_dma source(%arg9 : memref<100x128xf32, #tpu.memory_space<vmem>>) target(%dma_start3A_448 : memref<10000x128xf32, #tpu.memory_space<vmem_shared>>) offsets(%dma_start3A_445 : memref<100xi32, #tpu.memory_space<vmem>>) semaphore(%run_scoped3A_442 : memref<!tpu.dma_semaphore, #tpu.memory_space<semaphore_mem>>) {add = true}
      %dma_wait3A_449 = arith.constant 0 : i32
      %dma_wait3A_450 = tpu.memref_slice %arg7[%run_scoped3A_263, %dma_wait3A_449] : memref<20x100xi32, #tpu.memory_space<vmem>> -> memref<1x100xi32, #tpu.memory_space<vmem>>
      %dma_wait3A_451 = tpu.memref_squeeze %dma_wait3A_450 : memref<1x100xi32, #tpu.memory_space<vmem>> -> memref<100xi32, #tpu.memory_space<vmem>>
      %dma_wait3A_452 = arith.constant 0 : i32
      %dma_wait3A_453 = arith.constant 0 : i32
      %dma_wait3A_454 = tpu.memref_slice %arg11[%dma_wait3A_452, %dma_wait3A_453] : memref<10000x128xf32, #tpu.memory_space<vmem_shared>> -> memref<10000x128xf32, #tpu.memory_space<vmem_shared>>
      tpu.wait_indirect_dma semaphore(%run_scoped3A_442 : memref<!tpu.dma_semaphore, #tpu.memory_space<semaphore_mem>>) src(%arg9 : memref<100x128xf32, #tpu.memory_space<vmem>>) dst(%dma_wait3A_454 : memref<10000x128xf32, #tpu.memory_space<vmem_shared>>)
      tpu.yield
    }) : () -> ()
    %mul3A_264 = arith.constant 5 : i32
    %mul3A_265 = arith.muli %add3A, %mul3A_264 : i32
    %add3A_266 = arith.constant 3 : i32
    %add3A_267 = arith.addi %mul3A_265, %add3A_266 : i32
    "tpu.region"() ({
      %run_scoped3A_442 = tpu.sem_alloc : memref<!tpu.dma_semaphore, #tpu.memory_space<semaphore_mem>>
      %dma_start3A_443 = arith.constant 0 : i32
      %dma_start3A_444 = arith.constant 0 : i32
      %dma_start3A_445 = tpu.memref_slice %arg3[%add3A_267, %dma_start3A_443, %dma_start3A_444] : memref<160x20x100xi32, #tpu.memory_space<hbm>> -> memref<1x20x100xi32, #tpu.memory_space<hbm>>
      %dma_start3A_446 = tpu.memref_squeeze %dma_start3A_445 : memref<1x20x100xi32, #tpu.memory_space<hbm>> -> memref<20x100xi32, #tpu.memory_space<hbm>>
      %dma_start3A_447 = arith.constant 0 : i32
      %dma_start3A_448 = arith.constant 0 : i32
      %dma_start3A_449 = tpu.memref_slice %arg3[%add3A_267, %dma_start3A_447, %dma_start3A_448] : memref<160x20x100xi32, #tpu.memory_space<hbm>> -> memref<1x20x100xi32, #tpu.memory_space<hbm>>
      %dma_start3A_450 = tpu.memref_squeeze %dma_start3A_449 : memref<1x20x100xi32, #tpu.memory_space<hbm>> -> memref<20x100xi32, #tpu.memory_space<hbm>>
      tpu.enqueue_dma source(%dma_start3A_450 : memref<20x100xi32, #tpu.memory_space<hbm>>) target(%arg6 : memref<20x100xi32, #tpu.memory_space<vmem>>) target_semaphore(%run_scoped3A_442 : memref<!tpu.dma_semaphore, #tpu.memory_space<semaphore_mem>>)
      %dma_wait3A_451 = arith.constant 0 : i32
      %dma_wait3A_452 = arith.constant 0 : i32
      %dma_wait3A_453 = tpu.memref_slice %arg3[%add3A_267, %dma_wait3A_451, %dma_wait3A_452] : memref<160x20x100xi32, #tpu.memory_space<hbm>> -> memref<1x20x100xi32, #tpu.memory_space<hbm>>
      %dma_wait3A_454 = tpu.memref_squeeze %dma_wait3A_453 : memref<1x20x100xi32, #tpu.memory_space<hbm>> -> memref<20x100xi32, #tpu.memory_space<hbm>>
      %dma_wait3A_455 = arith.constant 0 : i32
      %dma_wait3A_456 = arith.constant 0 : i32
      %dma_wait3A_457 = tpu.memref_slice %arg3[%add3A_267, %dma_wait3A_455, %dma_wait3A_456] : memref<160x20x100xi32, #tpu.memory_space<hbm>> -> memref<1x20x100xi32, #tpu.memory_space<hbm>>
      %dma_wait3A_458 = tpu.memref_squeeze %dma_wait3A_457 : memref<1x20x100xi32, #tpu.memory_space<hbm>> -> memref<20x100xi32, #tpu.memory_space<hbm>>
      tpu.wait_dma2 semaphore(%run_scoped3A_442 : memref<!tpu.dma_semaphore, #tpu.memory_space<semaphore_mem>>) src(%dma_wait3A_458 : memref<20x100xi32, #tpu.memory_space<hbm>>) dst(%arg6 : memref<20x100xi32, #tpu.memory_space<vmem>>)
      tpu.yield
    }) : () -> ()
    "tpu.region"() ({
      %run_scoped3A_442 = tpu.sem_alloc : memref<!tpu.dma_semaphore, #tpu.memory_space<semaphore_mem>>
      %dma_start3A_443 = arith.constant 0 : i32
      %dma_start3A_444 = arith.constant 0 : i32
      %dma_start3A_445 = tpu.memref_slice %arg4[%add3A_267, %dma_start3A_443, %dma_start3A_444] : memref<160x20x100xi32, #tpu.memory_space<hbm>> -> memref<1x20x100xi32, #tpu.memory_space<hbm>>
      %dma_start3A_446 = tpu.memref_squeeze %dma_start3A_445 : memref<1x20x100xi32, #tpu.memory_space<hbm>> -> memref<20x100xi32, #tpu.memory_space<hbm>>
      %dma_start3A_447 = arith.constant 0 : i32
      %dma_start3A_448 = arith.constant 0 : i32
      %dma_start3A_449 = tpu.memref_slice %arg4[%add3A_267, %dma_start3A_447, %dma_start3A_448] : memref<160x20x100xi32, #tpu.memory_space<hbm>> -> memref<1x20x100xi32, #tpu.memory_space<hbm>>
      %dma_start3A_450 = tpu.memref_squeeze %dma_start3A_449 : memref<1x20x100xi32, #tpu.memory_space<hbm>> -> memref<20x100xi32, #tpu.memory_space<hbm>>
      tpu.enqueue_dma source(%dma_start3A_450 : memref<20x100xi32, #tpu.memory_space<hbm>>) target(%arg7 : memref<20x100xi32, #tpu.memory_space<vmem>>) target_semaphore(%run_scoped3A_442 : memref<!tpu.dma_semaphore, #tpu.memory_space<semaphore_mem>>)
      %dma_wait3A_451 = arith.constant 0 : i32
      %dma_wait3A_452 = arith.constant 0 : i32
      %dma_wait3A_453 = tpu.memref_slice %arg4[%add3A_267, %dma_wait3A_451, %dma_wait3A_452] : memref<160x20x100xi32, #tpu.memory_space<hbm>> -> memref<1x20x100xi32, #tpu.memory_space<hbm>>
      %dma_wait3A_454 = tpu.memref_squeeze %dma_wait3A_453 : memref<1x20x100xi32, #tpu.memory_space<hbm>> -> memref<20x100xi32, #tpu.memory_space<hbm>>
      %dma_wait3A_455 = arith.constant 0 : i32
      %dma_wait3A_456 = arith.constant 0 : i32
      %dma_wait3A_457 = tpu.memref_slice %arg4[%add3A_267, %dma_wait3A_455, %dma_wait3A_456] : memref<160x20x100xi32, #tpu.memory_space<hbm>> -> memref<1x20x100xi32, #tpu.memory_space<hbm>>
      %dma_wait3A_458 = tpu.memref_squeeze %dma_wait3A_457 : memref<1x20x100xi32, #tpu.memory_space<hbm>> -> memref<20x100xi32, #tpu.memory_space<hbm>>
      tpu.wait_dma2 semaphore(%run_scoped3A_442 : memref<!tpu.dma_semaphore, #tpu.memory_space<semaphore_mem>>) src(%dma_wait3A_458 : memref<20x100xi32, #tpu.memory_space<hbm>>) dst(%arg7 : memref<20x100xi32, #tpu.memory_space<vmem>>)
      tpu.yield
    }) : () -> ()
    %dma_start3A_268 = arith.constant 0 : i32
    %dma_start3A_269 = arith.constant 0 : i32
    %dma_start3A_270 = tpu.memref_slice %arg6[%dma_start3A_268, %dma_start3A_269] : memref<20x100xi32, #tpu.memory_space<vmem>> -> memref<1x100xi32, #tpu.memory_space<vmem>>
    %dma_start3A_271 = tpu.memref_squeeze %dma_start3A_270 : memref<1x100xi32, #tpu.memory_space<vmem>> -> memref<100xi32, #tpu.memory_space<vmem>>
    %dma_start3A_272 = arith.constant 0 : i32
    %dma_start3A_273 = arith.constant 0 : i32
    %dma_start3A_274 = tpu.memref_slice %arg2[%dma_start3A_272, %dma_start3A_273] : memref<10000x128xf32, #tpu.memory_space<hbm>> -> memref<10000x128xf32, #tpu.memory_space<hbm>>
    tpu.enqueue_indirect_dma source(%dma_start3A_274 : memref<10000x128xf32, #tpu.memory_space<hbm>>) target(%arg8 : memref<100x128xf32, #tpu.memory_space<vmem>>) offsets(%dma_start3A_271 : memref<100xi32, #tpu.memory_space<vmem>>) semaphore(%arg12 : memref<!tpu.dma_semaphore, #tpu.memory_space<semaphore_mem>>)
    %dma_start3A_275 = arith.constant 1 : i32
    %dma_start3A_276 = arith.constant 0 : i32
    %dma_start3A_277 = tpu.memref_slice %arg6[%dma_start3A_275, %dma_start3A_276] : memref<20x100xi32, #tpu.memory_space<vmem>> -> memref<1x100xi32, #tpu.memory_space<vmem>>
    %dma_start3A_278 = tpu.memref_squeeze %dma_start3A_277 : memref<1x100xi32, #tpu.memory_space<vmem>> -> memref<100xi32, #tpu.memory_space<vmem>>
    %dma_start3A_279 = arith.constant 0 : i32
    %dma_start3A_280 = arith.constant 0 : i32
    %dma_start3A_281 = tpu.memref_slice %arg2[%dma_start3A_279, %dma_start3A_280] : memref<10000x128xf32, #tpu.memory_space<hbm>> -> memref<10000x128xf32, #tpu.memory_space<hbm>>
    tpu.enqueue_indirect_dma source(%dma_start3A_281 : memref<10000x128xf32, #tpu.memory_space<hbm>>) target(%arg9 : memref<100x128xf32, #tpu.memory_space<vmem>>) offsets(%dma_start3A_278 : memref<100xi32, #tpu.memory_space<vmem>>) semaphore(%arg13 : memref<!tpu.dma_semaphore, #tpu.memory_space<semaphore_mem>>)
    %dma_start3A_282 = arith.constant 2 : i32
    %dma_start3A_283 = arith.constant 0 : i32
    %dma_start3A_284 = tpu.memref_slice %arg6[%dma_start3A_282, %dma_start3A_283] : memref<20x100xi32, #tpu.memory_space<vmem>> -> memref<1x100xi32, #tpu.memory_space<vmem>>
    %dma_start3A_285 = tpu.memref_squeeze %dma_start3A_284 : memref<1x100xi32, #tpu.memory_space<vmem>> -> memref<100xi32, #tpu.memory_space<vmem>>
    %dma_start3A_286 = arith.constant 0 : i32
    %dma_start3A_287 = arith.constant 0 : i32
    %dma_start3A_288 = tpu.memref_slice %arg2[%dma_start3A_286, %dma_start3A_287] : memref<10000x128xf32, #tpu.memory_space<hbm>> -> memref<10000x128xf32, #tpu.memory_space<hbm>>
    tpu.enqueue_indirect_dma source(%dma_start3A_288 : memref<10000x128xf32, #tpu.memory_space<hbm>>) target(%arg10 : memref<100x128xf32, #tpu.memory_space<vmem>>) offsets(%dma_start3A_285 : memref<100xi32, #tpu.memory_space<vmem>>) semaphore(%arg14 : memref<!tpu.dma_semaphore, #tpu.memory_space<semaphore_mem>>)
    %scan3A_289 = arith.constant 0 : i32
    %scan3A_290 = arith.constant 0 : i32
    %scan3A_291 = arith.constant 5 : i32
    %scan3A_292 = arith.addi %scan3A_290, %scan3A_291 : i32
    %scan3A_293 = arith.constant 1 : i32
    %scan3A_294 = scf.for %scan3A_442 = %scan3A_290 to %scan3A_292 step %scan3A_293 iter_args(%scan3A_443 = %scan3A_289) -> (i32)  : i32 {
      %mul3A_444 = arith.constant 3 : i32
      %mul3A_445 = arith.muli %mul3A_444, %scan3A_442 : i32
      %add3A_446 = arith.constant 0 : i32
      %add3A_447 = arith.addi %mul3A_445, %add3A_446 : i32
      %dma_wait3A_448 = arith.constant 0 : i32
      %dma_wait3A_449 = tpu.memref_slice %arg6[%add3A_447, %dma_wait3A_448] : memref<20x100xi32, #tpu.memory_space<vmem>> -> memref<1x100xi32, #tpu.memory_space<vmem>>
      %dma_wait3A_450 = tpu.memref_squeeze %dma_wait3A_449 : memref<1x100xi32, #tpu.memory_space<vmem>> -> memref<100xi32, #tpu.memory_space<vmem>>
      %dma_wait3A_451 = arith.constant 0 : i32
      %dma_wait3A_452 = arith.constant 0 : i32
      %dma_wait3A_453 = tpu.memref_slice %arg2[%dma_wait3A_451, %dma_wait3A_452] : memref<10000x128xf32, #tpu.memory_space<hbm>> -> memref<10000x128xf32, #tpu.memory_space<hbm>>
      tpu.wait_indirect_dma semaphore(%arg12 : memref<!tpu.dma_semaphore, #tpu.memory_space<semaphore_mem>>) src(%dma_wait3A_453 : memref<10000x128xf32, #tpu.memory_space<hbm>>) dst(%arg8 : memref<100x128xf32, #tpu.memory_space<vmem>>)
      "tpu.region"() ({
        %run_scoped3A_495 = tpu.sem_alloc : memref<!tpu.dma_semaphore, #tpu.memory_space<semaphore_mem>>
        %dma_start3A_496 = arith.constant 0 : i32
        %dma_start3A_497 = tpu.memref_slice %arg7[%add3A_447, %dma_start3A_496] : memref<20x100xi32, #tpu.memory_space<vmem>> -> memref<1x100xi32, #tpu.memory_space<vmem>>
        %dma_start3A_498 = tpu.memref_squeeze %dma_start3A_497 : memref<1x100xi32, #tpu.memory_space<vmem>> -> memref<100xi32, #tpu.memory_space<vmem>>
        %dma_start3A_499 = arith.constant 0 : i32
        %dma_start3A_500 = arith.constant 0 : i32
        %dma_start3A_501 = tpu.memref_slice %arg11[%dma_start3A_499, %dma_start3A_500] : memref<10000x128xf32, #tpu.memory_space<vmem_shared>> -> memref<10000x128xf32, #tpu.memory_space<vmem_shared>>
        tpu.enqueue_indirect_dma source(%arg8 : memref<100x128xf32, #tpu.memory_space<vmem>>) target(%dma_start3A_501 : memref<10000x128xf32, #tpu.memory_space<vmem_shared>>) offsets(%dma_start3A_498 : memref<100xi32, #tpu.memory_space<vmem>>) semaphore(%run_scoped3A_495 : memref<!tpu.dma_semaphore, #tpu.memory_space<semaphore_mem>>) {add = true}
        %dma_wait3A_502 = arith.constant 0 : i32
        %dma_wait3A_503 = tpu.memref_slice %arg7[%add3A_447, %dma_wait3A_502] : memref<20x100xi32, #tpu.memory_space<vmem>> -> memref<1x100xi32, #tpu.memory_space<vmem>>
        %dma_wait3A_504 = tpu.memref_squeeze %dma_wait3A_503 : memref<1x100xi32, #tpu.memory_space<vmem>> -> memref<100xi32, #tpu.memory_space<vmem>>
        %dma_wait3A_505 = arith.constant 0 : i32
        %dma_wait3A_506 = arith.constant 0 : i32
        %dma_wait3A_507 = tpu.memref_slice %arg11[%dma_wait3A_505, %dma_wait3A_506] : memref<10000x128xf32, #tpu.memory_space<vmem_shared>> -> memref<10000x128xf32, #tpu.memory_space<vmem_shared>>
        tpu.wait_indirect_dma semaphore(%run_scoped3A_495 : memref<!tpu.dma_semaphore, #tpu.memory_space<semaphore_mem>>) src(%arg8 : memref<100x128xf32, #tpu.memory_space<vmem>>) dst(%dma_wait3A_507 : memref<10000x128xf32, #tpu.memory_space<vmem_shared>>)
        tpu.yield
      }) : () -> ()
      %add3A_454 = arith.constant 3 : i32
      %add3A_455 = arith.addi %add3A_447, %add3A_454 : i32
      %dma_start3A_456 = arith.constant 0 : i32
      %dma_start3A_457 = tpu.memref_slice %arg6[%add3A_455, %dma_start3A_456] : memref<20x100xi32, #tpu.memory_space<vmem>> -> memref<1x100xi32, #tpu.memory_space<vmem>>
      %dma_start3A_458 = tpu.memref_squeeze %dma_start3A_457 : memref<1x100xi32, #tpu.memory_space<vmem>> -> memref<100xi32, #tpu.memory_space<vmem>>
      %dma_start3A_459 = arith.constant 0 : i32
      %dma_start3A_460 = arith.constant 0 : i32
      %dma_start3A_461 = tpu.memref_slice %arg2[%dma_start3A_459, %dma_start3A_460] : memref<10000x128xf32, #tpu.memory_space<hbm>> -> memref<10000x128xf32, #tpu.memory_space<hbm>>
      tpu.enqueue_indirect_dma source(%dma_start3A_461 : memref<10000x128xf32, #tpu.memory_space<hbm>>) target(%arg8 : memref<100x128xf32, #tpu.memory_space<vmem>>) offsets(%dma_start3A_458 : memref<100xi32, #tpu.memory_space<vmem>>) semaphore(%arg12 : memref<!tpu.dma_semaphore, #tpu.memory_space<semaphore_mem>>)
      %add3A_462 = arith.constant 1 : i32
      %add3A_463 = arith.addi %mul3A_445, %add3A_462 : i32
      %dma_wait3A_464 = arith.constant 0 : i32
      %dma_wait3A_465 = tpu.memref_slice %arg6[%add3A_463, %dma_wait3A_464] : memref<20x100xi32, #tpu.memory_space<vmem>> -> memref<1x100xi32, #tpu.memory_space<vmem>>
      %dma_wait3A_466 = tpu.memref_squeeze %dma_wait3A_465 : memref<1x100xi32, #tpu.memory_space<vmem>> -> memref<100xi32, #tpu.memory_space<vmem>>
      %dma_wait3A_467 = arith.constant 0 : i32
      %dma_wait3A_468 = arith.constant 0 : i32
      %dma_wait3A_469 = tpu.memref_slice %arg2[%dma_wait3A_467, %dma_wait3A_468] : memref<10000x128xf32, #tpu.memory_space<hbm>> -> memref<10000x128xf32, #tpu.memory_space<hbm>>
      tpu.wait_indirect_dma semaphore(%arg13 : memref<!tpu.dma_semaphore, #tpu.memory_space<semaphore_mem>>) src(%dma_wait3A_469 : memref<10000x128xf32, #tpu.memory_space<hbm>>) dst(%arg9 : memref<100x128xf32, #tpu.memory_space<vmem>>)
      "tpu.region"() ({
        %run_scoped3A_495 = tpu.sem_alloc : memref<!tpu.dma_semaphore, #tpu.memory_space<semaphore_mem>>
        %dma_start3A_496 = arith.constant 0 : i32
        %dma_start3A_497 = tpu.memref_slice %arg7[%add3A_463, %dma_start3A_496] : memref<20x100xi32, #tpu.memory_space<vmem>> -> memref<1x100xi32, #tpu.memory_space<vmem>>
        %dma_start3A_498 = tpu.memref_squeeze %dma_start3A_497 : memref<1x100xi32, #tpu.memory_space<vmem>> -> memref<100xi32, #tpu.memory_space<vmem>>
        %dma_start3A_499 = arith.constant 0 : i32
        %dma_start3A_500 = arith.constant 0 : i32
        %dma_start3A_501 = tpu.memref_slice %arg11[%dma_start3A_499, %dma_start3A_500] : memref<10000x128xf32, #tpu.memory_space<vmem_shared>> -> memref<10000x128xf32, #tpu.memory_space<vmem_shared>>
        tpu.enqueue_indirect_dma source(%arg9 : memref<100x128xf32, #tpu.memory_space<vmem>>) target(%dma_start3A_501 : memref<10000x128xf32, #tpu.memory_space<vmem_shared>>) offsets(%dma_start3A_498 : memref<100xi32, #tpu.memory_space<vmem>>) semaphore(%run_scoped3A_495 : memref<!tpu.dma_semaphore, #tpu.memory_space<semaphore_mem>>) {add = true}
        %dma_wait3A_502 = arith.constant 0 : i32
        %dma_wait3A_503 = tpu.memref_slice %arg7[%add3A_463, %dma_wait3A_502] : memref<20x100xi32, #tpu.memory_space<vmem>> -> memref<1x100xi32, #tpu.memory_space<vmem>>
        %dma_wait3A_504 = tpu.memref_squeeze %dma_wait3A_503 : memref<1x100xi32, #tpu.memory_space<vmem>> -> memref<100xi32, #tpu.memory_space<vmem>>
        %dma_wait3A_505 = arith.constant 0 : i32
        %dma_wait3A_506 = arith.constant 0 : i32
        %dma_wait3A_507 = tpu.memref_slice %arg11[%dma_wait3A_505, %dma_wait3A_506] : memref<10000x128xf32, #tpu.memory_space<vmem_shared>> -> memref<10000x128xf32, #tpu.memory_space<vmem_shared>>
        tpu.wait_indirect_dma semaphore(%run_scoped3A_495 : memref<!tpu.dma_semaphore, #tpu.memory_space<semaphore_mem>>) src(%arg9 : memref<100x128xf32, #tpu.memory_space<vmem>>) dst(%dma_wait3A_507 : memref<10000x128xf32, #tpu.memory_space<vmem_shared>>)
        tpu.yield
      }) : () -> ()
      %add3A_470 = arith.constant 3 : i32
      %add3A_471 = arith.addi %add3A_463, %add3A_470 : i32
      %dma_start3A_472 = arith.constant 0 : i32
      %dma_start3A_473 = tpu.memref_slice %arg6[%add3A_471, %dma_start3A_472] : memref<20x100xi32, #tpu.memory_space<vmem>> -> memref<1x100xi32, #tpu.memory_space<vmem>>
      %dma_start3A_474 = tpu.memref_squeeze %dma_start3A_473 : memref<1x100xi32, #tpu.memory_space<vmem>> -> memref<100xi32, #tpu.memory_space<vmem>>
      %dma_start3A_475 = arith.constant 0 : i32
      %dma_start3A_476 = arith.constant 0 : i32
      %dma_start3A_477 = tpu.memref_slice %arg2[%dma_start3A_475, %dma_start3A_476] : memref<10000x128xf32, #tpu.memory_space<hbm>> -> memref<10000x128xf32, #tpu.memory_space<hbm>>
      tpu.enqueue_indirect_dma source(%dma_start3A_477 : memref<10000x128xf32, #tpu.memory_space<hbm>>) target(%arg9 : memref<100x128xf32, #tpu.memory_space<vmem>>) offsets(%dma_start3A_474 : memref<100xi32, #tpu.memory_space<vmem>>) semaphore(%arg13 : memref<!tpu.dma_semaphore, #tpu.memory_space<semaphore_mem>>)
      %add3A_478 = arith.constant 2 : i32
      %add3A_479 = arith.addi %mul3A_445, %add3A_478 : i32
      %dma_wait3A_480 = arith.constant 0 : i32
      %dma_wait3A_481 = tpu.memref_slice %arg6[%add3A_479, %dma_wait3A_480] : memref<20x100xi32, #tpu.memory_space<vmem>> -> memref<1x100xi32, #tpu.memory_space<vmem>>
      %dma_wait3A_482 = tpu.memref_squeeze %dma_wait3A_481 : memref<1x100xi32, #tpu.memory_space<vmem>> -> memref<100xi32, #tpu.memory_space<vmem>>
      %dma_wait3A_483 = arith.constant 0 : i32
      %dma_wait3A_484 = arith.constant 0 : i32
      %dma_wait3A_485 = tpu.memref_slice %arg2[%dma_wait3A_483, %dma_wait3A_484] : memref<10000x128xf32, #tpu.memory_space<hbm>> -> memref<10000x128xf32, #tpu.memory_space<hbm>>
      tpu.wait_indirect_dma semaphore(%arg14 : memref<!tpu.dma_semaphore, #tpu.memory_space<semaphore_mem>>) src(%dma_wait3A_485 : memref<10000x128xf32, #tpu.memory_space<hbm>>) dst(%arg10 : memref<100x128xf32, #tpu.memory_space<vmem>>)
      "tpu.region"() ({
        %run_scoped3A_495 = tpu.sem_alloc : memref<!tpu.dma_semaphore, #tpu.memory_space<semaphore_mem>>
        %dma_start3A_496 = arith.constant 0 : i32
        %dma_start3A_497 = tpu.memref_slice %arg7[%add3A_479, %dma_start3A_496] : memref<20x100xi32, #tpu.memory_space<vmem>> -> memref<1x100xi32, #tpu.memory_space<vmem>>
        %dma_start3A_498 = tpu.memref_squeeze %dma_start3A_497 : memref<1x100xi32, #tpu.memory_space<vmem>> -> memref<100xi32, #tpu.memory_space<vmem>>
        %dma_start3A_499 = arith.constant 0 : i32
        %dma_start3A_500 = arith.constant 0 : i32
        %dma_start3A_501 = tpu.memref_slice %arg11[%dma_start3A_499, %dma_start3A_500] : memref<10000x128xf32, #tpu.memory_space<vmem_shared>> -> memref<10000x128xf32, #tpu.memory_space<vmem_shared>>
        tpu.enqueue_indirect_dma source(%arg10 : memref<100x128xf32, #tpu.memory_space<vmem>>) target(%dma_start3A_501 : memref<10000x128xf32, #tpu.memory_space<vmem_shared>>) offsets(%dma_start3A_498 : memref<100xi32, #tpu.memory_space<vmem>>) semaphore(%run_scoped3A_495 : memref<!tpu.dma_semaphore, #tpu.memory_space<semaphore_mem>>) {add = true}
        %dma_wait3A_502 = arith.constant 0 : i32
        %dma_wait3A_503 = tpu.memref_slice %arg7[%add3A_479, %dma_wait3A_502] : memref<20x100xi32, #tpu.memory_space<vmem>> -> memref<1x100xi32, #tpu.memory_space<vmem>>
        %dma_wait3A_504 = tpu.memref_squeeze %dma_wait3A_503 : memref<1x100xi32, #tpu.memory_space<vmem>> -> memref<100xi32, #tpu.memory_space<vmem>>
        %dma_wait3A_505 = arith.constant 0 : i32
        %dma_wait3A_506 = arith.constant 0 : i32
        %dma_wait3A_507 = tpu.memref_slice %arg11[%dma_wait3A_505, %dma_wait3A_506] : memref<10000x128xf32, #tpu.memory_space<vmem_shared>> -> memref<10000x128xf32, #tpu.memory_space<vmem_shared>>
        tpu.wait_indirect_dma semaphore(%run_scoped3A_495 : memref<!tpu.dma_semaphore, #tpu.memory_space<semaphore_mem>>) src(%arg10 : memref<100x128xf32, #tpu.memory_space<vmem>>) dst(%dma_wait3A_507 : memref<10000x128xf32, #tpu.memory_space<vmem_shared>>)
        tpu.yield
      }) : () -> ()
      %add3A_486 = arith.constant 3 : i32
      %add3A_487 = arith.addi %add3A_479, %add3A_486 : i32
      %dma_start3A_488 = arith.constant 0 : i32
      %dma_start3A_489 = tpu.memref_slice %arg6[%add3A_487, %dma_start3A_488] : memref<20x100xi32, #tpu.memory_space<vmem>> -> memref<1x100xi32, #tpu.memory_space<vmem>>
      %dma_start3A_490 = tpu.memref_squeeze %dma_start3A_489 : memref<1x100xi32, #tpu.memory_space<vmem>> -> memref<100xi32, #tpu.memory_space<vmem>>
      %dma_start3A_491 = arith.constant 0 : i32
      %dma_start3A_492 = arith.constant 0 : i32
      %dma_start3A_493 = tpu.memref_slice %arg2[%dma_start3A_491, %dma_start3A_492] : memref<10000x128xf32, #tpu.memory_space<hbm>> -> memref<10000x128xf32, #tpu.memory_space<hbm>>
      tpu.enqueue_indirect_dma source(%dma_start3A_493 : memref<10000x128xf32, #tpu.memory_space<hbm>>) target(%arg10 : memref<100x128xf32, #tpu.memory_space<vmem>>) offsets(%dma_start3A_490 : memref<100xi32, #tpu.memory_space<vmem>>) semaphore(%arg14 : memref<!tpu.dma_semaphore, #tpu.memory_space<semaphore_mem>>)
      %scan3A_494 = arith.constant 0 : i32
      scf.yield %scan3A_494 : i32
    }
    %scan3A_295 = arith.constant 5 : i32
    %dma_wait3A_296 = arith.constant 15 : i32
    %dma_wait3A_297 = arith.constant 0 : i32
    %dma_wait3A_298 = tpu.memref_slice %arg6[%dma_wait3A_296, %dma_wait3A_297] : memref<20x100xi32, #tpu.memory_space<vmem>> -> memref<1x100xi32, #tpu.memory_space<vmem>>
    %dma_wait3A_299 = tpu.memref_squeeze %dma_wait3A_298 : memref<1x100xi32, #tpu.memory_space<vmem>> -> memref<100xi32, #tpu.memory_space<vmem>>
    %dma_wait3A_300 = arith.constant 0 : i32
    %dma_wait3A_301 = arith.constant 0 : i32
    %dma_wait3A_302 = tpu.memref_slice %arg2[%dma_wait3A_300, %dma_wait3A_301] : memref<10000x128xf32, #tpu.memory_space<hbm>> -> memref<10000x128xf32, #tpu.memory_space<hbm>>
    tpu.wait_indirect_dma semaphore(%arg12 : memref<!tpu.dma_semaphore, #tpu.memory_space<semaphore_mem>>) src(%dma_wait3A_302 : memref<10000x128xf32, #tpu.memory_space<hbm>>) dst(%arg8 : memref<100x128xf32, #tpu.memory_space<vmem>>)
    %run_scoped3A_303 = arith.constant 15 : i32
    "tpu.region"() ({
      %run_scoped3A_442 = tpu.sem_alloc : memref<!tpu.dma_semaphore, #tpu.memory_space<semaphore_mem>>
      %dma_start3A_443 = arith.constant 0 : i32
      %dma_start3A_444 = tpu.memref_slice %arg7[%run_scoped3A_303, %dma_start3A_443] : memref<20x100xi32, #tpu.memory_space<vmem>> -> memref<1x100xi32, #tpu.memory_space<vmem>>
      %dma_start3A_445 = tpu.memref_squeeze %dma_start3A_444 : memref<1x100xi32, #tpu.memory_space<vmem>> -> memref<100xi32, #tpu.memory_space<vmem>>
      %dma_start3A_446 = arith.constant 0 : i32
      %dma_start3A_447 = arith.constant 0 : i32
      %dma_start3A_448 = tpu.memref_slice %arg11[%dma_start3A_446, %dma_start3A_447] : memref<10000x128xf32, #tpu.memory_space<vmem_shared>> -> memref<10000x128xf32, #tpu.memory_space<vmem_shared>>
      tpu.enqueue_indirect_dma source(%arg8 : memref<100x128xf32, #tpu.memory_space<vmem>>) target(%dma_start3A_448 : memref<10000x128xf32, #tpu.memory_space<vmem_shared>>) offsets(%dma_start3A_445 : memref<100xi32, #tpu.memory_space<vmem>>) semaphore(%run_scoped3A_442 : memref<!tpu.dma_semaphore, #tpu.memory_space<semaphore_mem>>) {add = true}
      %dma_wait3A_449 = arith.constant 0 : i32
      %dma_wait3A_450 = tpu.memref_slice %arg7[%run_scoped3A_303, %dma_wait3A_449] : memref<20x100xi32, #tpu.memory_space<vmem>> -> memref<1x100xi32, #tpu.memory_space<vmem>>
      %dma_wait3A_451 = tpu.memref_squeeze %dma_wait3A_450 : memref<1x100xi32, #tpu.memory_space<vmem>> -> memref<100xi32, #tpu.memory_space<vmem>>
      %dma_wait3A_452 = arith.constant 0 : i32
      %dma_wait3A_453 = arith.constant 0 : i32
      %dma_wait3A_454 = tpu.memref_slice %arg11[%dma_wait3A_452, %dma_wait3A_453] : memref<10000x128xf32, #tpu.memory_space<vmem_shared>> -> memref<10000x128xf32, #tpu.memory_space<vmem_shared>>
      tpu.wait_indirect_dma semaphore(%run_scoped3A_442 : memref<!tpu.dma_semaphore, #tpu.memory_space<semaphore_mem>>) src(%arg8 : memref<100x128xf32, #tpu.memory_space<vmem>>) dst(%dma_wait3A_454 : memref<10000x128xf32, #tpu.memory_space<vmem_shared>>)
      tpu.yield
    }) : () -> ()
    %dma_start3A_304 = arith.constant 18 : i32
    %dma_start3A_305 = arith.constant 0 : i32
    %dma_start3A_306 = tpu.memref_slice %arg6[%dma_start3A_304, %dma_start3A_305] : memref<20x100xi32, #tpu.memory_space<vmem>> -> memref<1x100xi32, #tpu.memory_space<vmem>>
    %dma_start3A_307 = tpu.memref_squeeze %dma_start3A_306 : memref<1x100xi32, #tpu.memory_space<vmem>> -> memref<100xi32, #tpu.memory_space<vmem>>
    %dma_start3A_308 = arith.constant 0 : i32
    %dma_start3A_309 = arith.constant 0 : i32
    %dma_start3A_310 = tpu.memref_slice %arg2[%dma_start3A_308, %dma_start3A_309] : memref<10000x128xf32, #tpu.memory_space<hbm>> -> memref<10000x128xf32, #tpu.memory_space<hbm>>
    tpu.enqueue_indirect_dma source(%dma_start3A_310 : memref<10000x128xf32, #tpu.memory_space<hbm>>) target(%arg8 : memref<100x128xf32, #tpu.memory_space<vmem>>) offsets(%dma_start3A_307 : memref<100xi32, #tpu.memory_space<vmem>>) semaphore(%arg12 : memref<!tpu.dma_semaphore, #tpu.memory_space<semaphore_mem>>)
    %dma_wait3A_311 = arith.constant 16 : i32
    %dma_wait3A_312 = arith.constant 0 : i32
    %dma_wait3A_313 = tpu.memref_slice %arg6[%dma_wait3A_311, %dma_wait3A_312] : memref<20x100xi32, #tpu.memory_space<vmem>> -> memref<1x100xi32, #tpu.memory_space<vmem>>
    %dma_wait3A_314 = tpu.memref_squeeze %dma_wait3A_313 : memref<1x100xi32, #tpu.memory_space<vmem>> -> memref<100xi32, #tpu.memory_space<vmem>>
    %dma_wait3A_315 = arith.constant 0 : i32
    %dma_wait3A_316 = arith.constant 0 : i32
    %dma_wait3A_317 = tpu.memref_slice %arg2[%dma_wait3A_315, %dma_wait3A_316] : memref<10000x128xf32, #tpu.memory_space<hbm>> -> memref<10000x128xf32, #tpu.memory_space<hbm>>
    tpu.wait_indirect_dma semaphore(%arg13 : memref<!tpu.dma_semaphore, #tpu.memory_space<semaphore_mem>>) src(%dma_wait3A_317 : memref<10000x128xf32, #tpu.memory_space<hbm>>) dst(%arg9 : memref<100x128xf32, #tpu.memory_space<vmem>>)
    %run_scoped3A_318 = arith.constant 16 : i32
    "tpu.region"() ({
      %run_scoped3A_442 = tpu.sem_alloc : memref<!tpu.dma_semaphore, #tpu.memory_space<semaphore_mem>>
      %dma_start3A_443 = arith.constant 0 : i32
      %dma_start3A_444 = tpu.memref_slice %arg7[%run_scoped3A_318, %dma_start3A_443] : memref<20x100xi32, #tpu.memory_space<vmem>> -> memref<1x100xi32, #tpu.memory_space<vmem>>
      %dma_start3A_445 = tpu.memref_squeeze %dma_start3A_444 : memref<1x100xi32, #tpu.memory_space<vmem>> -> memref<100xi32, #tpu.memory_space<vmem>>
      %dma_start3A_446 = arith.constant 0 : i32
      %dma_start3A_447 = arith.constant 0 : i32
      %dma_start3A_448 = tpu.memref_slice %arg11[%dma_start3A_446, %dma_start3A_447] : memref<10000x128xf32, #tpu.memory_space<vmem_shared>> -> memref<10000x128xf32, #tpu.memory_space<vmem_shared>>
      tpu.enqueue_indirect_dma source(%arg9 : memref<100x128xf32, #tpu.memory_space<vmem>>) target(%dma_start3A_448 : memref<10000x128xf32, #tpu.memory_space<vmem_shared>>) offsets(%dma_start3A_445 : memref<100xi32, #tpu.memory_space<vmem>>) semaphore(%run_scoped3A_442 : memref<!tpu.dma_semaphore, #tpu.memory_space<semaphore_mem>>) {add = true}
      %dma_wait3A_449 = arith.constant 0 : i32
      %dma_wait3A_450 = tpu.memref_slice %arg7[%run_scoped3A_318, %dma_wait3A_449] : memref<20x100xi32, #tpu.memory_space<vmem>> -> memref<1x100xi32, #tpu.memory_space<vmem>>
      %dma_wait3A_451 = tpu.memref_squeeze %dma_wait3A_450 : memref<1x100xi32, #tpu.memory_space<vmem>> -> memref<100xi32, #tpu.memory_space<vmem>>
      %dma_wait3A_452 = arith.constant 0 : i32
      %dma_wait3A_453 = arith.constant 0 : i32
      %dma_wait3A_454 = tpu.memref_slice %arg11[%dma_wait3A_452, %dma_wait3A_453] : memref<10000x128xf32, #tpu.memory_space<vmem_shared>> -> memref<10000x128xf32, #tpu.memory_space<vmem_shared>>
      tpu.wait_indirect_dma semaphore(%run_scoped3A_442 : memref<!tpu.dma_semaphore, #tpu.memory_space<semaphore_mem>>) src(%arg9 : memref<100x128xf32, #tpu.memory_space<vmem>>) dst(%dma_wait3A_454 : memref<10000x128xf32, #tpu.memory_space<vmem_shared>>)
      tpu.yield
    }) : () -> ()
    %dma_start3A_319 = arith.constant 19 : i32
    %dma_start3A_320 = arith.constant 0 : i32
    %dma_start3A_321 = tpu.memref_slice %arg6[%dma_start3A_319, %dma_start3A_320] : memref<20x100xi32, #tpu.memory_space<vmem>> -> memref<1x100xi32, #tpu.memory_space<vmem>>
    %dma_start3A_322 = tpu.memref_squeeze %dma_start3A_321 : memref<1x100xi32, #tpu.memory_space<vmem>> -> memref<100xi32, #tpu.memory_space<vmem>>
    %dma_start3A_323 = arith.constant 0 : i32
    %dma_start3A_324 = arith.constant 0 : i32
    %dma_start3A_325 = tpu.memref_slice %arg2[%dma_start3A_323, %dma_start3A_324] : memref<10000x128xf32, #tpu.memory_space<hbm>> -> memref<10000x128xf32, #tpu.memory_space<hbm>>
    tpu.enqueue_indirect_dma source(%dma_start3A_325 : memref<10000x128xf32, #tpu.memory_space<hbm>>) target(%arg9 : memref<100x128xf32, #tpu.memory_space<vmem>>) offsets(%dma_start3A_322 : memref<100xi32, #tpu.memory_space<vmem>>) semaphore(%arg13 : memref<!tpu.dma_semaphore, #tpu.memory_space<semaphore_mem>>)
    %dma_wait3A_326 = arith.constant 17 : i32
    %dma_wait3A_327 = arith.constant 0 : i32
    %dma_wait3A_328 = tpu.memref_slice %arg6[%dma_wait3A_326, %dma_wait3A_327] : memref<20x100xi32, #tpu.memory_space<vmem>> -> memref<1x100xi32, #tpu.memory_space<vmem>>
    %dma_wait3A_329 = tpu.memref_squeeze %dma_wait3A_328 : memref<1x100xi32, #tpu.memory_space<vmem>> -> memref<100xi32, #tpu.memory_space<vmem>>
    %dma_wait3A_330 = arith.constant 0 : i32
    %dma_wait3A_331 = arith.constant 0 : i32
    %dma_wait3A_332 = tpu.memref_slice %arg2[%dma_wait3A_330, %dma_wait3A_331] : memref<10000x128xf32, #tpu.memory_space<hbm>> -> memref<10000x128xf32, #tpu.memory_space<hbm>>
    tpu.wait_indirect_dma semaphore(%arg14 : memref<!tpu.dma_semaphore, #tpu.memory_space<semaphore_mem>>) src(%dma_wait3A_332 : memref<10000x128xf32, #tpu.memory_space<hbm>>) dst(%arg10 : memref<100x128xf32, #tpu.memory_space<vmem>>)
    %run_scoped3A_333 = arith.constant 17 : i32
    "tpu.region"() ({
      %run_scoped3A_442 = tpu.sem_alloc : memref<!tpu.dma_semaphore, #tpu.memory_space<semaphore_mem>>
      %dma_start3A_443 = arith.constant 0 : i32
      %dma_start3A_444 = tpu.memref_slice %arg7[%run_scoped3A_333, %dma_start3A_443] : memref<20x100xi32, #tpu.memory_space<vmem>> -> memref<1x100xi32, #tpu.memory_space<vmem>>
      %dma_start3A_445 = tpu.memref_squeeze %dma_start3A_444 : memref<1x100xi32, #tpu.memory_space<vmem>> -> memref<100xi32, #tpu.memory_space<vmem>>
      %dma_start3A_446 = arith.constant 0 : i32
      %dma_start3A_447 = arith.constant 0 : i32
      %dma_start3A_448 = tpu.memref_slice %arg11[%dma_start3A_446, %dma_start3A_447] : memref<10000x128xf32, #tpu.memory_space<vmem_shared>> -> memref<10000x128xf32, #tpu.memory_space<vmem_shared>>
      tpu.enqueue_indirect_dma source(%arg10 : memref<100x128xf32, #tpu.memory_space<vmem>>) target(%dma_start3A_448 : memref<10000x128xf32, #tpu.memory_space<vmem_shared>>) offsets(%dma_start3A_445 : memref<100xi32, #tpu.memory_space<vmem>>) semaphore(%run_scoped3A_442 : memref<!tpu.dma_semaphore, #tpu.memory_space<semaphore_mem>>) {add = true}
      %dma_wait3A_449 = arith.constant 0 : i32
      %dma_wait3A_450 = tpu.memref_slice %arg7[%run_scoped3A_333, %dma_wait3A_449] : memref<20x100xi32, #tpu.memory_space<vmem>> -> memref<1x100xi32, #tpu.memory_space<vmem>>
      %dma_wait3A_451 = tpu.memref_squeeze %dma_wait3A_450 : memref<1x100xi32, #tpu.memory_space<vmem>> -> memref<100xi32, #tpu.memory_space<vmem>>
      %dma_wait3A_452 = arith.constant 0 : i32
      %dma_wait3A_453 = arith.constant 0 : i32
      %dma_wait3A_454 = tpu.memref_slice %arg11[%dma_wait3A_452, %dma_wait3A_453] : memref<10000x128xf32, #tpu.memory_space<vmem_shared>> -> memref<10000x128xf32, #tpu.memory_space<vmem_shared>>
      tpu.wait_indirect_dma semaphore(%run_scoped3A_442 : memref<!tpu.dma_semaphore, #tpu.memory_space<semaphore_mem>>) src(%arg10 : memref<100x128xf32, #tpu.memory_space<vmem>>) dst(%dma_wait3A_454 : memref<10000x128xf32, #tpu.memory_space<vmem_shared>>)
      tpu.yield
    }) : () -> ()
    %dma_wait3A_334 = arith.constant 18 : i32
    %dma_wait3A_335 = arith.constant 0 : i32
    %dma_wait3A_336 = tpu.memref_slice %arg6[%dma_wait3A_334, %dma_wait3A_335] : memref<20x100xi32, #tpu.memory_space<vmem>> -> memref<1x100xi32, #tpu.memory_space<vmem>>
    %dma_wait3A_337 = tpu.memref_squeeze %dma_wait3A_336 : memref<1x100xi32, #tpu.memory_space<vmem>> -> memref<100xi32, #tpu.memory_space<vmem>>
    %dma_wait3A_338 = arith.constant 0 : i32
    %dma_wait3A_339 = arith.constant 0 : i32
    %dma_wait3A_340 = tpu.memref_slice %arg2[%dma_wait3A_338, %dma_wait3A_339] : memref<10000x128xf32, #tpu.memory_space<hbm>> -> memref<10000x128xf32, #tpu.memory_space<hbm>>
    tpu.wait_indirect_dma semaphore(%arg12 : memref<!tpu.dma_semaphore, #tpu.memory_space<semaphore_mem>>) src(%dma_wait3A_340 : memref<10000x128xf32, #tpu.memory_space<hbm>>) dst(%arg8 : memref<100x128xf32, #tpu.memory_space<vmem>>)
    %run_scoped3A_341 = arith.constant 18 : i32
    "tpu.region"() ({
      %run_scoped3A_442 = tpu.sem_alloc : memref<!tpu.dma_semaphore, #tpu.memory_space<semaphore_mem>>
      %dma_start3A_443 = arith.constant 0 : i32
      %dma_start3A_444 = tpu.memref_slice %arg7[%run_scoped3A_341, %dma_start3A_443] : memref<20x100xi32, #tpu.memory_space<vmem>> -> memref<1x100xi32, #tpu.memory_space<vmem>>
      %dma_start3A_445 = tpu.memref_squeeze %dma_start3A_444 : memref<1x100xi32, #tpu.memory_space<vmem>> -> memref<100xi32, #tpu.memory_space<vmem>>
      %dma_start3A_446 = arith.constant 0 : i32
      %dma_start3A_447 = arith.constant 0 : i32
      %dma_start3A_448 = tpu.memref_slice %arg11[%dma_start3A_446, %dma_start3A_447] : memref<10000x128xf32, #tpu.memory_space<vmem_shared>> -> memref<10000x128xf32, #tpu.memory_space<vmem_shared>>
      tpu.enqueue_indirect_dma source(%arg8 : memref<100x128xf32, #tpu.memory_space<vmem>>) target(%dma_start3A_448 : memref<10000x128xf32, #tpu.memory_space<vmem_shared>>) offsets(%dma_start3A_445 : memref<100xi32, #tpu.memory_space<vmem>>) semaphore(%run_scoped3A_442 : memref<!tpu.dma_semaphore, #tpu.memory_space<semaphore_mem>>) {add = true}
      %dma_wait3A_449 = arith.constant 0 : i32
      %dma_wait3A_450 = tpu.memref_slice %arg7[%run_scoped3A_341, %dma_wait3A_449] : memref<20x100xi32, #tpu.memory_space<vmem>> -> memref<1x100xi32, #tpu.memory_space<vmem>>
      %dma_wait3A_451 = tpu.memref_squeeze %dma_wait3A_450 : memref<1x100xi32, #tpu.memory_space<vmem>> -> memref<100xi32, #tpu.memory_space<vmem>>
      %dma_wait3A_452 = arith.constant 0 : i32
      %dma_wait3A_453 = arith.constant 0 : i32
      %dma_wait3A_454 = tpu.memref_slice %arg11[%dma_wait3A_452, %dma_wait3A_453] : memref<10000x128xf32, #tpu.memory_space<vmem_shared>> -> memref<10000x128xf32, #tpu.memory_space<vmem_shared>>
      tpu.wait_indirect_dma semaphore(%run_scoped3A_442 : memref<!tpu.dma_semaphore, #tpu.memory_space<semaphore_mem>>) src(%arg8 : memref<100x128xf32, #tpu.memory_space<vmem>>) dst(%dma_wait3A_454 : memref<10000x128xf32, #tpu.memory_space<vmem_shared>>)
      tpu.yield
    }) : () -> ()
    %dma_wait3A_342 = arith.constant 19 : i32
    %dma_wait3A_343 = arith.constant 0 : i32
    %dma_wait3A_344 = tpu.memref_slice %arg6[%dma_wait3A_342, %dma_wait3A_343] : memref<20x100xi32, #tpu.memory_space<vmem>> -> memref<1x100xi32, #tpu.memory_space<vmem>>
    %dma_wait3A_345 = tpu.memref_squeeze %dma_wait3A_344 : memref<1x100xi32, #tpu.memory_space<vmem>> -> memref<100xi32, #tpu.memory_space<vmem>>
    %dma_wait3A_346 = arith.constant 0 : i32
    %dma_wait3A_347 = arith.constant 0 : i32
    %dma_wait3A_348 = tpu.memref_slice %arg2[%dma_wait3A_346, %dma_wait3A_347] : memref<10000x128xf32, #tpu.memory_space<hbm>> -> memref<10000x128xf32, #tpu.memory_space<hbm>>
    tpu.wait_indirect_dma semaphore(%arg13 : memref<!tpu.dma_semaphore, #tpu.memory_space<semaphore_mem>>) src(%dma_wait3A_348 : memref<10000x128xf32, #tpu.memory_space<hbm>>) dst(%arg9 : memref<100x128xf32, #tpu.memory_space<vmem>>)
    %run_scoped3A_349 = arith.constant 19 : i32
    "tpu.region"() ({
      %run_scoped3A_442 = tpu.sem_alloc : memref<!tpu.dma_semaphore, #tpu.memory_space<semaphore_mem>>
      %dma_start3A_443 = arith.constant 0 : i32
      %dma_start3A_444 = tpu.memref_slice %arg7[%run_scoped3A_349, %dma_start3A_443] : memref<20x100xi32, #tpu.memory_space<vmem>> -> memref<1x100xi32, #tpu.memory_space<vmem>>
      %dma_start3A_445 = tpu.memref_squeeze %dma_start3A_444 : memref<1x100xi32, #tpu.memory_space<vmem>> -> memref<100xi32, #tpu.memory_space<vmem>>
      %dma_start3A_446 = arith.constant 0 : i32
      %dma_start3A_447 = arith.constant 0 : i32
      %dma_start3A_448 = tpu.memref_slice %arg11[%dma_start3A_446, %dma_start3A_447] : memref<10000x128xf32, #tpu.memory_space<vmem_shared>> -> memref<10000x128xf32, #tpu.memory_space<vmem_shared>>
      tpu.enqueue_indirect_dma source(%arg9 : memref<100x128xf32, #tpu.memory_space<vmem>>) target(%dma_start3A_448 : memref<10000x128xf32, #tpu.memory_space<vmem_shared>>) offsets(%dma_start3A_445 : memref<100xi32, #tpu.memory_space<vmem>>) semaphore(%run_scoped3A_442 : memref<!tpu.dma_semaphore, #tpu.memory_space<semaphore_mem>>) {add = true}
      %dma_wait3A_449 = arith.constant 0 : i32
      %dma_wait3A_450 = tpu.memref_slice %arg7[%run_scoped3A_349, %dma_wait3A_449] : memref<20x100xi32, #tpu.memory_space<vmem>> -> memref<1x100xi32, #tpu.memory_space<vmem>>
      %dma_wait3A_451 = tpu.memref_squeeze %dma_wait3A_450 : memref<1x100xi32, #tpu.memory_space<vmem>> -> memref<100xi32, #tpu.memory_space<vmem>>
      %dma_wait3A_452 = arith.constant 0 : i32
      %dma_wait3A_453 = arith.constant 0 : i32
      %dma_wait3A_454 = tpu.memref_slice %arg11[%dma_wait3A_452, %dma_wait3A_453] : memref<10000x128xf32, #tpu.memory_space<vmem_shared>> -> memref<10000x128xf32, #tpu.memory_space<vmem_shared>>
      tpu.wait_indirect_dma semaphore(%run_scoped3A_442 : memref<!tpu.dma_semaphore, #tpu.memory_space<semaphore_mem>>) src(%arg9 : memref<100x128xf32, #tpu.memory_space<vmem>>) dst(%dma_wait3A_454 : memref<10000x128xf32, #tpu.memory_space<vmem_shared>>)
      tpu.yield
    }) : () -> ()
    %mul3A_350 = arith.constant 5 : i32
    %mul3A_351 = arith.muli %add3A, %mul3A_350 : i32
    %add3A_352 = arith.constant 4 : i32
    %add3A_353 = arith.addi %mul3A_351, %add3A_352 : i32
    "tpu.region"() ({
      %run_scoped3A_442 = tpu.sem_alloc : memref<!tpu.dma_semaphore, #tpu.memory_space<semaphore_mem>>
      %dma_start3A_443 = arith.constant 0 : i32
      %dma_start3A_444 = arith.constant 0 : i32
      %dma_start3A_445 = tpu.memref_slice %arg3[%add3A_353, %dma_start3A_443, %dma_start3A_444] : memref<160x20x100xi32, #tpu.memory_space<hbm>> -> memref<1x20x100xi32, #tpu.memory_space<hbm>>
      %dma_start3A_446 = tpu.memref_squeeze %dma_start3A_445 : memref<1x20x100xi32, #tpu.memory_space<hbm>> -> memref<20x100xi32, #tpu.memory_space<hbm>>
      %dma_start3A_447 = arith.constant 0 : i32
      %dma_start3A_448 = arith.constant 0 : i32
      %dma_start3A_449 = tpu.memref_slice %arg3[%add3A_353, %dma_start3A_447, %dma_start3A_448] : memref<160x20x100xi32, #tpu.memory_space<hbm>> -> memref<1x20x100xi32, #tpu.memory_space<hbm>>
      %dma_start3A_450 = tpu.memref_squeeze %dma_start3A_449 : memref<1x20x100xi32, #tpu.memory_space<hbm>> -> memref<20x100xi32, #tpu.memory_space<hbm>>
      tpu.enqueue_dma source(%dma_start3A_450 : memref<20x100xi32, #tpu.memory_space<hbm>>) target(%arg6 : memref<20x100xi32, #tpu.memory_space<vmem>>) target_semaphore(%run_scoped3A_442 : memref<!tpu.dma_semaphore, #tpu.memory_space<semaphore_mem>>)
      %dma_wait3A_451 = arith.constant 0 : i32
      %dma_wait3A_452 = arith.constant 0 : i32
      %dma_wait3A_453 = tpu.memref_slice %arg3[%add3A_353, %dma_wait3A_451, %dma_wait3A_452] : memref<160x20x100xi32, #tpu.memory_space<hbm>> -> memref<1x20x100xi32, #tpu.memory_space<hbm>>
      %dma_wait3A_454 = tpu.memref_squeeze %dma_wait3A_453 : memref<1x20x100xi32, #tpu.memory_space<hbm>> -> memref<20x100xi32, #tpu.memory_space<hbm>>
      %dma_wait3A_455 = arith.constant 0 : i32
      %dma_wait3A_456 = arith.constant 0 : i32
      %dma_wait3A_457 = tpu.memref_slice %arg3[%add3A_353, %dma_wait3A_455, %dma_wait3A_456] : memref<160x20x100xi32, #tpu.memory_space<hbm>> -> memref<1x20x100xi32, #tpu.memory_space<hbm>>
      %dma_wait3A_458 = tpu.memref_squeeze %dma_wait3A_457 : memref<1x20x100xi32, #tpu.memory_space<hbm>> -> memref<20x100xi32, #tpu.memory_space<hbm>>
      tpu.wait_dma2 semaphore(%run_scoped3A_442 : memref<!tpu.dma_semaphore, #tpu.memory_space<semaphore_mem>>) src(%dma_wait3A_458 : memref<20x100xi32, #tpu.memory_space<hbm>>) dst(%arg6 : memref<20x100xi32, #tpu.memory_space<vmem>>)
      tpu.yield
    }) : () -> ()
    "tpu.region"() ({
      %run_scoped3A_442 = tpu.sem_alloc : memref<!tpu.dma_semaphore, #tpu.memory_space<semaphore_mem>>
      %dma_start3A_443 = arith.constant 0 : i32
      %dma_start3A_444 = arith.constant 0 : i32
      %dma_start3A_445 = tpu.memref_slice %arg4[%add3A_353, %dma_start3A_443, %dma_start3A_444] : memref<160x20x100xi32, #tpu.memory_space<hbm>> -> memref<1x20x100xi32, #tpu.memory_space<hbm>>
      %dma_start3A_446 = tpu.memref_squeeze %dma_start3A_445 : memref<1x20x100xi32, #tpu.memory_space<hbm>> -> memref<20x100xi32, #tpu.memory_space<hbm>>
      %dma_start3A_447 = arith.constant 0 : i32
      %dma_start3A_448 = arith.constant 0 : i32
      %dma_start3A_449 = tpu.memref_slice %arg4[%add3A_353, %dma_start3A_447, %dma_start3A_448] : memref<160x20x100xi32, #tpu.memory_space<hbm>> -> memref<1x20x100xi32, #tpu.memory_space<hbm>>
      %dma_start3A_450 = tpu.memref_squeeze %dma_start3A_449 : memref<1x20x100xi32, #tpu.memory_space<hbm>> -> memref<20x100xi32, #tpu.memory_space<hbm>>
      tpu.enqueue_dma source(%dma_start3A_450 : memref<20x100xi32, #tpu.memory_space<hbm>>) target(%arg7 : memref<20x100xi32, #tpu.memory_space<vmem>>) target_semaphore(%run_scoped3A_442 : memref<!tpu.dma_semaphore, #tpu.memory_space<semaphore_mem>>)
      %dma_wait3A_451 = arith.constant 0 : i32
      %dma_wait3A_452 = arith.constant 0 : i32
      %dma_wait3A_453 = tpu.memref_slice %arg4[%add3A_353, %dma_wait3A_451, %dma_wait3A_452] : memref<160x20x100xi32, #tpu.memory_space<hbm>> -> memref<1x20x100xi32, #tpu.memory_space<hbm>>
      %dma_wait3A_454 = tpu.memref_squeeze %dma_wait3A_453 : memref<1x20x100xi32, #tpu.memory_space<hbm>> -> memref<20x100xi32, #tpu.memory_space<hbm>>
      %dma_wait3A_455 = arith.constant 0 : i32
      %dma_wait3A_456 = arith.constant 0 : i32
      %dma_wait3A_457 = tpu.memref_slice %arg4[%add3A_353, %dma_wait3A_455, %dma_wait3A_456] : memref<160x20x100xi32, #tpu.memory_space<hbm>> -> memref<1x20x100xi32, #tpu.memory_space<hbm>>
      %dma_wait3A_458 = tpu.memref_squeeze %dma_wait3A_457 : memref<1x20x100xi32, #tpu.memory_space<hbm>> -> memref<20x100xi32, #tpu.memory_space<hbm>>
      tpu.wait_dma2 semaphore(%run_scoped3A_442 : memref<!tpu.dma_semaphore, #tpu.memory_space<semaphore_mem>>) src(%dma_wait3A_458 : memref<20x100xi32, #tpu.memory_space<hbm>>) dst(%arg7 : memref<20x100xi32, #tpu.memory_space<vmem>>)
      tpu.yield
    }) : () -> ()
    %dma_start3A_354 = arith.constant 0 : i32
    %dma_start3A_355 = arith.constant 0 : i32
    %dma_start3A_356 = tpu.memref_slice %arg6[%dma_start3A_354, %dma_start3A_355] : memref<20x100xi32, #tpu.memory_space<vmem>> -> memref<1x100xi32, #tpu.memory_space<vmem>>
    %dma_start3A_357 = tpu.memref_squeeze %dma_start3A_356 : memref<1x100xi32, #tpu.memory_space<vmem>> -> memref<100xi32, #tpu.memory_space<vmem>>
    %dma_start3A_358 = arith.constant 0 : i32
    %dma_start3A_359 = arith.constant 0 : i32
    %dma_start3A_360 = tpu.memref_slice %arg2[%dma_start3A_358, %dma_start3A_359] : memref<10000x128xf32, #tpu.memory_space<hbm>> -> memref<10000x128xf32, #tpu.memory_space<hbm>>
    tpu.enqueue_indirect_dma source(%dma_start3A_360 : memref<10000x128xf32, #tpu.memory_space<hbm>>) target(%arg8 : memref<100x128xf32, #tpu.memory_space<vmem>>) offsets(%dma_start3A_357 : memref<100xi32, #tpu.memory_space<vmem>>) semaphore(%arg12 : memref<!tpu.dma_semaphore, #tpu.memory_space<semaphore_mem>>)
    %dma_start3A_361 = arith.constant 1 : i32
    %dma_start3A_362 = arith.constant 0 : i32
    %dma_start3A_363 = tpu.memref_slice %arg6[%dma_start3A_361, %dma_start3A_362] : memref<20x100xi32, #tpu.memory_space<vmem>> -> memref<1x100xi32, #tpu.memory_space<vmem>>
    %dma_start3A_364 = tpu.memref_squeeze %dma_start3A_363 : memref<1x100xi32, #tpu.memory_space<vmem>> -> memref<100xi32, #tpu.memory_space<vmem>>
    %dma_start3A_365 = arith.constant 0 : i32
    %dma_start3A_366 = arith.constant 0 : i32
    %dma_start3A_367 = tpu.memref_slice %arg2[%dma_start3A_365, %dma_start3A_366] : memref<10000x128xf32, #tpu.memory_space<hbm>> -> memref<10000x128xf32, #tpu.memory_space<hbm>>
    tpu.enqueue_indirect_dma source(%dma_start3A_367 : memref<10000x128xf32, #tpu.memory_space<hbm>>) target(%arg9 : memref<100x128xf32, #tpu.memory_space<vmem>>) offsets(%dma_start3A_364 : memref<100xi32, #tpu.memory_space<vmem>>) semaphore(%arg13 : memref<!tpu.dma_semaphore, #tpu.memory_space<semaphore_mem>>)
    %dma_start3A_368 = arith.constant 2 : i32
    %dma_start3A_369 = arith.constant 0 : i32
    %dma_start3A_370 = tpu.memref_slice %arg6[%dma_start3A_368, %dma_start3A_369] : memref<20x100xi32, #tpu.memory_space<vmem>> -> memref<1x100xi32, #tpu.memory_space<vmem>>
    %dma_start3A_371 = tpu.memref_squeeze %dma_start3A_370 : memref<1x100xi32, #tpu.memory_space<vmem>> -> memref<100xi32, #tpu.memory_space<vmem>>
    %dma_start3A_372 = arith.constant 0 : i32
    %dma_start3A_373 = arith.constant 0 : i32
    %dma_start3A_374 = tpu.memref_slice %arg2[%dma_start3A_372, %dma_start3A_373] : memref<10000x128xf32, #tpu.memory_space<hbm>> -> memref<10000x128xf32, #tpu.memory_space<hbm>>
    tpu.enqueue_indirect_dma source(%dma_start3A_374 : memref<10000x128xf32, #tpu.memory_space<hbm>>) target(%arg10 : memref<100x128xf32, #tpu.memory_space<vmem>>) offsets(%dma_start3A_371 : memref<100xi32, #tpu.memory_space<vmem>>) semaphore(%arg14 : memref<!tpu.dma_semaphore, #tpu.memory_space<semaphore_mem>>)
    %scan3A_375 = arith.constant 0 : i32
    %scan3A_376 = arith.constant 0 : i32
    %scan3A_377 = arith.constant 5 : i32
    %scan3A_378 = arith.addi %scan3A_376, %scan3A_377 : i32
    %scan3A_379 = arith.constant 1 : i32
    %scan3A_380 = scf.for %scan3A_442 = %scan3A_376 to %scan3A_378 step %scan3A_379 iter_args(%scan3A_443 = %scan3A_375) -> (i32)  : i32 {
      %mul3A_444 = arith.constant 3 : i32
      %mul3A_445 = arith.muli %mul3A_444, %scan3A_442 : i32
      %add3A_446 = arith.constant 0 : i32
      %add3A_447 = arith.addi %mul3A_445, %add3A_446 : i32
      %dma_wait3A_448 = arith.constant 0 : i32
      %dma_wait3A_449 = tpu.memref_slice %arg6[%add3A_447, %dma_wait3A_448] : memref<20x100xi32, #tpu.memory_space<vmem>> -> memref<1x100xi32, #tpu.memory_space<vmem>>
      %dma_wait3A_450 = tpu.memref_squeeze %dma_wait3A_449 : memref<1x100xi32, #tpu.memory_space<vmem>> -> memref<100xi32, #tpu.memory_space<vmem>>
      %dma_wait3A_451 = arith.constant 0 : i32
      %dma_wait3A_452 = arith.constant 0 : i32
      %dma_wait3A_453 = tpu.memref_slice %arg2[%dma_wait3A_451, %dma_wait3A_452] : memref<10000x128xf32, #tpu.memory_space<hbm>> -> memref<10000x128xf32, #tpu.memory_space<hbm>>
      tpu.wait_indirect_dma semaphore(%arg12 : memref<!tpu.dma_semaphore, #tpu.memory_space<semaphore_mem>>) src(%dma_wait3A_453 : memref<10000x128xf32, #tpu.memory_space<hbm>>) dst(%arg8 : memref<100x128xf32, #tpu.memory_space<vmem>>)
      "tpu.region"() ({
        %run_scoped3A_495 = tpu.sem_alloc : memref<!tpu.dma_semaphore, #tpu.memory_space<semaphore_mem>>
        %dma_start3A_496 = arith.constant 0 : i32
        %dma_start3A_497 = tpu.memref_slice %arg7[%add3A_447, %dma_start3A_496] : memref<20x100xi32, #tpu.memory_space<vmem>> -> memref<1x100xi32, #tpu.memory_space<vmem>>
        %dma_start3A_498 = tpu.memref_squeeze %dma_start3A_497 : memref<1x100xi32, #tpu.memory_space<vmem>> -> memref<100xi32, #tpu.memory_space<vmem>>
        %dma_start3A_499 = arith.constant 0 : i32
        %dma_start3A_500 = arith.constant 0 : i32
        %dma_start3A_501 = tpu.memref_slice %arg11[%dma_start3A_499, %dma_start3A_500] : memref<10000x128xf32, #tpu.memory_space<vmem_shared>> -> memref<10000x128xf32, #tpu.memory_space<vmem_shared>>
        tpu.enqueue_indirect_dma source(%arg8 : memref<100x128xf32, #tpu.memory_space<vmem>>) target(%dma_start3A_501 : memref<10000x128xf32, #tpu.memory_space<vmem_shared>>) offsets(%dma_start3A_498 : memref<100xi32, #tpu.memory_space<vmem>>) semaphore(%run_scoped3A_495 : memref<!tpu.dma_semaphore, #tpu.memory_space<semaphore_mem>>) {add = true}
        %dma_wait3A_502 = arith.constant 0 : i32
        %dma_wait3A_503 = tpu.memref_slice %arg7[%add3A_447, %dma_wait3A_502] : memref<20x100xi32, #tpu.memory_space<vmem>> -> memref<1x100xi32, #tpu.memory_space<vmem>>
        %dma_wait3A_504 = tpu.memref_squeeze %dma_wait3A_503 : memref<1x100xi32, #tpu.memory_space<vmem>> -> memref<100xi32, #tpu.memory_space<vmem>>
        %dma_wait3A_505 = arith.constant 0 : i32
        %dma_wait3A_506 = arith.constant 0 : i32
        %dma_wait3A_507 = tpu.memref_slice %arg11[%dma_wait3A_505, %dma_wait3A_506] : memref<10000x128xf32, #tpu.memory_space<vmem_shared>> -> memref<10000x128xf32, #tpu.memory_space<vmem_shared>>
        tpu.wait_indirect_dma semaphore(%run_scoped3A_495 : memref<!tpu.dma_semaphore, #tpu.memory_space<semaphore_mem>>) src(%arg8 : memref<100x128xf32, #tpu.memory_space<vmem>>) dst(%dma_wait3A_507 : memref<10000x128xf32, #tpu.memory_space<vmem_shared>>)
        tpu.yield
      }) : () -> ()
      %add3A_454 = arith.constant 3 : i32
      %add3A_455 = arith.addi %add3A_447, %add3A_454 : i32
      %dma_start3A_456 = arith.constant 0 : i32
      %dma_start3A_457 = tpu.memref_slice %arg6[%add3A_455, %dma_start3A_456] : memref<20x100xi32, #tpu.memory_space<vmem>> -> memref<1x100xi32, #tpu.memory_space<vmem>>
      %dma_start3A_458 = tpu.memref_squeeze %dma_start3A_457 : memref<1x100xi32, #tpu.memory_space<vmem>> -> memref<100xi32, #tpu.memory_space<vmem>>
      %dma_start3A_459 = arith.constant 0 : i32
      %dma_start3A_460 = arith.constant 0 : i32
      %dma_start3A_461 = tpu.memref_slice %arg2[%dma_start3A_459, %dma_start3A_460] : memref<10000x128xf32, #tpu.memory_space<hbm>> -> memref<10000x128xf32, #tpu.memory_space<hbm>>
      tpu.enqueue_indirect_dma source(%dma_start3A_461 : memref<10000x128xf32, #tpu.memory_space<hbm>>) target(%arg8 : memref<100x128xf32, #tpu.memory_space<vmem>>) offsets(%dma_start3A_458 : memref<100xi32, #tpu.memory_space<vmem>>) semaphore(%arg12 : memref<!tpu.dma_semaphore, #tpu.memory_space<semaphore_mem>>)
      %add3A_462 = arith.constant 1 : i32
      %add3A_463 = arith.addi %mul3A_445, %add3A_462 : i32
      %dma_wait3A_464 = arith.constant 0 : i32
      %dma_wait3A_465 = tpu.memref_slice %arg6[%add3A_463, %dma_wait3A_464] : memref<20x100xi32, #tpu.memory_space<vmem>> -> memref<1x100xi32, #tpu.memory_space<vmem>>
      %dma_wait3A_466 = tpu.memref_squeeze %dma_wait3A_465 : memref<1x100xi32, #tpu.memory_space<vmem>> -> memref<100xi32, #tpu.memory_space<vmem>>
      %dma_wait3A_467 = arith.constant 0 : i32
      %dma_wait3A_468 = arith.constant 0 : i32
      %dma_wait3A_469 = tpu.memref_slice %arg2[%dma_wait3A_467, %dma_wait3A_468] : memref<10000x128xf32, #tpu.memory_space<hbm>> -> memref<10000x128xf32, #tpu.memory_space<hbm>>
      tpu.wait_indirect_dma semaphore(%arg13 : memref<!tpu.dma_semaphore, #tpu.memory_space<semaphore_mem>>) src(%dma_wait3A_469 : memref<10000x128xf32, #tpu.memory_space<hbm>>) dst(%arg9 : memref<100x128xf32, #tpu.memory_space<vmem>>)
      "tpu.region"() ({
        %run_scoped3A_495 = tpu.sem_alloc : memref<!tpu.dma_semaphore, #tpu.memory_space<semaphore_mem>>
        %dma_start3A_496 = arith.constant 0 : i32
        %dma_start3A_497 = tpu.memref_slice %arg7[%add3A_463, %dma_start3A_496] : memref<20x100xi32, #tpu.memory_space<vmem>> -> memref<1x100xi32, #tpu.memory_space<vmem>>
        %dma_start3A_498 = tpu.memref_squeeze %dma_start3A_497 : memref<1x100xi32, #tpu.memory_space<vmem>> -> memref<100xi32, #tpu.memory_space<vmem>>
        %dma_start3A_499 = arith.constant 0 : i32
        %dma_start3A_500 = arith.constant 0 : i32
        %dma_start3A_501 = tpu.memref_slice %arg11[%dma_start3A_499, %dma_start3A_500] : memref<10000x128xf32, #tpu.memory_space<vmem_shared>> -> memref<10000x128xf32, #tpu.memory_space<vmem_shared>>
        tpu.enqueue_indirect_dma source(%arg9 : memref<100x128xf32, #tpu.memory_space<vmem>>) target(%dma_start3A_501 : memref<10000x128xf32, #tpu.memory_space<vmem_shared>>) offsets(%dma_start3A_498 : memref<100xi32, #tpu.memory_space<vmem>>) semaphore(%run_scoped3A_495 : memref<!tpu.dma_semaphore, #tpu.memory_space<semaphore_mem>>) {add = true}
        %dma_wait3A_502 = arith.constant 0 : i32
        %dma_wait3A_503 = tpu.memref_slice %arg7[%add3A_463, %dma_wait3A_502] : memref<20x100xi32, #tpu.memory_space<vmem>> -> memref<1x100xi32, #tpu.memory_space<vmem>>
        %dma_wait3A_504 = tpu.memref_squeeze %dma_wait3A_503 : memref<1x100xi32, #tpu.memory_space<vmem>> -> memref<100xi32, #tpu.memory_space<vmem>>
        %dma_wait3A_505 = arith.constant 0 : i32
        %dma_wait3A_506 = arith.constant 0 : i32
        %dma_wait3A_507 = tpu.memref_slice %arg11[%dma_wait3A_505, %dma_wait3A_506] : memref<10000x128xf32, #tpu.memory_space<vmem_shared>> -> memref<10000x128xf32, #tpu.memory_space<vmem_shared>>
        tpu.wait_indirect_dma semaphore(%run_scoped3A_495 : memref<!tpu.dma_semaphore, #tpu.memory_space<semaphore_mem>>) src(%arg9 : memref<100x128xf32, #tpu.memory_space<vmem>>) dst(%dma_wait3A_507 : memref<10000x128xf32, #tpu.memory_space<vmem_shared>>)
        tpu.yield
      }) : () -> ()
      %add3A_470 = arith.constant 3 : i32
      %add3A_471 = arith.addi %add3A_463, %add3A_470 : i32
      %dma_start3A_472 = arith.constant 0 : i32
      %dma_start3A_473 = tpu.memref_slice %arg6[%add3A_471, %dma_start3A_472] : memref<20x100xi32, #tpu.memory_space<vmem>> -> memref<1x100xi32, #tpu.memory_space<vmem>>
      %dma_start3A_474 = tpu.memref_squeeze %dma_start3A_473 : memref<1x100xi32, #tpu.memory_space<vmem>> -> memref<100xi32, #tpu.memory_space<vmem>>
      %dma_start3A_475 = arith.constant 0 : i32
      %dma_start3A_476 = arith.constant 0 : i32
      %dma_start3A_477 = tpu.memref_slice %arg2[%dma_start3A_475, %dma_start3A_476] : memref<10000x128xf32, #tpu.memory_space<hbm>> -> memref<10000x128xf32, #tpu.memory_space<hbm>>
      tpu.enqueue_indirect_dma source(%dma_start3A_477 : memref<10000x128xf32, #tpu.memory_space<hbm>>) target(%arg9 : memref<100x128xf32, #tpu.memory_space<vmem>>) offsets(%dma_start3A_474 : memref<100xi32, #tpu.memory_space<vmem>>) semaphore(%arg13 : memref<!tpu.dma_semaphore, #tpu.memory_space<semaphore_mem>>)
      %add3A_478 = arith.constant 2 : i32
      %add3A_479 = arith.addi %mul3A_445, %add3A_478 : i32
      %dma_wait3A_480 = arith.constant 0 : i32
      %dma_wait3A_481 = tpu.memref_slice %arg6[%add3A_479, %dma_wait3A_480] : memref<20x100xi32, #tpu.memory_space<vmem>> -> memref<1x100xi32, #tpu.memory_space<vmem>>
      %dma_wait3A_482 = tpu.memref_squeeze %dma_wait3A_481 : memref<1x100xi32, #tpu.memory_space<vmem>> -> memref<100xi32, #tpu.memory_space<vmem>>
      %dma_wait3A_483 = arith.constant 0 : i32
      %dma_wait3A_484 = arith.constant 0 : i32
      %dma_wait3A_485 = tpu.memref_slice %arg2[%dma_wait3A_483, %dma_wait3A_484] : memref<10000x128xf32, #tpu.memory_space<hbm>> -> memref<10000x128xf32, #tpu.memory_space<hbm>>
      tpu.wait_indirect_dma semaphore(%arg14 : memref<!tpu.dma_semaphore, #tpu.memory_space<semaphore_mem>>) src(%dma_wait3A_485 : memref<10000x128xf32, #tpu.memory_space<hbm>>) dst(%arg10 : memref<100x128xf32, #tpu.memory_space<vmem>>)
      "tpu.region"() ({
        %run_scoped3A_495 = tpu.sem_alloc : memref<!tpu.dma_semaphore, #tpu.memory_space<semaphore_mem>>
        %dma_start3A_496 = arith.constant 0 : i32
        %dma_start3A_497 = tpu.memref_slice %arg7[%add3A_479, %dma_start3A_496] : memref<20x100xi32, #tpu.memory_space<vmem>> -> memref<1x100xi32, #tpu.memory_space<vmem>>
        %dma_start3A_498 = tpu.memref_squeeze %dma_start3A_497 : memref<1x100xi32, #tpu.memory_space<vmem>> -> memref<100xi32, #tpu.memory_space<vmem>>
        %dma_start3A_499 = arith.constant 0 : i32
        %dma_start3A_500 = arith.constant 0 : i32
        %dma_start3A_501 = tpu.memref_slice %arg11[%dma_start3A_499, %dma_start3A_500] : memref<10000x128xf32, #tpu.memory_space<vmem_shared>> -> memref<10000x128xf32, #tpu.memory_space<vmem_shared>>
        tpu.enqueue_indirect_dma source(%arg10 : memref<100x128xf32, #tpu.memory_space<vmem>>) target(%dma_start3A_501 : memref<10000x128xf32, #tpu.memory_space<vmem_shared>>) offsets(%dma_start3A_498 : memref<100xi32, #tpu.memory_space<vmem>>) semaphore(%run_scoped3A_495 : memref<!tpu.dma_semaphore, #tpu.memory_space<semaphore_mem>>) {add = true}
        %dma_wait3A_502 = arith.constant 0 : i32
        %dma_wait3A_503 = tpu.memref_slice %arg7[%add3A_479, %dma_wait3A_502] : memref<20x100xi32, #tpu.memory_space<vmem>> -> memref<1x100xi32, #tpu.memory_space<vmem>>
        %dma_wait3A_504 = tpu.memref_squeeze %dma_wait3A_503 : memref<1x100xi32, #tpu.memory_space<vmem>> -> memref<100xi32, #tpu.memory_space<vmem>>
        %dma_wait3A_505 = arith.constant 0 : i32
        %dma_wait3A_506 = arith.constant 0 : i32
        %dma_wait3A_507 = tpu.memref_slice %arg11[%dma_wait3A_505, %dma_wait3A_506] : memref<10000x128xf32, #tpu.memory_space<vmem_shared>> -> memref<10000x128xf32, #tpu.memory_space<vmem_shared>>
        tpu.wait_indirect_dma semaphore(%run_scoped3A_495 : memref<!tpu.dma_semaphore, #tpu.memory_space<semaphore_mem>>) src(%arg10 : memref<100x128xf32, #tpu.memory_space<vmem>>) dst(%dma_wait3A_507 : memref<10000x128xf32, #tpu.memory_space<vmem_shared>>)
        tpu.yield
      }) : () -> ()
      %add3A_486 = arith.constant 3 : i32
      %add3A_487 = arith.addi %add3A_479, %add3A_486 : i32
      %dma_start3A_488 = arith.constant 0 : i32
      %dma_start3A_489 = tpu.memref_slice %arg6[%add3A_487, %dma_start3A_488] : memref<20x100xi32, #tpu.memory_space<vmem>> -> memref<1x100xi32, #tpu.memory_space<vmem>>
      %dma_start3A_490 = tpu.memref_squeeze %dma_start3A_489 : memref<1x100xi32, #tpu.memory_space<vmem>> -> memref<100xi32, #tpu.memory_space<vmem>>
      %dma_start3A_491 = arith.constant 0 : i32
      %dma_start3A_492 = arith.constant 0 : i32
      %dma_start3A_493 = tpu.memref_slice %arg2[%dma_start3A_491, %dma_start3A_492] : memref<10000x128xf32, #tpu.memory_space<hbm>> -> memref<10000x128xf32, #tpu.memory_space<hbm>>
      tpu.enqueue_indirect_dma source(%dma_start3A_493 : memref<10000x128xf32, #tpu.memory_space<hbm>>) target(%arg10 : memref<100x128xf32, #tpu.memory_space<vmem>>) offsets(%dma_start3A_490 : memref<100xi32, #tpu.memory_space<vmem>>) semaphore(%arg14 : memref<!tpu.dma_semaphore, #tpu.memory_space<semaphore_mem>>)
      %scan3A_494 = arith.constant 0 : i32
      scf.yield %scan3A_494 : i32
    }
    %scan3A_381 = arith.constant 5 : i32
    %dma_wait3A_382 = arith.constant 15 : i32
    %dma_wait3A_383 = arith.constant 0 : i32
    %dma_wait3A_384 = tpu.memref_slice %arg6[%dma_wait3A_382, %dma_wait3A_383] : memref<20x100xi32, #tpu.memory_space<vmem>> -> memref<1x100xi32, #tpu.memory_space<vmem>>
    %dma_wait3A_385 = tpu.memref_squeeze %dma_wait3A_384 : memref<1x100xi32, #tpu.memory_space<vmem>> -> memref<100xi32, #tpu.memory_space<vmem>>
    %dma_wait3A_386 = arith.constant 0 : i32
    %dma_wait3A_387 = arith.constant 0 : i32
    %dma_wait3A_388 = tpu.memref_slice %arg2[%dma_wait3A_386, %dma_wait3A_387] : memref<10000x128xf32, #tpu.memory_space<hbm>> -> memref<10000x128xf32, #tpu.memory_space<hbm>>
    tpu.wait_indirect_dma semaphore(%arg12 : memref<!tpu.dma_semaphore, #tpu.memory_space<semaphore_mem>>) src(%dma_wait3A_388 : memref<10000x128xf32, #tpu.memory_space<hbm>>) dst(%arg8 : memref<100x128xf32, #tpu.memory_space<vmem>>)
    %run_scoped3A_389 = arith.constant 15 : i32
    "tpu.region"() ({
      %run_scoped3A_442 = tpu.sem_alloc : memref<!tpu.dma_semaphore, #tpu.memory_space<semaphore_mem>>
      %dma_start3A_443 = arith.constant 0 : i32
      %dma_start3A_444 = tpu.memref_slice %arg7[%run_scoped3A_389, %dma_start3A_443] : memref<20x100xi32, #tpu.memory_space<vmem>> -> memref<1x100xi32, #tpu.memory_space<vmem>>
      %dma_start3A_445 = tpu.memref_squeeze %dma_start3A_444 : memref<1x100xi32, #tpu.memory_space<vmem>> -> memref<100xi32, #tpu.memory_space<vmem>>
      %dma_start3A_446 = arith.constant 0 : i32
      %dma_start3A_447 = arith.constant 0 : i32
      %dma_start3A_448 = tpu.memref_slice %arg11[%dma_start3A_446, %dma_start3A_447] : memref<10000x128xf32, #tpu.memory_space<vmem_shared>> -> memref<10000x128xf32, #tpu.memory_space<vmem_shared>>
      tpu.enqueue_indirect_dma source(%arg8 : memref<100x128xf32, #tpu.memory_space<vmem>>) target(%dma_start3A_448 : memref<10000x128xf32, #tpu.memory_space<vmem_shared>>) offsets(%dma_start3A_445 : memref<100xi32, #tpu.memory_space<vmem>>) semaphore(%run_scoped3A_442 : memref<!tpu.dma_semaphore, #tpu.memory_space<semaphore_mem>>) {add = true}
      %dma_wait3A_449 = arith.constant 0 : i32
      %dma_wait3A_450 = tpu.memref_slice %arg7[%run_scoped3A_389, %dma_wait3A_449] : memref<20x100xi32, #tpu.memory_space<vmem>> -> memref<1x100xi32, #tpu.memory_space<vmem>>
      %dma_wait3A_451 = tpu.memref_squeeze %dma_wait3A_450 : memref<1x100xi32, #tpu.memory_space<vmem>> -> memref<100xi32, #tpu.memory_space<vmem>>
      %dma_wait3A_452 = arith.constant 0 : i32
      %dma_wait3A_453 = arith.constant 0 : i32
      %dma_wait3A_454 = tpu.memref_slice %arg11[%dma_wait3A_452, %dma_wait3A_453] : memref<10000x128xf32, #tpu.memory_space<vmem_shared>> -> memref<10000x128xf32, #tpu.memory_space<vmem_shared>>
      tpu.wait_indirect_dma semaphore(%run_scoped3A_442 : memref<!tpu.dma_semaphore, #tpu.memory_space<semaphore_mem>>) src(%arg8 : memref<100x128xf32, #tpu.memory_space<vmem>>) dst(%dma_wait3A_454 : memref<10000x128xf32, #tpu.memory_space<vmem_shared>>)
      tpu.yield
    }) : () -> ()
    %dma_start3A_390 = arith.constant 18 : i32
    %dma_start3A_391 = arith.constant 0 : i32
    %dma_start3A_392 = tpu.memref_slice %arg6[%dma_start3A_390, %dma_start3A_391] : memref<20x100xi32, #tpu.memory_space<vmem>> -> memref<1x100xi32, #tpu.memory_space<vmem>>
    %dma_start3A_393 = tpu.memref_squeeze %dma_start3A_392 : memref<1x100xi32, #tpu.memory_space<vmem>> -> memref<100xi32, #tpu.memory_space<vmem>>
    %dma_start3A_394 = arith.constant 0 : i32
    %dma_start3A_395 = arith.constant 0 : i32
    %dma_start3A_396 = tpu.memref_slice %arg2[%dma_start3A_394, %dma_start3A_395] : memref<10000x128xf32, #tpu.memory_space<hbm>> -> memref<10000x128xf32, #tpu.memory_space<hbm>>
    tpu.enqueue_indirect_dma source(%dma_start3A_396 : memref<10000x128xf32, #tpu.memory_space<hbm>>) target(%arg8 : memref<100x128xf32, #tpu.memory_space<vmem>>) offsets(%dma_start3A_393 : memref<100xi32, #tpu.memory_space<vmem>>) semaphore(%arg12 : memref<!tpu.dma_semaphore, #tpu.memory_space<semaphore_mem>>)
    %dma_wait3A_397 = arith.constant 16 : i32
    %dma_wait3A_398 = arith.constant 0 : i32
    %dma_wait3A_399 = tpu.memref_slice %arg6[%dma_wait3A_397, %dma_wait3A_398] : memref<20x100xi32, #tpu.memory_space<vmem>> -> memref<1x100xi32, #tpu.memory_space<vmem>>
    %dma_wait3A_400 = tpu.memref_squeeze %dma_wait3A_399 : memref<1x100xi32, #tpu.memory_space<vmem>> -> memref<100xi32, #tpu.memory_space<vmem>>
    %dma_wait3A_401 = arith.constant 0 : i32
    %dma_wait3A_402 = arith.constant 0 : i32
    %dma_wait3A_403 = tpu.memref_slice %arg2[%dma_wait3A_401, %dma_wait3A_402] : memref<10000x128xf32, #tpu.memory_space<hbm>> -> memref<10000x128xf32, #tpu.memory_space<hbm>>
    tpu.wait_indirect_dma semaphore(%arg13 : memref<!tpu.dma_semaphore, #tpu.memory_space<semaphore_mem>>) src(%dma_wait3A_403 : memref<10000x128xf32, #tpu.memory_space<hbm>>) dst(%arg9 : memref<100x128xf32, #tpu.memory_space<vmem>>)
    %run_scoped3A_404 = arith.constant 16 : i32
    "tpu.region"() ({
      %run_scoped3A_442 = tpu.sem_alloc : memref<!tpu.dma_semaphore, #tpu.memory_space<semaphore_mem>>
      %dma_start3A_443 = arith.constant 0 : i32
      %dma_start3A_444 = tpu.memref_slice %arg7[%run_scoped3A_404, %dma_start3A_443] : memref<20x100xi32, #tpu.memory_space<vmem>> -> memref<1x100xi32, #tpu.memory_space<vmem>>
      %dma_start3A_445 = tpu.memref_squeeze %dma_start3A_444 : memref<1x100xi32, #tpu.memory_space<vmem>> -> memref<100xi32, #tpu.memory_space<vmem>>
      %dma_start3A_446 = arith.constant 0 : i32
      %dma_start3A_447 = arith.constant 0 : i32
      %dma_start3A_448 = tpu.memref_slice %arg11[%dma_start3A_446, %dma_start3A_447] : memref<10000x128xf32, #tpu.memory_space<vmem_shared>> -> memref<10000x128xf32, #tpu.memory_space<vmem_shared>>
      tpu.enqueue_indirect_dma source(%arg9 : memref<100x128xf32, #tpu.memory_space<vmem>>) target(%dma_start3A_448 : memref<10000x128xf32, #tpu.memory_space<vmem_shared>>) offsets(%dma_start3A_445 : memref<100xi32, #tpu.memory_space<vmem>>) semaphore(%run_scoped3A_442 : memref<!tpu.dma_semaphore, #tpu.memory_space<semaphore_mem>>) {add = true}
      %dma_wait3A_449 = arith.constant 0 : i32
      %dma_wait3A_450 = tpu.memref_slice %arg7[%run_scoped3A_404, %dma_wait3A_449] : memref<20x100xi32, #tpu.memory_space<vmem>> -> memref<1x100xi32, #tpu.memory_space<vmem>>
      %dma_wait3A_451 = tpu.memref_squeeze %dma_wait3A_450 : memref<1x100xi32, #tpu.memory_space<vmem>> -> memref<100xi32, #tpu.memory_space<vmem>>
      %dma_wait3A_452 = arith.constant 0 : i32
      %dma_wait3A_453 = arith.constant 0 : i32
      %dma_wait3A_454 = tpu.memref_slice %arg11[%dma_wait3A_452, %dma_wait3A_453] : memref<10000x128xf32, #tpu.memory_space<vmem_shared>> -> memref<10000x128xf32, #tpu.memory_space<vmem_shared>>
      tpu.wait_indirect_dma semaphore(%run_scoped3A_442 : memref<!tpu.dma_semaphore, #tpu.memory_space<semaphore_mem>>) src(%arg9 : memref<100x128xf32, #tpu.memory_space<vmem>>) dst(%dma_wait3A_454 : memref<10000x128xf32, #tpu.memory_space<vmem_shared>>)
      tpu.yield
    }) : () -> ()
    %dma_start3A_405 = arith.constant 19 : i32
    %dma_start3A_406 = arith.constant 0 : i32
    %dma_start3A_407 = tpu.memref_slice %arg6[%dma_start3A_405, %dma_start3A_406] : memref<20x100xi32, #tpu.memory_space<vmem>> -> memref<1x100xi32, #tpu.memory_space<vmem>>
    %dma_start3A_408 = tpu.memref_squeeze %dma_start3A_407 : memref<1x100xi32, #tpu.memory_space<vmem>> -> memref<100xi32, #tpu.memory_space<vmem>>
    %dma_start3A_409 = arith.constant 0 : i32
    %dma_start3A_410 = arith.constant 0 : i32
    %dma_start3A_411 = tpu.memref_slice %arg2[%dma_start3A_409, %dma_start3A_410] : memref<10000x128xf32, #tpu.memory_space<hbm>> -> memref<10000x128xf32, #tpu.memory_space<hbm>>
    tpu.enqueue_indirect_dma source(%dma_start3A_411 : memref<10000x128xf32, #tpu.memory_space<hbm>>) target(%arg9 : memref<100x128xf32, #tpu.memory_space<vmem>>) offsets(%dma_start3A_408 : memref<100xi32, #tpu.memory_space<vmem>>) semaphore(%arg13 : memref<!tpu.dma_semaphore, #tpu.memory_space<semaphore_mem>>)
    %dma_wait3A_412 = arith.constant 17 : i32
    %dma_wait3A_413 = arith.constant 0 : i32
    %dma_wait3A_414 = tpu.memref_slice %arg6[%dma_wait3A_412, %dma_wait3A_413] : memref<20x100xi32, #tpu.memory_space<vmem>> -> memref<1x100xi32, #tpu.memory_space<vmem>>
    %dma_wait3A_415 = tpu.memref_squeeze %dma_wait3A_414 : memref<1x100xi32, #tpu.memory_space<vmem>> -> memref<100xi32, #tpu.memory_space<vmem>>
    %dma_wait3A_416 = arith.constant 0 : i32
    %dma_wait3A_417 = arith.constant 0 : i32
    %dma_wait3A_418 = tpu.memref_slice %arg2[%dma_wait3A_416, %dma_wait3A_417] : memref<10000x128xf32, #tpu.memory_space<hbm>> -> memref<10000x128xf32, #tpu.memory_space<hbm>>
    tpu.wait_indirect_dma semaphore(%arg14 : memref<!tpu.dma_semaphore, #tpu.memory_space<semaphore_mem>>) src(%dma_wait3A_418 : memref<10000x128xf32, #tpu.memory_space<hbm>>) dst(%arg10 : memref<100x128xf32, #tpu.memory_space<vmem>>)
    %run_scoped3A_419 = arith.constant 17 : i32
    "tpu.region"() ({
      %run_scoped3A_442 = tpu.sem_alloc : memref<!tpu.dma_semaphore, #tpu.memory_space<semaphore_mem>>
      %dma_start3A_443 = arith.constant 0 : i32
      %dma_start3A_444 = tpu.memref_slice %arg7[%run_scoped3A_419, %dma_start3A_443] : memref<20x100xi32, #tpu.memory_space<vmem>> -> memref<1x100xi32, #tpu.memory_space<vmem>>
      %dma_start3A_445 = tpu.memref_squeeze %dma_start3A_444 : memref<1x100xi32, #tpu.memory_space<vmem>> -> memref<100xi32, #tpu.memory_space<vmem>>
      %dma_start3A_446 = arith.constant 0 : i32
      %dma_start3A_447 = arith.constant 0 : i32
      %dma_start3A_448 = tpu.memref_slice %arg11[%dma_start3A_446, %dma_start3A_447] : memref<10000x128xf32, #tpu.memory_space<vmem_shared>> -> memref<10000x128xf32, #tpu.memory_space<vmem_shared>>
      tpu.enqueue_indirect_dma source(%arg10 : memref<100x128xf32, #tpu.memory_space<vmem>>) target(%dma_start3A_448 : memref<10000x128xf32, #tpu.memory_space<vmem_shared>>) offsets(%dma_start3A_445 : memref<100xi32, #tpu.memory_space<vmem>>) semaphore(%run_scoped3A_442 : memref<!tpu.dma_semaphore, #tpu.memory_space<semaphore_mem>>) {add = true}
      %dma_wait3A_449 = arith.constant 0 : i32
      %dma_wait3A_450 = tpu.memref_slice %arg7[%run_scoped3A_419, %dma_wait3A_449] : memref<20x100xi32, #tpu.memory_space<vmem>> -> memref<1x100xi32, #tpu.memory_space<vmem>>
      %dma_wait3A_451 = tpu.memref_squeeze %dma_wait3A_450 : memref<1x100xi32, #tpu.memory_space<vmem>> -> memref<100xi32, #tpu.memory_space<vmem>>
      %dma_wait3A_452 = arith.constant 0 : i32
      %dma_wait3A_453 = arith.constant 0 : i32
      %dma_wait3A_454 = tpu.memref_slice %arg11[%dma_wait3A_452, %dma_wait3A_453] : memref<10000x128xf32, #tpu.memory_space<vmem_shared>> -> memref<10000x128xf32, #tpu.memory_space<vmem_shared>>
      tpu.wait_indirect_dma semaphore(%run_scoped3A_442 : memref<!tpu.dma_semaphore, #tpu.memory_space<semaphore_mem>>) src(%arg10 : memref<100x128xf32, #tpu.memory_space<vmem>>) dst(%dma_wait3A_454 : memref<10000x128xf32, #tpu.memory_space<vmem_shared>>)
      tpu.yield
    }) : () -> ()
    %dma_wait3A_420 = arith.constant 18 : i32
    %dma_wait3A_421 = arith.constant 0 : i32
    %dma_wait3A_422 = tpu.memref_slice %arg6[%dma_wait3A_420, %dma_wait3A_421] : memref<20x100xi32, #tpu.memory_space<vmem>> -> memref<1x100xi32, #tpu.memory_space<vmem>>
    %dma_wait3A_423 = tpu.memref_squeeze %dma_wait3A_422 : memref<1x100xi32, #tpu.memory_space<vmem>> -> memref<100xi32, #tpu.memory_space<vmem>>
    %dma_wait3A_424 = arith.constant 0 : i32
    %dma_wait3A_425 = arith.constant 0 : i32
    %dma_wait3A_426 = tpu.memref_slice %arg2[%dma_wait3A_424, %dma_wait3A_425] : memref<10000x128xf32, #tpu.memory_space<hbm>> -> memref<10000x128xf32, #tpu.memory_space<hbm>>
    tpu.wait_indirect_dma semaphore(%arg12 : memref<!tpu.dma_semaphore, #tpu.memory_space<semaphore_mem>>) src(%dma_wait3A_426 : memref<10000x128xf32, #tpu.memory_space<hbm>>) dst(%arg8 : memref<100x128xf32, #tpu.memory_space<vmem>>)
    %run_scoped3A_427 = arith.constant 18 : i32
    "tpu.region"() ({
      %run_scoped3A_442 = tpu.sem_alloc : memref<!tpu.dma_semaphore, #tpu.memory_space<semaphore_mem>>
      %dma_start3A_443 = arith.constant 0 : i32
      %dma_start3A_444 = tpu.memref_slice %arg7[%run_scoped3A_427, %dma_start3A_443] : memref<20x100xi32, #tpu.memory_space<vmem>> -> memref<1x100xi32, #tpu.memory_space<vmem>>
      %dma_start3A_445 = tpu.memref_squeeze %dma_start3A_444 : memref<1x100xi32, #tpu.memory_space<vmem>> -> memref<100xi32, #tpu.memory_space<vmem>>
      %dma_start3A_446 = arith.constant 0 : i32
      %dma_start3A_447 = arith.constant 0 : i32
      %dma_start3A_448 = tpu.memref_slice %arg11[%dma_start3A_446, %dma_start3A_447] : memref<10000x128xf32, #tpu.memory_space<vmem_shared>> -> memref<10000x128xf32, #tpu.memory_space<vmem_shared>>
      tpu.enqueue_indirect_dma source(%arg8 : memref<100x128xf32, #tpu.memory_space<vmem>>) target(%dma_start3A_448 : memref<10000x128xf32, #tpu.memory_space<vmem_shared>>) offsets(%dma_start3A_445 : memref<100xi32, #tpu.memory_space<vmem>>) semaphore(%run_scoped3A_442 : memref<!tpu.dma_semaphore, #tpu.memory_space<semaphore_mem>>) {add = true}
      %dma_wait3A_449 = arith.constant 0 : i32
      %dma_wait3A_450 = tpu.memref_slice %arg7[%run_scoped3A_427, %dma_wait3A_449] : memref<20x100xi32, #tpu.memory_space<vmem>> -> memref<1x100xi32, #tpu.memory_space<vmem>>
      %dma_wait3A_451 = tpu.memref_squeeze %dma_wait3A_450 : memref<1x100xi32, #tpu.memory_space<vmem>> -> memref<100xi32, #tpu.memory_space<vmem>>
      %dma_wait3A_452 = arith.constant 0 : i32
      %dma_wait3A_453 = arith.constant 0 : i32
      %dma_wait3A_454 = tpu.memref_slice %arg11[%dma_wait3A_452, %dma_wait3A_453] : memref<10000x128xf32, #tpu.memory_space<vmem_shared>> -> memref<10000x128xf32, #tpu.memory_space<vmem_shared>>
      tpu.wait_indirect_dma semaphore(%run_scoped3A_442 : memref<!tpu.dma_semaphore, #tpu.memory_space<semaphore_mem>>) src(%arg8 : memref<100x128xf32, #tpu.memory_space<vmem>>) dst(%dma_wait3A_454 : memref<10000x128xf32, #tpu.memory_space<vmem_shared>>)
      tpu.yield
    }) : () -> ()
    %dma_wait3A_428 = arith.constant 19 : i32
    %dma_wait3A_429 = arith.constant 0 : i32
    %dma_wait3A_430 = tpu.memref_slice %arg6[%dma_wait3A_428, %dma_wait3A_429] : memref<20x100xi32, #tpu.memory_space<vmem>> -> memref<1x100xi32, #tpu.memory_space<vmem>>
    %dma_wait3A_431 = tpu.memref_squeeze %dma_wait3A_430 : memref<1x100xi32, #tpu.memory_space<vmem>> -> memref<100xi32, #tpu.memory_space<vmem>>
    %dma_wait3A_432 = arith.constant 0 : i32
    %dma_wait3A_433 = arith.constant 0 : i32
    %dma_wait3A_434 = tpu.memref_slice %arg2[%dma_wait3A_432, %dma_wait3A_433] : memref<10000x128xf32, #tpu.memory_space<hbm>> -> memref<10000x128xf32, #tpu.memory_space<hbm>>
    tpu.wait_indirect_dma semaphore(%arg13 : memref<!tpu.dma_semaphore, #tpu.memory_space<semaphore_mem>>) src(%dma_wait3A_434 : memref<10000x128xf32, #tpu.memory_space<hbm>>) dst(%arg9 : memref<100x128xf32, #tpu.memory_space<vmem>>)
    %run_scoped3A_435 = arith.constant 19 : i32
    "tpu.region"() ({
      %run_scoped3A_442 = tpu.sem_alloc : memref<!tpu.dma_semaphore, #tpu.memory_space<semaphore_mem>>
      %dma_start3A_443 = arith.constant 0 : i32
      %dma_start3A_444 = tpu.memref_slice %arg7[%run_scoped3A_435, %dma_start3A_443] : memref<20x100xi32, #tpu.memory_space<vmem>> -> memref<1x100xi32, #tpu.memory_space<vmem>>
      %dma_start3A_445 = tpu.memref_squeeze %dma_start3A_444 : memref<1x100xi32, #tpu.memory_space<vmem>> -> memref<100xi32, #tpu.memory_space<vmem>>
      %dma_start3A_446 = arith.constant 0 : i32
      %dma_start3A_447 = arith.constant 0 : i32
      %dma_start3A_448 = tpu.memref_slice %arg11[%dma_start3A_446, %dma_start3A_447] : memref<10000x128xf32, #tpu.memory_space<vmem_shared>> -> memref<10000x128xf32, #tpu.memory_space<vmem_shared>>
      tpu.enqueue_indirect_dma source(%arg9 : memref<100x128xf32, #tpu.memory_space<vmem>>) target(%dma_start3A_448 : memref<10000x128xf32, #tpu.memory_space<vmem_shared>>) offsets(%dma_start3A_445 : memref<100xi32, #tpu.memory_space<vmem>>) semaphore(%run_scoped3A_442 : memref<!tpu.dma_semaphore, #tpu.memory_space<semaphore_mem>>) {add = true}
      %dma_wait3A_449 = arith.constant 0 : i32
      %dma_wait3A_450 = tpu.memref_slice %arg7[%run_scoped3A_435, %dma_wait3A_449] : memref<20x100xi32, #tpu.memory_space<vmem>> -> memref<1x100xi32, #tpu.memory_space<vmem>>
      %dma_wait3A_451 = tpu.memref_squeeze %dma_wait3A_450 : memref<1x100xi32, #tpu.memory_space<vmem>> -> memref<100xi32, #tpu.memory_space<vmem>>
      %dma_wait3A_452 = arith.constant 0 : i32
      %dma_wait3A_453 = arith.constant 0 : i32
      %dma_wait3A_454 = tpu.memref_slice %arg11[%dma_wait3A_452, %dma_wait3A_453] : memref<10000x128xf32, #tpu.memory_space<vmem_shared>> -> memref<10000x128xf32, #tpu.memory_space<vmem_shared>>
      tpu.wait_indirect_dma semaphore(%run_scoped3A_442 : memref<!tpu.dma_semaphore, #tpu.memory_space<semaphore_mem>>) src(%arg9 : memref<100x128xf32, #tpu.memory_space<vmem>>) dst(%dma_wait3A_454 : memref<10000x128xf32, #tpu.memory_space<vmem_shared>>)
      tpu.yield
    }) : () -> ()
    %barrier3A_436 = arith.constant 0 : index
    tpu.barrier barrier_id(%barrier3A_436)
    %lt3A_437 = arith.constant 10 : i32
    %lt3A_438 = arith.cmpi slt, %arg1, %lt3A_437 : i32
    %convert_element_type3A_439 = arith.extui %lt3A_438 : i1 to i32
    %cond3A_440 = arith.constant 0 : i32
    %cond3A_441 = arith.cmpi ne, %convert_element_type3A_439, %cond3A_440 : i32
    scf.if %cond3A_441 {
      %mul3A_442 = arith.constant 1000 : i32
      %mul3A_443 = arith.muli %arg1, %mul3A_442 : i32
      %mul3A_444 = arith.constant 1000 : i32
      %mul3A_445 = arith.muli %arg1, %mul3A_444 : i32
      "tpu.region"() ({
        %run_scoped3A_446 = tpu.sem_alloc : memref<!tpu.dma_semaphore, #tpu.memory_space<semaphore_mem>>
        %dma_start3A_447 = arith.constant 0 : i32
        %dma_start3A_448 = tpu.memref_slice %arg5[%arg0, %mul3A_445, %dma_start3A_447] : memref<2x10000x128xf32, #tpu.memory_space<hbm>> -> memref<1x1000x128xf32, #tpu.memory_space<hbm>>
        %dma_start3A_449 = tpu.memref_squeeze %dma_start3A_448 : memref<1x1000x128xf32, #tpu.memory_space<hbm>> -> memref<1000x128xf32, #tpu.memory_space<hbm>>
        %dma_start3A_450 = arith.constant 0 : i32
        %dma_start3A_451 = tpu.memref_slice %arg11[%mul3A_443, %dma_start3A_450] : memref<10000x128xf32, #tpu.memory_space<vmem_shared>> -> memref<1000x128xf32, #tpu.memory_space<vmem_shared>>
        tpu.enqueue_dma source(%dma_start3A_451 : memref<1000x128xf32, #tpu.memory_space<vmem_shared>>) target(%dma_start3A_449 : memref<1000x128xf32, #tpu.memory_space<hbm>>) target_semaphore(%run_scoped3A_446 : memref<!tpu.dma_semaphore, #tpu.memory_space<semaphore_mem>>)
        %dma_wait3A_452 = arith.constant 0 : i32
        %dma_wait3A_453 = tpu.memref_slice %arg5[%arg0, %mul3A_445, %dma_wait3A_452] : memref<2x10000x128xf32, #tpu.memory_space<hbm>> -> memref<1x1000x128xf32, #tpu.memory_space<hbm>>
        %dma_wait3A_454 = tpu.memref_squeeze %dma_wait3A_453 : memref<1x1000x128xf32, #tpu.memory_space<hbm>> -> memref<1000x128xf32, #tpu.memory_space<hbm>>
        %dma_wait3A_455 = arith.constant 0 : i32
        %dma_wait3A_456 = tpu.memref_slice %arg11[%mul3A_443, %dma_wait3A_455] : memref<10000x128xf32, #tpu.memory_space<vmem_shared>> -> memref<1000x128xf32, #tpu.memory_space<vmem_shared>>
        tpu.wait_dma2 semaphore(%run_scoped3A_446 : memref<!tpu.dma_semaphore, #tpu.memory_space<semaphore_mem>>) src(%dma_wait3A_456 : memref<1000x128xf32, #tpu.memory_space<vmem_shared>>) dst(%dma_wait3A_454 : memref<1000x128xf32, #tpu.memory_space<hbm>>)
        tpu.yield
      }) : () -> ()
    } else {
    }
    return
  }
}

module attributes {stable_mosaic.version = 14 : i64} {
  func.func @body(%arg0: i32, %arg1: memref<1000x128xf32, #tpu.memory_space<vmem>>, %arg2: memref<128x128xf32, #tpu.memory_space<vmem>>, %arg3: memref<2x1000x16xf32, #tpu.memory_space<vmem>>, %arg4: memref<1000x128xf32, #tpu.memory_space<vmem>>) attributes {dimension_semantics = [#tpu.dimension_semantics<arbitrary>], iteration_bounds = array<i64: 10>, scalar_prefetch = 0 : i64, scratch_operands = 0 : i64, tpu.core_type = #tpu.core_type<tc>, window_params = [{transform_indices = @transform_0, window_bounds = array<i64: 1000, 128>}, {pipeline_mode = #tpu.pipeline_mode<synchronous>, transform_indices = @transform_1, window_bounds = array<i64: 128, 128>}, {transform_indices = @transform_2, window_bounds = array<i64: 2, 1000, 16>}, {transform_indices = @transform_3, window_bounds = array<i64: 1000, 128>}]} {
    %get3A = arith.constant 0 : index
    %get3A_0 = arith.constant 0 : index
    %get3A_1 = arith.constant 0 : index
    %get3A_2 = vector.load %arg3[%get3A, %get3A_0, %get3A_1] : memref<2x1000x16xf32, #tpu.memory_space<vmem>>, vector<1x1000x1xf32>
    %get3A_3 = vector.shape_cast %get3A_2 : vector<1x1000x1xf32> to vector<1000x1xf32>
    %get3A_4 = arith.constant 1 : index
    %get3A_5 = arith.constant 0 : index
    %get3A_6 = arith.constant 0 : index
    %get3A_7 = vector.load %arg3[%get3A_4, %get3A_5, %get3A_6] : memref<2x1000x16xf32, #tpu.memory_space<vmem>>, vector<1x1000x1xf32>
    %get3A_8 = vector.shape_cast %get3A_7 : vector<1x1000x1xf32> to vector<1000x1xf32>
    %add3A = arith.addf %get3A_3, %get3A_8 : vector<1000x1xf32>
    %add3A_9 = arith.constant 1.000000e+00 : f32
    %add3A_10 = vector.broadcast %add3A_9 : f32 to vector<1000x1xf32>
    %add3A_11 = arith.addf %add3A, %add3A_10 : vector<1000x1xf32>
    %rsqrt3A = math.rsqrt %add3A_11 : vector<1000x1xf32>
    %get3A_12 = arith.constant 0 : index
    %get3A_13 = arith.constant 0 : index
    %get3A_14 = vector.load %arg1[%get3A_12, %get3A_13] : memref<1000x128xf32, #tpu.memory_space<vmem>>, vector<1000x128xf32>
    %get3A_15 = arith.constant 0 : index
    %get3A_16 = arith.constant 0 : index
    %get3A_17 = vector.load %arg2[%get3A_15, %get3A_16] : memref<128x128xf32, #tpu.memory_space<vmem>>, vector<128x128xf32>
    %dot_general3A = arith.constant dense<0.000000e+00> : vector<1000x128xf32>
    %dot_general3A_18 = tpu.matmul %get3A_14, %get3A_17, %dot_general3A {dimension_numbers = #tpu.dot_dimension_numbers<[1], [0], [0], [1], [0, 0, 1, 1], [], []>, transpose_lhs_hint = false} : vector<1000x128xf32>, vector<128x128xf32>, vector<1000x128xf32> -> vector<1000x128xf32>
    %mul3A = vector.broadcast %rsqrt3A : vector<1000x1xf32> to vector<1000x128xf32>
    %mul3A_19 = arith.mulf %dot_general3A_18, %mul3A : vector<1000x128xf32>
    %swap3A = arith.constant 0 : index
    %swap3A_20 = arith.constant 0 : index
    %swap3A_21 = vector.load %arg4[%swap3A, %swap3A_20] : memref<1000x128xf32, #tpu.memory_space<vmem>>, vector<1000x128xf32>
    tpu.vector_store %arg4[%swap3A, %swap3A_20], %mul3A_19 {strides = array<i32>} : memref<1000x128xf32, #tpu.memory_space<vmem>>, vector<1000x128xf32>,
    return
  }
  func.func @transform_0(%arg0: i32) -> (i32, i32) {
    %c0_i32 = arith.constant 0 : i32
    %c0_i32_0 = arith.constant 0 : i32
    return %arg0, %c0_i32 : i32, i32
  }
  func.func @transform_1(%arg0: i32) -> (i32, i32) {
    %c0_i32 = arith.constant 0 : i32
    %c0_i32_0 = arith.constant 0 : i32
    %c0_i32_1 = arith.constant 0 : i32
    return %c0_i32, %c0_i32_0 : i32, i32
  }
  func.func @transform_2(%arg0: i32) -> (i32, i32, i32) {
    %c0_i32 = arith.constant 0 : i32
    %c0_i32_0 = arith.constant 0 : i32
    %c0_i32_1 = arith.constant 0 : i32
    return %c0_i32, %arg0, %c0_i32_0 : i32, i32, i32
  }
  func.func @transform_3(%arg0: i32) -> (i32, i32) {
    %c0_i32 = arith.constant 0 : i32
    %c0_i32_0 = arith.constant 0 : i32
    return %arg0, %c0_i32 : i32, i32
  }
}

module attributes {stable_mosaic.version = 14 : i64} {
  func.func @body(%arg0: i32, %arg1: memref<2x1000x128xf32, #tpu.memory_space<vmem>>, %arg2: memref<1000x128xf32, #tpu.memory_space<vmem>>, %arg3: memref<2x1000x16xf32, #tpu.memory_space<vmem>>, %arg4: memref<1x128xf32, #tpu.memory_space<vmem>>, %arg5: memref<1000x128xf32, #tpu.memory_space<vmem>>) attributes {dimension_semantics = [#tpu.dimension_semantics<arbitrary>], iteration_bounds = array<i64: 10>, scalar_prefetch = 0 : i64, scratch_operands = 0 : i64, tpu.core_type = #tpu.core_type<tc>, window_params = [{transform_indices = @transform_0, window_bounds = array<i64: 2, 1000, 128>}, {transform_indices = @transform_1, window_bounds = array<i64: 1000, 128>}, {transform_indices = @transform_2, window_bounds = array<i64: 2, 1000, 16>}, {pipeline_mode = #tpu.pipeline_mode<synchronous>, transform_indices = @transform_3, window_bounds = array<i64: 1, 128>}, {transform_indices = @transform_4, window_bounds = array<i64: 1000, 128>}]} {
    %get3A = arith.constant 0 : index
    %get3A_0 = arith.constant 0 : index
    %get3A_1 = arith.constant 0 : index
    %get3A_2 = vector.load %arg3[%get3A, %get3A_0, %get3A_1] : memref<2x1000x16xf32, #tpu.memory_space<vmem>>, vector<1x1000x1xf32>
    %get3A_3 = vector.shape_cast %get3A_2 : vector<1x1000x1xf32> to vector<1000x1xf32>
    %get3A_4 = arith.constant 1 : index
    %get3A_5 = arith.constant 0 : index
    %get3A_6 = arith.constant 0 : index
    %get3A_7 = vector.load %arg3[%get3A_4, %get3A_5, %get3A_6] : memref<2x1000x16xf32, #tpu.memory_space<vmem>>, vector<1x1000x1xf32>
    %get3A_8 = vector.shape_cast %get3A_7 : vector<1x1000x1xf32> to vector<1000x1xf32>
    %add3A = arith.addf %get3A_3, %get3A_8 : vector<1000x1xf32>
    %add3A_9 = arith.constant 1.000000e+00 : f32
    %add3A_10 = vector.broadcast %add3A_9 : f32 to vector<1000x1xf32>
    %add3A_11 = arith.addf %add3A, %add3A_10 : vector<1000x1xf32>
    %rsqrt3A = math.rsqrt %add3A_11 : vector<1000x1xf32>
    %get3A_12 = arith.constant 0 : index
    %get3A_13 = arith.constant 0 : index
    %get3A_14 = arith.constant 0 : index
    %get3A_15 = vector.load %arg1[%get3A_12, %get3A_13, %get3A_14] : memref<2x1000x128xf32, #tpu.memory_space<vmem>>, vector<1x1000x128xf32>
    %get3A_16 = vector.shape_cast %get3A_15 : vector<1x1000x128xf32> to vector<1000x128xf32>
    %get3A_17 = arith.constant 1 : index
    %get3A_18 = arith.constant 0 : index
    %get3A_19 = arith.constant 0 : index
    %get3A_20 = vector.load %arg1[%get3A_17, %get3A_18, %get3A_19] : memref<2x1000x128xf32, #tpu.memory_space<vmem>>, vector<1x1000x128xf32>
    %get3A_21 = vector.shape_cast %get3A_20 : vector<1x1000x128xf32> to vector<1000x128xf32>
    %add3A_22 = arith.addf %get3A_16, %get3A_21 : vector<1000x128xf32>
    %get3A_23 = arith.constant 0 : index
    %get3A_24 = arith.constant 0 : index
    %get3A_25 = vector.load %arg2[%get3A_23, %get3A_24] : memref<1000x128xf32, #tpu.memory_space<vmem>>, vector<1000x128xf32>
    %add3A_26 = arith.addf %add3A_22, %get3A_25 : vector<1000x128xf32>
    %mul3A = vector.broadcast %rsqrt3A : vector<1000x1xf32> to vector<1000x128xf32>
    %mul3A_27 = arith.mulf %add3A_26, %mul3A : vector<1000x128xf32>
    %get3A_28 = arith.constant 0 : index
    %get3A_29 = arith.constant 0 : index
    %get3A_30 = vector.load %arg4[%get3A_28, %get3A_29] : memref<1x128xf32, #tpu.memory_space<vmem>>, vector<1x128xf32>
    %add3A_31 = vector.broadcast %get3A_30 : vector<1x128xf32> to vector<1000x128xf32>
    %add3A_32 = arith.addf %mul3A_27, %add3A_31 : vector<1000x128xf32>
    %neg3A = arith.constant 0.000000e+00 : f32
    %neg3A_33 = vector.broadcast %neg3A : f32 to vector<1000x128xf32>
    %neg3A_34 = arith.subf %neg3A_33, %add3A_32 : vector<1000x128xf32>
    %exp3A = math.exp %neg3A_34 : vector<1000x128xf32>
    %add3A_35 = arith.constant 1.000000e+00 : f32
    %add3A_36 = vector.broadcast %add3A_35 : f32 to vector<1000x128xf32>
    %add3A_37 = arith.addf %add3A_36, %exp3A : vector<1000x128xf32>
    %div3A = arith.constant 1.000000e+00 : f32
    %div3A_38 = vector.broadcast %div3A : f32 to vector<1000x128xf32>
    %div3A_39 = arith.divf %div3A_38, %add3A_37 : vector<1000x128xf32>
    %swap3A = arith.constant 0 : index
    %swap3A_40 = arith.constant 0 : index
    %swap3A_41 = vector.load %arg5[%swap3A, %swap3A_40] : memref<1000x128xf32, #tpu.memory_space<vmem>>, vector<1000x128xf32>
    tpu.vector_store %arg5[%swap3A, %swap3A_40], %div3A_39 {strides = array<i32>} : memref<1000x128xf32, #tpu.memory_space<vmem>>, vector<1000x128xf32>,
    return
  }
  func.func @transform_0(%arg0: i32) -> (i32, i32, i32) {
    %c0_i32 = arith.constant 0 : i32
    %c0_i32_0 = arith.constant 0 : i32
    %c0_i32_1 = arith.constant 0 : i32
    return %c0_i32, %arg0, %c0_i32_0 : i32, i32, i32
  }
  func.func @transform_1(%arg0: i32) -> (i32, i32) {
    %c0_i32 = arith.constant 0 : i32
    %c0_i32_0 = arith.constant 0 : i32
    return %arg0, %c0_i32 : i32, i32
  }
  func.func @transform_2(%arg0: i32) -> (i32, i32, i32) {
    %c0_i32 = arith.constant 0 : i32
    %c0_i32_0 = arith.constant 0 : i32
    %c0_i32_1 = arith.constant 0 : i32
    return %c0_i32, %arg0, %c0_i32_0 : i32, i32, i32
  }
  func.func @transform_3(%arg0: i32) -> (i32, i32) {
    %c0_i32 = arith.constant 0 : i32
    %c0_i32_0 = arith.constant 0 : i32
    %c0_i32_1 = arith.constant 0 : i32
    return %c0_i32, %c0_i32_0 : i32, i32
  }
  func.func @transform_4(%arg0: i32) -> (i32, i32) {
    %c0_i32 = arith.constant 0 : i32
    %c0_i32_0 = arith.constant 0 : i32
    return %arg0, %c0_i32 : i32, i32
  }
}

</mosaic_0001>

<sc_bundles>
// kernel: kernel.5.cloned.1.call-start
scs
__scs_entry_jumppad:
0x0: {  	(pc) =	sbr.rel $0x88, $3  }
0x1: {  	(tag) =	ssettag $0x0;
	lr =	simm.s32 $0x1  }
0x2: {  	[smem:$0x3F9D] =	sst lr;
	_ =	strace $0xD0000000  }
0x3: {  	_ = 	snop  }
0x4: {  	_ = 	snop  }
0x5: {  	_ = 	snop  }
0x6: {  	_ = 	snop  }
0x7: {  	_ = 	snop  }
__scs_overlays_trampoline_lowered:
0x8: {  	[smem:$0x3FAC] =	sst s0  }
0x9: {  	[smem:$0x3FAD] =	sst s1  }
0xa: {  	[smem:$0x3FAE] =	sst s2  }
0xb: {  	[smem:$0x3FAF] =	sst s3  }
0xc: {  	[smem:$0x3FB0] =	sst s4  }
0xd: {  	[smem:$0x3FB1] =	sst s5  }
0xe: {  	[smem:$0x3FB2] =	sst s6  }
0xf: {  	[smem:$0x3FB3] =	sst s7  }
0x10: {  	[smem:$0x3FB4] =	sst s8  }
0x11: {  	[smem:$0x3FB5] =	sst s9;
	s0 =	simm.s32 @!p0 $0x0  }
0x12: {  	s1 =	sld [smem:$0x3F9B];
	s0 =	simm.s32 @p0 $0x1  }
0x13: {  	[smem:$0x3FB6] =	sst s0;
	s0 =	simm.s32 @!p1 $0x0  }
0x14: {  	s2 =	sld [smem:$0x3F9A];
	s0 =	simm.s32 @p1 $0x1  }
0x15: {  	[smem:$0x3FB7] =	sst s0;
	s0 =	simm.s32 @!p2 $0x0  }
0x16: {  	s3 =	sld [smem:$0x3FDB];
	s0 =	simm.s32 @p2 $0x1  }
0x17: {  	s4 =	simm.s32 $0x1BF5;
	[smem:$0x3FB9] =	sst s0  }
0x18: {  	s0 =	sld [smem:$0x3F9C];
	_ =	swait.ge [sflag:s4], $0x0  }
0x19: {  	s7 =	sld [smem:$0x3F9D]  }
0x1a: {  	s8 =	sadd.s32 $0xFFFFE003, lr  }
0x1b: {  	s9 =	sadd.s32 $0xFFFFFEF7, lr;
	s5 =	simm.s32 $0xFFFFFFFF;
	p2 =	slt.u32 s8, $0xFFFFF086  }
0x1c: {  	p1 =	slt.u32 s9, $0xF7A;
	s5 =	simm.s32 @!p2 $0x0  }
0x1d: {  	s5 =	simm.s32 @p1 $0x1;
	p0 =	seq.s32 s7, s2  }
0x1e: {  	s7 =	smul.u32 @!p0 $0xF7A, s2;
	p2 =	seq.s32 @!p0 s5, $0x0  }
0x1f: {  	s9 =	smul.u32 $0xF7A, s1;
	s8 =	simm.s32 @!p0 $0x1BF5;
	p2 =	por !p2, p0  }
0x20: {  	[sflag:s8] =	ssyncset.s32 @!p0 $0xFFFFF086;
	s6 =	sadd.s32 @!p0 s3, s7;
	s7 =	simm.s32 @!p0 $0x108  }
0x21: {  	s3 =	sadd.s32 s3, s9;
	s6 =	sadd.s32 @!p0 $0x88, s6;
	s7 =	simm.s32 @p2 $0x1082  }
0x22: {  	[simem:s7], [sflag:s8] =	dma.local @!p0 [hbm:s6], $0xF7A  }
0x23: {  	s9 =	sor.u32 $0xD0000000, s2;
	s6 =	simm.s32 $0x108;
	_ =	swait.ge @!p0 [sflag:s8], $0x0  }
0x24: {  	s3 =	sadd.s32 $0x88, s3;
	s6 =	simm.s32 @!p1 $0x1082;
	[sflag:s4] =	ssyncset.s32 $0xFFFFF086  }
0x25: {  	[simem:s6], [sflag:s4] =	dma.local [hbm:s3], $0xF7A  }
0x26: {  	[smem:$0x3F9D] =	sst s1;
	(tag) =	ssettag s2;
	_ =	strace s9  }
0x27: {  	s1 =	sld [smem:$0x3FAD]  }
0x28: {  	s2 =	sld [smem:$0x3FAE]  }
0x29: {  	s4 =	sld [smem:$0x3FB0]  }
0x2a: {  	p0 =	seq.s32 s5, $0x0;
	s5 =	sld [smem:$0x3FB1]  }
0x2b: {  	s6 =	sld [smem:$0x3FB2]  }
0x2c: {  	s7 =	sld [smem:$0x3FB3]  }
0x2d: {  	s3 =	simm.s32 $0x108;
	s8 =	sld [smem:$0x3FB4]  }
0x2e: {  	s3 =	simm.s32 @!p0 $0x1082;
	s9 =	sld [smem:$0x3FB5]  }
0x2f: {  	lr =	sadd.s32 s0, s3;
	s0 =	sld [smem:$0x3FAC]  }
0x30: {  	s3 =	sld [smem:$0x3FAF]  }
0x31: {  	[smem:$0x3FB8] =	sst s10  }
0x32: {  	s10 =	sld [smem:$0x3FB6];
	_ =	sdelay $0x3  }
0x33: {  	p0 =	seq.s32 s10, $0x1;
	s10 =	sld [smem:$0x3FB8];
	_ =	sdelay $0x3  }
0x34: {  	[smem:$0x3FB8] =	sst s10  }
0x35: {  	s10 =	sld [smem:$0x3FB7];
	_ =	sdelay $0x3  }
0x36: {  	p1 =	seq.s32 s10, $0x1;
	s10 =	sld [smem:$0x3FB8];
	_ =	sdelay $0x3  }
0x37: {  	[smem:$0x3FB8] =	sst s10  }
0x38: {  	s10 =	sld [smem:$0x3FB9]  }
0x39: {  	_ = 	snop;
	(pc) =	sbr.ind lr, $3  }
0x3a: {  	_ = 	snop  }
0x3b: {  	_ = 	snop  }
0x3c: {  	p2 =	seq.s32 s10, $0x1;
	s10 =	sld [smem:$0x3FB8]  }
0x3d: {  	_ =	shalt  }
0x3e: {  	_ =	shalt  }
0x3f: {  	_ =	shalt  }
0x40: {  	_ =	shalt  }
0x41: {  	_ =	shalt  }
0x42: {  	_ =	shalt  }
0x43: {  	_ =	shalt  }
0x44: {  	_ =	shalt  }
0x45: {  	_ =	shalt  }
0x46: {  	_ =	shalt  }
0x47: {  	_ =	shalt  }
0x48: {  	_ =	shalt  }
0x49: {  	_ =	shalt  }
0x4a: {  	_ =	shalt  }
0x4b: {  	_ =	shalt  }
0x4c: {  	_ =	shalt  }
0x4d: {  	_ =	shalt  }
0x4e: {  	_ =	shalt  }
0x4f: {  	_ =	shalt  }
0x50: {  	_ =	shalt  }
0x51: {  	_ =	shalt  }
0x52: {  	_ =	shalt  }
0x53: {  	_ =	shalt  }
0x54: {  	_ =	shalt  }
0x55: {  	_ =	shalt  }
0x56: {  	_ =	shalt  }
0x57: {  	_ =	shalt  }
0x58: {  	_ =	shalt  }
0x59: {  	_ =	shalt  }
0x5a: {  	_ =	shalt  }
0x5b: {  	_ =	shalt  }
0x5c: {  	_ =	shalt  }
0x5d: {  	_ =	shalt  }
0x5e: {  	_ =	shalt  }
0x5f: {  	_ =	shalt  }
0x60: {  	_ =	shalt  }
0x61: {  	_ =	shalt  }
0x62: {  	_ =	shalt  }
0x63: {  	_ =	shalt  }
0x64: {  	_ =	shalt  }
0x65: {  	_ =	shalt  }
0x66: {  	_ =	shalt  }
0x67: {  	_ =	shalt  }
0x68: {  	_ =	shalt  }
0x69: {  	_ =	shalt  }
0x6a: {  	_ =	shalt  }
0x6b: {  	_ =	shalt  }
0x6c: {  	_ =	shalt  }
0x6d: {  	_ =	shalt  }
0x6e: {  	_ =	shalt  }
0x6f: {  	_ =	shalt  }
0x70: {  	_ =	shalt  }
0x71: {  	_ =	shalt  }
0x72: {  	_ =	shalt  }
0x73: {  	_ =	shalt  }
0x74: {  	_ =	shalt  }
0x75: {  	_ =	shalt  }
0x76: {  	_ =	shalt  }
0x77: {  	_ =	shalt  }
0x78: {  	_ =	shalt  }
0x79: {  	_ =	shalt  }
0x7a: {  	_ =	shalt  }
0x7b: {  	_ =	shalt  }
0x7c: {  	_ =	shalt  }
0x7d: {  	_ =	shalt  }
0x7e: {  	_ =	shalt  }
0x7f: {  	_ =	shalt  }
0x80: {  	_ =	shalt  }
0x81: {  	_ =	shalt  }
0x82: {  	_ =	shalt  }
0x83: {  	_ =	shalt  }
0x84: {  	_ =	shalt  }
0x85: {  	_ =	shalt  }
0x86: {  	_ =	shalt  }
0x87: {  	_ =	shalt  }
.Lfunc_end0:
.L_simem_size_0:
called_computation.1_lowered:
.L_overlay_start_0:
0x88: {  	s2 =	sld [smem:$0x3FD9]  }
0x89: {  	s3 =	sld [smem:$0x3FFE];
	_ =	sdelay $0x1  }
0x8a: {  	s1 =	srdreg.scid  }
0x8b: {  	s0 =	sand.u32 $0x1, s1  }
0x8c: {  	s17 =	sshll.u32 s0, $0xA;
	s2 =	sadd.s32 s3, s2  }
0x8d: {  	s2 =	sadd.s32 s2, s17  }
0x8e: {  	[smem:$0x3FC4] =	sst s2  }
0x8f: {  	_ = 	snop  }
0x90: {  	s2 =	sld [smem:$0x3FD0];
	(tm) =	ssettm $0x1  }
0x91: {  	s18 =	sld [smem:$0x3FFB];
	_ =	sdelay $0x3  }
0x92: {  	_ =	strace s18  }
0x93: {  	s3 =	sld [smem:$0x3FFC];
	_ =	sdelay $0x3  }
0x94: {  	_ =	strace s3  }
0x95: {  	s3 =	sld [smem:$0x3FFD];
	_ =	sdelay $0x3  }
0x96: {  	_ =	strace s3  }
0x97: {  	_ =	strace $0x8FFFFFFF  }
0x98: {  	s19 =	sld [smem:$0x3FDB];
	_ =	sdelay $0x1  }
0x99: {  	s4 =	simm.s32 $_scs_section_size  }
0x9a: {  	s5 =	simm.s32 $_size__tile_overlayer_lowered;
	s6 =	simm.s32 $_tile_overlayer_lowered  }
0x9b: {  	s22 =	simm.s32 $0x1BFF;
	s21 =	sshll.u32 s6, $0x1;
	s3 =	sadd.s32 s4, s19  }
0x9c: {  	s7 =	simm.s32 $0x0;
	s20 =	sshll.u32 s5, $0x1;
	s5 =	sadd.s32 s21, s3  }
0x9d: {  	[timem:s7], [sflag:s22] =	dma.local [hbm:s5], s20  }
0x9e: {  	_ =	swait.ge [sflag:s22], s20  }
0x9f: {  	s4 =	ssub.s32 $0x0, s20;
	[sflag:s22] =	ssyncset.done $0x0  }
0xa0: {  	[sflag:s22] =	ssyncadd.s32 s4;
	_ =	sdelay $0x1  }
0xa1: {  	s23 =	simm.s32 $0x1B8B  }
0xa2: {  	_ =	swait.ge [sflag:s23], $0x1  }
0xa3: {  	[sflag:s23] =	ssyncset.done $0x0  }
0xa4: {  	s25 =	simm.s32 $0x1B8E;
	s24 =	sld [smem:$0x3FFE];
	[sflag:s23] =	ssyncadd.s32 $0xFFFFFFFF  }
0xa5: {  	s26 =	simm.s32 $execute0_lowered;
	[smem:$0x3FD2] =	sst s25  }
0xa6: {  	s5 =	sshll.u32 s26, $0x1;
	_ =	strace $0x80000049;
	[dreg:$0x1] =	wrdreg $0xFFFFFFFF  }
0xa7: {  	s28 =	simm.s32 $_size_execute0_lowered;
	s3 =	sadd.s32 s3, s5;
	[dreg:$0x0] =	wrdreg $0x0  }
0xa8: {  	s5 =	sshll.u32 s28, $0x1;
	[dreg:$0x2] =	wrdreg s3  }
0xa9: {  	[dreg:$0x3] =	wrdreg s5  }
0xaa: {  	[dreg:$0x4] =	wrdreg $0xC0  }
0xab: {  	_ =	task [dreg:s7], $0x5FFFF  }
0xac: {  	[dreg:$0x1] =	wrdreg $0xFFFFFFFF  }
0xad: {  	[dreg:$0x0] =	wrdreg $0x60  }
0xae: {  	[dreg:$0x2] =	wrdreg s2  }
0xaf: {  	[dreg:$0x3] =	wrdreg s24  }
0xb0: {  	[dreg:$0x4] =	wrdreg $0xB4000  }
0xb1: {  	[dreg:$0x5] =	wrdreg $0x9  }
0xb2: {  	_ =	task.clear_ibuf [dreg:s7], $0x6FFFF;
	_ =	strace $0x90000049  }
0xb3: {  	s29 =	simm.s32 $0x9;
	_ =	strace $0x8000004B  }
0xb4: {  	_ =	swait.ge [sflag:s29], $0x1  }
0xb5: {  	[sflag:s29] =	ssyncadd.s32 $0xFFFFFFFF  }
0xb6: {  	_ =	strace $0x9000004B  }
0xb7: {  	_ =	sfence  }
0xb8: {  	s30 =	sld [smem:$0x0];
	_ =	sdelay $0x2  }
0xb9: {  	s31 =	sshll.u32 s1, $0xD;
	s1 =	sshrl.u32 s1, $0x2  }
0xba: {  	s3 =	sand.u32 $0x4000, s31;
	s1 =	sadd.s32 s1, s30  }
0xbb: {  	s0 =	sor.u32 s3, s0;
	s1 =	sshll.u32 s1, $0x11  }
0xbc: {  	s0 =	sor.u32 s1, s0  }
0xbd: {  	s0 =	sadd.s32 $0x8F2B, s0  }
0xbe: {  	[sflag:s0] =	ssyncadd.remote.s32 $0x1  }
0xbf: {  	_ =	sfence.sel $0xFFFF  }
0xc0: {  	[dreg:$0x0] =	wrdreg $0xFFFFFFFF;
	(pc) =	sbr.abs _section_cstart, $3  }
0xc1: {  	[dreg:$0x1] =	wrdreg $0xFFFFFFFF  }
0xc2: {  	_ =	task.clear_ibuf [dreg:s7], $0x2FFFF;
	_ =	strace $0x9FFFFFFF  }
0xc3: {  	(tm) =	ssettm $0x7FFFFFFF  }
tec
execute0_lowered:
.L_overlay_start_1:
0x0: {  	(tag) =	ssettag $0x1  }
0x1: {  	s1 =	rddreg [dreg:$0x0];
	s10 =	stileid.u32  }
0x2: {  	s0 =	srdreg.scid;
	s6 =	smul.u32 $0x1F400, s10  }
0x3: {  	s2 =	rddreg [dreg:$0x1];
	s0 =	sand.u32 $0x1, s0;
	s24 =	smul.u32 $0x7D000, s10  }
0x4: {  	s3 =	rddreg [dreg:$0x2];
	s4 =	simm.s32 $0x0;
	s5 =	smul.u32 $0x138800, s0  }
0x5: {  	s28 =	simm.s32 $0x4;
	s30 =	simm.s32 $0x64;
	s31 =	simm.s32 $0x1800  }
0x6: {  	[smem:$0x7FF] =	sst s4;
	s5 =	sadd.s32 s6, s5;
	s6 =	sshrl.u32 s24, $0x2  }
0x7: {  	s7 =	sadd.s32 $0x23600, s2;
	s8 =	sadd.s32 $0xA200, s2;
	s11 =	sadd.s32 s6, s3  }
0x8: {  	_ =	strace $0x8000004A;
	s6 =	sadd.s32 $0x3200, s11;
	[dreg:$0x4] =	wrdreg s11  }
0x9: {  	p0 =	sgt.u32 s10, $0x9;
	s29 =	sadd.s32 $0x6400, s11;
	[dreg:$0x5] =	wrdreg s6  }
0xa: {  	s25 =	ssub.s32 $0x2, s0;
	s4 =	sadd.s32 $0x9600, s11;
	[dreg:$0x6] =	wrdreg s29  }
0xb: {  	s0 =	sshll.u32 s0, $0x4;
	s12 =	sadd.s32 $0xC800, s11;
	[dreg:$0x7] =	wrdreg s4  }
0xc: {  	s0 =	sor.u32 s10, s0;
	s13 =	sadd.s32 $0xFA00, s11;
	[dreg:$0x8] =	wrdreg s12  }
0xd: {  	s26 =	smul.u32 $0x780, s0;
	s14 =	sadd.s32 $0x12C00, s11;
	[dreg:$0x9] =	wrdreg s13  }
0xe: {  	s9 =	sshrl.u32 s25, $0x1;
	s15 =	sadd.s32 $0x15E00, s11;
	[dreg:$0xa] =	wrdreg s14  }
0xf: {  	s0 =	smul.u32 $0x3C00, s0;
	s16 =	sadd.s32 s7, s26;
	[dreg:$0xb] =	wrdreg s15  }
0x10: {  	s5 =	sshrl.u32 s5, $0x3;
	s24 =	sadd.s32 $0x19000, s11;
	[dreg:$0xc] =	wrdreg s16  }
0x11: {  	s2 =	sadd.s32 s5, s2;
	s6 =	sadd.s32 s8, s26;
	[dreg:$0x16] =	wrdreg s24  }
0x12: {  	s5 =	ssub.s32 s25, s9;
	s25 =	sadd.s32 $0x80800, s2;
	[dreg:$0xd] =	wrdreg s6  }
0x13: {  	s0 =	sshrl.u32 s0, $0x3;
	s26 =	smax.u32 s5, $0x1;
	[dreg:$0x17] =	wrdreg s25  }
0x14: {  	s17 =	sadd.s32 $0x180, s0;
	s29 =	sadd.s32 $0x1C200, s11;
	[dreg:$0x18] =	wrdreg s26  }
0x15: {  	s10 =	simm.s32 $0x2;
	s12 =	sadd.s32 s7, s17;
	[dreg:$0x19] =	wrdreg s29  }
0x16: {  	s18 =	sadd.s32 $0x300, s0;
	s6 =	sadd.s32 s8, s17;
	[dreg:$0xe] =	wrdreg s12  }
0x17: {  	s21 =	sadd.s32 $0x480, s0;
	s19 =	sadd.s32 s7, s18;
	[dreg:$0xf] =	wrdreg s6  }
0x18: {  	s0 =	sadd.s32 $0x600, s0;
	s20 =	sadd.s32 s8, s18;
	[dreg:$0x10] =	wrdreg s19  }
0x19: {  	s13 =	simm.s32 $0x3;
	s22 =	sadd.s32 s7, s21;
	[dreg:$0x11] =	wrdreg s20  }
0x1a: {  	s2 =	simm.s32 $0x0;
	s23 =	sadd.s32 s7, s0;
	[dreg:$0x12] =	wrdreg s22  }
0x1b: {  	s4 =	simm.s32 $0xC00;
	s0 =	sadd.s32 s8, s0;
	[dreg:$0x14] =	wrdreg s23  }
0x1c: {  	s7 =	simm.s32 $0x8000;
	s6 =	sadd.s32 s8, s21;
	[dreg:$0x15] =	wrdreg s0  }
0x1d: {  	v0 =	vimm.f32 $0.0e+00;
	s0 =	simm.s32 $0x4C00;
	s8 =	simm.s32 $0x1;
	[dreg:$0x13] =	wrdreg s6  }
.LBB2_1:
0x1e: {  	[dreg:$0x1a] =	wrdreg s2;
	s6 =	simm.s32 $0x0;
	s9 =	simm.s32 $0x200  }
.LBB2_2:
0x1f: {  	p1 =	sne.s32 s9, $0xC600;
	[tilespmem:s6+$0x1870] =	vst v0  }
0x20: {  	[tilespmem:s6+$0x1800] =	vst v0  }
0x21: {  	[tilespmem:s6+$0x1810] =	vst v0  }
.Ltmp0:
0x22: {  	[tilespmem:s6+$0x1820] =	vst v0;
	(pc) =	sbr.rel @p1 .LBB2_2-.Ltmp0, $4  }
0x23: {  	[tilespmem:s6+$0x1830] =	vst v0  }
0x24: {  	[tilespmem:s6+$0x1840] =	vst v0  }
0x25: {  	[tilespmem:s6+$0x1850] =	vst v0  }
0x26: {  	[tilespmem:s6+$0x1860] =	vst v0;
	s6 =	sshra.s32 s9, $0x2;
	s9 =	sadd.s32 $0x200, s9  }
0x27: {  	[tilespmem:s6+$0x1870] =	vst v0  }
0x28: {  	[tilespmem:s6+$0x1800] =	vst v0  }
0x29: {  	[tilespmem:s6+$0x1810] =	vst v0  }
0x2a: {  	[tilespmem:s6+$0x1820] =	vst v0  }
0x2b: {  	[tilespmem:s6+$0x1830] =	vst v0  }
0x2c: {  	[tilespmem:s6+$0x1840] =	vst v0  }
0x2d: {  	[tilespmem:s6+$0x1850] =	vst v0  }
0x2e: {  	[tilespmem:s6+$0x1860] =	vst v0;
	s9 =	simm.s32 @!p0 $0x1800;
	s5 =	rddreg [dreg:$0x4];
	s6 =	simm.s32 @!p0 $0x4  }
0x2f: {  	[spmem:s5] =	stream.linear.scatter @!p0 [tilespmem:s9], [sflag:$0x4], $0x3200, $0x38;
	[tilespmem:$0x1EC80] =	vst v63  }
0x30: {  	_ =	swait.ge @!p0 [sflag:s6], $0x3200  }
0x31: {  	[sflag:s6] =	ssyncset.done @!p0 $0x0  }
0x32: {  	s12 =	rddreg [dreg:$0x5];
	[sflag:s6] =	ssyncadd.s32 @!p0 $0xFFFFCE00  }
0x33: {  	[spmem:s12] =	stream.linear.scatter @!p0 [tilespmem:s9], [sflag:$0x4], $0x3200, $0x38;
	[tilespmem:$0x1EC80] =	vst v63  }
0x34: {  	_ =	swait.ge @!p0 [sflag:s6], $0x3200  }
0x35: {  	[sflag:s6] =	ssyncset.done @!p0 $0x0  }
0x36: {  	s12 =	rddreg [dreg:$0x6];
	[sflag:s6] =	ssyncadd.s32 @!p0 $0xFFFFCE00  }
0x37: {  	[spmem:s12] =	stream.linear.scatter @!p0 [tilespmem:s9], [sflag:$0x4], $0x3200, $0x38;
	[tilespmem:$0x1EC80] =	vst v63  }
0x38: {  	_ =	swait.ge @!p0 [sflag:s6], $0x3200  }
0x39: {  	[sflag:s6] =	ssyncset.done @!p0 $0x0  }
0x3a: {  	s12 =	rddreg [dreg:$0x7];
	[sflag:s6] =	ssyncadd.s32 @!p0 $0xFFFFCE00  }
0x3b: {  	[spmem:s12] =	stream.linear.scatter @!p0 [tilespmem:s9], [sflag:$0x4], $0x3200, $0x38;
	[tilespmem:$0x1EC80] =	vst v63  }
0x3c: {  	_ =	swait.ge @!p0 [sflag:s6], $0x3200  }
0x3d: {  	[sflag:s6] =	ssyncset.done @!p0 $0x0  }
0x3e: {  	s12 =	rddreg [dreg:$0x8];
	[sflag:s6] =	ssyncadd.s32 @!p0 $0xFFFFCE00  }
0x3f: {  	[spmem:s12] =	stream.linear.scatter @!p0 [tilespmem:s9], [sflag:$0x4], $0x3200, $0x38;
	[tilespmem:$0x1EC80] =	vst v63  }
0x40: {  	_ =	swait.ge @!p0 [sflag:s6], $0x3200  }
0x41: {  	[sflag:s6] =	ssyncset.done @!p0 $0x0  }
0x42: {  	s12 =	rddreg [dreg:$0x9];
	[sflag:s6] =	ssyncadd.s32 @!p0 $0xFFFFCE00  }
0x43: {  	[spmem:s12] =	stream.linear.scatter @!p0 [tilespmem:s9], [sflag:$0x4], $0x3200, $0x38;
	[tilespmem:$0x1EC80] =	vst v63  }
0x44: {  	_ =	swait.ge @!p0 [sflag:s6], $0x3200  }
0x45: {  	[sflag:s6] =	ssyncset.done @!p0 $0x0  }
0x46: {  	s12 =	rddreg [dreg:$0xa];
	[sflag:s6] =	ssyncadd.s32 @!p0 $0xFFFFCE00  }
0x47: {  	[spmem:s12] =	stream.linear.scatter @!p0 [tilespmem:s9], [sflag:$0x4], $0x3200, $0x38;
	[tilespmem:$0x1EC80] =	vst v63  }
0x48: {  	_ =	swait.ge @!p0 [sflag:s6], $0x3200  }
0x49: {  	[sflag:s6] =	ssyncset.done @!p0 $0x0  }
0x4a: {  	s12 =	rddreg [dreg:$0xb];
	[sflag:s6] =	ssyncadd.s32 @!p0 $0xFFFFCE00  }
0x4b: {  	[spmem:s12] =	stream.linear.scatter @!p0 [tilespmem:s9], [sflag:$0x4], $0x3200, $0x38;
	[tilespmem:$0x1EC80] =	vst v63  }
0x4c: {  	_ =	swait.ge @!p0 [sflag:s6], $0x3200  }
0x4d: {  	[sflag:s6] =	ssyncset.done @!p0 $0x0  }
0x4e: {  	s12 =	rddreg [dreg:$0x16];
	[sflag:s6] =	ssyncadd.s32 @!p0 $0xFFFFCE00  }
0x4f: {  	[spmem:s12] =	stream.linear.scatter @!p0 [tilespmem:s9], [sflag:$0x4], $0x3200, $0x38;
	[tilespmem:$0x1EC80] =	vst v63  }
0x50: {  	_ =	swait.ge @!p0 [sflag:s6], $0x3200  }
0x51: {  	[sflag:s6] =	ssyncset.done @!p0 $0x0  }
0x52: {  	s12 =	rddreg [dreg:$0x19];
	[sflag:s6] =	ssyncadd.s32 @!p0 $0xFFFFCE00  }
0x53: {  	[spmem:s12] =	stream.linear.scatter @!p0 [tilespmem:s9], [sflag:$0x4], $0x3200, $0x38;
	[tilespmem:$0x1EC80] =	vst v63  }
0x54: {  	_ =	swait.ge @!p0 [sflag:s6], $0x3200  }
0x55: {  	[sflag:s6] =	ssyncset.done @!p0 $0x0  }
0x56: {  	[sflag:s6] =	ssyncadd.s32 @!p0 $0xFFFFCE00  }
0x57: {  	[bflag:$0x0] =	sbarrier.arrive $0xFFFF  }
0x58: {  	s2 =	simm.s32 $0x0;
	s15 =	rddreg [dreg:$0xc]  }
0x59: {  	[tilespmem:s2], [sflag:$0x4] =	stream.linear.gather [hbm4b:s15+s2], $0xA00, $0x38;
	[tilespmem:$0x1EC80] =	vst v63  }
0x5a: {  	_ =	swait.ge [sflag:s28], $0xA00  }
0x5b: {  	[sflag:s28] =	ssyncset.done $0x0  }
0x5c: {  	s16 =	rddreg [dreg:$0xd];
	[sflag:s28] =	ssyncadd.s32 $0xFFFFF600  }
0x5d: {  	[tilespmem:s4], [sflag:$0x4] =	stream.linear.gather [hbm4b:s16+s2], $0xA00, $0x38;
	[tilespmem:$0x1EC80] =	vst v63  }
0x5e: {  	_ =	swait.ge [sflag:s28], $0xA00  }
0x5f: {  	[sflag:s28] =	ssyncset.done $0x0  }
0x60: {  	[sflag:s28] =	ssyncadd.s32 $0xFFFFF600  }
0x61: {  	[tilespmem:s31], [sflag:$0x1] =	stream.indirect.gather [hbm4b:s1+s30], $0x80, s2, s30, $0xb8;
	[tilespmem:$0x1EC80] =	vst v63  }
0x62: {  	s17 =	simm.s32 $0x80  }
0x63: {  	[tilespmem:s0], [sflag:$0x2] =	stream.indirect.gather [hbm4b:s1+s30], $0x80, s17, s30, $0xb8;
	[tilespmem:$0x1EC80] =	vst v63  }
0x64: {  	s18 =	simm.s32 $0x100  }
0x65: {  	[tilespmem:s7], [sflag:$0x3] =	stream.indirect.gather [hbm4b:s1+s30], $0x80, s18, s30, $0xb8;
	[tilespmem:$0x1EC80] =	vst v63  }
0x66: {  	_ =	swait.ge [sflag:s8], $0x3200  }
0x67: {  	[sflag:s8] =	ssyncset.done $0x0  }
0x68: {  	[sflag:s8] =	ssyncadd.s32 $0xFFFFCE00  }
0x69: {  	[spmem:s3] =	stream.indirect.scatter.add.f32 [tilespmem:s31], [sflag:$0x4], $0x80, s4, s30, $0xb8;
	[tilespmem:$0x1EC80] =	vst v63  }
0x6a: {  	_ =	swait.ge [sflag:s28], $0x3200  }
0x6b: {  	[sflag:s28] =	ssyncset.done $0x0  }
0x6c: {  	s19 =	simm.s32 $0x180;
	[sflag:s28] =	ssyncadd.s32 $0xFFFFCE00  }
0x6d: {  	[tilespmem:s31], [sflag:$0x1] =	stream.indirect.gather [hbm4b:s1+s30], $0x80, s19, s30, $0xb8;
	[tilespmem:$0x1EC80] =	vst v63  }
0x6e: {  	_ =	swait.ge [sflag:s10], $0x3200  }
0x6f: {  	[sflag:s10] =	ssyncset.done $0x0  }
0x70: {  	s20 =	simm.s32 $0xC80;
	[sflag:s10] =	ssyncadd.s32 $0xFFFFCE00  }
0x71: {  	[spmem:s3] =	stream.indirect.scatter.add.f32 [tilespmem:s0], [sflag:$0x4], $0x80, s20, s30, $0xb8;
	[tilespmem:$0x1EC80] =	vst v63  }
0x72: {  	_ =	swait.ge [sflag:s28], $0x3200  }
0x73: {  	[sflag:s28] =	ssyncset.done $0x0  }
0x74: {  	s21 =	simm.s32 $0x200;
	[sflag:s28] =	ssyncadd.s32 $0xFFFFCE00  }
0x75: {  	[tilespmem:s0], [sflag:$0x2] =	stream.indirect.gather [hbm4b:s1+s30], $0x80, s21, s30, $0xb8;
	[tilespmem:$0x1EC80] =	vst v63  }
0x76: {  	_ =	swait.ge [sflag:s13], $0x3200  }
0x77: {  	[sflag:s13] =	ssyncset.done $0x0  }
0x78: {  	s22 =	simm.s32 $0xD00;
	[sflag:s13] =	ssyncadd.s32 $0xFFFFCE00  }
0x79: {  	[spmem:s3] =	stream.indirect.scatter.add.f32 [tilespmem:s7], [sflag:$0x4], $0x80, s22, s30, $0xb8;
	[tilespmem:$0x1EC80] =	vst v63  }
0x7a: {  	_ =	swait.ge [sflag:s28], $0x3200  }
0x7b: {  	[sflag:s28] =	ssyncset.done $0x0  }
0x7c: {  	s23 =	simm.s32 $0x280;
	[sflag:s28] =	ssyncadd.s32 $0xFFFFCE00  }
0x7d: {  	[tilespmem:s7], [sflag:$0x3] =	stream.indirect.gather [hbm4b:s1+s30], $0x80, s23, s30, $0xb8;
	[tilespmem:$0x1EC80] =	vst v63  }
0x7e: {  	_ =	swait.ge [sflag:s8], $0x3200  }
0x7f: {  	[sflag:s8] =	ssyncset.done $0x0  }
0x80: {  	s24 =	simm.s32 $0xD80;
	[sflag:s8] =	ssyncadd.s32 $0xFFFFCE00  }
0x81: {  	[spmem:s3] =	stream.indirect.scatter.add.f32 [tilespmem:s31], [sflag:$0x4], $0x80, s24, s30, $0xb8;
	[tilespmem:$0x1EC80] =	vst v63  }
0x82: {  	_ =	swait.ge [sflag:s28], $0x3200  }
0x83: {  	[sflag:s28] =	ssyncset.done $0x0  }
0x84: {  	s25 =	simm.s32 $0x300;
	[sflag:s28] =	ssyncadd.s32 $0xFFFFCE00  }
0x85: {  	[tilespmem:s31], [sflag:$0x1] =	stream.indirect.gather [hbm4b:s1+s30], $0x80, s25, s30, $0xb8;
	[tilespmem:$0x1EC80] =	vst v63  }
0x86: {  	_ =	swait.ge [sflag:s10], $0x3200  }
0x87: {  	[sflag:s10] =	ssyncset.done $0x0  }
0x88: {  	s26 =	simm.s32 $0xE00;
	[sflag:s10] =	ssyncadd.s32 $0xFFFFCE00  }
0x89: {  	[spmem:s3] =	stream.indirect.scatter.add.f32 [tilespmem:s0], [sflag:$0x4], $0x80, s26, s30, $0xb8;
	[tilespmem:$0x1EC80] =	vst v63  }
0x8a: {  	_ =	swait.ge [sflag:s28], $0x3200  }
0x8b: {  	[sflag:s28] =	ssyncset.done $0x0  }
0x8c: {  	s29 =	simm.s32 $0x380;
	[sflag:s28] =	ssyncadd.s32 $0xFFFFCE00  }
0x8d: {  	[tilespmem:s0], [sflag:$0x2] =	stream.indirect.gather [hbm4b:s1+s30], $0x80, s29, s30, $0xb8;
	[tilespmem:$0x1EC80] =	vst v63  }
0x8e: {  	_ =	swait.ge [sflag:s13], $0x3200  }
0x8f: {  	[sflag:s13] =	ssyncset.done $0x0  }
0x90: {  	s9 =	simm.s32 $0xE80;
	[sflag:s13] =	ssyncadd.s32 $0xFFFFCE00  }
0x91: {  	[spmem:s3] =	stream.indirect.scatter.add.f32 [tilespmem:s7], [sflag:$0x4], $0x80, s9, s30, $0xb8;
	[tilespmem:$0x1EC80] =	vst v63  }
0x92: {  	_ =	swait.ge [sflag:s28], $0x3200  }
0x93: {  	[sflag:s28] =	ssyncset.done $0x0  }
0x94: {  	s11 =	simm.s32 $0x400;
	[sflag:s28] =	ssyncadd.s32 $0xFFFFCE00  }
0x95: {  	[tilespmem:s7], [sflag:$0x3] =	stream.indirect.gather [hbm4b:s1+s30], $0x80, s11, s30, $0xb8;
	[tilespmem:$0x1EC80] =	vst v63  }
0x96: {  	_ =	swait.ge [sflag:s8], $0x3200  }
0x97: {  	[sflag:s8] =	ssyncset.done $0x0  }
0x98: {  	s12 =	simm.s32 $0xF00;
	[sflag:s8] =	ssyncadd.s32 $0xFFFFCE00  }
0x99: {  	[spmem:s3] =	stream.indirect.scatter.add.f32 [tilespmem:s31], [sflag:$0x4], $0x80, s12, s30, $0xb8;
	[tilespmem:$0x1EC80] =	vst v63  }
0x9a: {  	_ =	swait.ge [sflag:s28], $0x3200  }
0x9b: {  	[sflag:s28] =	ssyncset.done $0x0  }
0x9c: {  	s15 =	simm.s32 $0x480;
	[sflag:s28] =	ssyncadd.s32 $0xFFFFCE00  }
0x9d: {  	[tilespmem:s31], [sflag:$0x1] =	stream.indirect.gather [hbm4b:s1+s30], $0x80, s15, s30, $0xb8;
	[tilespmem:$0x1EC80] =	vst v63  }
0x9e: {  	_ =	swait.ge [sflag:s10], $0x3200  }
0x9f: {  	[sflag:s10] =	ssyncset.done $0x0  }
0xa0: {  	s16 =	simm.s32 $0xF80;
	[sflag:s10] =	ssyncadd.s32 $0xFFFFCE00  }
0xa1: {  	[spmem:s3] =	stream.indirect.scatter.add.f32 [tilespmem:s0], [sflag:$0x4], $0x80, s16, s30, $0xb8;
	[tilespmem:$0x1EC80] =	vst v63  }
0xa2: {  	_ =	swait.ge [sflag:s28], $0x3200  }
0xa3: {  	[sflag:s28] =	ssyncset.done $0x0  }
0xa4: {  	s17 =	simm.s32 $0x500;
	[sflag:s28] =	ssyncadd.s32 $0xFFFFCE00  }
0xa5: {  	[tilespmem:s0], [sflag:$0x2] =	stream.indirect.gather [hbm4b:s1+s30], $0x80, s17, s30, $0xb8;
	[tilespmem:$0x1EC80] =	vst v63  }
0xa6: {  	_ =	swait.ge [sflag:s13], $0x3200  }
0xa7: {  	[sflag:s13] =	ssyncset.done $0x0  }
0xa8: {  	s18 =	simm.s32 $0x1000;
	[sflag:s13] =	ssyncadd.s32 $0xFFFFCE00  }
0xa9: {  	[spmem:s3] =	stream.indirect.scatter.add.f32 [tilespmem:s7], [sflag:$0x4], $0x80, s18, s30, $0xb8;
	[tilespmem:$0x1EC80] =	vst v63  }
0xaa: {  	_ =	swait.ge [sflag:s28], $0x3200  }
0xab: {  	[sflag:s28] =	ssyncset.done $0x0  }
0xac: {  	s19 =	simm.s32 $0x580;
	[sflag:s28] =	ssyncadd.s32 $0xFFFFCE00  }
0xad: {  	[tilespmem:s7], [sflag:$0x3] =	stream.indirect.gather [hbm4b:s1+s30], $0x80, s19, s30, $0xb8;
	[tilespmem:$0x1EC80] =	vst v63  }
0xae: {  	_ =	swait.ge [sflag:s8], $0x3200  }
0xaf: {  	[sflag:s8] =	ssyncset.done $0x0  }
0xb0: {  	s20 =	simm.s32 $0x1080;
	[sflag:s8] =	ssyncadd.s32 $0xFFFFCE00  }
0xb1: {  	[spmem:s3] =	stream.indirect.scatter.add.f32 [tilespmem:s31], [sflag:$0x4], $0x80, s20, s30, $0xb8;
	[tilespmem:$0x1EC80] =	vst v63  }
0xb2: {  	_ =	swait.ge [sflag:s28], $0x3200  }
0xb3: {  	[sflag:s28] =	ssyncset.done $0x0  }
0xb4: {  	s21 =	simm.s32 $0x600;
	[sflag:s28] =	ssyncadd.s32 $0xFFFFCE00  }
0xb5: {  	[tilespmem:s31], [sflag:$0x1] =	stream.indirect.gather [hbm4b:s1+s30], $0x80, s21, s30, $0xb8;
	[tilespmem:$0x1EC80] =	vst v63  }
0xb6: {  	_ =	swait.ge [sflag:s10], $0x3200  }
0xb7: {  	[sflag:s10] =	ssyncset.done $0x0  }
0xb8: {  	s22 =	simm.s32 $0x1100;
	[sflag:s10] =	ssyncadd.s32 $0xFFFFCE00  }
0xb9: {  	[spmem:s3] =	stream.indirect.scatter.add.f32 [tilespmem:s0], [sflag:$0x4], $0x80, s22, s30, $0xb8;
	[tilespmem:$0x1EC80] =	vst v63  }
0xba: {  	_ =	swait.ge [sflag:s28], $0x3200  }
0xbb: {  	[sflag:s28] =	ssyncset.done $0x0  }
0xbc: {  	s23 =	simm.s32 $0x680;
	[sflag:s28] =	ssyncadd.s32 $0xFFFFCE00  }
0xbd: {  	[tilespmem:s0], [sflag:$0x2] =	stream.indirect.gather [hbm4b:s1+s30], $0x80, s23, s30, $0xb8;
	[tilespmem:$0x1EC80] =	vst v63  }
0xbe: {  	_ =	swait.ge [sflag:s13], $0x3200  }
0xbf: {  	[sflag:s13] =	ssyncset.done $0x0  }
0xc0: {  	s24 =	simm.s32 $0x1180;
	[sflag:s13] =	ssyncadd.s32 $0xFFFFCE00  }
0xc1: {  	[spmem:s3] =	stream.indirect.scatter.add.f32 [tilespmem:s7], [sflag:$0x4], $0x80, s24, s30, $0xb8;
	[tilespmem:$0x1EC80] =	vst v63  }
0xc2: {  	_ =	swait.ge [sflag:s28], $0x3200  }
0xc3: {  	[sflag:s28] =	ssyncset.done $0x0  }
0xc4: {  	s25 =	simm.s32 $0x700;
	[sflag:s28] =	ssyncadd.s32 $0xFFFFCE00  }
0xc5: {  	[tilespmem:s7], [sflag:$0x3] =	stream.indirect.gather [hbm4b:s1+s30], $0x80, s25, s30, $0xb8;
	[tilespmem:$0x1EC80] =	vst v63  }
0xc6: {  	_ =	swait.ge [sflag:s8], $0x3200  }
0xc7: {  	[sflag:s8] =	ssyncset.done $0x0  }
0xc8: {  	s26 =	simm.s32 $0x1200;
	[sflag:s8] =	ssyncadd.s32 $0xFFFFCE00  }
0xc9: {  	[spmem:s3] =	stream.indirect.scatter.add.f32 [tilespmem:s31], [sflag:$0x4], $0x80, s26, s30, $0xb8;
	[tilespmem:$0x1EC80] =	vst v63  }
0xca: {  	_ =	swait.ge [sflag:s28], $0x3200  }
0xcb: {  	[sflag:s28] =	ssyncset.done $0x0  }
0xcc: {  	s29 =	simm.s32 $0x780;
	[sflag:s28] =	ssyncadd.s32 $0xFFFFCE00  }
0xcd: {  	[tilespmem:s31], [sflag:$0x1] =	stream.indirect.gather [hbm4b:s1+s30], $0x80, s29, s30, $0xb8;
	[tilespmem:$0x1EC80] =	vst v63  }
0xce: {  	_ =	swait.ge [sflag:s10], $0x3200  }
0xcf: {  	[sflag:s10] =	ssyncset.done $0x0  }
0xd0: {  	s15 =	simm.s32 $0x1280;
	[sflag:s10] =	ssyncadd.s32 $0xFFFFCE00  }
0xd1: {  	[spmem:s3] =	stream.indirect.scatter.add.f32 [tilespmem:s0], [sflag:$0x4], $0x80, s15, s30, $0xb8;
	[tilespmem:$0x1EC80] =	vst v63  }
0xd2: {  	_ =	swait.ge [sflag:s28], $0x3200  }
0xd3: {  	[sflag:s28] =	ssyncset.done $0x0  }
0xd4: {  	s16 =	simm.s32 $0x800;
	[sflag:s28] =	ssyncadd.s32 $0xFFFFCE00  }
0xd5: {  	[tilespmem:s0], [sflag:$0x2] =	stream.indirect.gather [hbm4b:s1+s30], $0x80, s16, s30, $0xb8;
	[tilespmem:$0x1EC80] =	vst v63  }
0xd6: {  	_ =	swait.ge [sflag:s13], $0x3200  }
0xd7: {  	[sflag:s13] =	ssyncset.done $0x0  }
0xd8: {  	s17 =	simm.s32 $0x1300;
	[sflag:s13] =	ssyncadd.s32 $0xFFFFCE00  }
0xd9: {  	[spmem:s3] =	stream.indirect.scatter.add.f32 [tilespmem:s7], [sflag:$0x4], $0x80, s17, s30, $0xb8;
	[tilespmem:$0x1EC80] =	vst v63  }
0xda: {  	_ =	swait.ge [sflag:s28], $0x3200  }
0xdb: {  	[sflag:s28] =	ssyncset.done $0x0  }
0xdc: {  	s18 =	simm.s32 $0x880;
	[sflag:s28] =	ssyncadd.s32 $0xFFFFCE00  }
0xdd: {  	[tilespmem:s7], [sflag:$0x3] =	stream.indirect.gather [hbm4b:s1+s30], $0x80, s18, s30, $0xb8;
	[tilespmem:$0x1EC80] =	vst v63  }
0xde: {  	_ =	swait.ge [sflag:s8], $0x3200  }
0xdf: {  	[sflag:s8] =	ssyncset.done $0x0  }
0xe0: {  	s19 =	simm.s32 $0x1380;
	[sflag:s8] =	ssyncadd.s32 $0xFFFFCE00  }
0xe1: {  	[spmem:s3] =	stream.indirect.scatter.add.f32 [tilespmem:s31], [sflag:$0x4], $0x80, s19, s30, $0xb8;
	[tilespmem:$0x1EC80] =	vst v63  }
0xe2: {  	_ =	swait.ge [sflag:s28], $0x3200  }
0xe3: {  	[sflag:s28] =	ssyncset.done $0x0  }
0xe4: {  	s20 =	simm.s32 $0x900;
	[sflag:s28] =	ssyncadd.s32 $0xFFFFCE00  }
0xe5: {  	[tilespmem:s31], [sflag:$0x1] =	stream.indirect.gather [hbm4b:s1+s30], $0x80, s20, s30, $0xb8;
	[tilespmem:$0x1EC80] =	vst v63  }
0xe6: {  	_ =	swait.ge [sflag:s10], $0x3200  }
0xe7: {  	[sflag:s10] =	ssyncset.done $0x0  }
0xe8: {  	s21 =	simm.s32 $0x1400;
	[sflag:s10] =	ssyncadd.s32 $0xFFFFCE00  }
0xe9: {  	[spmem:s3] =	stream.indirect.scatter.add.f32 [tilespmem:s0], [sflag:$0x4], $0x80, s21, s30, $0xb8;
	[tilespmem:$0x1EC80] =	vst v63  }
0xea: {  	_ =	swait.ge [sflag:s28], $0x3200  }
0xeb: {  	[sflag:s28] =	ssyncset.done $0x0  }
0xec: {  	s22 =	simm.s32 $0x980;
	[sflag:s28] =	ssyncadd.s32 $0xFFFFCE00  }
0xed: {  	[tilespmem:s0], [sflag:$0x2] =	stream.indirect.gather [hbm4b:s1+s30], $0x80, s22, s30, $0xb8;
	[tilespmem:$0x1EC80] =	vst v63  }
0xee: {  	_ =	swait.ge [sflag:s13], $0x3200  }
0xef: {  	[sflag:s13] =	ssyncset.done $0x0  }
0xf0: {  	s23 =	simm.s32 $0x1480;
	[sflag:s13] =	ssyncadd.s32 $0xFFFFCE00  }
0xf1: {  	[spmem:s3] =	stream.indirect.scatter.add.f32 [tilespmem:s7], [sflag:$0x4], $0x80, s23, s30, $0xb8;
	[tilespmem:$0x1EC80] =	vst v63  }
0xf2: {  	_ =	swait.ge [sflag:s28], $0x3200  }
0xf3: {  	[sflag:s28] =	ssyncset.done $0x0  }
0xf4: {  	[sflag:s28] =	ssyncadd.s32 $0xFFFFCE00  }
0xf5: {  	_ =	swait.ge [sflag:s8], $0x3200  }
0xf6: {  	[sflag:s8] =	ssyncset.done $0x0  }
0xf7: {  	s24 =	simm.s32 $0x1500;
	[sflag:s8] =	ssyncadd.s32 $0xFFFFCE00  }
0xf8: {  	[spmem:s3] =	stream.indirect.scatter.add.f32 [tilespmem:s31], [sflag:$0x4], $0x80, s24, s30, $0xb8;
	[tilespmem:$0x1EC80] =	vst v63  }
0xf9: {  	_ =	swait.ge [sflag:s28], $0x3200  }
0xfa: {  	[sflag:s28] =	ssyncset.done $0x0  }
0xfb: {  	[sflag:s28] =	ssyncadd.s32 $0xFFFFCE00  }
0xfc: {  	_ =	swait.ge [sflag:s10], $0x3200  }
0xfd: {  	[sflag:s10] =	ssyncset.done $0x0  }
0xfe: {  	s25 =	simm.s32 $0x1580;
	[sflag:s10] =	ssyncadd.s32 $0xFFFFCE00  }
0xff: {  	[spmem:s3] =	stream.indirect.scatter.add.f32 [tilespmem:s0], [sflag:$0x4], $0x80, s25, s30, $0xb8;
	[tilespmem:$0x1EC80] =	vst v63  }
0x100: {  	_ =	swait.ge [sflag:s28], $0x3200  }
0x101: {  	[sflag:s28] =	ssyncset.done $0x0  }
0x102: {  	s26 =	rddreg [dreg:$0xe];
	[sflag:s28] =	ssyncadd.s32 $0xFFFFCE00  }
0x103: {  	[tilespmem:s2], [sflag:$0x4] =	stream.linear.gather [hbm4b:s26+s2], $0xA00, $0x38;
	[tilespmem:$0x1EC80] =	vst v63  }
0x104: {  	_ =	swait.ge [sflag:s28], $0xA00  }
0x105: {  	[sflag:s28] =	ssyncset.done $0x0  }
0x106: {  	s29 =	rddreg [dreg:$0xf];
	[sflag:s28] =	ssyncadd.s32 $0xFFFFF600  }
0x107: {  	[tilespmem:s4], [sflag:$0x4] =	stream.linear.gather [hbm4b:s29+s2], $0xA00, $0x38;
	[tilespmem:$0x1EC80] =	vst v63  }
0x108: {  	_ =	swait.ge [sflag:s28], $0xA00  }
0x109: {  	[sflag:s28] =	ssyncset.done $0x0  }
0x10a: {  	[sflag:s28] =	ssyncadd.s32 $0xFFFFF600  }
0x10b: {  	[tilespmem:s31], [sflag:$0x1] =	stream.indirect.gather [hbm4b:s1+s30], $0x80, s2, s30, $0xb8;
	[tilespmem:$0x1EC80] =	vst v63  }
0x10c: {  	s29 =	simm.s32 $0x80  }
0x10d: {  	[tilespmem:s0], [sflag:$0x2] =	stream.indirect.gather [hbm4b:s1+s30], $0x80, s29, s30, $0xb8;
	[tilespmem:$0x1EC80] =	vst v63  }
0x10e: {  	s14 =	simm.s32 $0x100  }
0x10f: {  	[tilespmem:s7], [sflag:$0x3] =	stream.indirect.gather [hbm4b:s1+s30], $0x80, s14, s30, $0xb8;
	[tilespmem:$0x1EC80] =	vst v63  }
0x110: {  	_ =	swait.ge [sflag:s8], $0x3200  }
0x111: {  	[sflag:s8] =	ssyncset.done $0x0  }
0x112: {  	[sflag:s8] =	ssyncadd.s32 $0xFFFFCE00  }
0x113: {  	[spmem:s3] =	stream.indirect.scatter.add.f32 [tilespmem:s31], [sflag:$0x4], $0x80, s4, s30, $0xb8;
	[tilespmem:$0x1EC80] =	vst v63  }
0x114: {  	_ =	swait.ge [sflag:s28], $0x3200  }
0x115: {  	[sflag:s28] =	ssyncset.done $0x0  }
0x116: {  	s15 =	simm.s32 $0x180;
	[sflag:s28] =	ssyncadd.s32 $0xFFFFCE00  }
0x117: {  	[tilespmem:s31], [sflag:$0x1] =	stream.indirect.gather [hbm4b:s1+s30], $0x80, s15, s30, $0xb8;
	[tilespmem:$0x1EC80] =	vst v63  }
0x118: {  	_ =	swait.ge [sflag:s10], $0x3200  }
0x119: {  	[sflag:s10] =	ssyncset.done $0x0  }
0x11a: {  	s16 =	simm.s32 $0xC80;
	[sflag:s10] =	ssyncadd.s32 $0xFFFFCE00  }
0x11b: {  	[spmem:s3] =	stream.indirect.scatter.add.f32 [tilespmem:s0], [sflag:$0x4], $0x80, s16, s30, $0xb8;
	[tilespmem:$0x1EC80] =	vst v63  }
0x11c: {  	_ =	swait.ge [sflag:s28], $0x3200  }
0x11d: {  	[sflag:s28] =	ssyncset.done $0x0  }
0x11e: {  	s17 =	simm.s32 $0x200;
	[sflag:s28] =	ssyncadd.s32 $0xFFFFCE00  }
0x11f: {  	[tilespmem:s0], [sflag:$0x2] =	stream.indirect.gather [hbm4b:s1+s30], $0x80, s17, s30, $0xb8;
	[tilespmem:$0x1EC80] =	vst v63  }
0x120: {  	_ =	swait.ge [sflag:s13], $0x3200  }
0x121: {  	[sflag:s13] =	ssyncset.done $0x0  }
0x122: {  	s18 =	simm.s32 $0xD00;
	[sflag:s13] =	ssyncadd.s32 $0xFFFFCE00  }
0x123: {  	[spmem:s3] =	stream.indirect.scatter.add.f32 [tilespmem:s7], [sflag:$0x4], $0x80, s18, s30, $0xb8;
	[tilespmem:$0x1EC80] =	vst v63  }
0x124: {  	_ =	swait.ge [sflag:s28], $0x3200  }
0x125: {  	[sflag:s28] =	ssyncset.done $0x0  }
0x126: {  	s19 =	simm.s32 $0x280;
	[sflag:s28] =	ssyncadd.s32 $0xFFFFCE00  }
0x127: {  	[tilespmem:s7], [sflag:$0x3] =	stream.indirect.gather [hbm4b:s1+s30], $0x80, s19, s30, $0xb8;
	[tilespmem:$0x1EC80] =	vst v63  }
0x128: {  	_ =	swait.ge [sflag:s8], $0x3200  }
0x129: {  	[sflag:s8] =	ssyncset.done $0x0  }
0x12a: {  	s20 =	simm.s32 $0xD80;
	[sflag:s8] =	ssyncadd.s32 $0xFFFFCE00  }
0x12b: {  	[spmem:s3] =	stream.indirect.scatter.add.f32 [tilespmem:s31], [sflag:$0x4], $0x80, s20, s30, $0xb8;
	[tilespmem:$0x1EC80] =	vst v63  }
0x12c: {  	_ =	swait.ge [sflag:s28], $0x3200  }
0x12d: {  	[sflag:s28] =	ssyncset.done $0x0  }
0x12e: {  	s21 =	simm.s32 $0x300;
	[sflag:s28] =	ssyncadd.s32 $0xFFFFCE00  }
0x12f: {  	[tilespmem:s31], [sflag:$0x1] =	stream.indirect.gather [hbm4b:s1+s30], $0x80, s21, s30, $0xb8;
	[tilespmem:$0x1EC80] =	vst v63  }
0x130: {  	_ =	swait.ge [sflag:s10], $0x3200  }
0x131: {  	[sflag:s10] =	ssyncset.done $0x0  }
0x132: {  	s22 =	simm.s32 $0xE00;
	[sflag:s10] =	ssyncadd.s32 $0xFFFFCE00  }
0x133: {  	[spmem:s3] =	stream.indirect.scatter.add.f32 [tilespmem:s0], [sflag:$0x4], $0x80, s22, s30, $0xb8;
	[tilespmem:$0x1EC80] =	vst v63  }
0x134: {  	_ =	swait.ge [sflag:s28], $0x3200  }
0x135: {  	[sflag:s28] =	ssyncset.done $0x0  }
0x136: {  	s23 =	simm.s32 $0x380;
	[sflag:s28] =	ssyncadd.s32 $0xFFFFCE00  }
0x137: {  	[tilespmem:s0], [sflag:$0x2] =	stream.indirect.gather [hbm4b:s1+s30], $0x80, s23, s30, $0xb8;
	[tilespmem:$0x1EC80] =	vst v63  }
0x138: {  	_ =	swait.ge [sflag:s13], $0x3200  }
0x139: {  	[sflag:s13] =	ssyncset.done $0x0  }
0x13a: {  	s24 =	simm.s32 $0xE80;
	[sflag:s13] =	ssyncadd.s32 $0xFFFFCE00  }
0x13b: {  	[spmem:s3] =	stream.indirect.scatter.add.f32 [tilespmem:s7], [sflag:$0x4], $0x80, s24, s30, $0xb8;
	[tilespmem:$0x1EC80] =	vst v63  }
0x13c: {  	_ =	swait.ge [sflag:s28], $0x3200  }
0x13d: {  	[sflag:s28] =	ssyncset.done $0x0  }
0x13e: {  	s25 =	simm.s32 $0x400;
	[sflag:s28] =	ssyncadd.s32 $0xFFFFCE00  }
0x13f: {  	[tilespmem:s7], [sflag:$0x3] =	stream.indirect.gather [hbm4b:s1+s30], $0x80, s25, s30, $0xb8;
	[tilespmem:$0x1EC80] =	vst v63  }
0x140: {  	_ =	swait.ge [sflag:s8], $0x3200  }
0x141: {  	[sflag:s8] =	ssyncset.done $0x0  }
0x142: {  	s26 =	simm.s32 $0xF00;
	[sflag:s8] =	ssyncadd.s32 $0xFFFFCE00  }
0x143: {  	[spmem:s3] =	stream.indirect.scatter.add.f32 [tilespmem:s31], [sflag:$0x4], $0x80, s26, s30, $0xb8;
	[tilespmem:$0x1EC80] =	vst v63  }
0x144: {  	_ =	swait.ge [sflag:s28], $0x3200  }
0x145: {  	[sflag:s28] =	ssyncset.done $0x0  }
0x146: {  	s14 =	simm.s32 $0x480;
	[sflag:s28] =	ssyncadd.s32 $0xFFFFCE00  }
0x147: {  	[tilespmem:s31], [sflag:$0x1] =	stream.indirect.gather [hbm4b:s1+s30], $0x80, s14, s30, $0xb8;
	[tilespmem:$0x1EC80] =	vst v63  }
0x148: {  	_ =	swait.ge [sflag:s10], $0x3200  }
0x149: {  	[sflag:s10] =	ssyncset.done $0x0  }
0x14a: {  	s9 =	simm.s32 $0xF80;
	[sflag:s10] =	ssyncadd.s32 $0xFFFFCE00  }
0x14b: {  	[spmem:s3] =	stream.indirect.scatter.add.f32 [tilespmem:s0], [sflag:$0x4], $0x80, s9, s30, $0xb8;
	[tilespmem:$0x1EC80] =	vst v63  }
0x14c: {  	_ =	swait.ge [sflag:s28], $0x3200  }
0x14d: {  	[sflag:s28] =	ssyncset.done $0x0  }
0x14e: {  	s5 =	simm.s32 $0x500;
	[sflag:s28] =	ssyncadd.s32 $0xFFFFCE00  }
0x14f: {  	[tilespmem:s0], [sflag:$0x2] =	stream.indirect.gather [hbm4b:s1+s30], $0x80, s5, s30, $0xb8;
	[tilespmem:$0x1EC80] =	vst v63  }
0x150: {  	_ =	swait.ge [sflag:s13], $0x3200  }
0x151: {  	[sflag:s13] =	ssyncset.done $0x0  }
0x152: {  	s11 =	simm.s32 $0x1000;
	[sflag:s13] =	ssyncadd.s32 $0xFFFFCE00  }
0x153: {  	[spmem:s3] =	stream.indirect.scatter.add.f32 [tilespmem:s7], [sflag:$0x4], $0x80, s11, s30, $0xb8;
	[tilespmem:$0x1EC80] =	vst v63  }
0x154: {  	_ =	swait.ge [sflag:s28], $0x3200  }
0x155: {  	[sflag:s28] =	ssyncset.done $0x0  }
0x156: {  	s12 =	simm.s32 $0x580;
	[sflag:s28] =	ssyncadd.s32 $0xFFFFCE00  }
0x157: {  	[tilespmem:s7], [sflag:$0x3] =	stream.indirect.gather [hbm4b:s1+s30], $0x80, s12, s30, $0xb8;
	[tilespmem:$0x1EC80] =	vst v63  }
0x158: {  	_ =	swait.ge [sflag:s8], $0x3200  }
0x159: {  	[sflag:s8] =	ssyncset.done $0x0  }
0x15a: {  	s9 =	simm.s32 $0x1080;
	[sflag:s8] =	ssyncadd.s32 $0xFFFFCE00  }
0x15b: {  	[spmem:s3] =	stream.indirect.scatter.add.f32 [tilespmem:s31], [sflag:$0x4], $0x80, s9, s30, $0xb8;
	[tilespmem:$0x1EC80] =	vst v63  }
0x15c: {  	_ =	swait.ge [sflag:s28], $0x3200  }
0x15d: {  	[sflag:s28] =	ssyncset.done $0x0  }
0x15e: {  	s9 =	simm.s32 $0x600;
	[sflag:s28] =	ssyncadd.s32 $0xFFFFCE00  }
0x15f: {  	[tilespmem:s31], [sflag:$0x1] =	stream.indirect.gather [hbm4b:s1+s30], $0x80, s9, s30, $0xb8;
	[tilespmem:$0x1EC80] =	vst v63  }
0x160: {  	_ =	swait.ge [sflag:s10], $0x3200  }
0x161: {  	[sflag:s10] =	ssyncset.done $0x0  }
0x162: {  	s9 =	simm.s32 $0x1100;
	[sflag:s10] =	ssyncadd.s32 $0xFFFFCE00  }
0x163: {  	[spmem:s3] =	stream.indirect.scatter.add.f32 [tilespmem:s0], [sflag:$0x4], $0x80, s9, s30, $0xb8;
	[tilespmem:$0x1EC80] =	vst v63  }
0x164: {  	_ =	swait.ge [sflag:s28], $0x3200  }
0x165: {  	[sflag:s28] =	ssyncset.done $0x0  }
0x166: {  	s9 =	simm.s32 $0x680;
	[sflag:s28] =	ssyncadd.s32 $0xFFFFCE00  }
0x167: {  	[tilespmem:s0], [sflag:$0x2] =	stream.indirect.gather [hbm4b:s1+s30], $0x80, s9, s30, $0xb8;
	[tilespmem:$0x1EC80] =	vst v63  }
0x168: {  	_ =	swait.ge [sflag:s13], $0x3200  }
0x169: {  	[sflag:s13] =	ssyncset.done $0x0  }
0x16a: {  	s9 =	simm.s32 $0x1180;
	[sflag:s13] =	ssyncadd.s32 $0xFFFFCE00  }
0x16b: {  	[spmem:s3] =	stream.indirect.scatter.add.f32 [tilespmem:s7], [sflag:$0x4], $0x80, s9, s30, $0xb8;
	[tilespmem:$0x1EC80] =	vst v63  }
0x16c: {  	_ =	swait.ge [sflag:s28], $0x3200  }
0x16d: {  	[sflag:s28] =	ssyncset.done $0x0  }
0x16e: {  	s9 =	simm.s32 $0x700;
	[sflag:s28] =	ssyncadd.s32 $0xFFFFCE00  }
0x16f: {  	[tilespmem:s7], [sflag:$0x3] =	stream.indirect.gather [hbm4b:s1+s30], $0x80, s9, s30, $0xb8;
	[tilespmem:$0x1EC80] =	vst v63  }
0x170: {  	_ =	swait.ge [sflag:s8], $0x3200  }
0x171: {  	[sflag:s8] =	ssyncset.done $0x0  }
0x172: {  	s9 =	simm.s32 $0x1200;
	[sflag:s8] =	ssyncadd.s32 $0xFFFFCE00  }
0x173: {  	[spmem:s3] =	stream.indirect.scatter.add.f32 [tilespmem:s31], [sflag:$0x4], $0x80, s9, s30, $0xb8;
	[tilespmem:$0x1EC80] =	vst v63  }
0x174: {  	_ =	swait.ge [sflag:s28], $0x3200  }
0x175: {  	[sflag:s28] =	ssyncset.done $0x0  }
0x176: {  	s9 =	simm.s32 $0x780;
	[sflag:s28] =	ssyncadd.s32 $0xFFFFCE00  }
0x177: {  	[tilespmem:s31], [sflag:$0x1] =	stream.indirect.gather [hbm4b:s1+s30], $0x80, s9, s30, $0xb8;
	[tilespmem:$0x1EC80] =	vst v63  }
0x178: {  	_ =	swait.ge [sflag:s10], $0x3200  }
0x179: {  	[sflag:s10] =	ssyncset.done $0x0  }
0x17a: {  	s9 =	simm.s32 $0x1280;
	[sflag:s10] =	ssyncadd.s32 $0xFFFFCE00  }
0x17b: {  	[spmem:s3] =	stream.indirect.scatter.add.f32 [tilespmem:s0], [sflag:$0x4], $0x80, s9, s30, $0xb8;
	[tilespmem:$0x1EC80] =	vst v63  }
0x17c: {  	_ =	swait.ge [sflag:s28], $0x3200  }
0x17d: {  	[sflag:s28] =	ssyncset.done $0x0  }
0x17e: {  	s9 =	simm.s32 $0x800;
	[sflag:s28] =	ssyncadd.s32 $0xFFFFCE00  }
0x17f: {  	[tilespmem:s0], [sflag:$0x2] =	stream.indirect.gather [hbm4b:s1+s30], $0x80, s9, s30, $0xb8;
	[tilespmem:$0x1EC80] =	vst v63  }
0x180: {  	_ =	swait.ge [sflag:s13], $0x3200  }
0x181: {  	[sflag:s13] =	ssyncset.done $0x0  }
0x182: {  	s9 =	simm.s32 $0x1300;
	[sflag:s13] =	ssyncadd.s32 $0xFFFFCE00  }
0x183: {  	[spmem:s3] =	stream.indirect.scatter.add.f32 [tilespmem:s7], [sflag:$0x4], $0x80, s9, s30, $0xb8;
	[tilespmem:$0x1EC80] =	vst v63  }
0x184: {  	_ =	swait.ge [sflag:s28], $0x3200  }
0x185: {  	[sflag:s28] =	ssyncset.done $0x0  }
0x186: {  	s9 =	simm.s32 $0x880;
	[sflag:s28] =	ssyncadd.s32 $0xFFFFCE00  }
0x187: {  	[tilespmem:s7], [sflag:$0x3] =	stream.indirect.gather [hbm4b:s1+s30], $0x80, s9, s30, $0xb8;
	[tilespmem:$0x1EC80] =	vst v63  }
0x188: {  	_ =	swait.ge [sflag:s8], $0x3200  }
0x189: {  	[sflag:s8] =	ssyncset.done $0x0  }
0x18a: {  	s9 =	simm.s32 $0x1380;
	[sflag:s8] =	ssyncadd.s32 $0xFFFFCE00  }
0x18b: {  	[spmem:s3] =	stream.indirect.scatter.add.f32 [tilespmem:s31], [sflag:$0x4], $0x80, s9, s30, $0xb8;
	[tilespmem:$0x1EC80] =	vst v63  }
0x18c: {  	_ =	swait.ge [sflag:s28], $0x3200  }
0x18d: {  	[sflag:s28] =	ssyncset.done $0x0  }
0x18e: {  	s9 =	simm.s32 $0x900;
	[sflag:s28] =	ssyncadd.s32 $0xFFFFCE00  }
0x18f: {  	[tilespmem:s31], [sflag:$0x1] =	stream.indirect.gather [hbm4b:s1+s30], $0x80, s9, s30, $0xb8;
	[tilespmem:$0x1EC80] =	vst v63  }
0x190: {  	_ =	swait.ge [sflag:s10], $0x3200  }
0x191: {  	[sflag:s10] =	ssyncset.done $0x0  }
0x192: {  	s9 =	simm.s32 $0x1400;
	[sflag:s10] =	ssyncadd.s32 $0xFFFFCE00  }
0x193: {  	[spmem:s3] =	stream.indirect.scatter.add.f32 [tilespmem:s0], [sflag:$0x4], $0x80, s9, s30, $0xb8;
	[tilespmem:$0x1EC80] =	vst v63  }
0x194: {  	_ =	swait.ge [sflag:s28], $0x3200  }
0x195: {  	[sflag:s28] =	ssyncset.done $0x0  }
0x196: {  	s9 =	simm.s32 $0x980;
	[sflag:s28] =	ssyncadd.s32 $0xFFFFCE00  }
0x197: {  	[tilespmem:s0], [sflag:$0x2] =	stream.indirect.gather [hbm4b:s1+s30], $0x80, s9, s30, $0xb8;
	[tilespmem:$0x1EC80] =	vst v63  }
0x198: {  	_ =	swait.ge [sflag:s13], $0x3200  }
0x199: {  	[sflag:s13] =	ssyncset.done $0x0  }
0x19a: {  	s9 =	simm.s32 $0x1480;
	[sflag:s13] =	ssyncadd.s32 $0xFFFFCE00  }
0x19b: {  	[spmem:s3] =	stream.indirect.scatter.add.f32 [tilespmem:s7], [sflag:$0x4], $0x80, s9, s30, $0xb8;
	[tilespmem:$0x1EC80] =	vst v63  }
0x19c: {  	_ =	swait.ge [sflag:s28], $0x3200  }
0x19d: {  	[sflag:s28] =	ssyncset.done $0x0  }
0x19e: {  	[sflag:s28] =	ssyncadd.s32 $0xFFFFCE00  }
0x19f: {  	_ =	swait.ge [sflag:s8], $0x3200  }
0x1a0: {  	[sflag:s8] =	ssyncset.done $0x0  }
0x1a1: {  	s9 =	simm.s32 $0x1500;
	[sflag:s8] =	ssyncadd.s32 $0xFFFFCE00  }
0x1a2: {  	[spmem:s3] =	stream.indirect.scatter.add.f32 [tilespmem:s31], [sflag:$0x4], $0x80, s9, s30, $0xb8;
	[tilespmem:$0x1EC80] =	vst v63  }
0x1a3: {  	_ =	swait.ge [sflag:s28], $0x3200  }
0x1a4: {  	[sflag:s28] =	ssyncset.done $0x0  }
0x1a5: {  	[sflag:s28] =	ssyncadd.s32 $0xFFFFCE00  }
0x1a6: {  	_ =	swait.ge [sflag:s10], $0x3200  }
0x1a7: {  	[sflag:s10] =	ssyncset.done $0x0  }
0x1a8: {  	s9 =	simm.s32 $0x1580;
	[sflag:s10] =	ssyncadd.s32 $0xFFFFCE00  }
0x1a9: {  	[spmem:s3] =	stream.indirect.scatter.add.f32 [tilespmem:s0], [sflag:$0x4], $0x80, s9, s30, $0xb8;
	[tilespmem:$0x1EC80] =	vst v63  }
0x1aa: {  	_ =	swait.ge [sflag:s28], $0x3200  }
0x1ab: {  	[sflag:s28] =	ssyncset.done $0x0  }
0x1ac: {  	s9 =	rddreg [dreg:$0x10];
	[sflag:s28] =	ssyncadd.s32 $0xFFFFCE00  }
0x1ad: {  	[tilespmem:s2], [sflag:$0x4] =	stream.linear.gather [hbm4b:s9+s2], $0xA00, $0x38;
	[tilespmem:$0x1EC80] =	vst v63  }
0x1ae: {  	_ =	swait.ge [sflag:s28], $0xA00  }
0x1af: {  	[sflag:s28] =	ssyncset.done $0x0  }
0x1b0: {  	s9 =	rddreg [dreg:$0x11];
	[sflag:s28] =	ssyncadd.s32 $0xFFFFF600  }
0x1b1: {  	[tilespmem:s4], [sflag:$0x4] =	stream.linear.gather [hbm4b:s9+s2], $0xA00, $0x38;
	[tilespmem:$0x1EC80] =	vst v63  }
0x1b2: {  	_ =	swait.ge [sflag:s28], $0xA00  }
0x1b3: {  	[sflag:s28] =	ssyncset.done $0x0  }
0x1b4: {  	[sflag:s28] =	ssyncadd.s32 $0xFFFFF600  }
0x1b5: {  	[tilespmem:s31], [sflag:$0x1] =	stream.indirect.gather [hbm4b:s1+s30], $0x80, s2, s30, $0xb8;
	[tilespmem:$0x1EC80] =	vst v63  }
0x1b6: {  	_ = 	snop  }
0x1b7: {  	[tilespmem:s0], [sflag:$0x2] =	stream.indirect.gather [hbm4b:s1+s30], $0x80, s29, s30, $0xb8;
	[tilespmem:$0x1EC80] =	vst v63  }
0x1b8: {  	s9 =	simm.s32 $0x100  }
0x1b9: {  	[tilespmem:s7], [sflag:$0x3] =	stream.indirect.gather [hbm4b:s1+s30], $0x80, s9, s30, $0xb8;
	[tilespmem:$0x1EC80] =	vst v63  }
0x1ba: {  	_ =	swait.ge [sflag:s8], $0x3200  }
0x1bb: {  	[sflag:s8] =	ssyncset.done $0x0  }
0x1bc: {  	[sflag:s8] =	ssyncadd.s32 $0xFFFFCE00  }
0x1bd: {  	[spmem:s3] =	stream.indirect.scatter.add.f32 [tilespmem:s31], [sflag:$0x4], $0x80, s4, s30, $0xb8;
	[tilespmem:$0x1EC80] =	vst v63  }
0x1be: {  	_ =	swait.ge [sflag:s28], $0x3200  }
0x1bf: {  	[sflag:s28] =	ssyncset.done $0x0  }
0x1c0: {  	[sflag:s28] =	ssyncadd.s32 $0xFFFFCE00  }
0x1c1: {  	[tilespmem:s31], [sflag:$0x1] =	stream.indirect.gather [hbm4b:s1+s30], $0x80, s15, s30, $0xb8;
	[tilespmem:$0x1EC80] =	vst v63  }
0x1c2: {  	_ =	swait.ge [sflag:s10], $0x3200  }
0x1c3: {  	[sflag:s10] =	ssyncset.done $0x0  }
0x1c4: {  	[sflag:s10] =	ssyncadd.s32 $0xFFFFCE00  }
0x1c5: {  	[spmem:s3] =	stream.indirect.scatter.add.f32 [tilespmem:s0], [sflag:$0x4], $0x80, s16, s30, $0xb8;
	[tilespmem:$0x1EC80] =	vst v63  }
0x1c6: {  	_ =	swait.ge [sflag:s28], $0x3200  }
0x1c7: {  	[sflag:s28] =	ssyncset.done $0x0  }
0x1c8: {  	[sflag:s28] =	ssyncadd.s32 $0xFFFFCE00  }
0x1c9: {  	[tilespmem:s0], [sflag:$0x2] =	stream.indirect.gather [hbm4b:s1+s30], $0x80, s17, s30, $0xb8;
	[tilespmem:$0x1EC80] =	vst v63  }
0x1ca: {  	_ =	swait.ge [sflag:s13], $0x3200  }
0x1cb: {  	[sflag:s13] =	ssyncset.done $0x0  }
0x1cc: {  	[sflag:s13] =	ssyncadd.s32 $0xFFFFCE00  }
0x1cd: {  	[spmem:s3] =	stream.indirect.scatter.add.f32 [tilespmem:s7], [sflag:$0x4], $0x80, s18, s30, $0xb8;
	[tilespmem:$0x1EC80] =	vst v63  }
0x1ce: {  	_ =	swait.ge [sflag:s28], $0x3200  }
0x1cf: {  	[sflag:s28] =	ssyncset.done $0x0  }
0x1d0: {  	[sflag:s28] =	ssyncadd.s32 $0xFFFFCE00  }
0x1d1: {  	[tilespmem:s7], [sflag:$0x3] =	stream.indirect.gather [hbm4b:s1+s30], $0x80, s19, s30, $0xb8;
	[tilespmem:$0x1EC80] =	vst v63  }
0x1d2: {  	_ =	swait.ge [sflag:s8], $0x3200  }
0x1d3: {  	[sflag:s8] =	ssyncset.done $0x0  }
0x1d4: {  	[sflag:s8] =	ssyncadd.s32 $0xFFFFCE00  }
0x1d5: {  	[spmem:s3] =	stream.indirect.scatter.add.f32 [tilespmem:s31], [sflag:$0x4], $0x80, s20, s30, $0xb8;
	[tilespmem:$0x1EC80] =	vst v63  }
0x1d6: {  	_ =	swait.ge [sflag:s28], $0x3200  }
0x1d7: {  	[sflag:s28] =	ssyncset.done $0x0  }
0x1d8: {  	[sflag:s28] =	ssyncadd.s32 $0xFFFFCE00  }
0x1d9: {  	[tilespmem:s31], [sflag:$0x1] =	stream.indirect.gather [hbm4b:s1+s30], $0x80, s21, s30, $0xb8;
	[tilespmem:$0x1EC80] =	vst v63  }
0x1da: {  	_ =	swait.ge [sflag:s10], $0x3200  }
0x1db: {  	[sflag:s10] =	ssyncset.done $0x0  }
0x1dc: {  	[sflag:s10] =	ssyncadd.s32 $0xFFFFCE00  }
0x1dd: {  	[spmem:s3] =	stream.indirect.scatter.add.f32 [tilespmem:s0], [sflag:$0x4], $0x80, s22, s30, $0xb8;
	[tilespmem:$0x1EC80] =	vst v63  }
0x1de: {  	_ =	swait.ge [sflag:s28], $0x3200  }
0x1df: {  	[sflag:s28] =	ssyncset.done $0x0  }
0x1e0: {  	[sflag:s28] =	ssyncadd.s32 $0xFFFFCE00  }
0x1e1: {  	[tilespmem:s0], [sflag:$0x2] =	stream.indirect.gather [hbm4b:s1+s30], $0x80, s23, s30, $0xb8;
	[tilespmem:$0x1EC80] =	vst v63  }
0x1e2: {  	_ =	swait.ge [sflag:s13], $0x3200  }
0x1e3: {  	[sflag:s13] =	ssyncset.done $0x0  }
0x1e4: {  	[sflag:s13] =	ssyncadd.s32 $0xFFFFCE00  }
0x1e5: {  	[spmem:s3] =	stream.indirect.scatter.add.f32 [tilespmem:s7], [sflag:$0x4], $0x80, s24, s30, $0xb8;
	[tilespmem:$0x1EC80] =	vst v63  }
0x1e6: {  	_ =	swait.ge [sflag:s28], $0x3200  }
0x1e7: {  	[sflag:s28] =	ssyncset.done $0x0  }
0x1e8: {  	[sflag:s28] =	ssyncadd.s32 $0xFFFFCE00  }
0x1e9: {  	[tilespmem:s7], [sflag:$0x3] =	stream.indirect.gather [hbm4b:s1+s30], $0x80, s25, s30, $0xb8;
	[tilespmem:$0x1EC80] =	vst v63  }
0x1ea: {  	_ =	swait.ge [sflag:s8], $0x3200  }
0x1eb: {  	[sflag:s8] =	ssyncset.done $0x0  }
0x1ec: {  	[sflag:s8] =	ssyncadd.s32 $0xFFFFCE00  }
0x1ed: {  	[spmem:s3] =	stream.indirect.scatter.add.f32 [tilespmem:s31], [sflag:$0x4], $0x80, s26, s30, $0xb8;
	[tilespmem:$0x1EC80] =	vst v63  }
0x1ee: {  	_ =	swait.ge [sflag:s28], $0x3200  }
0x1ef: {  	[sflag:s28] =	ssyncset.done $0x0  }
0x1f0: {  	[sflag:s28] =	ssyncadd.s32 $0xFFFFCE00  }
0x1f1: {  	[tilespmem:s31], [sflag:$0x1] =	stream.indirect.gather [hbm4b:s1+s30], $0x80, s14, s30, $0xb8;
	[tilespmem:$0x1EC80] =	vst v63  }
0x1f2: {  	_ =	swait.ge [sflag:s10], $0x3200  }
0x1f3: {  	[sflag:s10] =	ssyncset.done $0x0  }
0x1f4: {  	s9 =	simm.s32 $0xF80;
	[sflag:s10] =	ssyncadd.s32 $0xFFFFCE00  }
0x1f5: {  	[spmem:s3] =	stream.indirect.scatter.add.f32 [tilespmem:s0], [sflag:$0x4], $0x80, s9, s30, $0xb8;
	[tilespmem:$0x1EC80] =	vst v63  }
0x1f6: {  	_ =	swait.ge [sflag:s28], $0x3200  }
0x1f7: {  	[sflag:s28] =	ssyncset.done $0x0  }
0x1f8: {  	s5 =	simm.s32 $0x500;
	[sflag:s28] =	ssyncadd.s32 $0xFFFFCE00  }
0x1f9: {  	[tilespmem:s0], [sflag:$0x2] =	stream.indirect.gather [hbm4b:s1+s30], $0x80, s5, s30, $0xb8;
	[tilespmem:$0x1EC80] =	vst v63  }
0x1fa: {  	_ =	swait.ge [sflag:s13], $0x3200  }
0x1fb: {  	[sflag:s13] =	ssyncset.done $0x0  }
0x1fc: {  	s11 =	simm.s32 $0x1000;
	[sflag:s13] =	ssyncadd.s32 $0xFFFFCE00  }
0x1fd: {  	[spmem:s3] =	stream.indirect.scatter.add.f32 [tilespmem:s7], [sflag:$0x4], $0x80, s11, s30, $0xb8;
	[tilespmem:$0x1EC80] =	vst v63  }
0x1fe: {  	_ =	swait.ge [sflag:s28], $0x3200  }
0x1ff: {  	[sflag:s28] =	ssyncset.done $0x0  }
0x200: {  	s12 =	simm.s32 $0x580;
	[sflag:s28] =	ssyncadd.s32 $0xFFFFCE00  }
0x201: {  	[tilespmem:s7], [sflag:$0x3] =	stream.indirect.gather [hbm4b:s1+s30], $0x80, s12, s30, $0xb8;
	[tilespmem:$0x1EC80] =	vst v63  }
0x202: {  	_ =	swait.ge [sflag:s8], $0x3200  }
0x203: {  	[sflag:s8] =	ssyncset.done $0x0  }
0x204: {  	s9 =	simm.s32 $0x1080;
	[sflag:s8] =	ssyncadd.s32 $0xFFFFCE00  }
0x205: {  	[spmem:s3] =	stream.indirect.scatter.add.f32 [tilespmem:s31], [sflag:$0x4], $0x80, s9, s30, $0xb8;
	[tilespmem:$0x1EC80] =	vst v63  }
0x206: {  	_ =	swait.ge [sflag:s28], $0x3200  }
0x207: {  	[sflag:s28] =	ssyncset.done $0x0  }
0x208: {  	s11 =	simm.s32 $0x600;
	[sflag:s28] =	ssyncadd.s32 $0xFFFFCE00  }
0x209: {  	[tilespmem:s31], [sflag:$0x1] =	stream.indirect.gather [hbm4b:s1+s30], $0x80, s11, s30, $0xb8;
	[tilespmem:$0x1EC80] =	vst v63  }
0x20a: {  	_ =	swait.ge [sflag:s10], $0x3200  }
0x20b: {  	[sflag:s10] =	ssyncset.done $0x0  }
0x20c: {  	s9 =	simm.s32 $0x1100;
	[sflag:s10] =	ssyncadd.s32 $0xFFFFCE00  }
0x20d: {  	[spmem:s3] =	stream.indirect.scatter.add.f32 [tilespmem:s0], [sflag:$0x4], $0x80, s9, s30, $0xb8;
	[tilespmem:$0x1EC80] =	vst v63  }
0x20e: {  	_ =	swait.ge [sflag:s28], $0x3200  }
0x20f: {  	[sflag:s28] =	ssyncset.done $0x0  }
0x210: {  	s11 =	simm.s32 $0x680;
	[sflag:s28] =	ssyncadd.s32 $0xFFFFCE00  }
0x211: {  	[tilespmem:s0], [sflag:$0x2] =	stream.indirect.gather [hbm4b:s1+s30], $0x80, s11, s30, $0xb8;
	[tilespmem:$0x1EC80] =	vst v63  }
0x212: {  	_ =	swait.ge [sflag:s13], $0x3200  }
0x213: {  	[sflag:s13] =	ssyncset.done $0x0  }
0x214: {  	s9 =	simm.s32 $0x1180;
	[sflag:s13] =	ssyncadd.s32 $0xFFFFCE00  }
0x215: {  	[spmem:s3] =	stream.indirect.scatter.add.f32 [tilespmem:s7], [sflag:$0x4], $0x80, s9, s30, $0xb8;
	[tilespmem:$0x1EC80] =	vst v63  }
0x216: {  	_ =	swait.ge [sflag:s28], $0x3200  }
0x217: {  	[sflag:s28] =	ssyncset.done $0x0  }
0x218: {  	s11 =	simm.s32 $0x700;
	[sflag:s28] =	ssyncadd.s32 $0xFFFFCE00  }
0x219: {  	[tilespmem:s7], [sflag:$0x3] =	stream.indirect.gather [hbm4b:s1+s30], $0x80, s11, s30, $0xb8;
	[tilespmem:$0x1EC80] =	vst v63  }
0x21a: {  	_ =	swait.ge [sflag:s8], $0x3200  }
0x21b: {  	[sflag:s8] =	ssyncset.done $0x0  }
0x21c: {  	s9 =	simm.s32 $0x1200;
	[sflag:s8] =	ssyncadd.s32 $0xFFFFCE00  }
0x21d: {  	[spmem:s3] =	stream.indirect.scatter.add.f32 [tilespmem:s31], [sflag:$0x4], $0x80, s9, s30, $0xb8;
	[tilespmem:$0x1EC80] =	vst v63  }
0x21e: {  	_ =	swait.ge [sflag:s28], $0x3200  }
0x21f: {  	[sflag:s28] =	ssyncset.done $0x0  }
0x220: {  	s11 =	simm.s32 $0x780;
	[sflag:s28] =	ssyncadd.s32 $0xFFFFCE00  }
0x221: {  	[tilespmem:s31], [sflag:$0x1] =	stream.indirect.gather [hbm4b:s1+s30], $0x80, s11, s30, $0xb8;
	[tilespmem:$0x1EC80] =	vst v63  }
0x222: {  	_ =	swait.ge [sflag:s10], $0x3200  }
0x223: {  	[sflag:s10] =	ssyncset.done $0x0  }
0x224: {  	s9 =	simm.s32 $0x1280;
	[sflag:s10] =	ssyncadd.s32 $0xFFFFCE00  }
0x225: {  	[spmem:s3] =	stream.indirect.scatter.add.f32 [tilespmem:s0], [sflag:$0x4], $0x80, s9, s30, $0xb8;
	[tilespmem:$0x1EC80] =	vst v63  }
0x226: {  	_ =	swait.ge [sflag:s28], $0x3200  }
0x227: {  	[sflag:s28] =	ssyncset.done $0x0  }
0x228: {  	s11 =	simm.s32 $0x800;
	[sflag:s28] =	ssyncadd.s32 $0xFFFFCE00  }
0x229: {  	[tilespmem:s0], [sflag:$0x2] =	stream.indirect.gather [hbm4b:s1+s30], $0x80, s11, s30, $0xb8;
	[tilespmem:$0x1EC80] =	vst v63  }
0x22a: {  	_ =	swait.ge [sflag:s13], $0x3200  }
0x22b: {  	[sflag:s13] =	ssyncset.done $0x0  }
0x22c: {  	s9 =	simm.s32 $0x1300;
	[sflag:s13] =	ssyncadd.s32 $0xFFFFCE00  }
0x22d: {  	[spmem:s3] =	stream.indirect.scatter.add.f32 [tilespmem:s7], [sflag:$0x4], $0x80, s9, s30, $0xb8;
	[tilespmem:$0x1EC80] =	vst v63  }
0x22e: {  	_ =	swait.ge [sflag:s28], $0x3200  }
0x22f: {  	[sflag:s28] =	ssyncset.done $0x0  }
0x230: {  	s11 =	simm.s32 $0x880;
	[sflag:s28] =	ssyncadd.s32 $0xFFFFCE00  }
0x231: {  	[tilespmem:s7], [sflag:$0x3] =	stream.indirect.gather [hbm4b:s1+s30], $0x80, s11, s30, $0xb8;
	[tilespmem:$0x1EC80] =	vst v63  }
0x232: {  	_ =	swait.ge [sflag:s8], $0x3200  }
0x233: {  	[sflag:s8] =	ssyncset.done $0x0  }
0x234: {  	s9 =	simm.s32 $0x1380;
	[sflag:s8] =	ssyncadd.s32 $0xFFFFCE00  }
0x235: {  	[spmem:s3] =	stream.indirect.scatter.add.f32 [tilespmem:s31], [sflag:$0x4], $0x80, s9, s30, $0xb8;
	[tilespmem:$0x1EC80] =	vst v63  }
0x236: {  	_ =	swait.ge [sflag:s28], $0x3200  }
0x237: {  	[sflag:s28] =	ssyncset.done $0x0  }
0x238: {  	s11 =	simm.s32 $0x900;
	[sflag:s28] =	ssyncadd.s32 $0xFFFFCE00  }
0x239: {  	[tilespmem:s31], [sflag:$0x1] =	stream.indirect.gather [hbm4b:s1+s30], $0x80, s11, s30, $0xb8;
	[tilespmem:$0x1EC80] =	vst v63  }
0x23a: {  	_ =	swait.ge [sflag:s10], $0x3200  }
0x23b: {  	[sflag:s10] =	ssyncset.done $0x0  }
0x23c: {  	s9 =	simm.s32 $0x1400;
	[sflag:s10] =	ssyncadd.s32 $0xFFFFCE00  }
0x23d: {  	[spmem:s3] =	stream.indirect.scatter.add.f32 [tilespmem:s0], [sflag:$0x4], $0x80, s9, s30, $0xb8;
	[tilespmem:$0x1EC80] =	vst v63  }
0x23e: {  	_ =	swait.ge [sflag:s28], $0x3200  }
0x23f: {  	[sflag:s28] =	ssyncset.done $0x0  }
0x240: {  	s11 =	simm.s32 $0x980;
	[sflag:s28] =	ssyncadd.s32 $0xFFFFCE00  }
0x241: {  	[tilespmem:s0], [sflag:$0x2] =	stream.indirect.gather [hbm4b:s1+s30], $0x80, s11, s30, $0xb8;
	[tilespmem:$0x1EC80] =	vst v63  }
0x242: {  	_ =	swait.ge [sflag:s13], $0x3200  }
0x243: {  	[sflag:s13] =	ssyncset.done $0x0  }
0x244: {  	s9 =	simm.s32 $0x1480;
	[sflag:s13] =	ssyncadd.s32 $0xFFFFCE00  }
0x245: {  	[spmem:s3] =	stream.indirect.scatter.add.f32 [tilespmem:s7], [sflag:$0x4], $0x80, s9, s30, $0xb8;
	[tilespmem:$0x1EC80] =	vst v63  }
0x246: {  	_ =	swait.ge [sflag:s28], $0x3200  }
0x247: {  	[sflag:s28] =	ssyncset.done $0x0  }
0x248: {  	[sflag:s28] =	ssyncadd.s32 $0xFFFFCE00  }
0x249: {  	_ =	swait.ge [sflag:s8], $0x3200  }
0x24a: {  	[sflag:s8] =	ssyncset.done $0x0  }
0x24b: {  	s11 =	simm.s32 $0x1500;
	[sflag:s8] =	ssyncadd.s32 $0xFFFFCE00  }
0x24c: {  	[spmem:s3] =	stream.indirect.scatter.add.f32 [tilespmem:s31], [sflag:$0x4], $0x80, s11, s30, $0xb8;
	[tilespmem:$0x1EC80] =	vst v63  }
0x24d: {  	_ =	swait.ge [sflag:s28], $0x3200  }
0x24e: {  	[sflag:s28] =	ssyncset.done $0x0  }
0x24f: {  	[sflag:s28] =	ssyncadd.s32 $0xFFFFCE00  }
0x250: {  	_ =	swait.ge [sflag:s10], $0x3200  }
0x251: {  	[sflag:s10] =	ssyncset.done $0x0  }
0x252: {  	s9 =	simm.s32 $0x1580;
	[sflag:s10] =	ssyncadd.s32 $0xFFFFCE00  }
0x253: {  	[spmem:s3] =	stream.indirect.scatter.add.f32 [tilespmem:s0], [sflag:$0x4], $0x80, s9, s30, $0xb8;
	[tilespmem:$0x1EC80] =	vst v63  }
0x254: {  	_ =	swait.ge [sflag:s28], $0x3200  }
0x255: {  	[sflag:s28] =	ssyncset.done $0x0  }
0x256: {  	s11 =	rddreg [dreg:$0x12];
	[sflag:s28] =	ssyncadd.s32 $0xFFFFCE00  }
0x257: {  	[tilespmem:s2], [sflag:$0x4] =	stream.linear.gather [hbm4b:s11+s2], $0xA00, $0x38;
	[tilespmem:$0x1EC80] =	vst v63  }
0x258: {  	_ =	swait.ge [sflag:s28], $0xA00  }
0x259: {  	[sflag:s28] =	ssyncset.done $0x0  }
0x25a: {  	s5 =	rddreg [dreg:$0x13];
	[sflag:s28] =	ssyncadd.s32 $0xFFFFF600  }
0x25b: {  	[tilespmem:s4], [sflag:$0x4] =	stream.linear.gather [hbm4b:s5+s2], $0xA00, $0x38;
	[tilespmem:$0x1EC80] =	vst v63  }
0x25c: {  	_ =	swait.ge [sflag:s28], $0xA00  }
0x25d: {  	[sflag:s28] =	ssyncset.done $0x0  }
0x25e: {  	[sflag:s28] =	ssyncadd.s32 $0xFFFFF600  }
0x25f: {  	[tilespmem:s31], [sflag:$0x1] =	stream.indirect.gather [hbm4b:s1+s30], $0x80, s2, s30, $0xb8;
	[tilespmem:$0x1EC80] =	vst v63  }
0x260: {  	s29 =	simm.s32 $0x80  }
0x261: {  	[tilespmem:s0], [sflag:$0x2] =	stream.indirect.gather [hbm4b:s1+s30], $0x80, s29, s30, $0xb8;
	[tilespmem:$0x1EC80] =	vst v63  }
0x262: {  	s11 =	simm.s32 $0x100  }
0x263: {  	[tilespmem:s7], [sflag:$0x3] =	stream.indirect.gather [hbm4b:s1+s30], $0x80, s11, s30, $0xb8;
	[tilespmem:$0x1EC80] =	vst v63  }
0x264: {  	_ =	swait.ge [sflag:s8], $0x3200  }
0x265: {  	[sflag:s8] =	ssyncset.done $0x0  }
0x266: {  	[sflag:s8] =	ssyncadd.s32 $0xFFFFCE00  }
0x267: {  	[spmem:s3] =	stream.indirect.scatter.add.f32 [tilespmem:s31], [sflag:$0x4], $0x80, s4, s30, $0xb8;
	[tilespmem:$0x1EC80] =	vst v63  }
0x268: {  	_ =	swait.ge [sflag:s28], $0x3200  }
0x269: {  	[sflag:s28] =	ssyncset.done $0x0  }
0x26a: {  	s15 =	simm.s32 $0x180;
	[sflag:s28] =	ssyncadd.s32 $0xFFFFCE00  }
0x26b: {  	[tilespmem:s31], [sflag:$0x1] =	stream.indirect.gather [hbm4b:s1+s30], $0x80, s15, s30, $0xb8;
	[tilespmem:$0x1EC80] =	vst v63  }
0x26c: {  	_ =	swait.ge [sflag:s10], $0x3200  }
0x26d: {  	[sflag:s10] =	ssyncset.done $0x0  }
0x26e: {  	s16 =	simm.s32 $0xC80;
	[sflag:s10] =	ssyncadd.s32 $0xFFFFCE00  }
0x26f: {  	[spmem:s3] =	stream.indirect.scatter.add.f32 [tilespmem:s0], [sflag:$0x4], $0x80, s16, s30, $0xb8;
	[tilespmem:$0x1EC80] =	vst v63  }
0x270: {  	_ =	swait.ge [sflag:s28], $0x3200  }
0x271: {  	[sflag:s28] =	ssyncset.done $0x0  }
0x272: {  	s17 =	simm.s32 $0x200;
	[sflag:s28] =	ssyncadd.s32 $0xFFFFCE00  }
0x273: {  	[tilespmem:s0], [sflag:$0x2] =	stream.indirect.gather [hbm4b:s1+s30], $0x80, s17, s30, $0xb8;
	[tilespmem:$0x1EC80] =	vst v63  }
0x274: {  	_ =	swait.ge [sflag:s13], $0x3200  }
0x275: {  	[sflag:s13] =	ssyncset.done $0x0  }
0x276: {  	s18 =	simm.s32 $0xD00;
	[sflag:s13] =	ssyncadd.s32 $0xFFFFCE00  }
0x277: {  	[spmem:s3] =	stream.indirect.scatter.add.f32 [tilespmem:s7], [sflag:$0x4], $0x80, s18, s30, $0xb8;
	[tilespmem:$0x1EC80] =	vst v63  }
0x278: {  	_ =	swait.ge [sflag:s28], $0x3200  }
0x279: {  	[sflag:s28] =	ssyncset.done $0x0  }
0x27a: {  	s19 =	simm.s32 $0x280;
	[sflag:s28] =	ssyncadd.s32 $0xFFFFCE00  }
0x27b: {  	[tilespmem:s7], [sflag:$0x3] =	stream.indirect.gather [hbm4b:s1+s30], $0x80, s19, s30, $0xb8;
	[tilespmem:$0x1EC80] =	vst v63  }
0x27c: {  	_ =	swait.ge [sflag:s8], $0x3200  }
0x27d: {  	[sflag:s8] =	ssyncset.done $0x0  }
0x27e: {  	s20 =	simm.s32 $0xD80;
	[sflag:s8] =	ssyncadd.s32 $0xFFFFCE00  }
0x27f: {  	[spmem:s3] =	stream.indirect.scatter.add.f32 [tilespmem:s31], [sflag:$0x4], $0x80, s20, s30, $0xb8;
	[tilespmem:$0x1EC80] =	vst v63  }
0x280: {  	_ =	swait.ge [sflag:s28], $0x3200  }
0x281: {  	[sflag:s28] =	ssyncset.done $0x0  }
0x282: {  	s21 =	simm.s32 $0x300;
	[sflag:s28] =	ssyncadd.s32 $0xFFFFCE00  }
0x283: {  	[tilespmem:s31], [sflag:$0x1] =	stream.indirect.gather [hbm4b:s1+s30], $0x80, s21, s30, $0xb8;
	[tilespmem:$0x1EC80] =	vst v63  }
0x284: {  	_ =	swait.ge [sflag:s10], $0x3200  }
0x285: {  	[sflag:s10] =	ssyncset.done $0x0  }
0x286: {  	s22 =	simm.s32 $0xE00;
	[sflag:s10] =	ssyncadd.s32 $0xFFFFCE00  }
0x287: {  	[spmem:s3] =	stream.indirect.scatter.add.f32 [tilespmem:s0], [sflag:$0x4], $0x80, s22, s30, $0xb8;
	[tilespmem:$0x1EC80] =	vst v63  }
0x288: {  	_ =	swait.ge [sflag:s28], $0x3200  }
0x289: {  	[sflag:s28] =	ssyncset.done $0x0  }
0x28a: {  	s23 =	simm.s32 $0x380;
	[sflag:s28] =	ssyncadd.s32 $0xFFFFCE00  }
0x28b: {  	[tilespmem:s0], [sflag:$0x2] =	stream.indirect.gather [hbm4b:s1+s30], $0x80, s23, s30, $0xb8;
	[tilespmem:$0x1EC80] =	vst v63  }
0x28c: {  	_ =	swait.ge [sflag:s13], $0x3200  }
0x28d: {  	[sflag:s13] =	ssyncset.done $0x0  }
0x28e: {  	s24 =	simm.s32 $0xE80;
	[sflag:s13] =	ssyncadd.s32 $0xFFFFCE00  }
0x28f: {  	[spmem:s3] =	stream.indirect.scatter.add.f32 [tilespmem:s7], [sflag:$0x4], $0x80, s24, s30, $0xb8;
	[tilespmem:$0x1EC80] =	vst v63  }
0x290: {  	_ =	swait.ge [sflag:s28], $0x3200  }
0x291: {  	[sflag:s28] =	ssyncset.done $0x0  }
0x292: {  	s25 =	simm.s32 $0x400;
	[sflag:s28] =	ssyncadd.s32 $0xFFFFCE00  }
0x293: {  	[tilespmem:s7], [sflag:$0x3] =	stream.indirect.gather [hbm4b:s1+s30], $0x80, s25, s30, $0xb8;
	[tilespmem:$0x1EC80] =	vst v63  }
0x294: {  	_ =	swait.ge [sflag:s8], $0x3200  }
0x295: {  	[sflag:s8] =	ssyncset.done $0x0  }
0x296: {  	s26 =	simm.s32 $0xF00;
	[sflag:s8] =	ssyncadd.s32 $0xFFFFCE00  }
0x297: {  	[spmem:s3] =	stream.indirect.scatter.add.f32 [tilespmem:s31], [sflag:$0x4], $0x80, s26, s30, $0xb8;
	[tilespmem:$0x1EC80] =	vst v63  }
0x298: {  	_ =	swait.ge [sflag:s28], $0x3200  }
0x299: {  	[sflag:s28] =	ssyncset.done $0x0  }
0x29a: {  	s14 =	simm.s32 $0x480;
	[sflag:s28] =	ssyncadd.s32 $0xFFFFCE00  }
0x29b: {  	[tilespmem:s31], [sflag:$0x1] =	stream.indirect.gather [hbm4b:s1+s30], $0x80, s14, s30, $0xb8;
	[tilespmem:$0x1EC80] =	vst v63  }
0x29c: {  	_ =	swait.ge [sflag:s10], $0x3200  }
0x29d: {  	[sflag:s10] =	ssyncset.done $0x0  }
0x29e: {  	s26 =	simm.s32 $0xF80;
	[sflag:s10] =	ssyncadd.s32 $0xFFFFCE00  }
0x29f: {  	[spmem:s3] =	stream.indirect.scatter.add.f32 [tilespmem:s0], [sflag:$0x4], $0x80, s26, s30, $0xb8;
	[tilespmem:$0x1EC80] =	vst v63  }
0x2a0: {  	_ =	swait.ge [sflag:s28], $0x3200  }
0x2a1: {  	[sflag:s28] =	ssyncset.done $0x0  }
0x2a2: {  	s14 =	simm.s32 $0x500;
	[sflag:s28] =	ssyncadd.s32 $0xFFFFCE00  }
0x2a3: {  	[tilespmem:s0], [sflag:$0x2] =	stream.indirect.gather [hbm4b:s1+s30], $0x80, s14, s30, $0xb8;
	[tilespmem:$0x1EC80] =	vst v63  }
0x2a4: {  	_ =	swait.ge [sflag:s13], $0x3200  }
0x2a5: {  	[sflag:s13] =	ssyncset.done $0x0  }
0x2a6: {  	s26 =	simm.s32 $0x1000;
	[sflag:s13] =	ssyncadd.s32 $0xFFFFCE00  }
0x2a7: {  	[spmem:s3] =	stream.indirect.scatter.add.f32 [tilespmem:s7], [sflag:$0x4], $0x80, s26, s30, $0xb8;
	[tilespmem:$0x1EC80] =	vst v63  }
0x2a8: {  	_ =	swait.ge [sflag:s28], $0x3200  }
0x2a9: {  	[sflag:s28] =	ssyncset.done $0x0  }
0x2aa: {  	s12 =	simm.s32 $0x580;
	[sflag:s28] =	ssyncadd.s32 $0xFFFFCE00  }
0x2ab: {  	[tilespmem:s7], [sflag:$0x3] =	stream.indirect.gather [hbm4b:s1+s30], $0x80, s12, s30, $0xb8;
	[tilespmem:$0x1EC80] =	vst v63  }
0x2ac: {  	_ =	swait.ge [sflag:s8], $0x3200  }
0x2ad: {  	[sflag:s8] =	ssyncset.done $0x0  }
0x2ae: {  	s9 =	simm.s32 $0x1080;
	[sflag:s8] =	ssyncadd.s32 $0xFFFFCE00  }
0x2af: {  	[spmem:s3] =	stream.indirect.scatter.add.f32 [tilespmem:s31], [sflag:$0x4], $0x80, s9, s30, $0xb8;
	[tilespmem:$0x1EC80] =	vst v63  }
0x2b0: {  	_ =	swait.ge [sflag:s28], $0x3200  }
0x2b1: {  	[sflag:s28] =	ssyncset.done $0x0  }
0x2b2: {  	s9 =	simm.s32 $0x600;
	[sflag:s28] =	ssyncadd.s32 $0xFFFFCE00  }
0x2b3: {  	[tilespmem:s31], [sflag:$0x1] =	stream.indirect.gather [hbm4b:s1+s30], $0x80, s9, s30, $0xb8;
	[tilespmem:$0x1EC80] =	vst v63  }
0x2b4: {  	_ =	swait.ge [sflag:s10], $0x3200  }
0x2b5: {  	[sflag:s10] =	ssyncset.done $0x0  }
0x2b6: {  	s9 =	simm.s32 $0x1100;
	[sflag:s10] =	ssyncadd.s32 $0xFFFFCE00  }
0x2b7: {  	[spmem:s3] =	stream.indirect.scatter.add.f32 [tilespmem:s0], [sflag:$0x4], $0x80, s9, s30, $0xb8;
	[tilespmem:$0x1EC80] =	vst v63  }
0x2b8: {  	_ =	swait.ge [sflag:s28], $0x3200  }
0x2b9: {  	[sflag:s28] =	ssyncset.done $0x0  }
0x2ba: {  	s9 =	simm.s32 $0x680;
	[sflag:s28] =	ssyncadd.s32 $0xFFFFCE00  }
0x2bb: {  	[tilespmem:s0], [sflag:$0x2] =	stream.indirect.gather [hbm4b:s1+s30], $0x80, s9, s30, $0xb8;
	[tilespmem:$0x1EC80] =	vst v63  }
0x2bc: {  	_ =	swait.ge [sflag:s13], $0x3200  }
0x2bd: {  	[sflag:s13] =	ssyncset.done $0x0  }
0x2be: {  	s9 =	simm.s32 $0x1180;
	[sflag:s13] =	ssyncadd.s32 $0xFFFFCE00  }
0x2bf: {  	[spmem:s3] =	stream.indirect.scatter.add.f32 [tilespmem:s7], [sflag:$0x4], $0x80, s9, s30, $0xb8;
	[tilespmem:$0x1EC80] =	vst v63  }
0x2c0: {  	_ =	swait.ge [sflag:s28], $0x3200  }
0x2c1: {  	[sflag:s28] =	ssyncset.done $0x0  }
0x2c2: {  	s9 =	simm.s32 $0x700;
	[sflag:s28] =	ssyncadd.s32 $0xFFFFCE00  }
0x2c3: {  	[tilespmem:s7], [sflag:$0x3] =	stream.indirect.gather [hbm4b:s1+s30], $0x80, s9, s30, $0xb8;
	[tilespmem:$0x1EC80] =	vst v63  }
0x2c4: {  	_ =	swait.ge [sflag:s8], $0x3200  }
0x2c5: {  	[sflag:s8] =	ssyncset.done $0x0  }
0x2c6: {  	s9 =	simm.s32 $0x1200;
	[sflag:s8] =	ssyncadd.s32 $0xFFFFCE00  }
0x2c7: {  	[spmem:s3] =	stream.indirect.scatter.add.f32 [tilespmem:s31], [sflag:$0x4], $0x80, s9, s30, $0xb8;
	[tilespmem:$0x1EC80] =	vst v63  }
0x2c8: {  	_ =	swait.ge [sflag:s28], $0x3200  }
0x2c9: {  	[sflag:s28] =	ssyncset.done $0x0  }
0x2ca: {  	s9 =	simm.s32 $0x780;
	[sflag:s28] =	ssyncadd.s32 $0xFFFFCE00  }
0x2cb: {  	[tilespmem:s31], [sflag:$0x1] =	stream.indirect.gather [hbm4b:s1+s30], $0x80, s9, s30, $0xb8;
	[tilespmem:$0x1EC80] =	vst v63  }
0x2cc: {  	_ =	swait.ge [sflag:s10], $0x3200  }
0x2cd: {  	[sflag:s10] =	ssyncset.done $0x0  }
0x2ce: {  	s9 =	simm.s32 $0x1280;
	[sflag:s10] =	ssyncadd.s32 $0xFFFFCE00  }
0x2cf: {  	[spmem:s3] =	stream.indirect.scatter.add.f32 [tilespmem:s0], [sflag:$0x4], $0x80, s9, s30, $0xb8;
	[tilespmem:$0x1EC80] =	vst v63  }
0x2d0: {  	_ =	swait.ge [sflag:s28], $0x3200  }
0x2d1: {  	[sflag:s28] =	ssyncset.done $0x0  }
0x2d2: {  	s9 =	simm.s32 $0x800;
	[sflag:s28] =	ssyncadd.s32 $0xFFFFCE00  }
0x2d3: {  	[tilespmem:s0], [sflag:$0x2] =	stream.indirect.gather [hbm4b:s1+s30], $0x80, s9, s30, $0xb8;
	[tilespmem:$0x1EC80] =	vst v63  }
0x2d4: {  	_ =	swait.ge [sflag:s13], $0x3200  }
0x2d5: {  	[sflag:s13] =	ssyncset.done $0x0  }
0x2d6: {  	s9 =	simm.s32 $0x1300;
	[sflag:s13] =	ssyncadd.s32 $0xFFFFCE00  }
0x2d7: {  	[spmem:s3] =	stream.indirect.scatter.add.f32 [tilespmem:s7], [sflag:$0x4], $0x80, s9, s30, $0xb8;
	[tilespmem:$0x1EC80] =	vst v63  }
0x2d8: {  	_ =	swait.ge [sflag:s28], $0x3200  }
0x2d9: {  	[sflag:s28] =	ssyncset.done $0x0  }
0x2da: {  	s9 =	simm.s32 $0x880;
	[sflag:s28] =	ssyncadd.s32 $0xFFFFCE00  }
0x2db: {  	[tilespmem:s7], [sflag:$0x3] =	stream.indirect.gather [hbm4b:s1+s30], $0x80, s9, s30, $0xb8;
	[tilespmem:$0x1EC80] =	vst v63  }
0x2dc: {  	_ =	swait.ge [sflag:s8], $0x3200  }
0x2dd: {  	[sflag:s8] =	ssyncset.done $0x0  }
0x2de: {  	s9 =	simm.s32 $0x1380;
	[sflag:s8] =	ssyncadd.s32 $0xFFFFCE00  }
0x2df: {  	[spmem:s3] =	stream.indirect.scatter.add.f32 [tilespmem:s31], [sflag:$0x4], $0x80, s9, s30, $0xb8;
	[tilespmem:$0x1EC80] =	vst v63  }
0x2e0: {  	_ =	swait.ge [sflag:s28], $0x3200  }
0x2e1: {  	[sflag:s28] =	ssyncset.done $0x0  }
0x2e2: {  	s9 =	simm.s32 $0x900;
	[sflag:s28] =	ssyncadd.s32 $0xFFFFCE00  }
0x2e3: {  	[tilespmem:s31], [sflag:$0x1] =	stream.indirect.gather [hbm4b:s1+s30], $0x80, s9, s30, $0xb8;
	[tilespmem:$0x1EC80] =	vst v63  }
0x2e4: {  	_ =	swait.ge [sflag:s10], $0x3200  }
0x2e5: {  	[sflag:s10] =	ssyncset.done $0x0  }
0x2e6: {  	s9 =	simm.s32 $0x1400;
	[sflag:s10] =	ssyncadd.s32 $0xFFFFCE00  }
0x2e7: {  	[spmem:s3] =	stream.indirect.scatter.add.f32 [tilespmem:s0], [sflag:$0x4], $0x80, s9, s30, $0xb8;
	[tilespmem:$0x1EC80] =	vst v63  }
0x2e8: {  	_ =	swait.ge [sflag:s28], $0x3200  }
0x2e9: {  	[sflag:s28] =	ssyncset.done $0x0  }
0x2ea: {  	s9 =	simm.s32 $0x980;
	[sflag:s28] =	ssyncadd.s32 $0xFFFFCE00  }
0x2eb: {  	[tilespmem:s0], [sflag:$0x2] =	stream.indirect.gather [hbm4b:s1+s30], $0x80, s9, s30, $0xb8;
	[tilespmem:$0x1EC80] =	vst v63  }
0x2ec: {  	_ =	swait.ge [sflag:s13], $0x3200  }
0x2ed: {  	[sflag:s13] =	ssyncset.done $0x0  }
0x2ee: {  	s9 =	simm.s32 $0x1480;
	[sflag:s13] =	ssyncadd.s32 $0xFFFFCE00  }
0x2ef: {  	[spmem:s3] =	stream.indirect.scatter.add.f32 [tilespmem:s7], [sflag:$0x4], $0x80, s9, s30, $0xb8;
	[tilespmem:$0x1EC80] =	vst v63  }
0x2f0: {  	_ =	swait.ge [sflag:s28], $0x3200  }
0x2f1: {  	[sflag:s28] =	ssyncset.done $0x0  }
0x2f2: {  	[sflag:s28] =	ssyncadd.s32 $0xFFFFCE00  }
0x2f3: {  	_ =	swait.ge [sflag:s8], $0x3200  }
0x2f4: {  	[sflag:s8] =	ssyncset.done $0x0  }
0x2f5: {  	s9 =	simm.s32 $0x1500;
	[sflag:s8] =	ssyncadd.s32 $0xFFFFCE00  }
0x2f6: {  	[spmem:s3] =	stream.indirect.scatter.add.f32 [tilespmem:s31], [sflag:$0x4], $0x80, s9, s30, $0xb8;
	[tilespmem:$0x1EC80] =	vst v63  }
0x2f7: {  	_ =	swait.ge [sflag:s28], $0x3200  }
0x2f8: {  	[sflag:s28] =	ssyncset.done $0x0  }
0x2f9: {  	[sflag:s28] =	ssyncadd.s32 $0xFFFFCE00  }
0x2fa: {  	_ =	swait.ge [sflag:s10], $0x3200  }
0x2fb: {  	[sflag:s10] =	ssyncset.done $0x0  }
0x2fc: {  	s9 =	simm.s32 $0x1580;
	[sflag:s10] =	ssyncadd.s32 $0xFFFFCE00  }
0x2fd: {  	[spmem:s3] =	stream.indirect.scatter.add.f32 [tilespmem:s0], [sflag:$0x4], $0x80, s9, s30, $0xb8;
	[tilespmem:$0x1EC80] =	vst v63  }
0x2fe: {  	_ =	swait.ge [sflag:s28], $0x3200  }
0x2ff: {  	[sflag:s28] =	ssyncset.done $0x0  }
0x300: {  	s9 =	rddreg [dreg:$0x14];
	[sflag:s28] =	ssyncadd.s32 $0xFFFFCE00  }
0x301: {  	[tilespmem:s2], [sflag:$0x4] =	stream.linear.gather [hbm4b:s9+s2], $0xA00, $0x38;
	[tilespmem:$0x1EC80] =	vst v63  }
0x302: {  	_ =	swait.ge [sflag:s28], $0xA00  }
0x303: {  	[sflag:s28] =	ssyncset.done $0x0  }
0x304: {  	s9 =	rddreg [dreg:$0x15];
	[sflag:s28] =	ssyncadd.s32 $0xFFFFF600  }
0x305: {  	[tilespmem:s4], [sflag:$0x4] =	stream.linear.gather [hbm4b:s9+s2], $0xA00, $0x38;
	[tilespmem:$0x1EC80] =	vst v63  }
0x306: {  	_ =	swait.ge [sflag:s28], $0xA00  }
0x307: {  	[sflag:s28] =	ssyncset.done $0x0  }
0x308: {  	[sflag:s28] =	ssyncadd.s32 $0xFFFFF600  }
0x309: {  	[tilespmem:s31], [sflag:$0x1] =	stream.indirect.gather [hbm4b:s1+s30], $0x80, s2, s30, $0xb8;
	[tilespmem:$0x1EC80] =	vst v63  }
0x30a: {  	s5 =	simm.s32 $0x80  }
0x30b: {  	[tilespmem:s0], [sflag:$0x2] =	stream.indirect.gather [hbm4b:s1+s30], $0x80, s5, s30, $0xb8;
	[tilespmem:$0x1EC80] =	vst v63  }
0x30c: {  	s9 =	simm.s32 $0x100  }
0x30d: {  	[tilespmem:s7], [sflag:$0x3] =	stream.indirect.gather [hbm4b:s1+s30], $0x80, s9, s30, $0xb8;
	[tilespmem:$0x1EC80] =	vst v63  }
0x30e: {  	_ =	swait.ge [sflag:s8], $0x3200  }
0x30f: {  	[sflag:s8] =	ssyncset.done $0x0  }
0x310: {  	[sflag:s8] =	ssyncadd.s32 $0xFFFFCE00  }
0x311: {  	[spmem:s3] =	stream.indirect.scatter.add.f32 [tilespmem:s31], [sflag:$0x4], $0x80, s4, s30, $0xb8;
	[tilespmem:$0x1EC80] =	vst v63  }
0x312: {  	_ =	swait.ge [sflag:s28], $0x3200  }
0x313: {  	[sflag:s28] =	ssyncset.done $0x0  }
0x314: {  	s11 =	simm.s32 $0x180;
	[sflag:s28] =	ssyncadd.s32 $0xFFFFCE00  }
0x315: {  	[tilespmem:s31], [sflag:$0x1] =	stream.indirect.gather [hbm4b:s1+s30], $0x80, s11, s30, $0xb8;
	[tilespmem:$0x1EC80] =	vst v63  }
0x316: {  	_ =	swait.ge [sflag:s10], $0x3200  }
0x317: {  	[sflag:s10] =	ssyncset.done $0x0  }
0x318: {  	s15 =	simm.s32 $0xC80;
	[sflag:s10] =	ssyncadd.s32 $0xFFFFCE00  }
0x319: {  	[spmem:s3] =	stream.indirect.scatter.add.f32 [tilespmem:s0], [sflag:$0x4], $0x80, s15, s30, $0xb8;
	[tilespmem:$0x1EC80] =	vst v63  }
0x31a: {  	_ =	swait.ge [sflag:s28], $0x3200  }
0x31b: {  	[sflag:s28] =	ssyncset.done $0x0  }
0x31c: {  	s16 =	simm.s32 $0x200;
	[sflag:s28] =	ssyncadd.s32 $0xFFFFCE00  }
0x31d: {  	[tilespmem:s0], [sflag:$0x2] =	stream.indirect.gather [hbm4b:s1+s30], $0x80, s16, s30, $0xb8;
	[tilespmem:$0x1EC80] =	vst v63  }
0x31e: {  	_ =	swait.ge [sflag:s13], $0x3200  }
0x31f: {  	[sflag:s13] =	ssyncset.done $0x0  }
0x320: {  	s17 =	simm.s32 $0xD00;
	[sflag:s13] =	ssyncadd.s32 $0xFFFFCE00  }
0x321: {  	[spmem:s3] =	stream.indirect.scatter.add.f32 [tilespmem:s7], [sflag:$0x4], $0x80, s17, s30, $0xb8;
	[tilespmem:$0x1EC80] =	vst v63  }
0x322: {  	_ =	swait.ge [sflag:s28], $0x3200  }
0x323: {  	[sflag:s28] =	ssyncset.done $0x0  }
0x324: {  	s18 =	simm.s32 $0x280;
	[sflag:s28] =	ssyncadd.s32 $0xFFFFCE00  }
0x325: {  	[tilespmem:s7], [sflag:$0x3] =	stream.indirect.gather [hbm4b:s1+s30], $0x80, s18, s30, $0xb8;
	[tilespmem:$0x1EC80] =	vst v63  }
0x326: {  	_ =	swait.ge [sflag:s8], $0x3200  }
0x327: {  	[sflag:s8] =	ssyncset.done $0x0  }
0x328: {  	s19 =	simm.s32 $0xD80;
	[sflag:s8] =	ssyncadd.s32 $0xFFFFCE00  }
0x329: {  	[spmem:s3] =	stream.indirect.scatter.add.f32 [tilespmem:s31], [sflag:$0x4], $0x80, s19, s30, $0xb8;
	[tilespmem:$0x1EC80] =	vst v63  }
0x32a: {  	_ =	swait.ge [sflag:s28], $0x3200  }
0x32b: {  	[sflag:s28] =	ssyncset.done $0x0  }
0x32c: {  	s20 =	simm.s32 $0x300;
	[sflag:s28] =	ssyncadd.s32 $0xFFFFCE00  }
0x32d: {  	[tilespmem:s31], [sflag:$0x1] =	stream.indirect.gather [hbm4b:s1+s30], $0x80, s20, s30, $0xb8;
	[tilespmem:$0x1EC80] =	vst v63  }
0x32e: {  	_ =	swait.ge [sflag:s10], $0x3200  }
0x32f: {  	[sflag:s10] =	ssyncset.done $0x0  }
0x330: {  	s21 =	simm.s32 $0xE00;
	[sflag:s10] =	ssyncadd.s32 $0xFFFFCE00  }
0x331: {  	[spmem:s3] =	stream.indirect.scatter.add.f32 [tilespmem:s0], [sflag:$0x4], $0x80, s21, s30, $0xb8;
	[tilespmem:$0x1EC80] =	vst v63  }
0x332: {  	_ =	swait.ge [sflag:s28], $0x3200  }
0x333: {  	[sflag:s28] =	ssyncset.done $0x0  }
0x334: {  	s22 =	simm.s32 $0x380;
	[sflag:s28] =	ssyncadd.s32 $0xFFFFCE00  }
0x335: {  	[tilespmem:s0], [sflag:$0x2] =	stream.indirect.gather [hbm4b:s1+s30], $0x80, s22, s30, $0xb8;
	[tilespmem:$0x1EC80] =	vst v63  }
0x336: {  	_ =	swait.ge [sflag:s13], $0x3200  }
0x337: {  	[sflag:s13] =	ssyncset.done $0x0  }
0x338: {  	s23 =	simm.s32 $0xE80;
	[sflag:s13] =	ssyncadd.s32 $0xFFFFCE00  }
0x339: {  	[spmem:s3] =	stream.indirect.scatter.add.f32 [tilespmem:s7], [sflag:$0x4], $0x80, s23, s30, $0xb8;
	[tilespmem:$0x1EC80] =	vst v63  }
0x33a: {  	_ =	swait.ge [sflag:s28], $0x3200  }
0x33b: {  	[sflag:s28] =	ssyncset.done $0x0  }
0x33c: {  	s24 =	simm.s32 $0x400;
	[sflag:s28] =	ssyncadd.s32 $0xFFFFCE00  }
0x33d: {  	[tilespmem:s7], [sflag:$0x3] =	stream.indirect.gather [hbm4b:s1+s30], $0x80, s24, s30, $0xb8;
	[tilespmem:$0x1EC80] =	vst v63  }
0x33e: {  	_ =	swait.ge [sflag:s8], $0x3200  }
0x33f: {  	[sflag:s8] =	ssyncset.done $0x0  }
0x340: {  	s25 =	simm.s32 $0xF00;
	[sflag:s8] =	ssyncadd.s32 $0xFFFFCE00  }
0x341: {  	[spmem:s3] =	stream.indirect.scatter.add.f32 [tilespmem:s31], [sflag:$0x4], $0x80, s25, s30, $0xb8;
	[tilespmem:$0x1EC80] =	vst v63  }
0x342: {  	_ =	swait.ge [sflag:s28], $0x3200  }
0x343: {  	[sflag:s28] =	ssyncset.done $0x0  }
0x344: {  	s29 =	simm.s32 $0x480;
	[sflag:s28] =	ssyncadd.s32 $0xFFFFCE00  }
0x345: {  	[tilespmem:s31], [sflag:$0x1] =	stream.indirect.gather [hbm4b:s1+s30], $0x80, s29, s30, $0xb8;
	[tilespmem:$0x1EC80] =	vst v63  }
0x346: {  	_ =	swait.ge [sflag:s10], $0x3200  }
0x347: {  	[sflag:s10] =	ssyncset.done $0x0  }
0x348: {  	s24 =	simm.s32 $0xF80;
	[sflag:s10] =	ssyncadd.s32 $0xFFFFCE00  }
0x349: {  	[spmem:s3] =	stream.indirect.scatter.add.f32 [tilespmem:s0], [sflag:$0x4], $0x80, s24, s30, $0xb8;
	[tilespmem:$0x1EC80] =	vst v63  }
0x34a: {  	_ =	swait.ge [sflag:s28], $0x3200  }
0x34b: {  	[sflag:s28] =	ssyncset.done $0x0  }
0x34c: {  	s14 =	simm.s32 $0x500;
	[sflag:s28] =	ssyncadd.s32 $0xFFFFCE00  }
0x34d: {  	[tilespmem:s0], [sflag:$0x2] =	stream.indirect.gather [hbm4b:s1+s30], $0x80, s14, s30, $0xb8;
	[tilespmem:$0x1EC80] =	vst v63  }
0x34e: {  	_ =	swait.ge [sflag:s13], $0x3200  }
0x34f: {  	[sflag:s13] =	ssyncset.done $0x0  }
0x350: {  	s26 =	simm.s32 $0x1000;
	[sflag:s13] =	ssyncadd.s32 $0xFFFFCE00  }
0x351: {  	[spmem:s3] =	stream.indirect.scatter.add.f32 [tilespmem:s7], [sflag:$0x4], $0x80, s26, s30, $0xb8;
	[tilespmem:$0x1EC80] =	vst v63  }
0x352: {  	_ =	swait.ge [sflag:s28], $0x3200  }
0x353: {  	[sflag:s28] =	ssyncset.done $0x0  }
0x354: {  	s12 =	simm.s32 $0x580;
	[sflag:s28] =	ssyncadd.s32 $0xFFFFCE00  }
0x355: {  	[tilespmem:s7], [sflag:$0x3] =	stream.indirect.gather [hbm4b:s1+s30], $0x80, s12, s30, $0xb8;
	[tilespmem:$0x1EC80] =	vst v63  }
0x356: {  	_ =	swait.ge [sflag:s8], $0x3200  }
0x357: {  	[sflag:s8] =	ssyncset.done $0x0  }
0x358: {  	s25 =	simm.s32 $0x1080;
	[sflag:s8] =	ssyncadd.s32 $0xFFFFCE00  }
0x359: {  	[spmem:s3] =	stream.indirect.scatter.add.f32 [tilespmem:s31], [sflag:$0x4], $0x80, s25, s30, $0xb8;
	[tilespmem:$0x1EC80] =	vst v63  }
0x35a: {  	_ =	swait.ge [sflag:s28], $0x3200  }
0x35b: {  	[sflag:s28] =	ssyncset.done $0x0  }
0x35c: {  	s26 =	simm.s32 $0x600;
	[sflag:s28] =	ssyncadd.s32 $0xFFFFCE00  }
0x35d: {  	[tilespmem:s31], [sflag:$0x1] =	stream.indirect.gather [hbm4b:s1+s30], $0x80, s26, s30, $0xb8;
	[tilespmem:$0x1EC80] =	vst v63  }
0x35e: {  	_ =	swait.ge [sflag:s10], $0x3200  }
0x35f: {  	[sflag:s10] =	ssyncset.done $0x0  }
0x360: {  	s29 =	simm.s32 $0x1100;
	[sflag:s10] =	ssyncadd.s32 $0xFFFFCE00  }
0x361: {  	[spmem:s3] =	stream.indirect.scatter.add.f32 [tilespmem:s0], [sflag:$0x4], $0x80, s29, s30, $0xb8;
	[tilespmem:$0x1EC80] =	vst v63  }
0x362: {  	_ =	swait.ge [sflag:s28], $0x3200  }
0x363: {  	[sflag:s28] =	ssyncset.done $0x0  }
0x364: {  	s5 =	simm.s32 $0x680;
	[sflag:s28] =	ssyncadd.s32 $0xFFFFCE00  }
0x365: {  	[tilespmem:s0], [sflag:$0x2] =	stream.indirect.gather [hbm4b:s1+s30], $0x80, s5, s30, $0xb8;
	[tilespmem:$0x1EC80] =	vst v63  }
0x366: {  	_ =	swait.ge [sflag:s13], $0x3200  }
0x367: {  	[sflag:s13] =	ssyncset.done $0x0  }
0x368: {  	s9 =	simm.s32 $0x1180;
	[sflag:s13] =	ssyncadd.s32 $0xFFFFCE00  }
0x369: {  	[spmem:s3] =	stream.indirect.scatter.add.f32 [tilespmem:s7], [sflag:$0x4], $0x80, s9, s30, $0xb8;
	[tilespmem:$0x1EC80] =	vst v63  }
0x36a: {  	_ =	swait.ge [sflag:s28], $0x3200  }
0x36b: {  	[sflag:s28] =	ssyncset.done $0x0  }
0x36c: {  	s11 =	simm.s32 $0x700;
	[sflag:s28] =	ssyncadd.s32 $0xFFFFCE00  }
0x36d: {  	[tilespmem:s7], [sflag:$0x3] =	stream.indirect.gather [hbm4b:s1+s30], $0x80, s11, s30, $0xb8;
	[tilespmem:$0x1EC80] =	vst v63  }
0x36e: {  	_ =	swait.ge [sflag:s8], $0x3200  }
0x36f: {  	[sflag:s8] =	ssyncset.done $0x0  }
0x370: {  	s12 =	simm.s32 $0x1200;
	[sflag:s8] =	ssyncadd.s32 $0xFFFFCE00  }
0x371: {  	[spmem:s3] =	stream.indirect.scatter.add.f32 [tilespmem:s31], [sflag:$0x4], $0x80, s12, s30, $0xb8;
	[tilespmem:$0x1EC80] =	vst v63  }
0x372: {  	_ =	swait.ge [sflag:s28], $0x3200  }
0x373: {  	[sflag:s28] =	ssyncset.done $0x0  }
0x374: {  	s14 =	simm.s32 $0x780;
	[sflag:s28] =	ssyncadd.s32 $0xFFFFCE00  }
0x375: {  	[tilespmem:s31], [sflag:$0x1] =	stream.indirect.gather [hbm4b:s1+s30], $0x80, s14, s30, $0xb8;
	[tilespmem:$0x1EC80] =	vst v63  }
0x376: {  	_ =	swait.ge [sflag:s10], $0x3200  }
0x377: {  	[sflag:s10] =	ssyncset.done $0x0  }
0x378: {  	s15 =	simm.s32 $0x1280;
	[sflag:s10] =	ssyncadd.s32 $0xFFFFCE00  }
0x379: {  	[spmem:s3] =	stream.indirect.scatter.add.f32 [tilespmem:s0], [sflag:$0x4], $0x80, s15, s30, $0xb8;
	[tilespmem:$0x1EC80] =	vst v63  }
0x37a: {  	_ =	swait.ge [sflag:s28], $0x3200  }
0x37b: {  	[sflag:s28] =	ssyncset.done $0x0  }
0x37c: {  	s16 =	simm.s32 $0x800;
	[sflag:s28] =	ssyncadd.s32 $0xFFFFCE00  }
0x37d: {  	[tilespmem:s0], [sflag:$0x2] =	stream.indirect.gather [hbm4b:s1+s30], $0x80, s16, s30, $0xb8;
	[tilespmem:$0x1EC80] =	vst v63  }
0x37e: {  	_ =	swait.ge [sflag:s13], $0x3200  }
0x37f: {  	[sflag:s13] =	ssyncset.done $0x0  }
0x380: {  	s17 =	simm.s32 $0x1300;
	[sflag:s13] =	ssyncadd.s32 $0xFFFFCE00  }
0x381: {  	[spmem:s3] =	stream.indirect.scatter.add.f32 [tilespmem:s7], [sflag:$0x4], $0x80, s17, s30, $0xb8;
	[tilespmem:$0x1EC80] =	vst v63  }
0x382: {  	_ =	swait.ge [sflag:s28], $0x3200  }
0x383: {  	[sflag:s28] =	ssyncset.done $0x0  }
0x384: {  	s18 =	simm.s32 $0x880;
	[sflag:s28] =	ssyncadd.s32 $0xFFFFCE00  }
0x385: {  	[tilespmem:s7], [sflag:$0x3] =	stream.indirect.gather [hbm4b:s1+s30], $0x80, s18, s30, $0xb8;
	[tilespmem:$0x1EC80] =	vst v63  }
0x386: {  	_ =	swait.ge [sflag:s8], $0x3200  }
0x387: {  	[sflag:s8] =	ssyncset.done $0x0  }
0x388: {  	s19 =	simm.s32 $0x1380;
	[sflag:s8] =	ssyncadd.s32 $0xFFFFCE00  }
0x389: {  	[spmem:s3] =	stream.indirect.scatter.add.f32 [tilespmem:s31], [sflag:$0x4], $0x80, s19, s30, $0xb8;
	[tilespmem:$0x1EC80] =	vst v63  }
0x38a: {  	_ =	swait.ge [sflag:s28], $0x3200  }
0x38b: {  	[sflag:s28] =	ssyncset.done $0x0  }
0x38c: {  	s20 =	simm.s32 $0x900;
	[sflag:s28] =	ssyncadd.s32 $0xFFFFCE00  }
0x38d: {  	[tilespmem:s31], [sflag:$0x1] =	stream.indirect.gather [hbm4b:s1+s30], $0x80, s20, s30, $0xb8;
	[tilespmem:$0x1EC80] =	vst v63  }
0x38e: {  	_ =	swait.ge [sflag:s10], $0x3200  }
0x38f: {  	[sflag:s10] =	ssyncset.done $0x0  }
0x390: {  	s21 =	simm.s32 $0x1400;
	[sflag:s10] =	ssyncadd.s32 $0xFFFFCE00  }
0x391: {  	[spmem:s3] =	stream.indirect.scatter.add.f32 [tilespmem:s0], [sflag:$0x4], $0x80, s21, s30, $0xb8;
	[tilespmem:$0x1EC80] =	vst v63  }
0x392: {  	_ =	swait.ge [sflag:s28], $0x3200  }
0x393: {  	[sflag:s28] =	ssyncset.done $0x0  }
0x394: {  	s22 =	simm.s32 $0x980;
	[sflag:s28] =	ssyncadd.s32 $0xFFFFCE00  }
0x395: {  	[tilespmem:s0], [sflag:$0x2] =	stream.indirect.gather [hbm4b:s1+s30], $0x80, s22, s30, $0xb8;
	[tilespmem:$0x1EC80] =	vst v63  }
0x396: {  	_ =	swait.ge [sflag:s13], $0x3200  }
0x397: {  	[sflag:s13] =	ssyncset.done $0x0  }
0x398: {  	s23 =	simm.s32 $0x1480;
	[sflag:s13] =	ssyncadd.s32 $0xFFFFCE00  }
0x399: {  	[spmem:s3] =	stream.indirect.scatter.add.f32 [tilespmem:s7], [sflag:$0x4], $0x80, s23, s30, $0xb8;
	[tilespmem:$0x1EC80] =	vst v63  }
0x39a: {  	_ =	swait.ge [sflag:s28], $0x3200  }
0x39b: {  	[sflag:s28] =	ssyncset.done $0x0  }
0x39c: {  	[sflag:s28] =	ssyncadd.s32 $0xFFFFCE00  }
0x39d: {  	_ =	swait.ge [sflag:s8], $0x3200  }
0x39e: {  	[sflag:s8] =	ssyncset.done $0x0  }
0x39f: {  	s24 =	simm.s32 $0x1500;
	[sflag:s8] =	ssyncadd.s32 $0xFFFFCE00  }
0x3a0: {  	[spmem:s3] =	stream.indirect.scatter.add.f32 [tilespmem:s31], [sflag:$0x4], $0x80, s24, s30, $0xb8;
	[tilespmem:$0x1EC80] =	vst v63  }
0x3a1: {  	_ =	swait.ge [sflag:s28], $0x3200  }
0x3a2: {  	[sflag:s28] =	ssyncset.done $0x0  }
0x3a3: {  	[sflag:s28] =	ssyncadd.s32 $0xFFFFCE00  }
0x3a4: {  	_ =	swait.ge [sflag:s10], $0x3200  }
0x3a5: {  	[sflag:s10] =	ssyncset.done $0x0  }
0x3a6: {  	s25 =	simm.s32 $0x1580;
	[sflag:s10] =	ssyncadd.s32 $0xFFFFCE00  }
0x3a7: {  	[spmem:s3] =	stream.indirect.scatter.add.f32 [tilespmem:s0], [sflag:$0x4], $0x80, s25, s30, $0xb8;
	[tilespmem:$0x1EC80] =	vst v63  }
0x3a8: {  	_ =	swait.ge [sflag:s28], $0x3200  }
0x3a9: {  	[sflag:s28] =	ssyncset.done $0x0  }
0x3aa: {  	[sflag:s28] =	ssyncadd.s32 $0xFFFFCE00  }
0x3ab: {  	s9 =	stileid.u32;
	[bflag:$0x0] =	sbarrier.arrive $0xFFFF  }
0x3ac: {  	s9 =	sshll.u32 @!p0 s9, $0x6;
	s5 =	rddreg [dreg:$0x4]  }
0x3ad: {  	s9 =	sor.u32 @!p0 $0x1C04, s9;
	s12 =	rddreg [dreg:$0x17];
	s11 =	sshrl.u32 @!p0 s5, $0x3  }
0x3ae: {  	[hbm:s12], [sflag:s9] =	dma.local @!p0 [spmem:s11], $0x3E80  }
0x3af: {  	_ =	swait.ge @!p0 [sflag:s6], $0x3E80  }
0x3b0: {  	s26 =	rddreg [dreg:$0x1a]  }
0x3b1: {  	s29 =	rddreg [dreg:$0x18];
	s2 =	sadd.s32 $0x1, s26  }
0x3b2: {  	p1 =	sne.s32 s2, s29  }
.Ltmp1:
0x3b3: {  	_ = 	snop;
	(pc) =	sbr.rel @p1 .LBB2_1-.Ltmp1, $3  }
0x3b4: {  	_ =	sdelay $0x1  }
0x3b5: {  	[sflag:s6] =	ssyncset.done @!p0 $0x0  }
0x3b6: {  	[sflag:s6] =	ssyncadd.s32 @!p0 $0xFFFFC180  }
0x3b7: {  	_ =	sfence.sel $0x180000  }
0x3b8: {  	[bflag:$0x0] =	sbarrier.arrive $0xFFFF  }
0x3b9: {  	_ =	strace $0x9000004A  }
0x3ba: {  	s0 =	stileid.u32;
	[bflag:$0x2] =	sbarrier.arrive $0xFFFF  }
0x3bb: {  	p0 =	sne.s32 s0, $0x0;
	s0 =	rddreg [dreg:$0x3]  }
0x3bc: {  	s0 =	sadd.s32 @!p0 $0x100000, s0  }
0x3bd: {  	[sflag:s0] =	ssyncadd.tile.s32 @!p0 $0x1;
	_ =	shalt  }
.Lfunc_end2:
_tile_overlayer_lowered:
.L_overlay_start_2:
0x3be: {  	(tag) =	ssettag $0x2  }
0x3bf: {  	s0 =	rddreg [dreg:$0x0];
	s2 =	stileid.u32  }
0x3c0: {  	s1 =	rddreg [dreg:$0x1];
	p0 =	sne.s32 s2, $0x0  }
0x3c1: {  	s3 =	rddreg [dreg:$0x2];
	[bflag:$0x3] =	sbarrier.arrive $0xFFFF;
	s2 =	simm.s32 @!p0 $0x1C04  }
0x3c2: {  	[timem:s3], [sflag:s2] =	dma.local @!p0 [hbm:s0], s1  }
0x3c3: {  	s0 =	simm.s32 @!p0 $0x4  }
0x3c4: {  	_ =	swait.ge @!p0 [sflag:s0], s1  }
0x3c5: {  	s1 =	ssub.s32 @!p0 $0x0, s1;
	[sflag:s0] =	ssyncset.done @!p0 $0x0  }
0x3c6: {  	[sflag:s0] =	ssyncadd.s32 @!p0 s1  }
0x3c7: {  	[bflag:$0x3] =	sbarrier.arrive $0xFFFF  }
0x3c8: {  	_ =	shalt  }

// kernel: scatter_offload_async_start
scs
__scs_entry_jumppad:
0x0: {  	(pc) =	sbr.rel $0x88, $3  }
0x1: {  	(tag) =	ssettag $0x0;
	lr =	simm.s32 $0x1  }
0x2: {  	[smem:$0x3F9D] =	sst lr;
	_ =	strace $0xD0000000  }
0x3: {  	_ = 	snop  }
0x4: {  	_ = 	snop  }
0x5: {  	_ = 	snop  }
0x6: {  	_ = 	snop  }
0x7: {  	_ = 	snop  }
__scs_overlays_trampoline_lowered:
0x8: {  	[smem:$0x3FAC] =	sst s0  }
0x9: {  	[smem:$0x3FAD] =	sst s1  }
0xa: {  	[smem:$0x3FAE] =	sst s2  }
0xb: {  	[smem:$0x3FAF] =	sst s3  }
0xc: {  	[smem:$0x3FB0] =	sst s4  }
0xd: {  	[smem:$0x3FB1] =	sst s5  }
0xe: {  	[smem:$0x3FB2] =	sst s6  }
0xf: {  	[smem:$0x3FB3] =	sst s7  }
0x10: {  	[smem:$0x3FB4] =	sst s8  }
0x11: {  	[smem:$0x3FB5] =	sst s9;
	s0 =	simm.s32 @!p0 $0x0  }
0x12: {  	s1 =	sld [smem:$0x3F9B];
	s0 =	simm.s32 @p0 $0x1  }
0x13: {  	[smem:$0x3FB6] =	sst s0;
	s0 =	simm.s32 @!p1 $0x0  }
0x14: {  	s2 =	sld [smem:$0x3F9A];
	s0 =	simm.s32 @p1 $0x1  }
0x15: {  	[smem:$0x3FB7] =	sst s0;
	s0 =	simm.s32 @!p2 $0x0  }
0x16: {  	s3 =	sld [smem:$0x3FDB];
	s0 =	simm.s32 @p2 $0x1  }
0x17: {  	s4 =	simm.s32 $0x1BF5;
	[smem:$0x3FB9] =	sst s0  }
0x18: {  	s0 =	sld [smem:$0x3F9C];
	_ =	swait.ge [sflag:s4], $0x0  }
0x19: {  	s7 =	sld [smem:$0x3F9D]  }
0x1a: {  	s8 =	sadd.s32 $0xFFFFE003, lr  }
0x1b: {  	s9 =	sadd.s32 $0xFFFFFEF7, lr;
	s5 =	simm.s32 $0xFFFFFFFF;
	p2 =	slt.u32 s8, $0xFFFFF086  }
0x1c: {  	p1 =	slt.u32 s9, $0xF7A;
	s5 =	simm.s32 @!p2 $0x0  }
0x1d: {  	s5 =	simm.s32 @p1 $0x1;
	p0 =	seq.s32 s7, s2  }
0x1e: {  	s7 =	smul.u32 @!p0 $0xF7A, s2;
	p2 =	seq.s32 @!p0 s5, $0x0  }
0x1f: {  	s9 =	smul.u32 $0xF7A, s1;
	s8 =	simm.s32 @!p0 $0x1BF5;
	p2 =	por !p2, p0  }
0x20: {  	[sflag:s8] =	ssyncset.s32 @!p0 $0xFFFFF086;
	s6 =	sadd.s32 @!p0 s3, s7;
	s7 =	simm.s32 @!p0 $0x108  }
0x21: {  	s3 =	sadd.s32 s3, s9;
	s6 =	sadd.s32 @!p0 $0x88, s6;
	s7 =	simm.s32 @p2 $0x1082  }
0x22: {  	[simem:s7], [sflag:s8] =	dma.local @!p0 [hbm:s6], $0xF7A  }
0x23: {  	s9 =	sor.u32 $0xD0000000, s2;
	s6 =	simm.s32 $0x108;
	_ =	swait.ge @!p0 [sflag:s8], $0x0  }
0x24: {  	s3 =	sadd.s32 $0x88, s3;
	s6 =	simm.s32 @!p1 $0x1082;
	[sflag:s4] =	ssyncset.s32 $0xFFFFF086  }
0x25: {  	[simem:s6], [sflag:s4] =	dma.local [hbm:s3], $0xF7A  }
0x26: {  	[smem:$0x3F9D] =	sst s1;
	(tag) =	ssettag s2;
	_ =	strace s9  }
0x27: {  	s1 =	sld [smem:$0x3FAD]  }
0x28: {  	s2 =	sld [smem:$0x3FAE]  }
0x29: {  	s4 =	sld [smem:$0x3FB0]  }
0x2a: {  	p0 =	seq.s32 s5, $0x0;
	s5 =	sld [smem:$0x3FB1]  }
0x2b: {  	s6 =	sld [smem:$0x3FB2]  }
0x2c: {  	s7 =	sld [smem:$0x3FB3]  }
0x2d: {  	s3 =	simm.s32 $0x108;
	s8 =	sld [smem:$0x3FB4]  }
0x2e: {  	s3 =	simm.s32 @!p0 $0x1082;
	s9 =	sld [smem:$0x3FB5]  }
0x2f: {  	lr =	sadd.s32 s0, s3;
	s0 =	sld [smem:$0x3FAC]  }
0x30: {  	s3 =	sld [smem:$0x3FAF]  }
0x31: {  	[smem:$0x3FB8] =	sst s10  }
0x32: {  	s10 =	sld [smem:$0x3FB6];
	_ =	sdelay $0x3  }
0x33: {  	p0 =	seq.s32 s10, $0x1;
	s10 =	sld [smem:$0x3FB8];
	_ =	sdelay $0x3  }
0x34: {  	[smem:$0x3FB8] =	sst s10  }
0x35: {  	s10 =	sld [smem:$0x3FB7];
	_ =	sdelay $0x3  }
0x36: {  	p1 =	seq.s32 s10, $0x1;
	s10 =	sld [smem:$0x3FB8];
	_ =	sdelay $0x3  }
0x37: {  	[smem:$0x3FB8] =	sst s10  }
0x38: {  	s10 =	sld [smem:$0x3FB9]  }
0x39: {  	_ = 	snop;
	(pc) =	sbr.ind lr, $3  }
0x3a: {  	_ = 	snop  }
0x3b: {  	_ = 	snop  }
0x3c: {  	p2 =	seq.s32 s10, $0x1;
	s10 =	sld [smem:$0x3FB8]  }
0x3d: {  	_ =	shalt  }
0x3e: {  	_ =	shalt  }
0x3f: {  	_ =	shalt  }
0x40: {  	_ =	shalt  }
0x41: {  	_ =	shalt  }
0x42: {  	_ =	shalt  }
0x43: {  	_ =	shalt  }
0x44: {  	_ =	shalt  }
0x45: {  	_ =	shalt  }
0x46: {  	_ =	shalt  }
0x47: {  	_ =	shalt  }
0x48: {  	_ =	shalt  }
0x49: {  	_ =	shalt  }
0x4a: {  	_ =	shalt  }
0x4b: {  	_ =	shalt  }
0x4c: {  	_ =	shalt  }
0x4d: {  	_ =	shalt  }
0x4e: {  	_ =	shalt  }
0x4f: {  	_ =	shalt  }
0x50: {  	_ =	shalt  }
0x51: {  	_ =	shalt  }
0x52: {  	_ =	shalt  }
0x53: {  	_ =	shalt  }
0x54: {  	_ =	shalt  }
0x55: {  	_ =	shalt  }
0x56: {  	_ =	shalt  }
0x57: {  	_ =	shalt  }
0x58: {  	_ =	shalt  }
0x59: {  	_ =	shalt  }
0x5a: {  	_ =	shalt  }
0x5b: {  	_ =	shalt  }
0x5c: {  	_ =	shalt  }
0x5d: {  	_ =	shalt  }
0x5e: {  	_ =	shalt  }
0x5f: {  	_ =	shalt  }
0x60: {  	_ =	shalt  }
0x61: {  	_ =	shalt  }
0x62: {  	_ =	shalt  }
0x63: {  	_ =	shalt  }
0x64: {  	_ =	shalt  }
0x65: {  	_ =	shalt  }
0x66: {  	_ =	shalt  }
0x67: {  	_ =	shalt  }
0x68: {  	_ =	shalt  }
0x69: {  	_ =	shalt  }
0x6a: {  	_ =	shalt  }
0x6b: {  	_ =	shalt  }
0x6c: {  	_ =	shalt  }
0x6d: {  	_ =	shalt  }
0x6e: {  	_ =	shalt  }
0x6f: {  	_ =	shalt  }
0x70: {  	_ =	shalt  }
0x71: {  	_ =	shalt  }
0x72: {  	_ =	shalt  }
0x73: {  	_ =	shalt  }
0x74: {  	_ =	shalt  }
0x75: {  	_ =	shalt  }
0x76: {  	_ =	shalt  }
0x77: {  	_ =	shalt  }
0x78: {  	_ =	shalt  }
0x79: {  	_ =	shalt  }
0x7a: {  	_ =	shalt  }
0x7b: {  	_ =	shalt  }
0x7c: {  	_ =	shalt  }
0x7d: {  	_ =	shalt  }
0x7e: {  	_ =	shalt  }
0x7f: {  	_ =	shalt  }
0x80: {  	_ =	shalt  }
0x81: {  	_ =	shalt  }
0x82: {  	_ =	shalt  }
0x83: {  	_ =	shalt  }
0x84: {  	_ =	shalt  }
0x85: {  	_ =	shalt  }
0x86: {  	_ =	shalt  }
0x87: {  	_ =	shalt  }
.Lfunc_end0:
.L_simem_size_0:
called_computation_lowered:
.L_overlay_start_0:
0x88: {  	s0 =	sld [smem:$0x3FD9]  }
0x89: {  	s1 =	sld [smem:$0x3FFE];
	_ =	sdelay $0x3  }
0x8a: {  	s0 =	sadd.s32 s1, s0  }
0x8b: {  	[smem:$0x3FC4] =	sst s0  }
0x8c: {  	_ = 	snop  }
0x8d: {  	s0 =	sld [smem:$0x3FD0];
	(tm) =	ssettm $0x1  }
0x8e: {  	s16 =	sld [smem:$0x3FFB];
	_ =	sdelay $0x3  }
0x8f: {  	_ =	strace s16  }
0x90: {  	s1 =	sld [smem:$0x3FFC];
	_ =	sdelay $0x3  }
0x91: {  	_ =	strace s1  }
0x92: {  	s1 =	sld [smem:$0x3FFD];
	_ =	sdelay $0x3  }
0x93: {  	_ =	strace s1  }
0x94: {  	_ =	strace $0x8FFFFFFF  }
0x95: {  	s17 =	sld [smem:$0x3FDB];
	_ =	sdelay $0x1  }
0x96: {  	s2 =	simm.s32 $_scs_section_size  }
0x97: {  	s3 =	simm.s32 $_size__tile_overlayer_lowered;
	s4 =	simm.s32 $_tile_overlayer_lowered  }
0x98: {  	s20 =	simm.s32 $0x1BFF;
	s19 =	sshll.u32 s4, $0x1;
	s1 =	sadd.s32 s2, s17  }
0x99: {  	s5 =	simm.s32 $0x0;
	s18 =	sshll.u32 s3, $0x1;
	s3 =	sadd.s32 s19, s1  }
0x9a: {  	[timem:s5], [sflag:s20] =	dma.local [hbm:s3], s18  }
0x9b: {  	_ =	swait.ge [sflag:s20], s18  }
0x9c: {  	s2 =	ssub.s32 $0x0, s18;
	[sflag:s20] =	ssyncset.done $0x0  }
0x9d: {  	[sflag:s20] =	ssyncadd.s32 s2;
	_ =	sdelay $0x1  }
0x9e: {  	s21 =	simm.s32 $0x1B8B  }
0x9f: {  	_ =	swait.ge [sflag:s21], $0x1  }
0xa0: {  	[sflag:s21] =	ssyncset.done $0x0  }
0xa1: {  	s23 =	simm.s32 $0x1B8E;
	s22 =	sld [smem:$0x3FFE];
	[sflag:s21] =	ssyncadd.s32 $0xFFFFFFFF  }
0xa2: {  	s24 =	simm.s32 $execute0_lowered;
	[smem:$0x3FD2] =	sst s23  }
0xa3: {  	s3 =	sshll.u32 s24, $0x1;
	_ =	strace $0x80000046;
	[dreg:$0x1] =	wrdreg $0xFFFFFFFF  }
0xa4: {  	s25 =	simm.s32 $_size_execute0_lowered;
	s1 =	sadd.s32 s1, s3;
	[dreg:$0x0] =	wrdreg $0x0  }
0xa5: {  	s3 =	sshll.u32 s25, $0x1;
	[dreg:$0x2] =	wrdreg s1  }
0xa6: {  	[dreg:$0x3] =	wrdreg s3  }
0xa7: {  	[dreg:$0x4] =	wrdreg $0xC0  }
0xa8: {  	_ =	task [dreg:s5], $0x5FFFF  }
0xa9: {  	[dreg:$0x1] =	wrdreg $0xFFFFFFFF  }
0xaa: {  	[dreg:$0x0] =	wrdreg $0x60  }
0xab: {  	[dreg:$0x2] =	wrdreg s22  }
0xac: {  	[dreg:$0x3] =	wrdreg s0  }
0xad: {  	[dreg:$0x4] =	wrdreg $0x9  }
0xae: {  	_ =	task.clear_ibuf [dreg:s5], $0x5FFFF;
	_ =	strace $0x90000046  }
0xaf: {  	s26 =	simm.s32 $0x9;
	_ =	strace $0x80000048  }
0xb0: {  	_ =	swait.ge [sflag:s26], $0x1  }
0xb1: {  	[sflag:s26] =	ssyncadd.s32 $0xFFFFFFFF  }
0xb2: {  	_ =	strace $0x90000048  }
0xb3: {  	_ =	sfence  }
0xb4: {  	s28 =	sld [smem:$0x0];
	_ =	sdelay $0x1  }
0xb5: {  	s29 =	srdreg.scid  }
0xb6: {  	s30 =	sshll.u32 s29, $0xD;
	s31 =	sshrl.u32 s29, $0x2  }
0xb7: {  	s2 =	sand.u32 $0x4000, s30;
	s1 =	sand.u32 $0x1, s29;
	s0 =	sadd.s32 s31, s28  }
0xb8: {  	s1 =	sor.u32 s2, s1;
	s0 =	sshll.u32 s0, $0x11  }
0xb9: {  	s0 =	sor.u32 s0, s1  }
0xba: {  	s0 =	sadd.s32 $0x8F2B, s0  }
0xbb: {  	[sflag:s0] =	ssyncadd.remote.s32 $0x1  }
0xbc: {  	_ =	sfence.sel $0xFFFF  }
0xbd: {  	[dreg:$0x0] =	wrdreg $0xFFFFFFFF;
	(pc) =	sbr.abs _section_cstart, $3  }
0xbe: {  	[dreg:$0x1] =	wrdreg $0xFFFFFFFF  }
0xbf: {  	_ =	task.clear_ibuf [dreg:s5], $0x2FFFF;
	_ =	strace $0x9FFFFFFF  }
0xc0: {  	(tm) =	ssettm $0x7FFFFFFF  }
0xc1: {  	_ =	shalt  }
tec
execute0_lowered:
.L_overlay_start_1:
0x0: {  	(tag) =	ssettag $0x1  }
0x1: {  	s0 =	rddreg [dreg:$0x0]  }
0x2: {  	s3 =	rddreg [dreg:$0x1];
	_ =	strace $0x80000047;
	s15 =	stileid.u32  }
0x3: {  	s2 =	simm.s32 $0x1;
	s1 =	smin.u32 s15, $0x8;
	s4 =	sshll.u32 s15, $0x1  }
0x4: {  	v1 =	vimm.s32 $0xFFFFFFFF;
	[sflag:s2] =	ssyncpa.u1 $0x0;
	s1 =	sadd.s32 s1, s4  }
0x5: {  	p0 =	slt.u32 s15, $0x8;
	[tilespmem:$0x10] =	vst v1;
	s5 =	smul.u32 $0x1F40, s1;
	s1 =	simm.s32 $0x5DC0  }
0x6: {  	v0 =	vimm.f32 $0.0e+00;
	[tilespmem:$0x20] =	vst v1;
	s1 =	simm.s32 @!p0 $0x3E80  }
0x7: {  	[tilespmem:$0x30] =	vst v0;
	s1 =	sadd.s32 s1, s5  }
0x8: {  	[tilespmem:$0x40] =	vst v0;
	s6 =	smin.u32 s1, $0x4E200  }
0x9: {  	s7 =	simm.s32 $0x2;
	[tilespmem:$0x50] =	vst v0;
	s9 =	ssub.s32 s6, s5  }
0xa: {  	s8 =	simm.s32 $0x8;
	s31 =	simm.s32 $0x9;
	[tilespmem:$0x60] =	vst v1;
	p0 =	sgt.s32 s9, $0x0  }
0xb: {  	s16 =	simm.s32 $0x0;
	s17 =	simm.s32 $0xF0;
	[tilespmem:$0x70] =	vst v1;
	s9 =	simm.s32 @!p0 $0x0  }
0xc: {  	s18 =	simm.s32 $0xFFFFFFFF;
	s19 =	simm.s32 $0xFFFFC280;
	[tilespmem:$0x80] =	vst v1;
	s30 =	smulhi.u32 $0x10624DD3, s9  }
0xd: {  	s20 =	simm.s32 $0xFFFFFFFE;
	s21 =	simm.s32 $0xF;
	s25 =	simm.s32 $0x0;
	v1 =	vimm.s32 $0x0;
	[tilespmem:$0xB0] =	vst v0  }
0xe: {  	s24 =	simm.s32 $0x0;
	s15 =	sshllo.u32 s15, $0x1;
	[tilespmem:$0x90] =	vst v1;
	s10 =	sshrl.u32 s30, $0x9  }
0xf: {  	[tilespmem:$0xA0] =	vst v1;
	[sflag:s7] =	ssyncpa.u1 $0x0;
	s7 =	simm.s32 $0x7;
	s11 =	smul.u32 $0x1F40, s10  }
.Ltmp0:
0x10: {  	s13 =	sor.u32 $0x80, s4;
	[sflag:s7] =	ssyncpa.u1 $0x0;
	(pc) =	sbr.rel .LBB2_1-.Ltmp0, $4  }
0x11: {  	s14 =	sor.u32 $0x81, s4;
	[sflag:s8] =	ssyncpa.u1 $0x0;
	p0 =	sne.s32 s9, s11  }
0x12: {  	s23 =	smov.u32 s5;
	s1 =	sadd.s32 $0x23000, s0;
	s2 =	simm.s32 @!p0 $0x0  }
0x13: {  	vm0 =	vmmov $0xffff;
	v2 =	vlaneseq.u32;
	[sflag:s31] =	ssyncpa.u1 $0x0;
	s9 =	sadd.s32 $0x19200, s0;
	s10 =	sadd.s32 s2, s10  }
0x14: {  	vm1 =	vmxor vm1, vm1;
	vm2 =	vmmov $0x1;
	vm3 =	vcmask $0x3F3C;
	p0 =	por $0x0, $0x0;
	s11 =	sadd.s32 $0x1, s10;
	s12 =	sadd.s32 $0x2, s10  }
.LBB2_9:
0x15: {  	p1 =	slt.u32 s24, $0x3  }
0x16: {  	s0 =	simm.s32 @!p1 $0x2  }
0x17: {  	_ =	swait.ge @!p1 [sflag:s0], $0x1F40  }
0x18: {  	[sflag:s0] =	ssyncset.done @!p1 $0x0  }
0x19: {  	[sflag:s0] =	ssyncadd.s32 @!p1 $0xFFFFE0C0;
	s0 =	simm.s32 @!p1 $0x9  }
0x1a: {  	_ =	swait.ge @!p1 [sflag:s0], $0x10  }
0x1b: {  	[sflag:s0] =	ssyncset.done @!p1 $0x0  }
0x1c: {  	[sflag:s0] =	ssyncadd.s32 @!p1 $0xFFFFFFF0;
	p1 =	sne.s32 s24, s12  }
.Ltmp1:
0x1d: {  	s2 =	sadd.s32 $0x1F40, s23;
	(pc) =	sbr.rel @!p1 .LBB2_10-.Ltmp1, $4  }
0x1e: {  	s22 =	smov.u32 s5;
	s31 =	sadd.s32 $0x1, s24;
	s17 =	sadd.s32 $0x1F40, s17  }
0x1f: {  	s18 =	sadd.s32 $0x1, s18;
	s25 =	smov.u32 s23;
	p2 =	slt.s32 s2, s6  }
0x20: {  	p0 =	por !p0, !p0;
	s19 =	sadd.s32 $0x1F40, s19;
	s22 =	smov.u32 @p2 s2  }
0x21: {  	s20 =	sadd.s32 $0x1, s20;
	s23 =	smov.u32 s22;
	s24 =	smov.u32 s31  }
.LBB2_1:
0x22: {  	p1 =	sge.u32 s24, s10  }
0x23: {  	s0 =	smulhi.u32 @!p1 $0xAAAAAAAB, s24;
	_ =	sdelay $0x1  }
0x24: {  	s0 =	sshrl.u32 @!p1 s0, $0x1  }
0x25: {  	s0 =	smul.u32 @!p1 $0x3, s0;
	_ =	sdelay $0x1  }
0x26: {  	s0 =	ssub.s32 @!p1 s24, s0  }
0x27: {  	s0 =	smul.u32 @!p1 $0x7D00, s0;
	_ =	sdelay $0x1  }
0x28: {  	s2 =	sshrl.u32 @!p1 s23, $0x3;
	s0 =	sshrl.u32 @!p1 s0, $0x2  }
0x29: {  	s22 =	sand.u32 @!p1 $0x7, s23;
	s2 =	sadd.s32 @!p1 s3, s2;
	s0 =	sadd.s32 @!p1 $0x100, s0  }
0x2a: {  	[tilespmem:s0], [sflag:$0x7] =	stream.linear.gather @!p1 [hbm4b:s2+s22], $0x1F40, $0x38;
	[tilespmem:$0x11A60] =	vst v63  }
0x2b: {  	s0 =	sadd.s32 $0xFFFFFFFF, s24  }
0x2c: {  	p1 =	sge.u32 s0, s10  }
.Ltmp2:
0x2d: {  	_ = 	snop;
	(pc) =	sbr.rel @p1 .LBB2_5-.Ltmp2, $1  }
0x2e: {  	_ =	sdelay $0x3  }
0x2f: {  	s2 =	smulhi.u32 $0xAAAAAAAB, s0;
	_ =	sdelay $0x1  }
0x30: {  	s2 =	sshrl.u32 s2, $0x1  }
0x31: {  	s2 =	smul.u32 $0x3, s2;
	_ =	sdelay $0x1  }
0x32: {  	s2 =	ssub.s32 s0, s2  }
0x33: {  	s2 =	smul.u32 $0x7D00, s2  }
0x34: {  	_ =	swait.ge [sflag:s7], $0x1F40  }
0x35: {  	[sflag:s7] =	ssyncset.done $0x0;
	s2 =	sshrl.u32 s2, $0x2  }
0x36: {  	[sflag:s7] =	ssyncadd.s32 $0xFFFFE0C0;
	(ifvalue) =	ssetifvalue $0xFFFFFFFF;
	v3 =	vld.msk [tilespmem:s2+$0x100 ss:$0x1], $0xffff;
	_ =	sdelay $0x2  }
0x37: {  	s30 =	smulhi.u32 $0xAAAAAAAB, s18;
	p1 =	sne.s32 s24, $0x1  }
0x38: {  	v4 =	vimm.s32 @!p1 $0x0  }
0x39: {  	s2 =	sshrl.u32 s30, $0x1;
	v4 =	vperm.xlane @!p1 v3, v4  }
0x3a: {  	s22 =	sshll.u32 s24, $0x4;
	s2 =	smul.u32 $0xFFFE8900, s2;
	vm4 =	vlt.u32 v3, $0x2800  }
0x3b: {  	s22 =	sand.u32 $0x10, s22;
	v3 =	vnsel vm4, $0xFFFFFFFE, v3;
	vm4 =	vlt.u32 @!p1 v4, $0x2800  }
0x3c: {  	s2 =	sshra.s32 s2, $0x2;
	[tilespmem:s22+$0x60] =	vst v3;
	v3 =	vnsel @!p1 vm4, $0xFFFFFFFE, v4  }
0x3d: {  	s28 =	sadd.s32 s2, s17;
	[tilespmem:$0x80] =	vst @!p1 v3  }
0x3e: {  	v3 =	vld.msk [tilespmem:s28+$0x0 ss:$0x1], $0xffff;
	_ =	sdelay $0x4  }
0x3f: {  	(xrf1) =	vunique.msk.u32 $0xffff, v3;
	_ =	sdelay $0xd  }
0x40: {  	v4 =	vimm.s32 $0xFFFFFFFF;
	v5, _, _ =	vpop (xrf1)  }
0x41: {  	vm5 =	vne.s32 v3, v4;
	vm4 =	veq.s32 v5, v2  }
0x42: {  	vm6 =	vlt.u32 v3, $0x2800;
	vm4 =	vmand vm5, vm4  }
0x43: {  	vm4 =	vmand vm6, vm4  }
0x44: {  	v4 =	vnsel vm4, $0xFFFFFFFF, v3  }
0x45: {  	s31 =	sand.u32 $0x1, s0  }
0x46: {  	s0 =	simm.s32 $0x1F40;
	p1 =	seq.s32 s31, $0x1  }
0x47: {  	s0 =	simm.s32 @!p1 $0x0  }
0x48: {  	s26 =	sadd.s32 $0x7DF0, s0;
	(ifvalue) =	ssetifvalue $0xFFFFFFFF  }
0x49: {  	v3 =	vperm.xlane v3, v1;
	[tilespmem:s26], [sflag:$0x8] =	stream.indirect_vreg.gather [hbm4b:s1+s16], $0x1, v4, vm0, $0x4038;
	v4 =	vnsel vm6, $0xFFFFFFFE, v4;
	[tilespmem:$0x11A60] =	vst v63  }
0x4a: {  	s2 =	simm.s32 $0x0;
	s22 =	sadd.s32 $0xFFFFFFF0, s28;
	[tilespmem:s28+$0x0] =	vst v4  }
.LBB2_3:
0x4b: {  	v4 =	vld.msk [tilespmem:s22+$0x0 ss:$0x1], $0xffff;
	s2 =	sadd.s32 $0x10, s2;
	v5 =	vmov v3;
	s28 =	smov.u32 s22  }
0x4c: {  	p1 =	slt.u32 s2, $0x1F30;
	_ =	sdelay $0x4  }
0x4d: {  	v3 =	vperm.xlane v4, v1;
	(xrf1) =	vunique.msk.u32 $0xffff, v4;
	_ =	sdelay $0xd  }
0x4e: {  	v6, _, _ =	vpop (xrf1)  }
0x4f: {  	vm5 =	vne.s32 v4, v5;
	vm4 =	veq.s32 v6, v2  }
0x50: {  	vm6 =	vlt.u32 v4, $0x2800;
	vm4 =	vmand vm5, vm4  }
0x51: {  	vm4 =	vmand vm6, vm4  }
0x52: {  	v4 =	vnsel vm4, $0xFFFFFFFF, v4  }
.Ltmp3:
0x53: {  	v5 =	vnsel vm6, $0xFFFFFFFE, v4;
	(pc) =	sbr.rel @p1 .LBB2_3-.Ltmp3, $3  }
0x54: {  	_ =	sdelay $0x1  }
0x55: {  	s22 =	sadd.s32 $0xFFFFFFF0, s22;
	s26 =	sadd.s32 $0xFFFFFFF0, s26;
	(ifvalue) =	ssetifvalue $0xFFFFFFFF  }
0x56: {  	[tilespmem:s26], [sflag:$0x8] =	stream.indirect_vreg.gather [hbm4b:s1+s16], $0x1, v4, vm0, $0x4038;
	[tilespmem:s28+$0x0] =	vst v5  }
0x57: {  	s2 =	sshrl.u32 s25, $0x3  }
0x58: {  	s0 =	sadd.s32 $0x9D40, s0;
	s2 =	sadd.s32 s9, s2  }
0x59: {  	[tilespmem:s0], [sflag:$0x8] =	stream.linear.gather [hbm:s2], $0x1F40, $0x38;
	[tilespmem:$0x11A60] =	vst v63  }
.LBB2_5:
0x5a: {  	p1 =	slt.u32 s24, $0x2  }
0x5b: {  	p2 =	sge.u32 @!p1 s24, s12  }
0x5c: {  	p1 =	por p1, p2  }
.Ltmp4:
0x5d: {  	_ = 	snop;
	(pc) =	sbr.rel @p1 .LBB2_9-.Ltmp4, $1  }
0x5e: {  	_ =	sdelay $0x3  }
0x5f: {  	s0 =	sadd.s32 $0xFFFFFFFE, s24  }
0x60: {  	s2 =	smulhi.u32 $0xAAAAAAAB, s0;
	_ =	sdelay $0x1  }
0x61: {  	s2 =	sshrl.u32 s2, $0x1  }
0x62: {  	s2 =	smul.u32 $0x3, s2;
	_ =	sdelay $0x1  }
0x63: {  	s0 =	ssub.s32 s0, s2  }
0x64: {  	_ =	swait.ge [sflag:s8], $0x3E80;
	s0 =	smul.u32 $0x1F40, s0  }
0x65: {  	p1 =	sne.s32 s24, s11;
	[sflag:s8] =	ssyncset.done $0x0  }
0x66: {  	[sflag:s8] =	ssyncadd.s32 $0xFFFFC180;
	s2 =	sadd.s32 @!p1 $0x203F, s0  }
0x67: {  	[spmem:s14] =	stream.linear.scatter @!p1 [tilespmem:s2], [sflag:$0x1], $0x1, $0x38;
	[tilespmem:$0x11A60] =	vst v63  }
0x68: {  	s2 =	simm.s32 @!p1 $0x1  }
0x69: {  	_ =	swait.ge @!p1 [sflag:s2], $0x1  }
0x6a: {  	s22 =	sshll.u32 s24, $0x4;
	[sflag:s2] =	ssyncset.done @!p1 $0x0  }
0x6b: {  	s25 =	sand.u32 $0x10, s22;
	[sflag:s2] =	ssyncadd.s32 @!p1 $0xFFFFFFFF  }
0x6c: {  	s2 =	sxor.u32 $0x10, s25;
	v4 =	vld [tilespmem:s25+$0x10]  }
0x6d: {  	v5 =	vld [tilespmem:s2+$0x60]  }
0x6e: {  	v3 =	vld [tilespmem:$0x80];
	_ =	sdelay $0x2  }
0x6f: {  	(v2sf) =	vpush v4, $0x0  }
0x70: {  	(v2sf) =	vpush v5, $0x0  }
0x71: {  	(v2sf) =	vpush v3, $0x0;
	_ =	sdelay $0xc  }
0x72: {  	s22 =	spop (v2sf)  }
0x73: {  	s26 =	spop (v2sf)  }
0x74: {  	s28 =	spop (v2sf)  }
0x75: {  	p2 =	seq.s32 s22, s26;
	p3 =	seq.s32 s28, s22  }
0x76: {  	p3 =	por p2, p3  }
0x77: {  	s26 =	sand.u32 $0x1, s24;
	v4 =	vpsel p3, $0xFFFFFFFF, v4  }
0x78: {  	s29 =	smul.u32 $0x1F40, s26;
	[tilespmem:s25+$0x10] =	vst.msk $0x1, v4  }
0x79: {  	v4 =	vld [tilespmem:$0x30]  }
0x7a: {  	v5 =	vld [tilespmem:s29+$0x9D40]  }
0x7b: {  	v6 =	vld [tilespmem:s25+$0x40];
	_ =	sdelay $0x3  }
0x7c: {  	vm4 =	vmmov vm1;
	v5 =	vadd.f32 v5, v4  }
0x7d: {  	vm5 =	vmmov vm2;
	vm4 =	vmmov @p2 vm2;
	s22 =	sshll.u32 s26, $0x4;
	v4 =	vadd.f32 v6, v4  }
0x7e: {  	s26 =	sor.u32 $0x11A40, s22;
	vm5 =	vmmov @p3 vm1;
	[tilespmem:s29+$0x9D40] =	vst.msk vm4, v5  }
0x7f: {  	[tilespmem:s26+$0x0] =	vst.msk vm5, v4  }
0x80: {  	v4 =	vld [tilespmem:s29+$0x7DF0];
	_ =	sdelay $0x3  }
0x81: {  	v5 =	vimm.f32 $0.0e+00  }
0x82: {  	v4 =	vshift.insert v4, v5, s21  }
0x83: {  	s22 =	sor.u32 $0x40, s2  }
0x84: {  	[tilespmem:s22+$0x0] =	vst.msk $0x1, v4  }
0x85: {  	[tilespmem:s29+$0x7DFF] =	vst.msk $0x1, v5  }
0x86: {  	v4 =	vld [tilespmem:s0+$0x2030];
	_ =	sdelay $0x1  }
0x87: {  	s22 =	smulhi.u32 $0xAAAAAAAB, s20;
	s0 =	simm.s32 $0x1  }
0x88: {  	s0 =	simm.s32 @!p0 $0x0  }
0x89: {  	s22 =	sshrl.u32 s22, $0x1;
	s0 =	smul.u32 $0x7D00, s0  }
0x8a: {  	s22 =	smul.u32 $0xFFFE8900, s22;
	v4 =	vshift.insert v4, v1, s21  }
0x8b: {  	s0 =	sshrl.u32 s0, $0x2  }
0x8c: {  	s22 =	sshra.s32 s22, $0x2;
	s30 =	sadd.s32 $0x9D40, s0;
	[tilespmem:s2+$0x10] =	vst.msk $0x1, v4  }
0x8d: {  	s22 =	sadd.s32 s22, s19;
	v6 =	vld [tilespmem:s30+$0x0]  }
0x8e: {  	v7 =	vld [tilespmem:s22+$0x0];
	_ =	sdelay $0x3  }
0x8f: {  	v5 =	vadd.f32 v6, v5  }
0x90: {  	vm4 =	vne.s32 v7, $0xFFFFFFFF  }
0x91: {  	(xrf2) =	vadd.seg.scan.f32 vm4, v5;
	_ =	sdelay $0x3  }
0x92: {  	s31 =	sadd.s32 $0x5EC0, s0;
	v5 =	vperm.xlane v4, v1  }
0x93: {  	v6 =	vld [tilespmem:s31+$0x0]  }
0x94: {  	vm5 =	veq.s32 v7, v3;
	vm6 =	veq.s32 v7, v5  }
0x95: {  	vm7 =	vgt.u32 v7, $0xFFFFFFFD;
	vm6 =	vmor vm6, vm5  }
0x96: {  	vm6 =	vmor vm6, vm7  }
0x97: {  	v9 =	vld [tilespmem:$0xA0];
	v7 =	vsel vm6, $0xFFFFFFFF, v7  }
0x98: {  	v10 =	vld [tilespmem:$0x90];
	v6 =	vsel vm5, $0x0, v6;
	v8, _, _ =	vpop (xrf2)  }
0x99: {  	v6 =	vadd.f32 v8, v6  }
0x9a: {  	s0 =	sadd.s32 $0xDBC0, s0  }
0x9b: {  	vm4 =	vmand vm4, vm3;
	[tilespmem:s0+$0x0] =	vst v6;
	(ifvalue) =	ssetifvalue $0xFFFFFFFF  }
0x9c: {  	vm6 =	veq.s32 v9, $0x1;
	[hbm4b:s1+s16] =	stream.indirect_vreg.scatter [tilespmem:s0], [sflag:$0x2], $0x1, v7, vm0, $0x4038;
	v7 =	vsel vm4, $0x0, v8;
	[tilespmem:$0x11A60] =	vst v63  }
0x9d: {  	s2 =	simm.s32 $0x0;
	s22 =	sadd.s32 $0x10, s22;
	vm4 =	vmor vm6, vm5;
	v6 =	vsel vm5, v8, v10;
	v7 =	vshift.insert v7, v0, s21  }
.LBB2_7:
0x9e: {  	v8 =	vld [tilespmem:s22+$0x0];
	s30 =	sadd.s32 $0x10, s30  }
0x9f: {  	s31 =	sadd.s32 $0x10, s31;
	v9 =	vld [tilespmem:s30+$0x0]  }
0xa0: {  	s2 =	sadd.s32 $0x10, s2;
	v10 =	vld [tilespmem:s31+$0x0]  }
0xa1: {  	p2 =	slt.u32 s2, $0x1F30;
	_ =	sdelay $0x2  }
0xa2: {  	v7 =	vadd.f32 v9, v7  }
0xa3: {  	vm5 =	vne.s32 v8, $0xFFFFFFFF  }
0xa4: {  	vm6 =	vmand vm5, vm3;
	(xrf2) =	vadd.seg.scan.f32 vm5, v7;
	_ =	sdelay $0x5  }
0xa5: {  	vm7 =	veq.s32 v8, v5;
	vm5 =	veq.s32 v8, v3  }
0xa6: {  	vm8 =	vgt.u32 v8, $0xFFFFFFFD;
	vm4 =	vmor vm4, vm5;
	vm7 =	vmor vm7, vm5  }
0xa7: {  	vm7 =	vmor vm7, vm8  }
0xa8: {  	v8 =	vsel vm7, $0xFFFFFFFF, v8  }
.Ltmp5:
0xa9: {  	v7 =	vsel vm5, $0x0, v10;
	v9, _, _ =	vpop (xrf2);
	(pc) =	sbr.rel @p2 .LBB2_7-.Ltmp5, $4  }
0xaa: {  	v6 =	vsel vm5, v9, v6;
	v10 =	vadd.f32 v9, v7;
	v7 =	vsel vm6, $0x0, v9  }
0xab: {  	s0 =	sadd.s32 $0x10, s0;
	v7 =	vshift.insert v7, v0, s21  }
0xac: {  	s22 =	sadd.s32 $0x10, s22;
	[tilespmem:s0+$0x0] =	vst v10;
	(ifvalue) =	ssetifvalue $0xFFFFFFFF  }
0xad: {  	[hbm4b:s1+s16] =	stream.indirect_vreg.scatter [tilespmem:s0], [sflag:$0x2], $0x1, v8, vm0, $0x4038;
	[tilespmem:$0x11A60] =	vst v63  }
0xae: {  	v3 =	vld [tilespmem:s29+$0xFAF0];
	_ =	sdelay $0x4  }
0xaf: {  	v3 =	vshift.insert v3, v0, s21  }
0xb0: {  	s0 =	simm.s32 $0x30  }
0xb1: {  	[tilespmem:s0+$0x0] =	vst.msk $0x1, v3  }
0xb2: {  	v3 =	vsel vm4, $0x1, v1;
	[tilespmem:$0x90] =	vst v6  }
0xb3: {  	s0 =	sadd.s32 @!p1 $0xFAFF, s29;
	[tilespmem:$0xA0] =	vst v3  }
0xb4: {  	[spmem:s15] =	stream.linear.scatter @!p1 [tilespmem:s0], [sflag:$0x1], $0x1, $0x38;
	[tilespmem:$0x11A60] =	vst v63  }
0xb5: {  	s0 =	simm.s32 @!p1 $0x1  }
0xb6: {  	v3 =	vmctz.xlane @!p1 vm4;
	_ =	swait.ge @!p1 [sflag:s0], $0x1  }
0xb7: {  	(v2sf) =	vpush @!p1 v4, $0x0  }
0xb8: {  	(v2sf) =	vpush @!p1 v3, $0x0;
	_ =	sdelay $0xd  }
0xb9: {  	s2 =	spop @!p1 (v2sf)  }
0xba: {  	s22 =	spop @!p1 (v2sf)  }
0xbb: {  	p2 =	sne.s32 @!p1 s28, s2;
	p3 =	slt.s32 @!p1 s22, $0xF  }
0xbc: {  	[sflag:s0] =	ssyncset.done @!p1 $0x0;
	p2 =	por p2, p1;
	p3 =	por !p3, p1  }
0xbd: {  	[sflag:s0] =	ssyncadd.s32 @!p1 $0xFFFFFFFF;
	v3 =	vimm.s32 @!p2 $0xFFFFFFFF;
	s22 =	simm.s32 @p3 $0xF  }
0xbe: {  	[tilespmem:$0x80] =	vst @!p2 v3;
	s2 =	sadd.s32 @!p1 $0x90, s22  }
0xbf: {  	[spmem:s4] =	stream.linear.scatter @!p1 [tilespmem:s2], [sflag:$0x1], $0x1, $0x38;
	[tilespmem:$0x11A60] =	vst v63  }
0xc0: {  	_ =	swait.ge @!p1 [sflag:s0], $0x1  }
0xc1: {  	[sflag:s0] =	ssyncset.done @!p1 $0x0  }
0xc2: {  	s2 =	simm.s32 @!p1 $0x80;
	[sflag:s0] =	ssyncadd.s32 @!p1 $0xFFFFFFFF  }
0xc3: {  	[spmem:s13] =	stream.linear.scatter @!p1 [tilespmem:s2], [sflag:$0x1], $0x1, $0x38;
	[tilespmem:$0x11A60] =	vst v63  }
0xc4: {  	_ =	swait.ge @!p1 [sflag:s0], $0x1  }
0xc5: {  	[sflag:s0] =	ssyncset.done @!p1 $0x0  }
0xc6: {  	[sflag:s0] =	ssyncadd.s32 @!p1 $0xFFFFFFFF;
	(ifvalue) =	ssetifvalue $0xFFFFFFFF;
	v3 =	vld [tilespmem:s25+$0x10];
	_ =	sdelay $0x3  }
.Ltmp6:
0xc7: {  	_ = 	snop;
	(pc) =	sbr.rel .LBB2_9-.Ltmp6, $3  }
0xc8: {  	_ =	sdelay $0x1  }
0xc9: {  	(ifvalue) =	ssetifvalue $0xFFFFFFFF  }
0xca: {  	[hbm4b:s1+s16] =	stream.indirect_vreg.scatter [tilespmem:s26], [sflag:$0x9], $0x1, v3, vm0, $0x4038;
	[tilespmem:$0x11A60] =	vst v63  }
.LBB2_10:
0xcb: {  	_ =	sfence.sel $0x180000  }
0xcc: {  	s0 =	simm.s32 $0x7;
	[bflag:$0x0] =	sbarrier.arrive $0xFFFF  }
0xcd: {  	s26 =	simm.s32 $0x8;
	[sflag:s0] =	ssyncpa.u1 $0x1  }
0xce: {  	s28 =	simm.s32 $0x9;
	[sflag:s26] =	ssyncpa.u1 $0x1  }
0xcf: {  	[sflag:s28] =	ssyncpa.u1 $0x1  }
0xd0: {  	_ =	sfence.stream.spmem  }
0xd1: {  	s29 =	simm.s32 $0x3;
	[bflag:$0x0] =	sbarrier.arrive $0xFFFF  }
0xd2: {  	s30 =	simm.s32 $0x4;
	[sflag:s29] =	ssyncpa.u1 $0x1  }
0xd3: {  	s31 =	simm.s32 $0x3C;
	s2 =	stileid.u32;
	[sflag:s30] =	ssyncpa.u1 $0x1  }
0xd4: {  	p0 =	sne.s32 s2, $0x0;
	[sflag:s31] =	ssyncpa.u1 $0x1  }
0xd5: {  	s0 =	simm.s32 @p0 $0x1;
	_ =	sfence @p0  }
0xd6: {  	[sflag:s0] =	ssyncpa.u1 @p0 $0x1;
	s0 =	simm.s32 @p0 $0x2  }
0xd7: {  	[sflag:s0] =	ssyncpa.u1 @p0 $0x1  }
0xd8: {  	_ =	strace @p0 $0x90000047  }
0xd9: {  	[bflag:$0x2] =	sbarrier.arrive @p0 $0xFFFF  }
0xda: {  	_ =	shalt @p0  }
.LBB2_11:
0xdb: {  	_ =	sfence.stream.spmem;
	s0 =	simm.s32 $0x5  }
0xdc: {  	s2 =	simm.s32 $0x80;
	s3 =	simm.s32 $0xC0;
	[sflag:s0] =	ssyncpa.u1 $0x0  }
0xdd: {  	[tilespmem:s3], [sflag:$0x5] =	stream.linear.gather [spmem:s2], $0x20, $0x38;
	[tilespmem:$0x11A60] =	vst v63  }
0xde: {  	s2 =	simm.s32 $0x0;
	s3 =	simm.s32 $0xE0  }
0xdf: {  	[tilespmem:s3], [sflag:$0x5] =	stream.linear.gather [spmem:s2], $0x20, $0x38;
	[tilespmem:$0x11A60] =	vst v63  }
.Ltmp7:
0xe0: {  	_ = 	snop;
	(pc) =	sbr.rel .LBB2_12-.Ltmp7, $4  }
0xe1: {  	_ =	swait.ge [sflag:s0], $0x40  }
0xe2: {  	[sflag:s0] =	ssyncset.done $0x0  }
0xe3: {  	s31 =	simm.s32 $0x6;
	[sflag:s0] =	ssyncadd.s32 $0xFFFFFFC0  }
0xe4: {  	s4 =	simm.s32 $0x0;
	[sflag:s31] =	ssyncpa.u1 $0x0  }
.LBB2_17:
0xe5: {  	p0 =	sgt.u32 s5, $0x27FF  }
0xe6: {  	s0 =	sshrl.u32 @!p0 s5, $0x3  }
0xe7: {  	s5 =	sand.u32 @!p0 $0x7, s5;
	s6 =	simm.s32 @!p0 $0xB0;
	s0 =	sadd.s32 @!p0 s1, s0  }
0xe8: {  	[tilespmem:s6], [sflag:$0x6] =	stream.linear.gather @!p0 [hbm4b:s0+s5], $0x1, $0x38;
	[tilespmem:$0x11A60] =	vst v63  }
0xe9: {  	s0 =	simm.s32 @!p0 $0x6  }
0xea: {  	_ =	swait.ge @!p0 [sflag:s0], $0x1  }
0xeb: {  	[sflag:s0] =	ssyncset.done @!p0 $0x0  }
0xec: {  	[sflag:s0] =	ssyncadd.s32 @!p0 $0xFFFFFFFF  }
0xed: {  	v2 =	vmov @!p0 s4;
	v1 =	vld.msk @!p0 [tilespmem:$0xB0], $0x1;
	_ =	sdelay $0x3  }
0xee: {  	s0 =	simm.s32 @!p0 $0xE0  }
0xef: {  	[tilespmem:v2+s0+$0x0], v1 =	vst.idx.ret.add.f32.msk @!p0 $0x1, v1  }
0xf0: {  	[tilespmem:s2+$0xC0] =	vst.msk $0x1, v0  }
0xf1: {  	v0 =	vld.msk [tilespmem:s4+$0xE0], $0x1;
	_ =	sdelay $0x4  }
0xf2: {  	[tilespmem:s2+$0xE0] =	vst.msk $0x1, v0;
	s2 =	sadd.s32 $0x1, s2  }
.LBB2_19:
0xf3: {  	s4 =	sadd.s32 $0x1, s4  }
0xf4: {  	p0 =	sne.s32 s4, $0x20  }
.Ltmp8:
0xf5: {  	_ = 	snop;
	(pc) =	sbr.rel @!p0 .LBB2_20-.Ltmp8, $1  }
0xf6: {  	_ =	sdelay $0x3  }
.LBB2_12:
0xf7: {  	v0 =	vld.msk [tilespmem:s4+$0xC0], $0x1;
	_ =	sdelay $0x4  }
0xf8: {  	(v2sf) =	vpush v0, $0x0;
	_ =	sdelay $0xe  }
0xf9: {  	s5 =	spop (v2sf)  }
0xfa: {  	p0 =	seq.s32 s5, $0xFFFFFFFF  }
.Ltmp9:
0xfb: {  	_ = 	snop;
	(pc) =	sbr.rel @p0 .LBB2_19-.Ltmp9, $1  }
0xfc: {  	_ =	sdelay $0x3  }
0xfd: {  	p0 =	slt.s32 s2, $0x1  }
.Ltmp10:
0xfe: {  	_ = 	snop;
	(pc) =	sbr.rel @p0 .LBB2_17-.Ltmp10, $1  }
0xff: {  	_ =	sdelay $0x3  }
0x100: {  	s0 =	simm.s32 $0xC0;
	p0 =	por $0x0, $0x0  }
0x101: {  	v1 =	vld.msk @!p0 [tilespmem:s0+$0x0], $0x1;
	_ =	sdelay $0x4  }
0x102: {  	(v2sf) =	vpush @!p0 v1, $0x0;
	_ =	sdelay $0xd  }
0x103: {  	p2 =	sne.s32 s2, $0x1  }
.Ltmp11:
0x104: {  	s6 =	spop @!p0 (v2sf);
	(pc) =	sbr.rel @!p2 .LBB2_16-.Ltmp11, $4  }
0x105: {  	p1 =	seq.s32 @!p0 s5, s6  }
0x106: {  	s6 =	simm.s32 $0x0;
	p1 =	por !p1, p0  }
0x107: {  	s8 =	simm.s32 $0xFFFFFFFF;
	s6 =	simm.s32 @p1 $0xFFFFFFFF  }
0x108: {  	s7 =	simm.s32 $0x1;
	s6 =	smov.u32 @p0 s8  }
.LBB2_15:
0x109: {  	s8 =	smov.u32 s6;
	p0 =	sne.s32 s6, $0xFFFFFFFF  }
0x10a: {  	s0 =	sadd.s32 $0x1, s0;
	s6 =	smov.u32 s7;
	s7 =	sadd.s32 $0x1, s7  }
0x10b: {  	p1 =	sne.s32 s2, s7;
	v1 =	vld.msk @!p0 [tilespmem:s0+$0x0], $0x1;
	_ =	sdelay $0x4  }
0x10c: {  	(v2sf) =	vpush @!p0 v1, $0x0;
	_ =	sdelay $0xe  }
.Ltmp12:
0x10d: {  	s9 =	spop @!p0 (v2sf);
	(pc) =	sbr.rel @p1 .LBB2_15-.Ltmp12, $4  }
0x10e: {  	p2 =	seq.s32 @!p0 s5, s9  }
0x10f: {  	p2 =	por !p2, p0  }
0x110: {  	s6 =	simm.s32 @p2 $0xFFFFFFFF  }
0x111: {  	s6 =	smov.u32 @p0 s8  }
.LBB2_16:
0x112: {  	p0 =	sne.s32 s6, $0xFFFFFFFF  }
.Ltmp13:
0x113: {  	_ = 	snop;
	(pc) =	sbr.rel @!p0 .LBB2_17-.Ltmp13, $1  }
0x114: {  	_ =	sdelay $0x3  }
0x115: {  	v0 =	vld.msk [tilespmem:s4+$0xE0], $0x1;
	v1 =	vmov s6  }
.Ltmp14:
0x116: {  	_ = 	snop;
	(pc) =	sbr.rel .LBB2_19-.Ltmp14, $2  }
0x117: {  	_ =	sdelay $0x2  }
0x118: {  	[tilespmem:v1+s3+$0x0], v0 =	vst.idx.ret.add.f32.msk $0x1, v0  }
.LBB2_20:
0x119: {  	p0 =	slt.s32 s2, $0x1  }
.Ltmp15:
0x11a: {  	_ = 	snop;
	(pc) =	sbr.rel @p0 .LBB2_24-.Ltmp15, $3  }
0x11b: {  	_ =	sdelay $0x1  }
0x11c: {  	s0 =	simm.s32 $0x6  }
0x11d: {  	s3 =	simm.s32 $0x0;
	[sflag:s0] =	ssyncpa.u1 $0x1  }
0x11e: {  	s0 =	simm.s32 $0xC0  }
0x11f: {  	v0 =	vld.msk [tilespmem:s0+$0x0], $0x1;
	_ =	sdelay $0x4  }
0x120: {  	(v2sf) =	vpush v0, $0x0;
	_ =	sdelay $0xe  }
0x121: {  	s2 =	sadd.s32 $0xFFFFFFFF, s2;
	s4 =	spop (v2sf)  }
0x122: {  	p1 =	sne.s32 s2, $0x0;
	p0 =	sgt.u32 s4, $0x27FF  }
.Ltmp16:
0x123: {  	s5 =	sshrl.u32 @!p0 s4, $0x3;
	(pc) =	sbr.rel @!p1 .LBB2_23-.Ltmp16, $4  }
0x124: {  	s0 =	simm.s32 $0xE0;
	s4 =	sand.u32 @!p0 $0x7, s4;
	s5 =	sadd.s32 @!p0 s1, s5  }
0x125: {  	[hbm4b:s5+s4] =	stream.linear.scatter @!p0 [tilespmem:s0], [sflag:$0x5], $0x1, $0x38;
	[tilespmem:$0x11A60] =	vst v63  }
0x126: {  	s5 =	simm.s32 $0x0  }
0x127: {  	s4 =	simm.s32 $0xC1;
	s5 =	simm.s32 @!p0 $0x4  }
.LBB2_22:
0x128: {  	v0 =	vld.msk [tilespmem:s4+$0x0], $0x1;
	s2 =	sadd.s32 $0xFFFFFFFF, s2;
	s3 =	sadd.s32 s3, s5  }
0x129: {  	p0 =	sne.s32 s2, $0x0;
	_ =	sdelay $0x3  }
0x12a: {  	(v2sf) =	vpush v0, $0x0;
	_ =	sdelay $0xe  }
.Ltmp17:
0x12b: {  	s6 =	spop (v2sf);
	(pc) =	sbr.rel @p0 .LBB2_22-.Ltmp17, $4  }
0x12c: {  	s5 =	simm.s32 $0x0;
	p1 =	sgt.u32 s6, $0x27FF  }
0x12d: {  	s0 =	sadd.s32 $0x1, s0;
	s5 =	simm.s32 @!p1 $0x4;
	s7 =	sshrl.u32 @!p1 s6, $0x3  }
0x12e: {  	s4 =	sadd.s32 $0x1, s4;
	s6 =	sand.u32 @!p1 $0x7, s6;
	s7 =	sadd.s32 @!p1 s1, s7  }
0x12f: {  	[hbm4b:s7+s6] =	stream.linear.scatter @!p1 [tilespmem:s0], [sflag:$0x5], $0x1, $0x38;
	[tilespmem:$0x11A60] =	vst v63  }
.LBB2_23:
0x130: {  	s0 =	sadd.s32 s3, s5  }
0x131: {  	s3 =	sshrl.u32 s0, $0x2  }
.LBB2_24:
0x132: {  	s0 =	simm.s32 $0x5  }
0x133: {  	_ =	swait.ge [sflag:s0], s3  }
0x134: {  	s1 =	ssub.s32 $0x0, s3;
	[sflag:s0] =	ssyncset.done $0x0  }
0x135: {  	[sflag:s0] =	ssyncadd.s32 s1  }
0x136: {  	[sflag:s0] =	ssyncpa.u1 $0x1  }
0x137: {  	s29 =	simm.s32 $0x1;
	_ =	sfence  }
0x138: {  	s30 =	simm.s32 $0x2;
	[sflag:s29] =	ssyncpa.u1 $0x1  }
0x139: {  	[sflag:s30] =	ssyncpa.u1 $0x1  }
0x13a: {  	_ =	strace $0x90000047  }
0x13b: {  	[bflag:$0x2] =	sbarrier.arrive $0xFFFF  }
0x13c: {  	s31 =	rddreg [dreg:$0x2]  }
0x13d: {  	s0 =	sadd.s32 $0x100000, s31  }
0x13e: {  	[sflag:s0] =	ssyncadd.tile.s32 $0x1;
	_ =	shalt  }
.Lfunc_end2:
_tile_overlayer_lowered:
.L_overlay_start_2:
0x13f: {  	(tag) =	ssettag $0x2  }
0x140: {  	s0 =	rddreg [dreg:$0x0];
	s2 =	stileid.u32  }
0x141: {  	s1 =	rddreg [dreg:$0x1];
	p0 =	sne.s32 s2, $0x0  }
0x142: {  	s3 =	rddreg [dreg:$0x2];
	[bflag:$0x3] =	sbarrier.arrive $0xFFFF;
	s2 =	simm.s32 @!p0 $0x1C01  }
0x143: {  	[timem:s3], [sflag:s2] =	dma.local @!p0 [hbm:s0], s1  }
0x144: {  	s0 =	simm.s32 @!p0 $0x1  }
0x145: {  	_ =	swait.ge @!p0 [sflag:s0], s1  }
0x146: {  	s1 =	ssub.s32 @!p0 $0x0, s1;
	[sflag:s0] =	ssyncset.done @!p0 $0x0  }
0x147: {  	[sflag:s0] =	ssyncadd.s32 @!p0 s1  }
0x148: {  	[bflag:$0x3] =	sbarrier.arrive $0xFFFF  }
0x149: {  	_ =	shalt  }

</sc_bundles>
